<compile_context>
chip_gen: v7x
topology: tpu7x:2x2x1
jax: 0.10.2.dev20260603
libtpu: 0.0.44.dev20260713+nightly
codegen_flags: <defaults>
</compile_context>

<pallas_src>
import functools

import jax
import jax.numpy as jnp
from jax import lax
from jax.experimental import pallas as pl
from jax.experimental.pallas import tpu as pltpu
from jax.experimental.pallas import tpu_sc as plsc

_NC, _NS = 2, 16
_NW = _NC * _NS
_CHUNK = 128
_NBUF = 8
_PF = 6


def _cdiv(a, b):
    return (a + b - 1) // b


def _mesh():
    return plsc.VectorSubcoreMesh(core_axis_name="c", subcore_axis_name="s")



def _make_deg_kernel(n_pad, ch, d):
    rows = n_pad // _NS

    @functools.partial(
        pl.kernel,
        out_type=jax.ShapeDtypeStruct((_NC * n_pad * d,), jnp.float32),
        mesh=_mesh(),
        scratch_types=[
            pltpu.VMEM((ch, _CHUNK), jnp.int32),
            pltpu.VMEM((_CHUNK,), jnp.float32),
            pltpu.VMEM((rows,), jnp.float32),
            pltpu.VMEM((rows * d,), jnp.float32),
            pltpu.VMEM_SHARED((n_pad,), jnp.float32),
        ],
        compiler_params=pltpu.CompilerParams(use_tc_tiling_on_sc=False,
                                             needs_layout_passes=False),
    )
    def deg_kernel(e_hbm, zeros_hbm, out_hbm, idx_v, ones_v, bounce, ebuf,
                   acc):
        c = lax.axis_index("c")
        s = lax.axis_index("s")
        wid = c * _NS + s
        pltpu.sync_copy(zeros_hbm.at[pl.ds(s * rows, rows)], bounce)
        pltpu.sync_copy(bounce, acc.at[pl.ds(s * rows, rows)])
        for i in range(_CHUNK // 16):
            ones_v[pl.ds(i * 16, 16)] = jnp.ones((16,), jnp.float32)
        pltpu.sync_copy(e_hbm.at[1, wid], idx_v)
        plsc.subcore_barrier()

        def body(j, carry):
            pltpu.sync_copy(ones_v, acc.at[idx_v.at[j]], add=True)
            return carry

        lax.fori_loop(0, ch, body, 0)
        plsc.subcore_barrier()
        pltpu.sync_copy(acc.at[pl.ds(s * rows, rows)], bounce)

        def expand(ni0, carry):
            for k2 in range(16):
                ni = ni0 * 16 + k2
                v = plsc.load_gather(bounce, [jnp.full((16,), ni, jnp.int32)])
                for k in range(d // 16):
                    ebuf[pl.ds(ni * d + k * 16, 16)] = v
            return carry

        lax.fori_loop(0, rows // 16, expand, 0)
        pltpu.sync_copy(
            ebuf, out_hbm.at[pl.ds((c * n_pad + s * rows) * d, rows * d)])

    return deg_kernel


def _make_agg_kernel(n_pad, ch, d):
    rows = n_pad // _NS

    @functools.partial(
        pl.kernel,
        out_type=jax.ShapeDtypeStruct((_NC, n_pad, d), jnp.float32),
        mesh=_mesh(),
        scratch_types=[
            pltpu.VMEM((ch, _CHUNK), jnp.int32),
            pltpu.VMEM((ch, _CHUNK), jnp.int32),
            pltpu.VMEM((_NBUF, _CHUNK, d), jnp.float32),
            pltpu.VMEM((rows, d), jnp.float32),
            [pltpu.SemaphoreType.DMA] * _NBUF,
            [pltpu.SemaphoreType.DMA] * _NBUF,
            pltpu.VMEM_SHARED((n_pad, d), jnp.float32),
        ],
        compiler_params=pltpu.CompilerParams(use_tc_tiling_on_sc=False),
    )
    def agg_kernel(g_hbm, e_hbm, zeros_hbm, out_hbm,
                   src_v, dst_v, rows_v, bounce, sem_g, sem_s, acc):
        c = lax.axis_index("c")
        s = lax.axis_index("s")
        wid = c * _NS + s
        pltpu.sync_copy(zeros_hbm.at[pl.ds(s * rows, rows)], bounce)
        pltpu.sync_copy(bounce, acc.at[pl.ds(s * rows, rows)])
        pltpu.sync_copy(e_hbm.at[0, wid], src_v)
        pltpu.sync_copy(e_hbm.at[1, wid], dst_v)
        plsc.subcore_barrier()

        def wait_on(sem, b):
            pltpu.make_async_copy(g_hbm.at[pl.ds(0, _CHUNK)],
                                  rows_v.at[b], sem).wait()

        for b in range(_PF):
            pltpu.async_copy(g_hbm.at[src_v.at[b]], rows_v.at[b], sem_g[b])

        def outer(jo, carry):
            for b in range(_NBUF):
                j = jo * _NBUF + b
                jn = j + _PF
                bp = (b + _PF) % _NBUF

                @pl.when(jn < ch)
                def _():
                    @pl.when(jn >= _NBUF)
                    def _():
                        wait_on(sem_s[bp], bp)
                    pltpu.async_copy(g_hbm.at[src_v.at[jn]], rows_v.at[bp],
                                     sem_g[bp])

                wait_on(sem_g[b], b)
                pltpu.async_copy(rows_v.at[b], acc.at[dst_v.at[j]], sem_s[b],
                                 add=True)
            return carry

        lax.fori_loop(0, ch // _NBUF, outer, 0)
        for b in range(_NBUF):
            wait_on(sem_s[b], b)
        plsc.subcore_barrier()
        pltpu.sync_copy(acc.at[pl.ds(s * rows, rows)], bounce)
        pltpu.sync_copy(bounce, out_hbm.at[c, pl.ds(s * rows, rows)])

    return agg_kernel



def _mm_body(x4_ref, wbd_ref, o_ref):
    o_ref[...] = jnp.dot(x4_ref[...], wbd_ref[...],
                         preferred_element_type=jnp.float32)


def _scale_body(xw_ref, d0_ref, d1_ref, o_ref):
    dis = lax.rsqrt(d0_ref[0] + d1_ref[0] + 1.0)
    o_ref[...] = xw_ref[...] * dis


def _fused_mid_body(a0_ref, a1_ref, g_ref, d0_ref, d1_ref, bf_ref, wbd_ref,
                    o_ref):
    dis = lax.rsqrt(d0_ref[0] + d1_ref[0] + 1.0)
    h = jnp.maximum((a0_ref[0] + a1_ref[0] + g_ref[...]) * dis + bf_ref[...],
                    0.0)
    o_ref[...] = jnp.dot(h, wbd_ref[...],
                         preferred_element_type=jnp.float32) * dis


def _fused_out_body(a0_ref, a1_ref, g_ref, d0_ref, d1_ref, bf_ref,
                    wcbd_ref, bcf_ref, o_ref):
    dis = lax.rsqrt(d0_ref[0] + d1_ref[0] + 1.0)
    h = jnp.maximum(
        (a0_ref[0] + a1_ref[0] + g_ref[...]) * dis + bf_ref[...], 0.0)
    o_ref[...] = (jnp.dot(h, wcbd_ref[...],
                          preferred_element_type=jnp.float32)
                  + bcf_ref[...])



def kernel(x, edge_index, W1, b1, W2, b2, Wc, bc):
    n, d_in = x.shape
    e = edge_index.shape[1]
    d = W1.shape[1]
    d_out = Wc.shape[1]

    ch = _cdiv(_cdiv(e, _NW * _CHUNK), _NBUF) * _NBUF
    e_pad = _NW * ch * _CHUNK
    n_pad = _cdiv(n + 1, _NS * 16) * _NS * 16

    rb = 2048
    grid = (_cdiv(n, rb),)
    gr = 128 // d
    nf, fb = n * d // 128, rb * d // 128
    nfp = n_pad * d // 128

    e32 = edge_index.astype(jnp.int32)
    pad = e_pad - e
    pad_idx = jnp.arange(pad, dtype=jnp.int32)
    e_slab = jnp.stack([
        jnp.concatenate([e32[0], pad_idx % n]),
        jnp.concatenate([e32[1], n + pad_idx % (n_pad - n)]),
    ]).reshape(2, _NW, ch, _CHUNK)
    zeros_deg = jnp.zeros((n_pad,), jnp.float32)
    zeros_big = jnp.zeros((n_pad, d), jnp.float32)

    x4 = x.reshape(n // gr, gr * d_in)
    w1_bd = jnp.kron(jnp.eye(gr, dtype=jnp.float32), W1)
    w2_bd = jnp.kron(jnp.eye(gr, dtype=jnp.float32), W2)
    b1f = jnp.tile(b1, gr).reshape(1, 128)
    b2f = jnp.tile(b2, gr).reshape(1, 128)

    degb = _make_deg_kernel(n_pad, ch, d)(e_slab, zeros_deg)
    degb = degb.reshape(_NC, nfp, 128)

    xwf = pl.pallas_call(
        _mm_body,
        grid=grid,
        in_specs=[
            pl.BlockSpec((rb // gr, gr * d_in), lambda i: (i, 0)),
            pl.BlockSpec((gr * d_in, 128), lambda i: (0, 0)),
        ],
        out_specs=pl.BlockSpec((fb, 128), lambda i: (i, 0)),
        out_shape=jax.ShapeDtypeStruct((nf, 128), jnp.float32),
    )(x4, w1_bd)

    g1f = pl.pallas_call(
        _scale_body,
        grid=grid,
        in_specs=[
            pl.BlockSpec((fb, 128), lambda i: (i, 0)),
            pl.BlockSpec((1, fb, 128), lambda i: (0, i, 0)),
            pl.BlockSpec((1, fb, 128), lambda i: (1, i, 0)),
        ],
        out_specs=pl.BlockSpec((fb, 128), lambda i: (i, 0)),
        out_shape=jax.ShapeDtypeStruct((nf, 128), jnp.float32),
    )(xwf, degb, degb)

    agg = _make_agg_kernel(n_pad, ch, d)
    a1 = agg(g1f.reshape(n, d), e_slab, zeros_big)
    a1f = a1.reshape(_NC, nfp, 128)

    g2f = pl.pallas_call(
        _fused_mid_body,
        grid=grid,
        in_specs=[
            pl.BlockSpec((1, fb, 128), lambda i: (0, i, 0)),
            pl.BlockSpec((1, fb, 128), lambda i: (1, i, 0)),
            pl.BlockSpec((fb, 128), lambda i: (i, 0)),
            pl.BlockSpec((1, fb, 128), lambda i: (0, i, 0)),
            pl.BlockSpec((1, fb, 128), lambda i: (1, i, 0)),
            pl.BlockSpec((1, 128), lambda i: (0, 0)),
            pl.BlockSpec((128, 128), lambda i: (0, 0)),
        ],
        out_specs=pl.BlockSpec((fb, 128), lambda i: (i, 0)),
        out_shape=jax.ShapeDtypeStruct((nf, 128), jnp.float32),
    )(a1f, a1f, g1f, degb, degb, b1f, w2_bd)

    a2 = agg(g2f.reshape(n, d), e_slab, zeros_big)
    a2f = a2.reshape(_NC, nfp, 128)

    wc_bd = jnp.kron(jnp.eye(gr, dtype=jnp.float32), Wc)
    bcf = jnp.tile(bc, gr).reshape(1, gr * d_out)
    yf = pl.pallas_call(
        _fused_out_body,
        grid=grid,
        in_specs=[
            pl.BlockSpec((1, fb, 128), lambda i: (0, i, 0)),
            pl.BlockSpec((1, fb, 128), lambda i: (1, i, 0)),
            pl.BlockSpec((fb, 128), lambda i: (i, 0)),
            pl.BlockSpec((1, fb, 128), lambda i: (0, i, 0)),
            pl.BlockSpec((1, fb, 128), lambda i: (1, i, 0)),
            pl.BlockSpec((1, 128), lambda i: (0, 0)),
            pl.BlockSpec((128, gr * d_out), lambda i: (0, 0)),
            pl.BlockSpec((1, gr * d_out), lambda i: (0, 0)),
        ],
        out_specs=pl.BlockSpec((fb, gr * d_out), lambda i: (i, 0)),
        out_shape=jax.ShapeDtypeStruct((nf, gr * d_out), jnp.float32),
    )(a2f, a2f, g2f, degb, degb, b2f, wc_bd, bcf)

    return yf.reshape(n, d_out)

# --- scband reference (transcript-rebuilt; emitter-appended) ---
"""Pipeline reference for scband-gcn-20521353741010 (READ-ONLY COPY).

The authoritative reference and input builder live on the scoring server;
editing this copy changes nothing except your own understanding.
"""

import jax, jax.numpy as jnp
import numpy as np


def gcn_conv(x, edge_index, W, b):
    # Faithful PyG GCNConv: add self-loops, x @ W, symmetric D^{-1/2} A D^{-1/2} aggregation, + bias
    N = x.shape[0]
    loop = jnp.arange(N, dtype=edge_index.dtype)
    src = jnp.concatenate([edge_index[0], loop])
    dst = jnp.concatenate([edge_index[1], loop])
    h = x @ W
    deg = jnp.zeros((N,), dtype=h.dtype).at[dst].add(1.0)
    deg_inv_sqrt = jnp.where(deg > 0, deg ** -0.5, 0.0)
    norm = deg_inv_sqrt[src] * deg_inv_sqrt[dst]
    out = jnp.zeros_like(h).at[dst].add(norm[:, None] * h[src])
    return out + b


def setup_inputs(seed: int = 0) -> dict:
    key = jax.random.key(seed)
    k_x, k_e, k1, k2, k3 = jax.random.split(key, 5)
    N, E, d_in, d_hid, d_out = 10000, 320000, 128, 32, 2
    x = jax.random.normal(k_x, (N, d_in), dtype=jnp.float32)
    edge_index = jax.random.randint(k_e, (2, E), 0, N, dtype=jnp.int64)
    W1 = jax.random.normal(k1, (d_in, d_hid), dtype=jnp.float32) * (1.0 / np.sqrt(d_in))
    b1 = jnp.zeros((d_hid,), dtype=jnp.float32)
    W2 = jax.random.normal(k2, (d_hid, d_hid), dtype=jnp.float32) * (1.0 / np.sqrt(d_hid))
    b2 = jnp.zeros((d_hid,), dtype=jnp.float32)
    Wc = jax.random.normal(k3, (d_hid, d_out), dtype=jnp.float32) * (1.0 / np.sqrt(d_hid))
    bc = jnp.zeros((d_out,), dtype=jnp.float32)
    return {"x": x, "edge_index": edge_index, "W1": W1, "b1": b1, "W2": W2, "b2": b2, "Wc": Wc, "bc": bc}


def reference(x, edge_index, W1, b1, W2, b2, Wc, bc):
    h = jax.nn.relu(gcn_conv(x, edge_index, W1, b1))
    h = jax.nn.relu(gcn_conv(h, edge_index, W2, b2))
    return h @ Wc + bc

if __name__ == "__main__":
    import jax
    _d = setup_inputs()
    print(jax.jit(kernel)(*tuple(_d.values())))

</pallas_src>

<mosaic_0001>
#map = affine_map<(d0, d1) -> (0, 0, 0, 0)>
#map1 = affine_map<(d0, d1) -> (0)>
module attributes {stable_mosaic.version = 14 : i64} {
  func.func @deg_kernel(%arg0: i32, %arg1: i32, %arg2: memref<2x32x80x128xi32, #tpu.memory_space<hbm>>, %arg3: memref<10240xf32, #tpu.memory_space<hbm>>, %arg4: memref<655360xf32, #tpu.memory_space<hbm>>, %arg5: memref<80x128xi32, #tpu.memory_space<vmem>>, %arg6: memref<128xf32, #tpu.memory_space<vmem>>, %arg7: memref<640xf32, #tpu.memory_space<vmem>>, %arg8: memref<20480xf32, #tpu.memory_space<vmem>>, %arg9: memref<10240xf32, #tpu.memory_space<vmem_shared>>) attributes {dimension_semantics = [#tpu.dimension_semantics<core_parallel>, #tpu.dimension_semantics<subcore_parallel>], iteration_bounds = array<i64: 2, 16>, scalar_prefetch = 0 : i64, scratch_operands = 5 : i64, tpu.core_type = #tpu.core_type<sc_vector_subcore>, window_params = [{transform_indices = #map}, {transform_indices = #map1}, {transform_indices = #map1}]} {
    %mul3A = arith.constant 16 : i32
    %mul3A_0 = arith.muli %arg0, %mul3A : i32
    %add3A = arith.addi %mul3A_0, %arg1 : i32
    %mul3A_1 = arith.constant 640 : i32
    %mul3A_2 = arith.muli %arg1, %mul3A_1 : i32
    "tpu.region"() ({
      %run_scoped3A_56 = tpu.sem_alloc : memref<!tpu.dma_semaphore, #tpu.memory_space<semaphore_mem>>
      %dma_start3A = tpu.memref_slice %arg3[%mul3A_2] : memref<10240xf32, #tpu.memory_space<hbm>> -> memref<640xf32, #tpu.memory_space<hbm>>
      %dma_start3A_57 = tpu.memref_slice %arg3[%mul3A_2] : memref<10240xf32, #tpu.memory_space<hbm>> -> memref<640xf32, #tpu.memory_space<hbm>>
      tpu.enqueue_dma source(%dma_start3A_57 : memref<640xf32, #tpu.memory_space<hbm>>) target(%arg7 : memref<640xf32, #tpu.memory_space<vmem>>) target_semaphore(%run_scoped3A_56 : memref<!tpu.dma_semaphore, #tpu.memory_space<semaphore_mem>>)
      %dma_wait3A = tpu.memref_slice %arg3[%mul3A_2] : memref<10240xf32, #tpu.memory_space<hbm>> -> memref<640xf32, #tpu.memory_space<hbm>>
      %dma_wait3A_58 = tpu.memref_slice %arg3[%mul3A_2] : memref<10240xf32, #tpu.memory_space<hbm>> -> memref<640xf32, #tpu.memory_space<hbm>>
      tpu.wait_dma2 semaphore(%run_scoped3A_56 : memref<!tpu.dma_semaphore, #tpu.memory_space<semaphore_mem>>) src(%dma_wait3A_58 : memref<640xf32, #tpu.memory_space<hbm>>) dst(%arg7 : memref<640xf32, #tpu.memory_space<vmem>>)
      tpu.yield
    }) : () -> ()
    %mul3A_3 = arith.constant 640 : i32
    %mul3A_4 = arith.muli %arg1, %mul3A_3 : i32
    "tpu.region"() ({
      %run_scoped3A_56 = tpu.sem_alloc : memref<!tpu.dma_semaphore, #tpu.memory_space<semaphore_mem>>
      %dma_start3A = tpu.memref_slice %arg9[%mul3A_4] : memref<10240xf32, #tpu.memory_space<vmem_shared>> -> memref<640xf32, #tpu.memory_space<vmem_shared>>
      %dma_start3A_57 = tpu.memref_slice %arg9[%mul3A_4] : memref<10240xf32, #tpu.memory_space<vmem_shared>> -> memref<640xf32, #tpu.memory_space<vmem_shared>>
      tpu.enqueue_dma source(%arg7 : memref<640xf32, #tpu.memory_space<vmem>>) target(%dma_start3A_57 : memref<640xf32, #tpu.memory_space<vmem_shared>>) target_semaphore(%run_scoped3A_56 : memref<!tpu.dma_semaphore, #tpu.memory_space<semaphore_mem>>)
      %dma_wait3A = tpu.memref_slice %arg9[%mul3A_4] : memref<10240xf32, #tpu.memory_space<vmem_shared>> -> memref<640xf32, #tpu.memory_space<vmem_shared>>
      %dma_wait3A_58 = tpu.memref_slice %arg9[%mul3A_4] : memref<10240xf32, #tpu.memory_space<vmem_shared>> -> memref<640xf32, #tpu.memory_space<vmem_shared>>
      tpu.wait_dma2 semaphore(%run_scoped3A_56 : memref<!tpu.dma_semaphore, #tpu.memory_space<semaphore_mem>>) src(%arg7 : memref<640xf32, #tpu.memory_space<vmem>>) dst(%dma_wait3A_58 : memref<640xf32, #tpu.memory_space<vmem_shared>>)
      tpu.yield
    }) : () -> ()
    %broadcast_in_dim3A = arith.constant 1.000000e+00 : f32
    %broadcast_in_dim3A_5 = vector.broadcast %broadcast_in_dim3A : f32 to vector<16xf32>
    %swap3A = arith.constant 0 : index
    %swap3A_6 = tpu.vector_load %arg6[%swap3A] {strides = array<i32>} : memref<128xf32, #tpu.memory_space<vmem>>, vector<16xf32>,
    tpu.vector_store %arg6[%swap3A], %broadcast_in_dim3A_5 {strides = array<i32>} : memref<128xf32, #tpu.memory_space<vmem>>, vector<16xf32>,
    %broadcast_in_dim3A_7 = arith.constant 1.000000e+00 : f32
    %broadcast_in_dim3A_8 = vector.broadcast %broadcast_in_dim3A_7 : f32 to vector<16xf32>
    %swap3A_9 = arith.constant 16 : index
    %swap3A_10 = tpu.vector_load %arg6[%swap3A_9] {strides = array<i32>} : memref<128xf32, #tpu.memory_space<vmem>>, vector<16xf32>,
    tpu.vector_store %arg6[%swap3A_9], %broadcast_in_dim3A_8 {strides = array<i32>} : memref<128xf32, #tpu.memory_space<vmem>>, vector<16xf32>,
    %broadcast_in_dim3A_11 = arith.constant 1.000000e+00 : f32
    %broadcast_in_dim3A_12 = vector.broadcast %broadcast_in_dim3A_11 : f32 to vector<16xf32>
    %swap3A_13 = arith.constant 32 : index
    %swap3A_14 = tpu.vector_load %arg6[%swap3A_13] {strides = array<i32>} : memref<128xf32, #tpu.memory_space<vmem>>, vector<16xf32>,
    tpu.vector_store %arg6[%swap3A_13], %broadcast_in_dim3A_12 {strides = array<i32>} : memref<128xf32, #tpu.memory_space<vmem>>, vector<16xf32>,
    %broadcast_in_dim3A_15 = arith.constant 1.000000e+00 : f32
    %broadcast_in_dim3A_16 = vector.broadcast %broadcast_in_dim3A_15 : f32 to vector<16xf32>
    %swap3A_17 = arith.constant 48 : index
    %swap3A_18 = tpu.vector_load %arg6[%swap3A_17] {strides = array<i32>} : memref<128xf32, #tpu.memory_space<vmem>>, vector<16xf32>,
    tpu.vector_store %arg6[%swap3A_17], %broadcast_in_dim3A_16 {strides = array<i32>} : memref<128xf32, #tpu.memory_space<vmem>>, vector<16xf32>,
    %broadcast_in_dim3A_19 = arith.constant 1.000000e+00 : f32
    %broadcast_in_dim3A_20 = vector.broadcast %broadcast_in_dim3A_19 : f32 to vector<16xf32>
    %swap3A_21 = arith.constant 64 : index
    %swap3A_22 = tpu.vector_load %arg6[%swap3A_21] {strides = array<i32>} : memref<128xf32, #tpu.memory_space<vmem>>, vector<16xf32>,
    tpu.vector_store %arg6[%swap3A_21], %broadcast_in_dim3A_20 {strides = array<i32>} : memref<128xf32, #tpu.memory_space<vmem>>, vector<16xf32>,
    %broadcast_in_dim3A_23 = arith.constant 1.000000e+00 : f32
    %broadcast_in_dim3A_24 = vector.broadcast %broadcast_in_dim3A_23 : f32 to vector<16xf32>
    %swap3A_25 = arith.constant 80 : index
    %swap3A_26 = tpu.vector_load %arg6[%swap3A_25] {strides = array<i32>} : memref<128xf32, #tpu.memory_space<vmem>>, vector<16xf32>,
    tpu.vector_store %arg6[%swap3A_25], %broadcast_in_dim3A_24 {strides = array<i32>} : memref<128xf32, #tpu.memory_space<vmem>>, vector<16xf32>,
    %broadcast_in_dim3A_27 = arith.constant 1.000000e+00 : f32
    %broadcast_in_dim3A_28 = vector.broadcast %broadcast_in_dim3A_27 : f32 to vector<16xf32>
    %swap3A_29 = arith.constant 96 : index
    %swap3A_30 = tpu.vector_load %arg6[%swap3A_29] {strides = array<i32>} : memref<128xf32, #tpu.memory_space<vmem>>, vector<16xf32>,
    tpu.vector_store %arg6[%swap3A_29], %broadcast_in_dim3A_28 {strides = array<i32>} : memref<128xf32, #tpu.memory_space<vmem>>, vector<16xf32>,
    %broadcast_in_dim3A_31 = arith.constant 1.000000e+00 : f32
    %broadcast_in_dim3A_32 = vector.broadcast %broadcast_in_dim3A_31 : f32 to vector<16xf32>
    %swap3A_33 = arith.constant 112 : index
    %swap3A_34 = tpu.vector_load %arg6[%swap3A_33] {strides = array<i32>} : memref<128xf32, #tpu.memory_space<vmem>>, vector<16xf32>,
    tpu.vector_store %arg6[%swap3A_33], %broadcast_in_dim3A_32 {strides = array<i32>} : memref<128xf32, #tpu.memory_space<vmem>>, vector<16xf32>,
    %run_scoped3A = arith.constant 1 : i32
    "tpu.region"() ({
      %run_scoped3A_56 = tpu.sem_alloc : memref<!tpu.dma_semaphore, #tpu.memory_space<semaphore_mem>>
      %dma_start3A = arith.constant 0 : i32
      %dma_start3A_57 = arith.constant 0 : i32
      %dma_start3A_58 = tpu.memref_slice %arg2[%run_scoped3A, %add3A, %dma_start3A, %dma_start3A_57] : memref<2x32x80x128xi32, #tpu.memory_space<hbm>> -> memref<1x1x80x128xi32, #tpu.memory_space<hbm>>
      %dma_start3A_59 = tpu.memref_squeeze %dma_start3A_58 : memref<1x1x80x128xi32, #tpu.memory_space<hbm>> -> memref<80x128xi32, #tpu.memory_space<hbm>>
      %dma_start3A_60 = arith.constant 0 : i32
      %dma_start3A_61 = arith.constant 0 : i32
      %dma_start3A_62 = tpu.memref_slice %arg2[%run_scoped3A, %add3A, %dma_start3A_60, %dma_start3A_61] : memref<2x32x80x128xi32, #tpu.memory_space<hbm>> -> memref<1x1x80x128xi32, #tpu.memory_space<hbm>>
      %dma_start3A_63 = tpu.memref_squeeze %dma_start3A_62 : memref<1x1x80x128xi32, #tpu.memory_space<hbm>> -> memref<80x128xi32, #tpu.memory_space<hbm>>
      tpu.enqueue_dma source(%dma_start3A_63 : memref<80x128xi32, #tpu.memory_space<hbm>>) target(%arg5 : memref<80x128xi32, #tpu.memory_space<vmem>>) target_semaphore(%run_scoped3A_56 : memref<!tpu.dma_semaphore, #tpu.memory_space<semaphore_mem>>)
      %dma_wait3A = arith.constant 0 : i32
      %dma_wait3A_64 = arith.constant 0 : i32
      %dma_wait3A_65 = tpu.memref_slice %arg2[%run_scoped3A, %add3A, %dma_wait3A, %dma_wait3A_64] : memref<2x32x80x128xi32, #tpu.memory_space<hbm>> -> memref<1x1x80x128xi32, #tpu.memory_space<hbm>>
      %dma_wait3A_66 = tpu.memref_squeeze %dma_wait3A_65 : memref<1x1x80x128xi32, #tpu.memory_space<hbm>> -> memref<80x128xi32, #tpu.memory_space<hbm>>
      %dma_wait3A_67 = arith.constant 0 : i32
      %dma_wait3A_68 = arith.constant 0 : i32
      %dma_wait3A_69 = tpu.memref_slice %arg2[%run_scoped3A, %add3A, %dma_wait3A_67, %dma_wait3A_68] : memref<2x32x80x128xi32, #tpu.memory_space<hbm>> -> memref<1x1x80x128xi32, #tpu.memory_space<hbm>>
      %dma_wait3A_70 = tpu.memref_squeeze %dma_wait3A_69 : memref<1x1x80x128xi32, #tpu.memory_space<hbm>> -> memref<80x128xi32, #tpu.memory_space<hbm>>
      tpu.wait_dma2 semaphore(%run_scoped3A_56 : memref<!tpu.dma_semaphore, #tpu.memory_space<semaphore_mem>>) src(%dma_wait3A_70 : memref<80x128xi32, #tpu.memory_space<hbm>>) dst(%arg5 : memref<80x128xi32, #tpu.memory_space<vmem>>)
      tpu.yield
    }) : () -> ()
    %barrier3A = arith.constant 0 : index
    tpu.barrier barrier_id(%barrier3A)
    %scan3A = arith.constant 0 : i32
    %scan3A_35 = arith.constant 0 : i32
    %scan3A_36 = arith.constant 80 : i32
    %scan3A_37 = arith.addi %scan3A_35, %scan3A_36 : i32
    %scan3A_38 = arith.constant 1 : i32
    scf.for %scan3A_56 = %scan3A_35 to %scan3A_37 step %scan3A_38  : i32 {
      "tpu.region"() ({
        %run_scoped3A_57 = tpu.sem_alloc : memref<!tpu.dma_semaphore, #tpu.memory_space<semaphore_mem>>
        %dma_start3A = arith.constant 0 : i32
        %dma_start3A_58 = tpu.memref_slice %arg5[%scan3A_56, %dma_start3A] : memref<80x128xi32, #tpu.memory_space<vmem>> -> memref<1x128xi32, #tpu.memory_space<vmem>>
        %dma_start3A_59 = tpu.memref_squeeze %dma_start3A_58 : memref<1x128xi32, #tpu.memory_space<vmem>> -> memref<128xi32, #tpu.memory_space<vmem>>
        %dma_start3A_60 = arith.constant 0 : i32
        %dma_start3A_61 = tpu.memref_slice %arg9[%dma_start3A_60] : memref<10240xf32, #tpu.memory_space<vmem_shared>> -> memref<10240xf32, #tpu.memory_space<vmem_shared>>
        tpu.enqueue_indirect_dma source(%arg6 : memref<128xf32, #tpu.memory_space<vmem>>) target(%dma_start3A_61 : memref<10240xf32, #tpu.memory_space<vmem_shared>>) offsets(%dma_start3A_59 : memref<128xi32, #tpu.memory_space<vmem>>) semaphore(%run_scoped3A_57 : memref<!tpu.dma_semaphore, #tpu.memory_space<semaphore_mem>>) {add = true}
        %dma_wait3A = arith.constant 0 : i32
        %dma_wait3A_62 = tpu.memref_slice %arg5[%scan3A_56, %dma_wait3A] : memref<80x128xi32, #tpu.memory_space<vmem>> -> memref<1x128xi32, #tpu.memory_space<vmem>>
        %dma_wait3A_63 = tpu.memref_squeeze %dma_wait3A_62 : memref<1x128xi32, #tpu.memory_space<vmem>> -> memref<128xi32, #tpu.memory_space<vmem>>
        %dma_wait3A_64 = arith.constant 0 : i32
        %dma_wait3A_65 = tpu.memref_slice %arg9[%dma_wait3A_64] : memref<10240xf32, #tpu.memory_space<vmem_shared>> -> memref<10240xf32, #tpu.memory_space<vmem_shared>>
        tpu.wait_indirect_dma semaphore(%run_scoped3A_57 : memref<!tpu.dma_semaphore, #tpu.memory_space<semaphore_mem>>) src(%arg6 : memref<128xf32, #tpu.memory_space<vmem>>) dst(%dma_wait3A_65 : memref<10240xf32, #tpu.memory_space<vmem_shared>>)
        tpu.yield
      }) : () -> ()
    }
    %scan3A_39 = arith.constant 80 : i32
    %barrier3A_40 = arith.constant 0 : index
    tpu.barrier barrier_id(%barrier3A_40)
    %mul3A_41 = arith.constant 640 : i32
    %mul3A_42 = arith.muli %arg1, %mul3A_41 : i32
    "tpu.region"() ({
      %run_scoped3A_56 = tpu.sem_alloc : memref<!tpu.dma_semaphore, #tpu.memory_space<semaphore_mem>>
      %dma_start3A = tpu.memref_slice %arg9[%mul3A_42] : memref<10240xf32, #tpu.memory_space<vmem_shared>> -> memref<640xf32, #tpu.memory_space<vmem_shared>>
      %dma_start3A_57 = tpu.memref_slice %arg9[%mul3A_42] : memref<10240xf32, #tpu.memory_space<vmem_shared>> -> memref<640xf32, #tpu.memory_space<vmem_shared>>
      tpu.enqueue_dma source(%dma_start3A_57 : memref<640xf32, #tpu.memory_space<vmem_shared>>) target(%arg7 : memref<640xf32, #tpu.memory_space<vmem>>) target_semaphore(%run_scoped3A_56 : memref<!tpu.dma_semaphore, #tpu.memory_space<semaphore_mem>>)
      %dma_wait3A = tpu.memref_slice %arg9[%mul3A_42] : memref<10240xf32, #tpu.memory_space<vmem_shared>> -> memref<640xf32, #tpu.memory_space<vmem_shared>>
      %dma_wait3A_58 = tpu.memref_slice %arg9[%mul3A_42] : memref<10240xf32, #tpu.memory_space<vmem_shared>> -> memref<640xf32, #tpu.memory_space<vmem_shared>>
      tpu.wait_dma2 semaphore(%run_scoped3A_56 : memref<!tpu.dma_semaphore, #tpu.memory_space<semaphore_mem>>) src(%dma_wait3A_58 : memref<640xf32, #tpu.memory_space<vmem_shared>>) dst(%arg7 : memref<640xf32, #tpu.memory_space<vmem>>)
      tpu.yield
    }) : () -> ()
    %scan3A_43 = arith.constant 0 : i32
    %scan3A_44 = arith.constant 0 : i32
    %scan3A_45 = arith.constant 40 : i32
    %scan3A_46 = arith.addi %scan3A_44, %scan3A_45 : i32
    %scan3A_47 = arith.constant 1 : i32
    scf.for %scan3A_56 = %scan3A_44 to %scan3A_46 step %scan3A_47  : i32 {
      %mul3A_57 = arith.constant 16 : i32
      %mul3A_58 = arith.muli %scan3A_56, %mul3A_57 : i32
      %add3A_59 = arith.constant 0 : i32
      %add3A_60 = arith.addi %mul3A_58, %add3A_59 : i32
      %broadcast_in_dim3A_61 = vector.broadcast %add3A_60 : i32 to vector<16xi32>
      %gather3A = tpu.vector_load_idx %arg7[%broadcast_in_dim3A_61] : memref<640xf32, #tpu.memory_space<vmem>>[vector<16xi32>], vector<16xf32>,
      %mul3A_62 = arith.constant 32 : i32
      %mul3A_63 = arith.muli %add3A_60, %mul3A_62 : i32
      %add3A_64 = arith.constant 0 : i32
      %add3A_65 = arith.addi %mul3A_63, %add3A_64 : i32
      %swap3A_66 = arith.index_cast %add3A_65 : i32 to index
      %swap3A_67 = tpu.vector_load %arg8[%swap3A_66] {strides = array<i32>} : memref<20480xf32, #tpu.memory_space<vmem>>, vector<16xf32>,
      tpu.vector_store %arg8[%swap3A_66], %gather3A {strides = array<i32>} : memref<20480xf32, #tpu.memory_space<vmem>>, vector<16xf32>,
      %mul3A_68 = arith.constant 32 : i32
      %mul3A_69 = arith.muli %add3A_60, %mul3A_68 : i32
      %add3A_70 = arith.constant 16 : i32
      %add3A_71 = arith.addi %mul3A_69, %add3A_70 : i32
      %swap3A_72 = arith.index_cast %add3A_71 : i32 to index
      %swap3A_73 = tpu.vector_load %arg8[%swap3A_72] {strides = array<i32>} : memref<20480xf32, #tpu.memory_space<vmem>>, vector<16xf32>,
      tpu.vector_store %arg8[%swap3A_72], %gather3A {strides = array<i32>} : memref<20480xf32, #tpu.memory_space<vmem>>, vector<16xf32>,
      %mul3A_74 = arith.constant 16 : i32
      %mul3A_75 = arith.muli %scan3A_56, %mul3A_74 : i32
      %add3A_76 = arith.constant 1 : i32
      %add3A_77 = arith.addi %mul3A_75, %add3A_76 : i32
      %broadcast_in_dim3A_78 = vector.broadcast %add3A_77 : i32 to vector<16xi32>
      %gather3A_79 = tpu.vector_load_idx %arg7[%broadcast_in_dim3A_78] : memref<640xf32, #tpu.memory_space<vmem>>[vector<16xi32>], vector<16xf32>,
      %mul3A_80 = arith.constant 32 : i32
      %mul3A_81 = arith.muli %add3A_77, %mul3A_80 : i32
      %add3A_82 = arith.constant 0 : i32
      %add3A_83 = arith.addi %mul3A_81, %add3A_82 : i32
      %swap3A_84 = arith.index_cast %add3A_83 : i32 to index
      %swap3A_85 = tpu.vector_load %arg8[%swap3A_84] {strides = array<i32>} : memref<20480xf32, #tpu.memory_space<vmem>>, vector<16xf32>,
      tpu.vector_store %arg8[%swap3A_84], %gather3A_79 {strides = array<i32>} : memref<20480xf32, #tpu.memory_space<vmem>>, vector<16xf32>,
      %mul3A_86 = arith.constant 32 : i32
      %mul3A_87 = arith.muli %add3A_77, %mul3A_86 : i32
      %add3A_88 = arith.constant 16 : i32
      %add3A_89 = arith.addi %mul3A_87, %add3A_88 : i32
      %swap3A_90 = arith.index_cast %add3A_89 : i32 to index
      %swap3A_91 = tpu.vector_load %arg8[%swap3A_90] {strides = array<i32>} : memref<20480xf32, #tpu.memory_space<vmem>>, vector<16xf32>,
      tpu.vector_store %arg8[%swap3A_90], %gather3A_79 {strides = array<i32>} : memref<20480xf32, #tpu.memory_space<vmem>>, vector<16xf32>,
      %mul3A_92 = arith.constant 16 : i32
      %mul3A_93 = arith.muli %scan3A_56, %mul3A_92 : i32
      %add3A_94 = arith.constant 2 : i32
      %add3A_95 = arith.addi %mul3A_93, %add3A_94 : i32
      %broadcast_in_dim3A_96 = vector.broadcast %add3A_95 : i32 to vector<16xi32>
      %gather3A_97 = tpu.vector_load_idx %arg7[%broadcast_in_dim3A_96] : memref<640xf32, #tpu.memory_space<vmem>>[vector<16xi32>], vector<16xf32>,
      %mul3A_98 = arith.constant 32 : i32
      %mul3A_99 = arith.muli %add3A_95, %mul3A_98 : i32
      %add3A_100 = arith.constant 0 : i32
      %add3A_101 = arith.addi %mul3A_99, %add3A_100 : i32
      %swap3A_102 = arith.index_cast %add3A_101 : i32 to index
      %swap3A_103 = tpu.vector_load %arg8[%swap3A_102] {strides = array<i32>} : memref<20480xf32, #tpu.memory_space<vmem>>, vector<16xf32>,
      tpu.vector_store %arg8[%swap3A_102], %gather3A_97 {strides = array<i32>} : memref<20480xf32, #tpu.memory_space<vmem>>, vector<16xf32>,
      %mul3A_104 = arith.constant 32 : i32
      %mul3A_105 = arith.muli %add3A_95, %mul3A_104 : i32
      %add3A_106 = arith.constant 16 : i32
      %add3A_107 = arith.addi %mul3A_105, %add3A_106 : i32
      %swap3A_108 = arith.index_cast %add3A_107 : i32 to index
      %swap3A_109 = tpu.vector_load %arg8[%swap3A_108] {strides = array<i32>} : memref<20480xf32, #tpu.memory_space<vmem>>, vector<16xf32>,
      tpu.vector_store %arg8[%swap3A_108], %gather3A_97 {strides = array<i32>} : memref<20480xf32, #tpu.memory_space<vmem>>, vector<16xf32>,
      %mul3A_110 = arith.constant 16 : i32
      %mul3A_111 = arith.muli %scan3A_56, %mul3A_110 : i32
      %add3A_112 = arith.constant 3 : i32
      %add3A_113 = arith.addi %mul3A_111, %add3A_112 : i32
      %broadcast_in_dim3A_114 = vector.broadcast %add3A_113 : i32 to vector<16xi32>
      %gather3A_115 = tpu.vector_load_idx %arg7[%broadcast_in_dim3A_114] : memref<640xf32, #tpu.memory_space<vmem>>[vector<16xi32>], vector<16xf32>,
      %mul3A_116 = arith.constant 32 : i32
      %mul3A_117 = arith.muli %add3A_113, %mul3A_116 : i32
      %add3A_118 = arith.constant 0 : i32
      %add3A_119 = arith.addi %mul3A_117, %add3A_118 : i32
      %swap3A_120 = arith.index_cast %add3A_119 : i32 to index
      %swap3A_121 = tpu.vector_load %arg8[%swap3A_120] {strides = array<i32>} : memref<20480xf32, #tpu.memory_space<vmem>>, vector<16xf32>,
      tpu.vector_store %arg8[%swap3A_120], %gather3A_115 {strides = array<i32>} : memref<20480xf32, #tpu.memory_space<vmem>>, vector<16xf32>,
      %mul3A_122 = arith.constant 32 : i32
      %mul3A_123 = arith.muli %add3A_113, %mul3A_122 : i32
      %add3A_124 = arith.constant 16 : i32
      %add3A_125 = arith.addi %mul3A_123, %add3A_124 : i32
      %swap3A_126 = arith.index_cast %add3A_125 : i32 to index
      %swap3A_127 = tpu.vector_load %arg8[%swap3A_126] {strides = array<i32>} : memref<20480xf32, #tpu.memory_space<vmem>>, vector<16xf32>,
      tpu.vector_store %arg8[%swap3A_126], %gather3A_115 {strides = array<i32>} : memref<20480xf32, #tpu.memory_space<vmem>>, vector<16xf32>,
      %mul3A_128 = arith.constant 16 : i32
      %mul3A_129 = arith.muli %scan3A_56, %mul3A_128 : i32
      %add3A_130 = arith.constant 4 : i32
      %add3A_131 = arith.addi %mul3A_129, %add3A_130 : i32
      %broadcast_in_dim3A_132 = vector.broadcast %add3A_131 : i32 to vector<16xi32>
      %gather3A_133 = tpu.vector_load_idx %arg7[%broadcast_in_dim3A_132] : memref<640xf32, #tpu.memory_space<vmem>>[vector<16xi32>], vector<16xf32>,
      %mul3A_134 = arith.constant 32 : i32
      %mul3A_135 = arith.muli %add3A_131, %mul3A_134 : i32
      %add3A_136 = arith.constant 0 : i32
      %add3A_137 = arith.addi %mul3A_135, %add3A_136 : i32
      %swap3A_138 = arith.index_cast %add3A_137 : i32 to index
      %swap3A_139 = tpu.vector_load %arg8[%swap3A_138] {strides = array<i32>} : memref<20480xf32, #tpu.memory_space<vmem>>, vector<16xf32>,
      tpu.vector_store %arg8[%swap3A_138], %gather3A_133 {strides = array<i32>} : memref<20480xf32, #tpu.memory_space<vmem>>, vector<16xf32>,
      %mul3A_140 = arith.constant 32 : i32
      %mul3A_141 = arith.muli %add3A_131, %mul3A_140 : i32
      %add3A_142 = arith.constant 16 : i32
      %add3A_143 = arith.addi %mul3A_141, %add3A_142 : i32
      %swap3A_144 = arith.index_cast %add3A_143 : i32 to index
      %swap3A_145 = tpu.vector_load %arg8[%swap3A_144] {strides = array<i32>} : memref<20480xf32, #tpu.memory_space<vmem>>, vector<16xf32>,
      tpu.vector_store %arg8[%swap3A_144], %gather3A_133 {strides = array<i32>} : memref<20480xf32, #tpu.memory_space<vmem>>, vector<16xf32>,
      %mul3A_146 = arith.constant 16 : i32
      %mul3A_147 = arith.muli %scan3A_56, %mul3A_146 : i32
      %add3A_148 = arith.constant 5 : i32
      %add3A_149 = arith.addi %mul3A_147, %add3A_148 : i32
      %broadcast_in_dim3A_150 = vector.broadcast %add3A_149 : i32 to vector<16xi32>
      %gather3A_151 = tpu.vector_load_idx %arg7[%broadcast_in_dim3A_150] : memref<640xf32, #tpu.memory_space<vmem>>[vector<16xi32>], vector<16xf32>,
      %mul3A_152 = arith.constant 32 : i32
      %mul3A_153 = arith.muli %add3A_149, %mul3A_152 : i32
      %add3A_154 = arith.constant 0 : i32
      %add3A_155 = arith.addi %mul3A_153, %add3A_154 : i32
      %swap3A_156 = arith.index_cast %add3A_155 : i32 to index
      %swap3A_157 = tpu.vector_load %arg8[%swap3A_156] {strides = array<i32>} : memref<20480xf32, #tpu.memory_space<vmem>>, vector<16xf32>,
      tpu.vector_store %arg8[%swap3A_156], %gather3A_151 {strides = array<i32>} : memref<20480xf32, #tpu.memory_space<vmem>>, vector<16xf32>,
      %mul3A_158 = arith.constant 32 : i32
      %mul3A_159 = arith.muli %add3A_149, %mul3A_158 : i32
      %add3A_160 = arith.constant 16 : i32
      %add3A_161 = arith.addi %mul3A_159, %add3A_160 : i32
      %swap3A_162 = arith.index_cast %add3A_161 : i32 to index
      %swap3A_163 = tpu.vector_load %arg8[%swap3A_162] {strides = array<i32>} : memref<20480xf32, #tpu.memory_space<vmem>>, vector<16xf32>,
      tpu.vector_store %arg8[%swap3A_162], %gather3A_151 {strides = array<i32>} : memref<20480xf32, #tpu.memory_space<vmem>>, vector<16xf32>,
      %mul3A_164 = arith.constant 16 : i32
      %mul3A_165 = arith.muli %scan3A_56, %mul3A_164 : i32
      %add3A_166 = arith.constant 6 : i32
      %add3A_167 = arith.addi %mul3A_165, %add3A_166 : i32
      %broadcast_in_dim3A_168 = vector.broadcast %add3A_167 : i32 to vector<16xi32>
      %gather3A_169 = tpu.vector_load_idx %arg7[%broadcast_in_dim3A_168] : memref<640xf32, #tpu.memory_space<vmem>>[vector<16xi32>], vector<16xf32>,
      %mul3A_170 = arith.constant 32 : i32
      %mul3A_171 = arith.muli %add3A_167, %mul3A_170 : i32
      %add3A_172 = arith.constant 0 : i32
      %add3A_173 = arith.addi %mul3A_171, %add3A_172 : i32
      %swap3A_174 = arith.index_cast %add3A_173 : i32 to index
      %swap3A_175 = tpu.vector_load %arg8[%swap3A_174] {strides = array<i32>} : memref<20480xf32, #tpu.memory_space<vmem>>, vector<16xf32>,
      tpu.vector_store %arg8[%swap3A_174], %gather3A_169 {strides = array<i32>} : memref<20480xf32, #tpu.memory_space<vmem>>, vector<16xf32>,
      %mul3A_176 = arith.constant 32 : i32
      %mul3A_177 = arith.muli %add3A_167, %mul3A_176 : i32
      %add3A_178 = arith.constant 16 : i32
      %add3A_179 = arith.addi %mul3A_177, %add3A_178 : i32
      %swap3A_180 = arith.index_cast %add3A_179 : i32 to index
      %swap3A_181 = tpu.vector_load %arg8[%swap3A_180] {strides = array<i32>} : memref<20480xf32, #tpu.memory_space<vmem>>, vector<16xf32>,
      tpu.vector_store %arg8[%swap3A_180], %gather3A_169 {strides = array<i32>} : memref<20480xf32, #tpu.memory_space<vmem>>, vector<16xf32>,
      %mul3A_182 = arith.constant 16 : i32
      %mul3A_183 = arith.muli %scan3A_56, %mul3A_182 : i32
      %add3A_184 = arith.constant 7 : i32
      %add3A_185 = arith.addi %mul3A_183, %add3A_184 : i32
      %broadcast_in_dim3A_186 = vector.broadcast %add3A_185 : i32 to vector<16xi32>
      %gather3A_187 = tpu.vector_load_idx %arg7[%broadcast_in_dim3A_186] : memref<640xf32, #tpu.memory_space<vmem>>[vector<16xi32>], vector<16xf32>,
      %mul3A_188 = arith.constant 32 : i32
      %mul3A_189 = arith.muli %add3A_185, %mul3A_188 : i32
      %add3A_190 = arith.constant 0 : i32
      %add3A_191 = arith.addi %mul3A_189, %add3A_190 : i32
      %swap3A_192 = arith.index_cast %add3A_191 : i32 to index
      %swap3A_193 = tpu.vector_load %arg8[%swap3A_192] {strides = array<i32>} : memref<20480xf32, #tpu.memory_space<vmem>>, vector<16xf32>,
      tpu.vector_store %arg8[%swap3A_192], %gather3A_187 {strides = array<i32>} : memref<20480xf32, #tpu.memory_space<vmem>>, vector<16xf32>,
      %mul3A_194 = arith.constant 32 : i32
      %mul3A_195 = arith.muli %add3A_185, %mul3A_194 : i32
      %add3A_196 = arith.constant 16 : i32
      %add3A_197 = arith.addi %mul3A_195, %add3A_196 : i32
      %swap3A_198 = arith.index_cast %add3A_197 : i32 to index
      %swap3A_199 = tpu.vector_load %arg8[%swap3A_198] {strides = array<i32>} : memref<20480xf32, #tpu.memory_space<vmem>>, vector<16xf32>,
      tpu.vector_store %arg8[%swap3A_198], %gather3A_187 {strides = array<i32>} : memref<20480xf32, #tpu.memory_space<vmem>>, vector<16xf32>,
      %mul3A_200 = arith.constant 16 : i32
      %mul3A_201 = arith.muli %scan3A_56, %mul3A_200 : i32
      %add3A_202 = arith.constant 8 : i32
      %add3A_203 = arith.addi %mul3A_201, %add3A_202 : i32
      %broadcast_in_dim3A_204 = vector.broadcast %add3A_203 : i32 to vector<16xi32>
      %gather3A_205 = tpu.vector_load_idx %arg7[%broadcast_in_dim3A_204] : memref<640xf32, #tpu.memory_space<vmem>>[vector<16xi32>], vector<16xf32>,
      %mul3A_206 = arith.constant 32 : i32
      %mul3A_207 = arith.muli %add3A_203, %mul3A_206 : i32
      %add3A_208 = arith.constant 0 : i32
      %add3A_209 = arith.addi %mul3A_207, %add3A_208 : i32
      %swap3A_210 = arith.index_cast %add3A_209 : i32 to index
      %swap3A_211 = tpu.vector_load %arg8[%swap3A_210] {strides = array<i32>} : memref<20480xf32, #tpu.memory_space<vmem>>, vector<16xf32>,
      tpu.vector_store %arg8[%swap3A_210], %gather3A_205 {strides = array<i32>} : memref<20480xf32, #tpu.memory_space<vmem>>, vector<16xf32>,
      %mul3A_212 = arith.constant 32 : i32
      %mul3A_213 = arith.muli %add3A_203, %mul3A_212 : i32
      %add3A_214 = arith.constant 16 : i32
      %add3A_215 = arith.addi %mul3A_213, %add3A_214 : i32
      %swap3A_216 = arith.index_cast %add3A_215 : i32 to index
      %swap3A_217 = tpu.vector_load %arg8[%swap3A_216] {strides = array<i32>} : memref<20480xf32, #tpu.memory_space<vmem>>, vector<16xf32>,
      tpu.vector_store %arg8[%swap3A_216], %gather3A_205 {strides = array<i32>} : memref<20480xf32, #tpu.memory_space<vmem>>, vector<16xf32>,
      %mul3A_218 = arith.constant 16 : i32
      %mul3A_219 = arith.muli %scan3A_56, %mul3A_218 : i32
      %add3A_220 = arith.constant 9 : i32
      %add3A_221 = arith.addi %mul3A_219, %add3A_220 : i32
      %broadcast_in_dim3A_222 = vector.broadcast %add3A_221 : i32 to vector<16xi32>
      %gather3A_223 = tpu.vector_load_idx %arg7[%broadcast_in_dim3A_222] : memref<640xf32, #tpu.memory_space<vmem>>[vector<16xi32>], vector<16xf32>,
      %mul3A_224 = arith.constant 32 : i32
      %mul3A_225 = arith.muli %add3A_221, %mul3A_224 : i32
      %add3A_226 = arith.constant 0 : i32
      %add3A_227 = arith.addi %mul3A_225, %add3A_226 : i32
      %swap3A_228 = arith.index_cast %add3A_227 : i32 to index
      %swap3A_229 = tpu.vector_load %arg8[%swap3A_228] {strides = array<i32>} : memref<20480xf32, #tpu.memory_space<vmem>>, vector<16xf32>,
      tpu.vector_store %arg8[%swap3A_228], %gather3A_223 {strides = array<i32>} : memref<20480xf32, #tpu.memory_space<vmem>>, vector<16xf32>,
      %mul3A_230 = arith.constant 32 : i32
      %mul3A_231 = arith.muli %add3A_221, %mul3A_230 : i32
      %add3A_232 = arith.constant 16 : i32
      %add3A_233 = arith.addi %mul3A_231, %add3A_232 : i32
      %swap3A_234 = arith.index_cast %add3A_233 : i32 to index
      %swap3A_235 = tpu.vector_load %arg8[%swap3A_234] {strides = array<i32>} : memref<20480xf32, #tpu.memory_space<vmem>>, vector<16xf32>,
      tpu.vector_store %arg8[%swap3A_234], %gather3A_223 {strides = array<i32>} : memref<20480xf32, #tpu.memory_space<vmem>>, vector<16xf32>,
      %mul3A_236 = arith.constant 16 : i32
      %mul3A_237 = arith.muli %scan3A_56, %mul3A_236 : i32
      %add3A_238 = arith.constant 10 : i32
      %add3A_239 = arith.addi %mul3A_237, %add3A_238 : i32
      %broadcast_in_dim3A_240 = vector.broadcast %add3A_239 : i32 to vector<16xi32>
      %gather3A_241 = tpu.vector_load_idx %arg7[%broadcast_in_dim3A_240] : memref<640xf32, #tpu.memory_space<vmem>>[vector<16xi32>], vector<16xf32>,
      %mul3A_242 = arith.constant 32 : i32
      %mul3A_243 = arith.muli %add3A_239, %mul3A_242 : i32
      %add3A_244 = arith.constant 0 : i32
      %add3A_245 = arith.addi %mul3A_243, %add3A_244 : i32
      %swap3A_246 = arith.index_cast %add3A_245 : i32 to index
      %swap3A_247 = tpu.vector_load %arg8[%swap3A_246] {strides = array<i32>} : memref<20480xf32, #tpu.memory_space<vmem>>, vector<16xf32>,
      tpu.vector_store %arg8[%swap3A_246], %gather3A_241 {strides = array<i32>} : memref<20480xf32, #tpu.memory_space<vmem>>, vector<16xf32>,
      %mul3A_248 = arith.constant 32 : i32
      %mul3A_249 = arith.muli %add3A_239, %mul3A_248 : i32
      %add3A_250 = arith.constant 16 : i32
      %add3A_251 = arith.addi %mul3A_249, %add3A_250 : i32
      %swap3A_252 = arith.index_cast %add3A_251 : i32 to index
      %swap3A_253 = tpu.vector_load %arg8[%swap3A_252] {strides = array<i32>} : memref<20480xf32, #tpu.memory_space<vmem>>, vector<16xf32>,
      tpu.vector_store %arg8[%swap3A_252], %gather3A_241 {strides = array<i32>} : memref<20480xf32, #tpu.memory_space<vmem>>, vector<16xf32>,
      %mul3A_254 = arith.constant 16 : i32
      %mul3A_255 = arith.muli %scan3A_56, %mul3A_254 : i32
      %add3A_256 = arith.constant 11 : i32
      %add3A_257 = arith.addi %mul3A_255, %add3A_256 : i32
      %broadcast_in_dim3A_258 = vector.broadcast %add3A_257 : i32 to vector<16xi32>
      %gather3A_259 = tpu.vector_load_idx %arg7[%broadcast_in_dim3A_258] : memref<640xf32, #tpu.memory_space<vmem>>[vector<16xi32>], vector<16xf32>,
      %mul3A_260 = arith.constant 32 : i32
      %mul3A_261 = arith.muli %add3A_257, %mul3A_260 : i32
      %add3A_262 = arith.constant 0 : i32
      %add3A_263 = arith.addi %mul3A_261, %add3A_262 : i32
      %swap3A_264 = arith.index_cast %add3A_263 : i32 to index
      %swap3A_265 = tpu.vector_load %arg8[%swap3A_264] {strides = array<i32>} : memref<20480xf32, #tpu.memory_space<vmem>>, vector<16xf32>,
      tpu.vector_store %arg8[%swap3A_264], %gather3A_259 {strides = array<i32>} : memref<20480xf32, #tpu.memory_space<vmem>>, vector<16xf32>,
      %mul3A_266 = arith.constant 32 : i32
      %mul3A_267 = arith.muli %add3A_257, %mul3A_266 : i32
      %add3A_268 = arith.constant 16 : i32
      %add3A_269 = arith.addi %mul3A_267, %add3A_268 : i32
      %swap3A_270 = arith.index_cast %add3A_269 : i32 to index
      %swap3A_271 = tpu.vector_load %arg8[%swap3A_270] {strides = array<i32>} : memref<20480xf32, #tpu.memory_space<vmem>>, vector<16xf32>,
      tpu.vector_store %arg8[%swap3A_270], %gather3A_259 {strides = array<i32>} : memref<20480xf32, #tpu.memory_space<vmem>>, vector<16xf32>,
      %mul3A_272 = arith.constant 16 : i32
      %mul3A_273 = arith.muli %scan3A_56, %mul3A_272 : i32
      %add3A_274 = arith.constant 12 : i32
      %add3A_275 = arith.addi %mul3A_273, %add3A_274 : i32
      %broadcast_in_dim3A_276 = vector.broadcast %add3A_275 : i32 to vector<16xi32>
      %gather3A_277 = tpu.vector_load_idx %arg7[%broadcast_in_dim3A_276] : memref<640xf32, #tpu.memory_space<vmem>>[vector<16xi32>], vector<16xf32>,
      %mul3A_278 = arith.constant 32 : i32
      %mul3A_279 = arith.muli %add3A_275, %mul3A_278 : i32
      %add3A_280 = arith.constant 0 : i32
      %add3A_281 = arith.addi %mul3A_279, %add3A_280 : i32
      %swap3A_282 = arith.index_cast %add3A_281 : i32 to index
      %swap3A_283 = tpu.vector_load %arg8[%swap3A_282] {strides = array<i32>} : memref<20480xf32, #tpu.memory_space<vmem>>, vector<16xf32>,
      tpu.vector_store %arg8[%swap3A_282], %gather3A_277 {strides = array<i32>} : memref<20480xf32, #tpu.memory_space<vmem>>, vector<16xf32>,
      %mul3A_284 = arith.constant 32 : i32
      %mul3A_285 = arith.muli %add3A_275, %mul3A_284 : i32
      %add3A_286 = arith.constant 16 : i32
      %add3A_287 = arith.addi %mul3A_285, %add3A_286 : i32
      %swap3A_288 = arith.index_cast %add3A_287 : i32 to index
      %swap3A_289 = tpu.vector_load %arg8[%swap3A_288] {strides = array<i32>} : memref<20480xf32, #tpu.memory_space<vmem>>, vector<16xf32>,
      tpu.vector_store %arg8[%swap3A_288], %gather3A_277 {strides = array<i32>} : memref<20480xf32, #tpu.memory_space<vmem>>, vector<16xf32>,
      %mul3A_290 = arith.constant 16 : i32
      %mul3A_291 = arith.muli %scan3A_56, %mul3A_290 : i32
      %add3A_292 = arith.constant 13 : i32
      %add3A_293 = arith.addi %mul3A_291, %add3A_292 : i32
      %broadcast_in_dim3A_294 = vector.broadcast %add3A_293 : i32 to vector<16xi32>
      %gather3A_295 = tpu.vector_load_idx %arg7[%broadcast_in_dim3A_294] : memref<640xf32, #tpu.memory_space<vmem>>[vector<16xi32>], vector<16xf32>,
      %mul3A_296 = arith.constant 32 : i32
      %mul3A_297 = arith.muli %add3A_293, %mul3A_296 : i32
      %add3A_298 = arith.constant 0 : i32
      %add3A_299 = arith.addi %mul3A_297, %add3A_298 : i32
      %swap3A_300 = arith.index_cast %add3A_299 : i32 to index
      %swap3A_301 = tpu.vector_load %arg8[%swap3A_300] {strides = array<i32>} : memref<20480xf32, #tpu.memory_space<vmem>>, vector<16xf32>,
      tpu.vector_store %arg8[%swap3A_300], %gather3A_295 {strides = array<i32>} : memref<20480xf32, #tpu.memory_space<vmem>>, vector<16xf32>,
      %mul3A_302 = arith.constant 32 : i32
      %mul3A_303 = arith.muli %add3A_293, %mul3A_302 : i32
      %add3A_304 = arith.constant 16 : i32
      %add3A_305 = arith.addi %mul3A_303, %add3A_304 : i32
      %swap3A_306 = arith.index_cast %add3A_305 : i32 to index
      %swap3A_307 = tpu.vector_load %arg8[%swap3A_306] {strides = array<i32>} : memref<20480xf32, #tpu.memory_space<vmem>>, vector<16xf32>,
      tpu.vector_store %arg8[%swap3A_306], %gather3A_295 {strides = array<i32>} : memref<20480xf32, #tpu.memory_space<vmem>>, vector<16xf32>,
      %mul3A_308 = arith.constant 16 : i32
      %mul3A_309 = arith.muli %scan3A_56, %mul3A_308 : i32
      %add3A_310 = arith.constant 14 : i32
      %add3A_311 = arith.addi %mul3A_309, %add3A_310 : i32
      %broadcast_in_dim3A_312 = vector.broadcast %add3A_311 : i32 to vector<16xi32>
      %gather3A_313 = tpu.vector_load_idx %arg7[%broadcast_in_dim3A_312] : memref<640xf32, #tpu.memory_space<vmem>>[vector<16xi32>], vector<16xf32>,
      %mul3A_314 = arith.constant 32 : i32
      %mul3A_315 = arith.muli %add3A_311, %mul3A_314 : i32
      %add3A_316 = arith.constant 0 : i32
      %add3A_317 = arith.addi %mul3A_315, %add3A_316 : i32
      %swap3A_318 = arith.index_cast %add3A_317 : i32 to index
      %swap3A_319 = tpu.vector_load %arg8[%swap3A_318] {strides = array<i32>} : memref<20480xf32, #tpu.memory_space<vmem>>, vector<16xf32>,
      tpu.vector_store %arg8[%swap3A_318], %gather3A_313 {strides = array<i32>} : memref<20480xf32, #tpu.memory_space<vmem>>, vector<16xf32>,
      %mul3A_320 = arith.constant 32 : i32
      %mul3A_321 = arith.muli %add3A_311, %mul3A_320 : i32
      %add3A_322 = arith.constant 16 : i32
      %add3A_323 = arith.addi %mul3A_321, %add3A_322 : i32
      %swap3A_324 = arith.index_cast %add3A_323 : i32 to index
      %swap3A_325 = tpu.vector_load %arg8[%swap3A_324] {strides = array<i32>} : memref<20480xf32, #tpu.memory_space<vmem>>, vector<16xf32>,
      tpu.vector_store %arg8[%swap3A_324], %gather3A_313 {strides = array<i32>} : memref<20480xf32, #tpu.memory_space<vmem>>, vector<16xf32>,
      %mul3A_326 = arith.constant 16 : i32
      %mul3A_327 = arith.muli %scan3A_56, %mul3A_326 : i32
      %add3A_328 = arith.constant 15 : i32
      %add3A_329 = arith.addi %mul3A_327, %add3A_328 : i32
      %broadcast_in_dim3A_330 = vector.broadcast %add3A_329 : i32 to vector<16xi32>
      %gather3A_331 = tpu.vector_load_idx %arg7[%broadcast_in_dim3A_330] : memref<640xf32, #tpu.memory_space<vmem>>[vector<16xi32>], vector<16xf32>,
      %mul3A_332 = arith.constant 32 : i32
      %mul3A_333 = arith.muli %add3A_329, %mul3A_332 : i32
      %add3A_334 = arith.constant 0 : i32
      %add3A_335 = arith.addi %mul3A_333, %add3A_334 : i32
      %swap3A_336 = arith.index_cast %add3A_335 : i32 to index
      %swap3A_337 = tpu.vector_load %arg8[%swap3A_336] {strides = array<i32>} : memref<20480xf32, #tpu.memory_space<vmem>>, vector<16xf32>,
      tpu.vector_store %arg8[%swap3A_336], %gather3A_331 {strides = array<i32>} : memref<20480xf32, #tpu.memory_space<vmem>>, vector<16xf32>,
      %mul3A_338 = arith.constant 32 : i32
      %mul3A_339 = arith.muli %add3A_329, %mul3A_338 : i32
      %add3A_340 = arith.constant 16 : i32
      %add3A_341 = arith.addi %mul3A_339, %add3A_340 : i32
      %swap3A_342 = arith.index_cast %add3A_341 : i32 to index
      %swap3A_343 = tpu.vector_load %arg8[%swap3A_342] {strides = array<i32>} : memref<20480xf32, #tpu.memory_space<vmem>>, vector<16xf32>,
      tpu.vector_store %arg8[%swap3A_342], %gather3A_331 {strides = array<i32>} : memref<20480xf32, #tpu.memory_space<vmem>>, vector<16xf32>,
    }
    %scan3A_48 = arith.constant 40 : i32
    %mul3A_49 = arith.constant 10240 : i32
    %mul3A_50 = arith.muli %arg0, %mul3A_49 : i32
    %mul3A_51 = arith.constant 640 : i32
    %mul3A_52 = arith.muli %arg1, %mul3A_51 : i32
    %add3A_53 = arith.addi %mul3A_50, %mul3A_52 : i32
    %mul3A_54 = arith.constant 32 : i32
    %mul3A_55 = arith.muli %add3A_53, %mul3A_54 : i32
    "tpu.region"() ({
      %run_scoped3A_56 = tpu.sem_alloc : memref<!tpu.dma_semaphore, #tpu.memory_space<semaphore_mem>>
      %dma_start3A = tpu.memref_slice %arg4[%mul3A_55] : memref<655360xf32, #tpu.memory_space<hbm>> -> memref<20480xf32, #tpu.memory_space<hbm>>
      %dma_start3A_57 = tpu.memref_slice %arg4[%mul3A_55] : memref<655360xf32, #tpu.memory_space<hbm>> -> memref<20480xf32, #tpu.memory_space<hbm>>
      tpu.enqueue_dma source(%arg8 : memref<20480xf32, #tpu.memory_space<vmem>>) target(%dma_start3A_57 : memref<20480xf32, #tpu.memory_space<hbm>>) target_semaphore(%run_scoped3A_56 : memref<!tpu.dma_semaphore, #tpu.memory_space<semaphore_mem>>)
      %dma_wait3A = tpu.memref_slice %arg4[%mul3A_55] : memref<655360xf32, #tpu.memory_space<hbm>> -> memref<20480xf32, #tpu.memory_space<hbm>>
      %dma_wait3A_58 = tpu.memref_slice %arg4[%mul3A_55] : memref<655360xf32, #tpu.memory_space<hbm>> -> memref<20480xf32, #tpu.memory_space<hbm>>
      tpu.wait_dma2 semaphore(%run_scoped3A_56 : memref<!tpu.dma_semaphore, #tpu.memory_space<semaphore_mem>>) src(%arg8 : memref<20480xf32, #tpu.memory_space<vmem>>) dst(%dma_wait3A_58 : memref<20480xf32, #tpu.memory_space<hbm>>)
      tpu.yield
    }) : () -> ()
    return
  }
}

#map = affine_map<(d0, d1) -> (0, 0)>
#map1 = affine_map<(d0, d1) -> (0, 0, 0, 0)>
#map2 = affine_map<(d0, d1) -> (0, 0, 0)>
module attributes {stable_mosaic.version = 14 : i64} {
  func.func @agg_kernel(%arg0: i32, %arg1: i32, %arg2: memref<10000x32xf32, #tpu.memory_space<hbm>>, %arg3: memref<2x32x80x128xi32, #tpu.memory_space<hbm>>, %arg4: memref<10240x32xf32, #tpu.memory_space<hbm>>, %arg5: memref<2x10240x32xf32, #tpu.memory_space<hbm>>, %arg6: memref<80x128xi32, #tpu.memory_space<vmem>>, %arg7: memref<80x128xi32, #tpu.memory_space<vmem>>, %arg8: memref<8x128x32xf32, #tpu.memory_space<vmem>>, %arg9: memref<640x32xf32, #tpu.memory_space<vmem>>, %arg10: memref<!tpu.dma_semaphore, #tpu.memory_space<semaphore_mem>>, %arg11: memref<!tpu.dma_semaphore, #tpu.memory_space<semaphore_mem>>, %arg12: memref<!tpu.dma_semaphore, #tpu.memory_space<semaphore_mem>>, %arg13: memref<!tpu.dma_semaphore, #tpu.memory_space<semaphore_mem>>, %arg14: memref<!tpu.dma_semaphore, #tpu.memory_space<semaphore_mem>>, %arg15: memref<!tpu.dma_semaphore, #tpu.memory_space<semaphore_mem>>, %arg16: memref<!tpu.dma_semaphore, #tpu.memory_space<semaphore_mem>>, %arg17: memref<!tpu.dma_semaphore, #tpu.memory_space<semaphore_mem>>, %arg18: memref<!tpu.dma_semaphore, #tpu.memory_space<semaphore_mem>>, %arg19: memref<!tpu.dma_semaphore, #tpu.memory_space<semaphore_mem>>, %arg20: memref<!tpu.dma_semaphore, #tpu.memory_space<semaphore_mem>>, %arg21: memref<!tpu.dma_semaphore, #tpu.memory_space<semaphore_mem>>, %arg22: memref<!tpu.dma_semaphore, #tpu.memory_space<semaphore_mem>>, %arg23: memref<!tpu.dma_semaphore, #tpu.memory_space<semaphore_mem>>, %arg24: memref<!tpu.dma_semaphore, #tpu.memory_space<semaphore_mem>>, %arg25: memref<!tpu.dma_semaphore, #tpu.memory_space<semaphore_mem>>, %arg26: memref<10240x32xf32, #tpu.memory_space<vmem_shared>>) attributes {dimension_semantics = [#tpu.dimension_semantics<core_parallel>, #tpu.dimension_semantics<subcore_parallel>], iteration_bounds = array<i64: 2, 16>, scalar_prefetch = 0 : i64, scratch_operands = 21 : i64, tpu.core_type = #tpu.core_type<sc_vector_subcore>, window_params = [{transform_indices = #map}, {transform_indices = #map1}, {transform_indices = #map}, {transform_indices = #map2}]} {
    %mul3A = arith.constant 16 : i32
    %mul3A_0 = arith.muli %arg0, %mul3A : i32
    %add3A = arith.addi %mul3A_0, %arg1 : i32
    %mul3A_1 = arith.constant 640 : i32
    %mul3A_2 = arith.muli %arg1, %mul3A_1 : i32
    "tpu.region"() ({
      %run_scoped3A_206 = tpu.sem_alloc : memref<!tpu.dma_semaphore, #tpu.memory_space<semaphore_mem>>
      %dma_start3A_207 = arith.constant 0 : i32
      %dma_start3A_208 = tpu.memref_slice %arg4[%mul3A_2, %dma_start3A_207] : memref<10240x32xf32, #tpu.memory_space<hbm>> -> memref<640x32xf32, #tpu.memory_space<hbm>>
      %dma_start3A_209 = arith.constant 0 : i32
      %dma_start3A_210 = tpu.memref_slice %arg4[%mul3A_2, %dma_start3A_209] : memref<10240x32xf32, #tpu.memory_space<hbm>> -> memref<640x32xf32, #tpu.memory_space<hbm>>
      tpu.enqueue_dma source(%dma_start3A_210 : memref<640x32xf32, #tpu.memory_space<hbm>>) target(%arg9 : memref<640x32xf32, #tpu.memory_space<vmem>>) target_semaphore(%run_scoped3A_206 : memref<!tpu.dma_semaphore, #tpu.memory_space<semaphore_mem>>)
      %dma_wait3A_211 = arith.constant 0 : i32
      %dma_wait3A_212 = tpu.memref_slice %arg4[%mul3A_2, %dma_wait3A_211] : memref<10240x32xf32, #tpu.memory_space<hbm>> -> memref<640x32xf32, #tpu.memory_space<hbm>>
      %dma_wait3A_213 = arith.constant 0 : i32
      %dma_wait3A_214 = tpu.memref_slice %arg4[%mul3A_2, %dma_wait3A_213] : memref<10240x32xf32, #tpu.memory_space<hbm>> -> memref<640x32xf32, #tpu.memory_space<hbm>>
      tpu.wait_dma2 semaphore(%run_scoped3A_206 : memref<!tpu.dma_semaphore, #tpu.memory_space<semaphore_mem>>) src(%dma_wait3A_214 : memref<640x32xf32, #tpu.memory_space<hbm>>) dst(%arg9 : memref<640x32xf32, #tpu.memory_space<vmem>>)
      tpu.yield
    }) : () -> ()
    %mul3A_3 = arith.constant 640 : i32
    %mul3A_4 = arith.muli %arg1, %mul3A_3 : i32
    "tpu.region"() ({
      %run_scoped3A_206 = tpu.sem_alloc : memref<!tpu.dma_semaphore, #tpu.memory_space<semaphore_mem>>
      %dma_start3A_207 = arith.constant 0 : i32
      %dma_start3A_208 = tpu.memref_slice %arg26[%mul3A_4, %dma_start3A_207] : memref<10240x32xf32, #tpu.memory_space<vmem_shared>> -> memref<640x32xf32, #tpu.memory_space<vmem_shared>>
      %dma_start3A_209 = arith.constant 0 : i32
      %dma_start3A_210 = tpu.memref_slice %arg26[%mul3A_4, %dma_start3A_209] : memref<10240x32xf32, #tpu.memory_space<vmem_shared>> -> memref<640x32xf32, #tpu.memory_space<vmem_shared>>
      tpu.enqueue_dma source(%arg9 : memref<640x32xf32, #tpu.memory_space<vmem>>) target(%dma_start3A_210 : memref<640x32xf32, #tpu.memory_space<vmem_shared>>) target_semaphore(%run_scoped3A_206 : memref<!tpu.dma_semaphore, #tpu.memory_space<semaphore_mem>>)
      %dma_wait3A_211 = arith.constant 0 : i32
      %dma_wait3A_212 = tpu.memref_slice %arg26[%mul3A_4, %dma_wait3A_211] : memref<10240x32xf32, #tpu.memory_space<vmem_shared>> -> memref<640x32xf32, #tpu.memory_space<vmem_shared>>
      %dma_wait3A_213 = arith.constant 0 : i32
      %dma_wait3A_214 = tpu.memref_slice %arg26[%mul3A_4, %dma_wait3A_213] : memref<10240x32xf32, #tpu.memory_space<vmem_shared>> -> memref<640x32xf32, #tpu.memory_space<vmem_shared>>
      tpu.wait_dma2 semaphore(%run_scoped3A_206 : memref<!tpu.dma_semaphore, #tpu.memory_space<semaphore_mem>>) src(%arg9 : memref<640x32xf32, #tpu.memory_space<vmem>>) dst(%dma_wait3A_214 : memref<640x32xf32, #tpu.memory_space<vmem_shared>>)
      tpu.yield
    }) : () -> ()
    %run_scoped3A = arith.constant 0 : i32
    "tpu.region"() ({
      %run_scoped3A_206 = tpu.sem_alloc : memref<!tpu.dma_semaphore, #tpu.memory_space<semaphore_mem>>
      %dma_start3A_207 = arith.constant 0 : i32
      %dma_start3A_208 = arith.constant 0 : i32
      %dma_start3A_209 = tpu.memref_slice %arg3[%run_scoped3A, %add3A, %dma_start3A_207, %dma_start3A_208] : memref<2x32x80x128xi32, #tpu.memory_space<hbm>> -> memref<1x1x80x128xi32, #tpu.memory_space<hbm>>
      %dma_start3A_210 = tpu.memref_squeeze %dma_start3A_209 : memref<1x1x80x128xi32, #tpu.memory_space<hbm>> -> memref<80x128xi32, #tpu.memory_space<hbm>>
      %dma_start3A_211 = arith.constant 0 : i32
      %dma_start3A_212 = arith.constant 0 : i32
      %dma_start3A_213 = tpu.memref_slice %arg3[%run_scoped3A, %add3A, %dma_start3A_211, %dma_start3A_212] : memref<2x32x80x128xi32, #tpu.memory_space<hbm>> -> memref<1x1x80x128xi32, #tpu.memory_space<hbm>>
      %dma_start3A_214 = tpu.memref_squeeze %dma_start3A_213 : memref<1x1x80x128xi32, #tpu.memory_space<hbm>> -> memref<80x128xi32, #tpu.memory_space<hbm>>
      tpu.enqueue_dma source(%dma_start3A_214 : memref<80x128xi32, #tpu.memory_space<hbm>>) target(%arg6 : memref<80x128xi32, #tpu.memory_space<vmem>>) target_semaphore(%run_scoped3A_206 : memref<!tpu.dma_semaphore, #tpu.memory_space<semaphore_mem>>)
      %dma_wait3A_215 = arith.constant 0 : i32
      %dma_wait3A_216 = arith.constant 0 : i32
      %dma_wait3A_217 = tpu.memref_slice %arg3[%run_scoped3A, %add3A, %dma_wait3A_215, %dma_wait3A_216] : memref<2x32x80x128xi32, #tpu.memory_space<hbm>> -> memref<1x1x80x128xi32, #tpu.memory_space<hbm>>
      %dma_wait3A_218 = tpu.memref_squeeze %dma_wait3A_217 : memref<1x1x80x128xi32, #tpu.memory_space<hbm>> -> memref<80x128xi32, #tpu.memory_space<hbm>>
      %dma_wait3A_219 = arith.constant 0 : i32
      %dma_wait3A_220 = arith.constant 0 : i32
      %dma_wait3A_221 = tpu.memref_slice %arg3[%run_scoped3A, %add3A, %dma_wait3A_219, %dma_wait3A_220] : memref<2x32x80x128xi32, #tpu.memory_space<hbm>> -> memref<1x1x80x128xi32, #tpu.memory_space<hbm>>
      %dma_wait3A_222 = tpu.memref_squeeze %dma_wait3A_221 : memref<1x1x80x128xi32, #tpu.memory_space<hbm>> -> memref<80x128xi32, #tpu.memory_space<hbm>>
      tpu.wait_dma2 semaphore(%run_scoped3A_206 : memref<!tpu.dma_semaphore, #tpu.memory_space<semaphore_mem>>) src(%dma_wait3A_222 : memref<80x128xi32, #tpu.memory_space<hbm>>) dst(%arg6 : memref<80x128xi32, #tpu.memory_space<vmem>>)
      tpu.yield
    }) : () -> ()
    %run_scoped3A_5 = arith.constant 1 : i32
    "tpu.region"() ({
      %run_scoped3A_206 = tpu.sem_alloc : memref<!tpu.dma_semaphore, #tpu.memory_space<semaphore_mem>>
      %dma_start3A_207 = arith.constant 0 : i32
      %dma_start3A_208 = arith.constant 0 : i32
      %dma_start3A_209 = tpu.memref_slice %arg3[%run_scoped3A_5, %add3A, %dma_start3A_207, %dma_start3A_208] : memref<2x32x80x128xi32, #tpu.memory_space<hbm>> -> memref<1x1x80x128xi32, #tpu.memory_space<hbm>>
      %dma_start3A_210 = tpu.memref_squeeze %dma_start3A_209 : memref<1x1x80x128xi32, #tpu.memory_space<hbm>> -> memref<80x128xi32, #tpu.memory_space<hbm>>
      %dma_start3A_211 = arith.constant 0 : i32
      %dma_start3A_212 = arith.constant 0 : i32
      %dma_start3A_213 = tpu.memref_slice %arg3[%run_scoped3A_5, %add3A, %dma_start3A_211, %dma_start3A_212] : memref<2x32x80x128xi32, #tpu.memory_space<hbm>> -> memref<1x1x80x128xi32, #tpu.memory_space<hbm>>
      %dma_start3A_214 = tpu.memref_squeeze %dma_start3A_213 : memref<1x1x80x128xi32, #tpu.memory_space<hbm>> -> memref<80x128xi32, #tpu.memory_space<hbm>>
      tpu.enqueue_dma source(%dma_start3A_214 : memref<80x128xi32, #tpu.memory_space<hbm>>) target(%arg7 : memref<80x128xi32, #tpu.memory_space<vmem>>) target_semaphore(%run_scoped3A_206 : memref<!tpu.dma_semaphore, #tpu.memory_space<semaphore_mem>>)
      %dma_wait3A_215 = arith.constant 0 : i32
      %dma_wait3A_216 = arith.constant 0 : i32
      %dma_wait3A_217 = tpu.memref_slice %arg3[%run_scoped3A_5, %add3A, %dma_wait3A_215, %dma_wait3A_216] : memref<2x32x80x128xi32, #tpu.memory_space<hbm>> -> memref<1x1x80x128xi32, #tpu.memory_space<hbm>>
      %dma_wait3A_218 = tpu.memref_squeeze %dma_wait3A_217 : memref<1x1x80x128xi32, #tpu.memory_space<hbm>> -> memref<80x128xi32, #tpu.memory_space<hbm>>
      %dma_wait3A_219 = arith.constant 0 : i32
      %dma_wait3A_220 = arith.constant 0 : i32
      %dma_wait3A_221 = tpu.memref_slice %arg3[%run_scoped3A_5, %add3A, %dma_wait3A_219, %dma_wait3A_220] : memref<2x32x80x128xi32, #tpu.memory_space<hbm>> -> memref<1x1x80x128xi32, #tpu.memory_space<hbm>>
      %dma_wait3A_222 = tpu.memref_squeeze %dma_wait3A_221 : memref<1x1x80x128xi32, #tpu.memory_space<hbm>> -> memref<80x128xi32, #tpu.memory_space<hbm>>
      tpu.wait_dma2 semaphore(%run_scoped3A_206 : memref<!tpu.dma_semaphore, #tpu.memory_space<semaphore_mem>>) src(%dma_wait3A_222 : memref<80x128xi32, #tpu.memory_space<hbm>>) dst(%arg7 : memref<80x128xi32, #tpu.memory_space<vmem>>)
      tpu.yield
    }) : () -> ()
    %barrier3A = arith.constant 0 : index
    tpu.barrier barrier_id(%barrier3A)
    %dma_start3A = arith.constant 0 : i32
    %dma_start3A_6 = arith.constant 0 : i32
    %dma_start3A_7 = arith.constant 0 : i32
    %dma_start3A_8 = arith.constant 0 : i32
    %dma_start3A_9 = tpu.memref_slice %arg8[%dma_start3A_6, %dma_start3A_7, %dma_start3A_8] : memref<8x128x32xf32, #tpu.memory_space<vmem>> -> memref<1x128x32xf32, #tpu.memory_space<vmem>>
    %dma_start3A_10 = tpu.memref_squeeze %dma_start3A_9 : memref<1x128x32xf32, #tpu.memory_space<vmem>> -> memref<128x32xf32, #tpu.memory_space<vmem>>
    %dma_start3A_11 = arith.constant 0 : i32
    %dma_start3A_12 = tpu.memref_slice %arg6[%dma_start3A, %dma_start3A_11] : memref<80x128xi32, #tpu.memory_space<vmem>> -> memref<1x128xi32, #tpu.memory_space<vmem>>
    %dma_start3A_13 = tpu.memref_squeeze %dma_start3A_12 : memref<1x128xi32, #tpu.memory_space<vmem>> -> memref<128xi32, #tpu.memory_space<vmem>>
    %dma_start3A_14 = arith.constant 0 : i32
    %dma_start3A_15 = arith.constant 0 : i32
    %dma_start3A_16 = tpu.memref_slice %arg2[%dma_start3A_14, %dma_start3A_15] : memref<10000x32xf32, #tpu.memory_space<hbm>> -> memref<10000x32xf32, #tpu.memory_space<hbm>>
    tpu.enqueue_indirect_dma source(%dma_start3A_16 : memref<10000x32xf32, #tpu.memory_space<hbm>>) target(%dma_start3A_10 : memref<128x32xf32, #tpu.memory_space<vmem>>) offsets(%dma_start3A_13 : memref<128xi32, #tpu.memory_space<vmem>>) semaphore(%arg10 : memref<!tpu.dma_semaphore, #tpu.memory_space<semaphore_mem>>)
    %dma_start3A_17 = arith.constant 1 : i32
    %dma_start3A_18 = arith.constant 1 : i32
    %dma_start3A_19 = arith.constant 0 : i32
    %dma_start3A_20 = arith.constant 0 : i32
    %dma_start3A_21 = tpu.memref_slice %arg8[%dma_start3A_18, %dma_start3A_19, %dma_start3A_20] : memref<8x128x32xf32, #tpu.memory_space<vmem>> -> memref<1x128x32xf32, #tpu.memory_space<vmem>>
    %dma_start3A_22 = tpu.memref_squeeze %dma_start3A_21 : memref<1x128x32xf32, #tpu.memory_space<vmem>> -> memref<128x32xf32, #tpu.memory_space<vmem>>
    %dma_start3A_23 = arith.constant 0 : i32
    %dma_start3A_24 = tpu.memref_slice %arg6[%dma_start3A_17, %dma_start3A_23] : memref<80x128xi32, #tpu.memory_space<vmem>> -> memref<1x128xi32, #tpu.memory_space<vmem>>
    %dma_start3A_25 = tpu.memref_squeeze %dma_start3A_24 : memref<1x128xi32, #tpu.memory_space<vmem>> -> memref<128xi32, #tpu.memory_space<vmem>>
    %dma_start3A_26 = arith.constant 0 : i32
    %dma_start3A_27 = arith.constant 0 : i32
    %dma_start3A_28 = tpu.memref_slice %arg2[%dma_start3A_26, %dma_start3A_27] : memref<10000x32xf32, #tpu.memory_space<hbm>> -> memref<10000x32xf32, #tpu.memory_space<hbm>>
    tpu.enqueue_indirect_dma source(%dma_start3A_28 : memref<10000x32xf32, #tpu.memory_space<hbm>>) target(%dma_start3A_22 : memref<128x32xf32, #tpu.memory_space<vmem>>) offsets(%dma_start3A_25 : memref<128xi32, #tpu.memory_space<vmem>>) semaphore(%arg11 : memref<!tpu.dma_semaphore, #tpu.memory_space<semaphore_mem>>)
    %dma_start3A_29 = arith.constant 2 : i32
    %dma_start3A_30 = arith.constant 2 : i32
    %dma_start3A_31 = arith.constant 0 : i32
    %dma_start3A_32 = arith.constant 0 : i32
    %dma_start3A_33 = tpu.memref_slice %arg8[%dma_start3A_30, %dma_start3A_31, %dma_start3A_32] : memref<8x128x32xf32, #tpu.memory_space<vmem>> -> memref<1x128x32xf32, #tpu.memory_space<vmem>>
    %dma_start3A_34 = tpu.memref_squeeze %dma_start3A_33 : memref<1x128x32xf32, #tpu.memory_space<vmem>> -> memref<128x32xf32, #tpu.memory_space<vmem>>
    %dma_start3A_35 = arith.constant 0 : i32
    %dma_start3A_36 = tpu.memref_slice %arg6[%dma_start3A_29, %dma_start3A_35] : memref<80x128xi32, #tpu.memory_space<vmem>> -> memref<1x128xi32, #tpu.memory_space<vmem>>
    %dma_start3A_37 = tpu.memref_squeeze %dma_start3A_36 : memref<1x128xi32, #tpu.memory_space<vmem>> -> memref<128xi32, #tpu.memory_space<vmem>>
    %dma_start3A_38 = arith.constant 0 : i32
    %dma_start3A_39 = arith.constant 0 : i32
    %dma_start3A_40 = tpu.memref_slice %arg2[%dma_start3A_38, %dma_start3A_39] : memref<10000x32xf32, #tpu.memory_space<hbm>> -> memref<10000x32xf32, #tpu.memory_space<hbm>>
    tpu.enqueue_indirect_dma source(%dma_start3A_40 : memref<10000x32xf32, #tpu.memory_space<hbm>>) target(%dma_start3A_34 : memref<128x32xf32, #tpu.memory_space<vmem>>) offsets(%dma_start3A_37 : memref<128xi32, #tpu.memory_space<vmem>>) semaphore(%arg12 : memref<!tpu.dma_semaphore, #tpu.memory_space<semaphore_mem>>)
    %dma_start3A_41 = arith.constant 3 : i32
    %dma_start3A_42 = arith.constant 3 : i32
    %dma_start3A_43 = arith.constant 0 : i32
    %dma_start3A_44 = arith.constant 0 : i32
    %dma_start3A_45 = tpu.memref_slice %arg8[%dma_start3A_42, %dma_start3A_43, %dma_start3A_44] : memref<8x128x32xf32, #tpu.memory_space<vmem>> -> memref<1x128x32xf32, #tpu.memory_space<vmem>>
    %dma_start3A_46 = tpu.memref_squeeze %dma_start3A_45 : memref<1x128x32xf32, #tpu.memory_space<vmem>> -> memref<128x32xf32, #tpu.memory_space<vmem>>
    %dma_start3A_47 = arith.constant 0 : i32
    %dma_start3A_48 = tpu.memref_slice %arg6[%dma_start3A_41, %dma_start3A_47] : memref<80x128xi32, #tpu.memory_space<vmem>> -> memref<1x128xi32, #tpu.memory_space<vmem>>
    %dma_start3A_49 = tpu.memref_squeeze %dma_start3A_48 : memref<1x128xi32, #tpu.memory_space<vmem>> -> memref<128xi32, #tpu.memory_space<vmem>>
    %dma_start3A_50 = arith.constant 0 : i32
    %dma_start3A_51 = arith.constant 0 : i32
    %dma_start3A_52 = tpu.memref_slice %arg2[%dma_start3A_50, %dma_start3A_51] : memref<10000x32xf32, #tpu.memory_space<hbm>> -> memref<10000x32xf32, #tpu.memory_space<hbm>>
    tpu.enqueue_indirect_dma source(%dma_start3A_52 : memref<10000x32xf32, #tpu.memory_space<hbm>>) target(%dma_start3A_46 : memref<128x32xf32, #tpu.memory_space<vmem>>) offsets(%dma_start3A_49 : memref<128xi32, #tpu.memory_space<vmem>>) semaphore(%arg13 : memref<!tpu.dma_semaphore, #tpu.memory_space<semaphore_mem>>)
    %dma_start3A_53 = arith.constant 4 : i32
    %dma_start3A_54 = arith.constant 4 : i32
    %dma_start3A_55 = arith.constant 0 : i32
    %dma_start3A_56 = arith.constant 0 : i32
    %dma_start3A_57 = tpu.memref_slice %arg8[%dma_start3A_54, %dma_start3A_55, %dma_start3A_56] : memref<8x128x32xf32, #tpu.memory_space<vmem>> -> memref<1x128x32xf32, #tpu.memory_space<vmem>>
    %dma_start3A_58 = tpu.memref_squeeze %dma_start3A_57 : memref<1x128x32xf32, #tpu.memory_space<vmem>> -> memref<128x32xf32, #tpu.memory_space<vmem>>
    %dma_start3A_59 = arith.constant 0 : i32
    %dma_start3A_60 = tpu.memref_slice %arg6[%dma_start3A_53, %dma_start3A_59] : memref<80x128xi32, #tpu.memory_space<vmem>> -> memref<1x128xi32, #tpu.memory_space<vmem>>
    %dma_start3A_61 = tpu.memref_squeeze %dma_start3A_60 : memref<1x128xi32, #tpu.memory_space<vmem>> -> memref<128xi32, #tpu.memory_space<vmem>>
    %dma_start3A_62 = arith.constant 0 : i32
    %dma_start3A_63 = arith.constant 0 : i32
    %dma_start3A_64 = tpu.memref_slice %arg2[%dma_start3A_62, %dma_start3A_63] : memref<10000x32xf32, #tpu.memory_space<hbm>> -> memref<10000x32xf32, #tpu.memory_space<hbm>>
    tpu.enqueue_indirect_dma source(%dma_start3A_64 : memref<10000x32xf32, #tpu.memory_space<hbm>>) target(%dma_start3A_58 : memref<128x32xf32, #tpu.memory_space<vmem>>) offsets(%dma_start3A_61 : memref<128xi32, #tpu.memory_space<vmem>>) semaphore(%arg14 : memref<!tpu.dma_semaphore, #tpu.memory_space<semaphore_mem>>)
    %dma_start3A_65 = arith.constant 5 : i32
    %dma_start3A_66 = arith.constant 5 : i32
    %dma_start3A_67 = arith.constant 0 : i32
    %dma_start3A_68 = arith.constant 0 : i32
    %dma_start3A_69 = tpu.memref_slice %arg8[%dma_start3A_66, %dma_start3A_67, %dma_start3A_68] : memref<8x128x32xf32, #tpu.memory_space<vmem>> -> memref<1x128x32xf32, #tpu.memory_space<vmem>>
    %dma_start3A_70 = tpu.memref_squeeze %dma_start3A_69 : memref<1x128x32xf32, #tpu.memory_space<vmem>> -> memref<128x32xf32, #tpu.memory_space<vmem>>
    %dma_start3A_71 = arith.constant 0 : i32
    %dma_start3A_72 = tpu.memref_slice %arg6[%dma_start3A_65, %dma_start3A_71] : memref<80x128xi32, #tpu.memory_space<vmem>> -> memref<1x128xi32, #tpu.memory_space<vmem>>
    %dma_start3A_73 = tpu.memref_squeeze %dma_start3A_72 : memref<1x128xi32, #tpu.memory_space<vmem>> -> memref<128xi32, #tpu.memory_space<vmem>>
    %dma_start3A_74 = arith.constant 0 : i32
    %dma_start3A_75 = arith.constant 0 : i32
    %dma_start3A_76 = tpu.memref_slice %arg2[%dma_start3A_74, %dma_start3A_75] : memref<10000x32xf32, #tpu.memory_space<hbm>> -> memref<10000x32xf32, #tpu.memory_space<hbm>>
    tpu.enqueue_indirect_dma source(%dma_start3A_76 : memref<10000x32xf32, #tpu.memory_space<hbm>>) target(%dma_start3A_70 : memref<128x32xf32, #tpu.memory_space<vmem>>) offsets(%dma_start3A_73 : memref<128xi32, #tpu.memory_space<vmem>>) semaphore(%arg15 : memref<!tpu.dma_semaphore, #tpu.memory_space<semaphore_mem>>)
    %scan3A = arith.constant 0 : i32
    %scan3A_77 = arith.constant 0 : i32
    %scan3A_78 = arith.constant 10 : i32
    %scan3A_79 = arith.addi %scan3A_77, %scan3A_78 : i32
    %scan3A_80 = arith.constant 1 : i32
    scf.for %scan3A_206 = %scan3A_77 to %scan3A_79 step %scan3A_80  : i32 {
      %mul3A_207 = arith.constant 8 : i32
      %mul3A_208 = arith.muli %scan3A_206, %mul3A_207 : i32
      %add3A_209 = arith.constant 0 : i32
      %add3A_210 = arith.addi %mul3A_208, %add3A_209 : i32
      %add3A_211 = arith.constant 6 : i32
      %add3A_212 = arith.addi %add3A_210, %add3A_211 : i32
      %lt3A = arith.constant 80 : i32
      %lt3A_213 = arith.cmpi slt, %add3A_212, %lt3A : i32
      %convert_element_type3A = arith.extui %lt3A_213 : i1 to i32
      %cond3A = arith.constant 0 : i32
      %cond3A_214 = arith.cmpi ne, %convert_element_type3A, %cond3A : i32
      scf.if %cond3A_214 {
        %ge3A = arith.constant 8 : i32
        %ge3A_500 = arith.cmpi sge, %add3A_212, %ge3A : i32
        %convert_element_type3A_501 = arith.extui %ge3A_500 : i1 to i32
        %cond3A_502 = arith.constant 0 : i32
        %cond3A_503 = arith.cmpi ne, %convert_element_type3A_501, %cond3A_502 : i32
        scf.if %cond3A_503 {
          %dma_wait3A_515 = arith.constant 6 : i32
          %dma_wait3A_516 = arith.constant 0 : i32
          %dma_wait3A_517 = arith.constant 0 : i32
          %dma_wait3A_518 = tpu.memref_slice %arg8[%dma_wait3A_515, %dma_wait3A_516, %dma_wait3A_517] : memref<8x128x32xf32, #tpu.memory_space<vmem>> -> memref<1x128x32xf32, #tpu.memory_space<vmem>>
          %dma_wait3A_519 = tpu.memref_squeeze %dma_wait3A_518 : memref<1x128x32xf32, #tpu.memory_space<vmem>> -> memref<128x32xf32, #tpu.memory_space<vmem>>
          %dma_wait3A_520 = arith.constant 0 : i32
          %dma_wait3A_521 = arith.constant 0 : i32
          %dma_wait3A_522 = tpu.memref_slice %arg2[%dma_wait3A_520, %dma_wait3A_521] : memref<10000x32xf32, #tpu.memory_space<hbm>> -> memref<128x32xf32, #tpu.memory_space<hbm>>
          %dma_wait3A_523 = arith.constant 0 : i32
          %dma_wait3A_524 = arith.constant 0 : i32
          %dma_wait3A_525 = tpu.memref_slice %arg8[%dma_wait3A_515, %dma_wait3A_523, %dma_wait3A_524] : memref<8x128x32xf32, #tpu.memory_space<vmem>> -> memref<1x128x32xf32, #tpu.memory_space<vmem>>
          %dma_wait3A_526 = tpu.memref_squeeze %dma_wait3A_525 : memref<1x128x32xf32, #tpu.memory_space<vmem>> -> memref<128x32xf32, #tpu.memory_space<vmem>>
          %dma_wait3A_527 = arith.constant 0 : i32
          %dma_wait3A_528 = arith.constant 0 : i32
          %dma_wait3A_529 = tpu.memref_slice %arg2[%dma_wait3A_527, %dma_wait3A_528] : memref<10000x32xf32, #tpu.memory_space<hbm>> -> memref<128x32xf32, #tpu.memory_space<hbm>>
          tpu.wait_dma2 semaphore(%arg24 : memref<!tpu.dma_semaphore, #tpu.memory_space<semaphore_mem>>) src(%dma_wait3A_529 : memref<128x32xf32, #tpu.memory_space<hbm>>) dst(%dma_wait3A_526 : memref<128x32xf32, #tpu.memory_space<vmem>>)
        } else {
        }
        %dma_start3A_504 = arith.constant 6 : i32
        %dma_start3A_505 = arith.constant 0 : i32
        %dma_start3A_506 = arith.constant 0 : i32
        %dma_start3A_507 = tpu.memref_slice %arg8[%dma_start3A_504, %dma_start3A_505, %dma_start3A_506] : memref<8x128x32xf32, #tpu.memory_space<vmem>> -> memref<1x128x32xf32, #tpu.memory_space<vmem>>
        %dma_start3A_508 = tpu.memref_squeeze %dma_start3A_507 : memref<1x128x32xf32, #tpu.memory_space<vmem>> -> memref<128x32xf32, #tpu.memory_space<vmem>>
        %dma_start3A_509 = arith.constant 0 : i32
        %dma_start3A_510 = tpu.memref_slice %arg6[%add3A_212, %dma_start3A_509] : memref<80x128xi32, #tpu.memory_space<vmem>> -> memref<1x128xi32, #tpu.memory_space<vmem>>
        %dma_start3A_511 = tpu.memref_squeeze %dma_start3A_510 : memref<1x128xi32, #tpu.memory_space<vmem>> -> memref<128xi32, #tpu.memory_space<vmem>>
        %dma_start3A_512 = arith.constant 0 : i32
        %dma_start3A_513 = arith.constant 0 : i32
        %dma_start3A_514 = tpu.memref_slice %arg2[%dma_start3A_512, %dma_start3A_513] : memref<10000x32xf32, #tpu.memory_space<hbm>> -> memref<10000x32xf32, #tpu.memory_space<hbm>>
        tpu.enqueue_indirect_dma source(%dma_start3A_514 : memref<10000x32xf32, #tpu.memory_space<hbm>>) target(%dma_start3A_508 : memref<128x32xf32, #tpu.memory_space<vmem>>) offsets(%dma_start3A_511 : memref<128xi32, #tpu.memory_space<vmem>>) semaphore(%arg16 : memref<!tpu.dma_semaphore, #tpu.memory_space<semaphore_mem>>)
      } else {
      }
      %dma_wait3A_215 = arith.constant 0 : i32
      %dma_wait3A_216 = arith.constant 0 : i32
      %dma_wait3A_217 = arith.constant 0 : i32
      %dma_wait3A_218 = tpu.memref_slice %arg8[%dma_wait3A_215, %dma_wait3A_216, %dma_wait3A_217] : memref<8x128x32xf32, #tpu.memory_space<vmem>> -> memref<1x128x32xf32, #tpu.memory_space<vmem>>
      %dma_wait3A_219 = tpu.memref_squeeze %dma_wait3A_218 : memref<1x128x32xf32, #tpu.memory_space<vmem>> -> memref<128x32xf32, #tpu.memory_space<vmem>>
      %dma_wait3A_220 = arith.constant 0 : i32
      %dma_wait3A_221 = arith.constant 0 : i32
      %dma_wait3A_222 = tpu.memref_slice %arg2[%dma_wait3A_220, %dma_wait3A_221] : memref<10000x32xf32, #tpu.memory_space<hbm>> -> memref<128x32xf32, #tpu.memory_space<hbm>>
      %dma_wait3A_223 = arith.constant 0 : i32
      %dma_wait3A_224 = arith.constant 0 : i32
      %dma_wait3A_225 = tpu.memref_slice %arg8[%dma_wait3A_215, %dma_wait3A_223, %dma_wait3A_224] : memref<8x128x32xf32, #tpu.memory_space<vmem>> -> memref<1x128x32xf32, #tpu.memory_space<vmem>>
      %dma_wait3A_226 = tpu.memref_squeeze %dma_wait3A_225 : memref<1x128x32xf32, #tpu.memory_space<vmem>> -> memref<128x32xf32, #tpu.memory_space<vmem>>
      %dma_wait3A_227 = arith.constant 0 : i32
      %dma_wait3A_228 = arith.constant 0 : i32
      %dma_wait3A_229 = tpu.memref_slice %arg2[%dma_wait3A_227, %dma_wait3A_228] : memref<10000x32xf32, #tpu.memory_space<hbm>> -> memref<128x32xf32, #tpu.memory_space<hbm>>
      tpu.wait_dma2 semaphore(%arg10 : memref<!tpu.dma_semaphore, #tpu.memory_space<semaphore_mem>>) src(%dma_wait3A_229 : memref<128x32xf32, #tpu.memory_space<hbm>>) dst(%dma_wait3A_226 : memref<128x32xf32, #tpu.memory_space<vmem>>)
      %dma_start3A_230 = arith.constant 0 : i32
      %dma_start3A_231 = arith.constant 0 : i32
      %dma_start3A_232 = arith.constant 0 : i32
      %dma_start3A_233 = tpu.memref_slice %arg8[%dma_start3A_230, %dma_start3A_231, %dma_start3A_232] : memref<8x128x32xf32, #tpu.memory_space<vmem>> -> memref<1x128x32xf32, #tpu.memory_space<vmem>>
      %dma_start3A_234 = tpu.memref_squeeze %dma_start3A_233 : memref<1x128x32xf32, #tpu.memory_space<vmem>> -> memref<128x32xf32, #tpu.memory_space<vmem>>
      %dma_start3A_235 = arith.constant 0 : i32
      %dma_start3A_236 = tpu.memref_slice %arg7[%add3A_210, %dma_start3A_235] : memref<80x128xi32, #tpu.memory_space<vmem>> -> memref<1x128xi32, #tpu.memory_space<vmem>>
      %dma_start3A_237 = tpu.memref_squeeze %dma_start3A_236 : memref<1x128xi32, #tpu.memory_space<vmem>> -> memref<128xi32, #tpu.memory_space<vmem>>
      %dma_start3A_238 = arith.constant 0 : i32
      %dma_start3A_239 = arith.constant 0 : i32
      %dma_start3A_240 = tpu.memref_slice %arg26[%dma_start3A_238, %dma_start3A_239] : memref<10240x32xf32, #tpu.memory_space<vmem_shared>> -> memref<10240x32xf32, #tpu.memory_space<vmem_shared>>
      tpu.enqueue_indirect_dma source(%dma_start3A_234 : memref<128x32xf32, #tpu.memory_space<vmem>>) target(%dma_start3A_240 : memref<10240x32xf32, #tpu.memory_space<vmem_shared>>) offsets(%dma_start3A_237 : memref<128xi32, #tpu.memory_space<vmem>>) semaphore(%arg18 : memref<!tpu.dma_semaphore, #tpu.memory_space<semaphore_mem>>) {add = true}
      %mul3A_241 = arith.constant 8 : i32
      %mul3A_242 = arith.muli %scan3A_206, %mul3A_241 : i32
      %add3A_243 = arith.constant 1 : i32
      %add3A_244 = arith.addi %mul3A_242, %add3A_243 : i32
      %add3A_245 = arith.constant 6 : i32
      %add3A_246 = arith.addi %add3A_244, %add3A_245 : i32
      %lt3A_247 = arith.constant 80 : i32
      %lt3A_248 = arith.cmpi slt, %add3A_246, %lt3A_247 : i32
      %convert_element_type3A_249 = arith.extui %lt3A_248 : i1 to i32
      %cond3A_250 = arith.constant 0 : i32
      %cond3A_251 = arith.cmpi ne, %convert_element_type3A_249, %cond3A_250 : i32
      scf.if %cond3A_251 {
        %ge3A = arith.constant 8 : i32
        %ge3A_500 = arith.cmpi sge, %add3A_246, %ge3A : i32
        %convert_element_type3A_501 = arith.extui %ge3A_500 : i1 to i32
        %cond3A_502 = arith.constant 0 : i32
        %cond3A_503 = arith.cmpi ne, %convert_element_type3A_501, %cond3A_502 : i32
        scf.if %cond3A_503 {
          %dma_wait3A_515 = arith.constant 7 : i32
          %dma_wait3A_516 = arith.constant 0 : i32
          %dma_wait3A_517 = arith.constant 0 : i32
          %dma_wait3A_518 = tpu.memref_slice %arg8[%dma_wait3A_515, %dma_wait3A_516, %dma_wait3A_517] : memref<8x128x32xf32, #tpu.memory_space<vmem>> -> memref<1x128x32xf32, #tpu.memory_space<vmem>>
          %dma_wait3A_519 = tpu.memref_squeeze %dma_wait3A_518 : memref<1x128x32xf32, #tpu.memory_space<vmem>> -> memref<128x32xf32, #tpu.memory_space<vmem>>
          %dma_wait3A_520 = arith.constant 0 : i32
          %dma_wait3A_521 = arith.constant 0 : i32
          %dma_wait3A_522 = tpu.memref_slice %arg2[%dma_wait3A_520, %dma_wait3A_521] : memref<10000x32xf32, #tpu.memory_space<hbm>> -> memref<128x32xf32, #tpu.memory_space<hbm>>
          %dma_wait3A_523 = arith.constant 0 : i32
          %dma_wait3A_524 = arith.constant 0 : i32
          %dma_wait3A_525 = tpu.memref_slice %arg8[%dma_wait3A_515, %dma_wait3A_523, %dma_wait3A_524] : memref<8x128x32xf32, #tpu.memory_space<vmem>> -> memref<1x128x32xf32, #tpu.memory_space<vmem>>
          %dma_wait3A_526 = tpu.memref_squeeze %dma_wait3A_525 : memref<1x128x32xf32, #tpu.memory_space<vmem>> -> memref<128x32xf32, #tpu.memory_space<vmem>>
          %dma_wait3A_527 = arith.constant 0 : i32
          %dma_wait3A_528 = arith.constant 0 : i32
          %dma_wait3A_529 = tpu.memref_slice %arg2[%dma_wait3A_527, %dma_wait3A_528] : memref<10000x32xf32, #tpu.memory_space<hbm>> -> memref<128x32xf32, #tpu.memory_space<hbm>>
          tpu.wait_dma2 semaphore(%arg25 : memref<!tpu.dma_semaphore, #tpu.memory_space<semaphore_mem>>) src(%dma_wait3A_529 : memref<128x32xf32, #tpu.memory_space<hbm>>) dst(%dma_wait3A_526 : memref<128x32xf32, #tpu.memory_space<vmem>>)
        } else {
        }
        %dma_start3A_504 = arith.constant 7 : i32
        %dma_start3A_505 = arith.constant 0 : i32
        %dma_start3A_506 = arith.constant 0 : i32
        %dma_start3A_507 = tpu.memref_slice %arg8[%dma_start3A_504, %dma_start3A_505, %dma_start3A_506] : memref<8x128x32xf32, #tpu.memory_space<vmem>> -> memref<1x128x32xf32, #tpu.memory_space<vmem>>
        %dma_start3A_508 = tpu.memref_squeeze %dma_start3A_507 : memref<1x128x32xf32, #tpu.memory_space<vmem>> -> memref<128x32xf32, #tpu.memory_space<vmem>>
        %dma_start3A_509 = arith.constant 0 : i32
        %dma_start3A_510 = tpu.memref_slice %arg6[%add3A_246, %dma_start3A_509] : memref<80x128xi32, #tpu.memory_space<vmem>> -> memref<1x128xi32, #tpu.memory_space<vmem>>
        %dma_start3A_511 = tpu.memref_squeeze %dma_start3A_510 : memref<1x128xi32, #tpu.memory_space<vmem>> -> memref<128xi32, #tpu.memory_space<vmem>>
        %dma_start3A_512 = arith.constant 0 : i32
        %dma_start3A_513 = arith.constant 0 : i32
        %dma_start3A_514 = tpu.memref_slice %arg2[%dma_start3A_512, %dma_start3A_513] : memref<10000x32xf32, #tpu.memory_space<hbm>> -> memref<10000x32xf32, #tpu.memory_space<hbm>>
        tpu.enqueue_indirect_dma source(%dma_start3A_514 : memref<10000x32xf32, #tpu.memory_space<hbm>>) target(%dma_start3A_508 : memref<128x32xf32, #tpu.memory_space<vmem>>) offsets(%dma_start3A_511 : memref<128xi32, #tpu.memory_space<vmem>>) semaphore(%arg17 : memref<!tpu.dma_semaphore, #tpu.memory_space<semaphore_mem>>)
      } else {
      }
      %dma_wait3A_252 = arith.constant 1 : i32
      %dma_wait3A_253 = arith.constant 0 : i32
      %dma_wait3A_254 = arith.constant 0 : i32
      %dma_wait3A_255 = tpu.memref_slice %arg8[%dma_wait3A_252, %dma_wait3A_253, %dma_wait3A_254] : memref<8x128x32xf32, #tpu.memory_space<vmem>> -> memref<1x128x32xf32, #tpu.memory_space<vmem>>
      %dma_wait3A_256 = tpu.memref_squeeze %dma_wait3A_255 : memref<1x128x32xf32, #tpu.memory_space<vmem>> -> memref<128x32xf32, #tpu.memory_space<vmem>>
      %dma_wait3A_257 = arith.constant 0 : i32
      %dma_wait3A_258 = arith.constant 0 : i32
      %dma_wait3A_259 = tpu.memref_slice %arg2[%dma_wait3A_257, %dma_wait3A_258] : memref<10000x32xf32, #tpu.memory_space<hbm>> -> memref<128x32xf32, #tpu.memory_space<hbm>>
      %dma_wait3A_260 = arith.constant 0 : i32
      %dma_wait3A_261 = arith.constant 0 : i32
      %dma_wait3A_262 = tpu.memref_slice %arg8[%dma_wait3A_252, %dma_wait3A_260, %dma_wait3A_261] : memref<8x128x32xf32, #tpu.memory_space<vmem>> -> memref<1x128x32xf32, #tpu.memory_space<vmem>>
      %dma_wait3A_263 = tpu.memref_squeeze %dma_wait3A_262 : memref<1x128x32xf32, #tpu.memory_space<vmem>> -> memref<128x32xf32, #tpu.memory_space<vmem>>
      %dma_wait3A_264 = arith.constant 0 : i32
      %dma_wait3A_265 = arith.constant 0 : i32
      %dma_wait3A_266 = tpu.memref_slice %arg2[%dma_wait3A_264, %dma_wait3A_265] : memref<10000x32xf32, #tpu.memory_space<hbm>> -> memref<128x32xf32, #tpu.memory_space<hbm>>
      tpu.wait_dma2 semaphore(%arg11 : memref<!tpu.dma_semaphore, #tpu.memory_space<semaphore_mem>>) src(%dma_wait3A_266 : memref<128x32xf32, #tpu.memory_space<hbm>>) dst(%dma_wait3A_263 : memref<128x32xf32, #tpu.memory_space<vmem>>)
      %dma_start3A_267 = arith.constant 1 : i32
      %dma_start3A_268 = arith.constant 0 : i32
      %dma_start3A_269 = arith.constant 0 : i32
      %dma_start3A_270 = tpu.memref_slice %arg8[%dma_start3A_267, %dma_start3A_268, %dma_start3A_269] : memref<8x128x32xf32, #tpu.memory_space<vmem>> -> memref<1x128x32xf32, #tpu.memory_space<vmem>>
      %dma_start3A_271 = tpu.memref_squeeze %dma_start3A_270 : memref<1x128x32xf32, #tpu.memory_space<vmem>> -> memref<128x32xf32, #tpu.memory_space<vmem>>
      %dma_start3A_272 = arith.constant 0 : i32
      %dma_start3A_273 = tpu.memref_slice %arg7[%add3A_244, %dma_start3A_272] : memref<80x128xi32, #tpu.memory_space<vmem>> -> memref<1x128xi32, #tpu.memory_space<vmem>>
      %dma_start3A_274 = tpu.memref_squeeze %dma_start3A_273 : memref<1x128xi32, #tpu.memory_space<vmem>> -> memref<128xi32, #tpu.memory_space<vmem>>
      %dma_start3A_275 = arith.constant 0 : i32
      %dma_start3A_276 = arith.constant 0 : i32
      %dma_start3A_277 = tpu.memref_slice %arg26[%dma_start3A_275, %dma_start3A_276] : memref<10240x32xf32, #tpu.memory_space<vmem_shared>> -> memref<10240x32xf32, #tpu.memory_space<vmem_shared>>
      tpu.enqueue_indirect_dma source(%dma_start3A_271 : memref<128x32xf32, #tpu.memory_space<vmem>>) target(%dma_start3A_277 : memref<10240x32xf32, #tpu.memory_space<vmem_shared>>) offsets(%dma_start3A_274 : memref<128xi32, #tpu.memory_space<vmem>>) semaphore(%arg19 : memref<!tpu.dma_semaphore, #tpu.memory_space<semaphore_mem>>) {add = true}
      %mul3A_278 = arith.constant 8 : i32
      %mul3A_279 = arith.muli %scan3A_206, %mul3A_278 : i32
      %add3A_280 = arith.constant 2 : i32
      %add3A_281 = arith.addi %mul3A_279, %add3A_280 : i32
      %add3A_282 = arith.constant 6 : i32
      %add3A_283 = arith.addi %add3A_281, %add3A_282 : i32
      %lt3A_284 = arith.constant 80 : i32
      %lt3A_285 = arith.cmpi slt, %add3A_283, %lt3A_284 : i32
      %convert_element_type3A_286 = arith.extui %lt3A_285 : i1 to i32
      %cond3A_287 = arith.constant 0 : i32
      %cond3A_288 = arith.cmpi ne, %convert_element_type3A_286, %cond3A_287 : i32
      scf.if %cond3A_288 {
        %ge3A = arith.constant 8 : i32
        %ge3A_500 = arith.cmpi sge, %add3A_283, %ge3A : i32
        %convert_element_type3A_501 = arith.extui %ge3A_500 : i1 to i32
        %cond3A_502 = arith.constant 0 : i32
        %cond3A_503 = arith.cmpi ne, %convert_element_type3A_501, %cond3A_502 : i32
        scf.if %cond3A_503 {
          %dma_wait3A_515 = arith.constant 0 : i32
          %dma_wait3A_516 = arith.constant 0 : i32
          %dma_wait3A_517 = arith.constant 0 : i32
          %dma_wait3A_518 = tpu.memref_slice %arg8[%dma_wait3A_515, %dma_wait3A_516, %dma_wait3A_517] : memref<8x128x32xf32, #tpu.memory_space<vmem>> -> memref<1x128x32xf32, #tpu.memory_space<vmem>>
          %dma_wait3A_519 = tpu.memref_squeeze %dma_wait3A_518 : memref<1x128x32xf32, #tpu.memory_space<vmem>> -> memref<128x32xf32, #tpu.memory_space<vmem>>
          %dma_wait3A_520 = arith.constant 0 : i32
          %dma_wait3A_521 = arith.constant 0 : i32
          %dma_wait3A_522 = tpu.memref_slice %arg2[%dma_wait3A_520, %dma_wait3A_521] : memref<10000x32xf32, #tpu.memory_space<hbm>> -> memref<128x32xf32, #tpu.memory_space<hbm>>
          %dma_wait3A_523 = arith.constant 0 : i32
          %dma_wait3A_524 = arith.constant 0 : i32
          %dma_wait3A_525 = tpu.memref_slice %arg8[%dma_wait3A_515, %dma_wait3A_523, %dma_wait3A_524] : memref<8x128x32xf32, #tpu.memory_space<vmem>> -> memref<1x128x32xf32, #tpu.memory_space<vmem>>
          %dma_wait3A_526 = tpu.memref_squeeze %dma_wait3A_525 : memref<1x128x32xf32, #tpu.memory_space<vmem>> -> memref<128x32xf32, #tpu.memory_space<vmem>>
          %dma_wait3A_527 = arith.constant 0 : i32
          %dma_wait3A_528 = arith.constant 0 : i32
          %dma_wait3A_529 = tpu.memref_slice %arg2[%dma_wait3A_527, %dma_wait3A_528] : memref<10000x32xf32, #tpu.memory_space<hbm>> -> memref<128x32xf32, #tpu.memory_space<hbm>>
          tpu.wait_dma2 semaphore(%arg18 : memref<!tpu.dma_semaphore, #tpu.memory_space<semaphore_mem>>) src(%dma_wait3A_529 : memref<128x32xf32, #tpu.memory_space<hbm>>) dst(%dma_wait3A_526 : memref<128x32xf32, #tpu.memory_space<vmem>>)
        } else {
        }
        %dma_start3A_504 = arith.constant 0 : i32
        %dma_start3A_505 = arith.constant 0 : i32
        %dma_start3A_506 = arith.constant 0 : i32
        %dma_start3A_507 = tpu.memref_slice %arg8[%dma_start3A_504, %dma_start3A_505, %dma_start3A_506] : memref<8x128x32xf32, #tpu.memory_space<vmem>> -> memref<1x128x32xf32, #tpu.memory_space<vmem>>
        %dma_start3A_508 = tpu.memref_squeeze %dma_start3A_507 : memref<1x128x32xf32, #tpu.memory_space<vmem>> -> memref<128x32xf32, #tpu.memory_space<vmem>>
        %dma_start3A_509 = arith.constant 0 : i32
        %dma_start3A_510 = tpu.memref_slice %arg6[%add3A_283, %dma_start3A_509] : memref<80x128xi32, #tpu.memory_space<vmem>> -> memref<1x128xi32, #tpu.memory_space<vmem>>
        %dma_start3A_511 = tpu.memref_squeeze %dma_start3A_510 : memref<1x128xi32, #tpu.memory_space<vmem>> -> memref<128xi32, #tpu.memory_space<vmem>>
        %dma_start3A_512 = arith.constant 0 : i32
        %dma_start3A_513 = arith.constant 0 : i32
        %dma_start3A_514 = tpu.memref_slice %arg2[%dma_start3A_512, %dma_start3A_513] : memref<10000x32xf32, #tpu.memory_space<hbm>> -> memref<10000x32xf32, #tpu.memory_space<hbm>>
        tpu.enqueue_indirect_dma source(%dma_start3A_514 : memref<10000x32xf32, #tpu.memory_space<hbm>>) target(%dma_start3A_508 : memref<128x32xf32, #tpu.memory_space<vmem>>) offsets(%dma_start3A_511 : memref<128xi32, #tpu.memory_space<vmem>>) semaphore(%arg10 : memref<!tpu.dma_semaphore, #tpu.memory_space<semaphore_mem>>)
      } else {
      }
      %dma_wait3A_289 = arith.constant 2 : i32
      %dma_wait3A_290 = arith.constant 0 : i32
      %dma_wait3A_291 = arith.constant 0 : i32
      %dma_wait3A_292 = tpu.memref_slice %arg8[%dma_wait3A_289, %dma_wait3A_290, %dma_wait3A_291] : memref<8x128x32xf32, #tpu.memory_space<vmem>> -> memref<1x128x32xf32, #tpu.memory_space<vmem>>
      %dma_wait3A_293 = tpu.memref_squeeze %dma_wait3A_292 : memref<1x128x32xf32, #tpu.memory_space<vmem>> -> memref<128x32xf32, #tpu.memory_space<vmem>>
      %dma_wait3A_294 = arith.constant 0 : i32
      %dma_wait3A_295 = arith.constant 0 : i32
      %dma_wait3A_296 = tpu.memref_slice %arg2[%dma_wait3A_294, %dma_wait3A_295] : memref<10000x32xf32, #tpu.memory_space<hbm>> -> memref<128x32xf32, #tpu.memory_space<hbm>>
      %dma_wait3A_297 = arith.constant 0 : i32
      %dma_wait3A_298 = arith.constant 0 : i32
      %dma_wait3A_299 = tpu.memref_slice %arg8[%dma_wait3A_289, %dma_wait3A_297, %dma_wait3A_298] : memref<8x128x32xf32, #tpu.memory_space<vmem>> -> memref<1x128x32xf32, #tpu.memory_space<vmem>>
      %dma_wait3A_300 = tpu.memref_squeeze %dma_wait3A_299 : memref<1x128x32xf32, #tpu.memory_space<vmem>> -> memref<128x32xf32, #tpu.memory_space<vmem>>
      %dma_wait3A_301 = arith.constant 0 : i32
      %dma_wait3A_302 = arith.constant 0 : i32
      %dma_wait3A_303 = tpu.memref_slice %arg2[%dma_wait3A_301, %dma_wait3A_302] : memref<10000x32xf32, #tpu.memory_space<hbm>> -> memref<128x32xf32, #tpu.memory_space<hbm>>
      tpu.wait_dma2 semaphore(%arg12 : memref<!tpu.dma_semaphore, #tpu.memory_space<semaphore_mem>>) src(%dma_wait3A_303 : memref<128x32xf32, #tpu.memory_space<hbm>>) dst(%dma_wait3A_300 : memref<128x32xf32, #tpu.memory_space<vmem>>)
      %dma_start3A_304 = arith.constant 2 : i32
      %dma_start3A_305 = arith.constant 0 : i32
      %dma_start3A_306 = arith.constant 0 : i32
      %dma_start3A_307 = tpu.memref_slice %arg8[%dma_start3A_304, %dma_start3A_305, %dma_start3A_306] : memref<8x128x32xf32, #tpu.memory_space<vmem>> -> memref<1x128x32xf32, #tpu.memory_space<vmem>>
      %dma_start3A_308 = tpu.memref_squeeze %dma_start3A_307 : memref<1x128x32xf32, #tpu.memory_space<vmem>> -> memref<128x32xf32, #tpu.memory_space<vmem>>
      %dma_start3A_309 = arith.constant 0 : i32
      %dma_start3A_310 = tpu.memref_slice %arg7[%add3A_281, %dma_start3A_309] : memref<80x128xi32, #tpu.memory_space<vmem>> -> memref<1x128xi32, #tpu.memory_space<vmem>>
      %dma_start3A_311 = tpu.memref_squeeze %dma_start3A_310 : memref<1x128xi32, #tpu.memory_space<vmem>> -> memref<128xi32, #tpu.memory_space<vmem>>
      %dma_start3A_312 = arith.constant 0 : i32
      %dma_start3A_313 = arith.constant 0 : i32
      %dma_start3A_314 = tpu.memref_slice %arg26[%dma_start3A_312, %dma_start3A_313] : memref<10240x32xf32, #tpu.memory_space<vmem_shared>> -> memref<10240x32xf32, #tpu.memory_space<vmem_shared>>
      tpu.enqueue_indirect_dma source(%dma_start3A_308 : memref<128x32xf32, #tpu.memory_space<vmem>>) target(%dma_start3A_314 : memref<10240x32xf32, #tpu.memory_space<vmem_shared>>) offsets(%dma_start3A_311 : memref<128xi32, #tpu.memory_space<vmem>>) semaphore(%arg20 : memref<!tpu.dma_semaphore, #tpu.memory_space<semaphore_mem>>) {add = true}
      %mul3A_315 = arith.constant 8 : i32
      %mul3A_316 = arith.muli %scan3A_206, %mul3A_315 : i32
      %add3A_317 = arith.constant 3 : i32
      %add3A_318 = arith.addi %mul3A_316, %add3A_317 : i32
      %add3A_319 = arith.constant 6 : i32
      %add3A_320 = arith.addi %add3A_318, %add3A_319 : i32
      %lt3A_321 = arith.constant 80 : i32
      %lt3A_322 = arith.cmpi slt, %add3A_320, %lt3A_321 : i32
      %convert_element_type3A_323 = arith.extui %lt3A_322 : i1 to i32
      %cond3A_324 = arith.constant 0 : i32
      %cond3A_325 = arith.cmpi ne, %convert_element_type3A_323, %cond3A_324 : i32
      scf.if %cond3A_325 {
        %ge3A = arith.constant 8 : i32
        %ge3A_500 = arith.cmpi sge, %add3A_320, %ge3A : i32
        %convert_element_type3A_501 = arith.extui %ge3A_500 : i1 to i32
        %cond3A_502 = arith.constant 0 : i32
        %cond3A_503 = arith.cmpi ne, %convert_element_type3A_501, %cond3A_502 : i32
        scf.if %cond3A_503 {
          %dma_wait3A_515 = arith.constant 1 : i32
          %dma_wait3A_516 = arith.constant 0 : i32
          %dma_wait3A_517 = arith.constant 0 : i32
          %dma_wait3A_518 = tpu.memref_slice %arg8[%dma_wait3A_515, %dma_wait3A_516, %dma_wait3A_517] : memref<8x128x32xf32, #tpu.memory_space<vmem>> -> memref<1x128x32xf32, #tpu.memory_space<vmem>>
          %dma_wait3A_519 = tpu.memref_squeeze %dma_wait3A_518 : memref<1x128x32xf32, #tpu.memory_space<vmem>> -> memref<128x32xf32, #tpu.memory_space<vmem>>
          %dma_wait3A_520 = arith.constant 0 : i32
          %dma_wait3A_521 = arith.constant 0 : i32
          %dma_wait3A_522 = tpu.memref_slice %arg2[%dma_wait3A_520, %dma_wait3A_521] : memref<10000x32xf32, #tpu.memory_space<hbm>> -> memref<128x32xf32, #tpu.memory_space<hbm>>
          %dma_wait3A_523 = arith.constant 0 : i32
          %dma_wait3A_524 = arith.constant 0 : i32
          %dma_wait3A_525 = tpu.memref_slice %arg8[%dma_wait3A_515, %dma_wait3A_523, %dma_wait3A_524] : memref<8x128x32xf32, #tpu.memory_space<vmem>> -> memref<1x128x32xf32, #tpu.memory_space<vmem>>
          %dma_wait3A_526 = tpu.memref_squeeze %dma_wait3A_525 : memref<1x128x32xf32, #tpu.memory_space<vmem>> -> memref<128x32xf32, #tpu.memory_space<vmem>>
          %dma_wait3A_527 = arith.constant 0 : i32
          %dma_wait3A_528 = arith.constant 0 : i32
          %dma_wait3A_529 = tpu.memref_slice %arg2[%dma_wait3A_527, %dma_wait3A_528] : memref<10000x32xf32, #tpu.memory_space<hbm>> -> memref<128x32xf32, #tpu.memory_space<hbm>>
          tpu.wait_dma2 semaphore(%arg19 : memref<!tpu.dma_semaphore, #tpu.memory_space<semaphore_mem>>) src(%dma_wait3A_529 : memref<128x32xf32, #tpu.memory_space<hbm>>) dst(%dma_wait3A_526 : memref<128x32xf32, #tpu.memory_space<vmem>>)
        } else {
        }
        %dma_start3A_504 = arith.constant 1 : i32
        %dma_start3A_505 = arith.constant 0 : i32
        %dma_start3A_506 = arith.constant 0 : i32
        %dma_start3A_507 = tpu.memref_slice %arg8[%dma_start3A_504, %dma_start3A_505, %dma_start3A_506] : memref<8x128x32xf32, #tpu.memory_space<vmem>> -> memref<1x128x32xf32, #tpu.memory_space<vmem>>
        %dma_start3A_508 = tpu.memref_squeeze %dma_start3A_507 : memref<1x128x32xf32, #tpu.memory_space<vmem>> -> memref<128x32xf32, #tpu.memory_space<vmem>>
        %dma_start3A_509 = arith.constant 0 : i32
        %dma_start3A_510 = tpu.memref_slice %arg6[%add3A_320, %dma_start3A_509] : memref<80x128xi32, #tpu.memory_space<vmem>> -> memref<1x128xi32, #tpu.memory_space<vmem>>
        %dma_start3A_511 = tpu.memref_squeeze %dma_start3A_510 : memref<1x128xi32, #tpu.memory_space<vmem>> -> memref<128xi32, #tpu.memory_space<vmem>>
        %dma_start3A_512 = arith.constant 0 : i32
        %dma_start3A_513 = arith.constant 0 : i32
        %dma_start3A_514 = tpu.memref_slice %arg2[%dma_start3A_512, %dma_start3A_513] : memref<10000x32xf32, #tpu.memory_space<hbm>> -> memref<10000x32xf32, #tpu.memory_space<hbm>>
        tpu.enqueue_indirect_dma source(%dma_start3A_514 : memref<10000x32xf32, #tpu.memory_space<hbm>>) target(%dma_start3A_508 : memref<128x32xf32, #tpu.memory_space<vmem>>) offsets(%dma_start3A_511 : memref<128xi32, #tpu.memory_space<vmem>>) semaphore(%arg11 : memref<!tpu.dma_semaphore, #tpu.memory_space<semaphore_mem>>)
      } else {
      }
      %dma_wait3A_326 = arith.constant 3 : i32
      %dma_wait3A_327 = arith.constant 0 : i32
      %dma_wait3A_328 = arith.constant 0 : i32
      %dma_wait3A_329 = tpu.memref_slice %arg8[%dma_wait3A_326, %dma_wait3A_327, %dma_wait3A_328] : memref<8x128x32xf32, #tpu.memory_space<vmem>> -> memref<1x128x32xf32, #tpu.memory_space<vmem>>
      %dma_wait3A_330 = tpu.memref_squeeze %dma_wait3A_329 : memref<1x128x32xf32, #tpu.memory_space<vmem>> -> memref<128x32xf32, #tpu.memory_space<vmem>>
      %dma_wait3A_331 = arith.constant 0 : i32
      %dma_wait3A_332 = arith.constant 0 : i32
      %dma_wait3A_333 = tpu.memref_slice %arg2[%dma_wait3A_331, %dma_wait3A_332] : memref<10000x32xf32, #tpu.memory_space<hbm>> -> memref<128x32xf32, #tpu.memory_space<hbm>>
      %dma_wait3A_334 = arith.constant 0 : i32
      %dma_wait3A_335 = arith.constant 0 : i32
      %dma_wait3A_336 = tpu.memref_slice %arg8[%dma_wait3A_326, %dma_wait3A_334, %dma_wait3A_335] : memref<8x128x32xf32, #tpu.memory_space<vmem>> -> memref<1x128x32xf32, #tpu.memory_space<vmem>>
      %dma_wait3A_337 = tpu.memref_squeeze %dma_wait3A_336 : memref<1x128x32xf32, #tpu.memory_space<vmem>> -> memref<128x32xf32, #tpu.memory_space<vmem>>
      %dma_wait3A_338 = arith.constant 0 : i32
      %dma_wait3A_339 = arith.constant 0 : i32
      %dma_wait3A_340 = tpu.memref_slice %arg2[%dma_wait3A_338, %dma_wait3A_339] : memref<10000x32xf32, #tpu.memory_space<hbm>> -> memref<128x32xf32, #tpu.memory_space<hbm>>
      tpu.wait_dma2 semaphore(%arg13 : memref<!tpu.dma_semaphore, #tpu.memory_space<semaphore_mem>>) src(%dma_wait3A_340 : memref<128x32xf32, #tpu.memory_space<hbm>>) dst(%dma_wait3A_337 : memref<128x32xf32, #tpu.memory_space<vmem>>)
      %dma_start3A_341 = arith.constant 3 : i32
      %dma_start3A_342 = arith.constant 0 : i32
      %dma_start3A_343 = arith.constant 0 : i32
      %dma_start3A_344 = tpu.memref_slice %arg8[%dma_start3A_341, %dma_start3A_342, %dma_start3A_343] : memref<8x128x32xf32, #tpu.memory_space<vmem>> -> memref<1x128x32xf32, #tpu.memory_space<vmem>>
      %dma_start3A_345 = tpu.memref_squeeze %dma_start3A_344 : memref<1x128x32xf32, #tpu.memory_space<vmem>> -> memref<128x32xf32, #tpu.memory_space<vmem>>
      %dma_start3A_346 = arith.constant 0 : i32
      %dma_start3A_347 = tpu.memref_slice %arg7[%add3A_318, %dma_start3A_346] : memref<80x128xi32, #tpu.memory_space<vmem>> -> memref<1x128xi32, #tpu.memory_space<vmem>>
      %dma_start3A_348 = tpu.memref_squeeze %dma_start3A_347 : memref<1x128xi32, #tpu.memory_space<vmem>> -> memref<128xi32, #tpu.memory_space<vmem>>
      %dma_start3A_349 = arith.constant 0 : i32
      %dma_start3A_350 = arith.constant 0 : i32
      %dma_start3A_351 = tpu.memref_slice %arg26[%dma_start3A_349, %dma_start3A_350] : memref<10240x32xf32, #tpu.memory_space<vmem_shared>> -> memref<10240x32xf32, #tpu.memory_space<vmem_shared>>
      tpu.enqueue_indirect_dma source(%dma_start3A_345 : memref<128x32xf32, #tpu.memory_space<vmem>>) target(%dma_start3A_351 : memref<10240x32xf32, #tpu.memory_space<vmem_shared>>) offsets(%dma_start3A_348 : memref<128xi32, #tpu.memory_space<vmem>>) semaphore(%arg21 : memref<!tpu.dma_semaphore, #tpu.memory_space<semaphore_mem>>) {add = true}
      %mul3A_352 = arith.constant 8 : i32
      %mul3A_353 = arith.muli %scan3A_206, %mul3A_352 : i32
      %add3A_354 = arith.constant 4 : i32
      %add3A_355 = arith.addi %mul3A_353, %add3A_354 : i32
      %add3A_356 = arith.constant 6 : i32
      %add3A_357 = arith.addi %add3A_355, %add3A_356 : i32
      %lt3A_358 = arith.constant 80 : i32
      %lt3A_359 = arith.cmpi slt, %add3A_357, %lt3A_358 : i32
      %convert_element_type3A_360 = arith.extui %lt3A_359 : i1 to i32
      %cond3A_361 = arith.constant 0 : i32
      %cond3A_362 = arith.cmpi ne, %convert_element_type3A_360, %cond3A_361 : i32
      scf.if %cond3A_362 {
        %ge3A = arith.constant 8 : i32
        %ge3A_500 = arith.cmpi sge, %add3A_357, %ge3A : i32
        %convert_element_type3A_501 = arith.extui %ge3A_500 : i1 to i32
        %cond3A_502 = arith.constant 0 : i32
        %cond3A_503 = arith.cmpi ne, %convert_element_type3A_501, %cond3A_502 : i32
        scf.if %cond3A_503 {
          %dma_wait3A_515 = arith.constant 2 : i32
          %dma_wait3A_516 = arith.constant 0 : i32
          %dma_wait3A_517 = arith.constant 0 : i32
          %dma_wait3A_518 = tpu.memref_slice %arg8[%dma_wait3A_515, %dma_wait3A_516, %dma_wait3A_517] : memref<8x128x32xf32, #tpu.memory_space<vmem>> -> memref<1x128x32xf32, #tpu.memory_space<vmem>>
          %dma_wait3A_519 = tpu.memref_squeeze %dma_wait3A_518 : memref<1x128x32xf32, #tpu.memory_space<vmem>> -> memref<128x32xf32, #tpu.memory_space<vmem>>
          %dma_wait3A_520 = arith.constant 0 : i32
          %dma_wait3A_521 = arith.constant 0 : i32
          %dma_wait3A_522 = tpu.memref_slice %arg2[%dma_wait3A_520, %dma_wait3A_521] : memref<10000x32xf32, #tpu.memory_space<hbm>> -> memref<128x32xf32, #tpu.memory_space<hbm>>
          %dma_wait3A_523 = arith.constant 0 : i32
          %dma_wait3A_524 = arith.constant 0 : i32
          %dma_wait3A_525 = tpu.memref_slice %arg8[%dma_wait3A_515, %dma_wait3A_523, %dma_wait3A_524] : memref<8x128x32xf32, #tpu.memory_space<vmem>> -> memref<1x128x32xf32, #tpu.memory_space<vmem>>
          %dma_wait3A_526 = tpu.memref_squeeze %dma_wait3A_525 : memref<1x128x32xf32, #tpu.memory_space<vmem>> -> memref<128x32xf32, #tpu.memory_space<vmem>>
          %dma_wait3A_527 = arith.constant 0 : i32
          %dma_wait3A_528 = arith.constant 0 : i32
          %dma_wait3A_529 = tpu.memref_slice %arg2[%dma_wait3A_527, %dma_wait3A_528] : memref<10000x32xf32, #tpu.memory_space<hbm>> -> memref<128x32xf32, #tpu.memory_space<hbm>>
          tpu.wait_dma2 semaphore(%arg20 : memref<!tpu.dma_semaphore, #tpu.memory_space<semaphore_mem>>) src(%dma_wait3A_529 : memref<128x32xf32, #tpu.memory_space<hbm>>) dst(%dma_wait3A_526 : memref<128x32xf32, #tpu.memory_space<vmem>>)
        } else {
        }
        %dma_start3A_504 = arith.constant 2 : i32
        %dma_start3A_505 = arith.constant 0 : i32
        %dma_start3A_506 = arith.constant 0 : i32
        %dma_start3A_507 = tpu.memref_slice %arg8[%dma_start3A_504, %dma_start3A_505, %dma_start3A_506] : memref<8x128x32xf32, #tpu.memory_space<vmem>> -> memref<1x128x32xf32, #tpu.memory_space<vmem>>
        %dma_start3A_508 = tpu.memref_squeeze %dma_start3A_507 : memref<1x128x32xf32, #tpu.memory_space<vmem>> -> memref<128x32xf32, #tpu.memory_space<vmem>>
        %dma_start3A_509 = arith.constant 0 : i32
        %dma_start3A_510 = tpu.memref_slice %arg6[%add3A_357, %dma_start3A_509] : memref<80x128xi32, #tpu.memory_space<vmem>> -> memref<1x128xi32, #tpu.memory_space<vmem>>
        %dma_start3A_511 = tpu.memref_squeeze %dma_start3A_510 : memref<1x128xi32, #tpu.memory_space<vmem>> -> memref<128xi32, #tpu.memory_space<vmem>>
        %dma_start3A_512 = arith.constant 0 : i32
        %dma_start3A_513 = arith.constant 0 : i32
        %dma_start3A_514 = tpu.memref_slice %arg2[%dma_start3A_512, %dma_start3A_513] : memref<10000x32xf32, #tpu.memory_space<hbm>> -> memref<10000x32xf32, #tpu.memory_space<hbm>>
        tpu.enqueue_indirect_dma source(%dma_start3A_514 : memref<10000x32xf32, #tpu.memory_space<hbm>>) target(%dma_start3A_508 : memref<128x32xf32, #tpu.memory_space<vmem>>) offsets(%dma_start3A_511 : memref<128xi32, #tpu.memory_space<vmem>>) semaphore(%arg12 : memref<!tpu.dma_semaphore, #tpu.memory_space<semaphore_mem>>)
      } else {
      }
      %dma_wait3A_363 = arith.constant 4 : i32
      %dma_wait3A_364 = arith.constant 0 : i32
      %dma_wait3A_365 = arith.constant 0 : i32
      %dma_wait3A_366 = tpu.memref_slice %arg8[%dma_wait3A_363, %dma_wait3A_364, %dma_wait3A_365] : memref<8x128x32xf32, #tpu.memory_space<vmem>> -> memref<1x128x32xf32, #tpu.memory_space<vmem>>
      %dma_wait3A_367 = tpu.memref_squeeze %dma_wait3A_366 : memref<1x128x32xf32, #tpu.memory_space<vmem>> -> memref<128x32xf32, #tpu.memory_space<vmem>>
      %dma_wait3A_368 = arith.constant 0 : i32
      %dma_wait3A_369 = arith.constant 0 : i32
      %dma_wait3A_370 = tpu.memref_slice %arg2[%dma_wait3A_368, %dma_wait3A_369] : memref<10000x32xf32, #tpu.memory_space<hbm>> -> memref<128x32xf32, #tpu.memory_space<hbm>>
      %dma_wait3A_371 = arith.constant 0 : i32
      %dma_wait3A_372 = arith.constant 0 : i32
      %dma_wait3A_373 = tpu.memref_slice %arg8[%dma_wait3A_363, %dma_wait3A_371, %dma_wait3A_372] : memref<8x128x32xf32, #tpu.memory_space<vmem>> -> memref<1x128x32xf32, #tpu.memory_space<vmem>>
      %dma_wait3A_374 = tpu.memref_squeeze %dma_wait3A_373 : memref<1x128x32xf32, #tpu.memory_space<vmem>> -> memref<128x32xf32, #tpu.memory_space<vmem>>
      %dma_wait3A_375 = arith.constant 0 : i32
      %dma_wait3A_376 = arith.constant 0 : i32
      %dma_wait3A_377 = tpu.memref_slice %arg2[%dma_wait3A_375, %dma_wait3A_376] : memref<10000x32xf32, #tpu.memory_space<hbm>> -> memref<128x32xf32, #tpu.memory_space<hbm>>
      tpu.wait_dma2 semaphore(%arg14 : memref<!tpu.dma_semaphore, #tpu.memory_space<semaphore_mem>>) src(%dma_wait3A_377 : memref<128x32xf32, #tpu.memory_space<hbm>>) dst(%dma_wait3A_374 : memref<128x32xf32, #tpu.memory_space<vmem>>)
      %dma_start3A_378 = arith.constant 4 : i32
      %dma_start3A_379 = arith.constant 0 : i32
      %dma_start3A_380 = arith.constant 0 : i32
      %dma_start3A_381 = tpu.memref_slice %arg8[%dma_start3A_378, %dma_start3A_379, %dma_start3A_380] : memref<8x128x32xf32, #tpu.memory_space<vmem>> -> memref<1x128x32xf32, #tpu.memory_space<vmem>>
      %dma_start3A_382 = tpu.memref_squeeze %dma_start3A_381 : memref<1x128x32xf32, #tpu.memory_space<vmem>> -> memref<128x32xf32, #tpu.memory_space<vmem>>
      %dma_start3A_383 = arith.constant 0 : i32
      %dma_start3A_384 = tpu.memref_slice %arg7[%add3A_355, %dma_start3A_383] : memref<80x128xi32, #tpu.memory_space<vmem>> -> memref<1x128xi32, #tpu.memory_space<vmem>>
      %dma_start3A_385 = tpu.memref_squeeze %dma_start3A_384 : memref<1x128xi32, #tpu.memory_space<vmem>> -> memref<128xi32, #tpu.memory_space<vmem>>
      %dma_start3A_386 = arith.constant 0 : i32
      %dma_start3A_387 = arith.constant 0 : i32
      %dma_start3A_388 = tpu.memref_slice %arg26[%dma_start3A_386, %dma_start3A_387] : memref<10240x32xf32, #tpu.memory_space<vmem_shared>> -> memref<10240x32xf32, #tpu.memory_space<vmem_shared>>
      tpu.enqueue_indirect_dma source(%dma_start3A_382 : memref<128x32xf32, #tpu.memory_space<vmem>>) target(%dma_start3A_388 : memref<10240x32xf32, #tpu.memory_space<vmem_shared>>) offsets(%dma_start3A_385 : memref<128xi32, #tpu.memory_space<vmem>>) semaphore(%arg22 : memref<!tpu.dma_semaphore, #tpu.memory_space<semaphore_mem>>) {add = true}
      %mul3A_389 = arith.constant 8 : i32
      %mul3A_390 = arith.muli %scan3A_206, %mul3A_389 : i32
      %add3A_391 = arith.constant 5 : i32
      %add3A_392 = arith.addi %mul3A_390, %add3A_391 : i32
      %add3A_393 = arith.constant 6 : i32
      %add3A_394 = arith.addi %add3A_392, %add3A_393 : i32
      %lt3A_395 = arith.constant 80 : i32
      %lt3A_396 = arith.cmpi slt, %add3A_394, %lt3A_395 : i32
      %convert_element_type3A_397 = arith.extui %lt3A_396 : i1 to i32
      %cond3A_398 = arith.constant 0 : i32
      %cond3A_399 = arith.cmpi ne, %convert_element_type3A_397, %cond3A_398 : i32
      scf.if %cond3A_399 {
        %ge3A = arith.constant 8 : i32
        %ge3A_500 = arith.cmpi sge, %add3A_394, %ge3A : i32
        %convert_element_type3A_501 = arith.extui %ge3A_500 : i1 to i32
        %cond3A_502 = arith.constant 0 : i32
        %cond3A_503 = arith.cmpi ne, %convert_element_type3A_501, %cond3A_502 : i32
        scf.if %cond3A_503 {
          %dma_wait3A_515 = arith.constant 3 : i32
          %dma_wait3A_516 = arith.constant 0 : i32
          %dma_wait3A_517 = arith.constant 0 : i32
          %dma_wait3A_518 = tpu.memref_slice %arg8[%dma_wait3A_515, %dma_wait3A_516, %dma_wait3A_517] : memref<8x128x32xf32, #tpu.memory_space<vmem>> -> memref<1x128x32xf32, #tpu.memory_space<vmem>>
          %dma_wait3A_519 = tpu.memref_squeeze %dma_wait3A_518 : memref<1x128x32xf32, #tpu.memory_space<vmem>> -> memref<128x32xf32, #tpu.memory_space<vmem>>
          %dma_wait3A_520 = arith.constant 0 : i32
          %dma_wait3A_521 = arith.constant 0 : i32
          %dma_wait3A_522 = tpu.memref_slice %arg2[%dma_wait3A_520, %dma_wait3A_521] : memref<10000x32xf32, #tpu.memory_space<hbm>> -> memref<128x32xf32, #tpu.memory_space<hbm>>
          %dma_wait3A_523 = arith.constant 0 : i32
          %dma_wait3A_524 = arith.constant 0 : i32
          %dma_wait3A_525 = tpu.memref_slice %arg8[%dma_wait3A_515, %dma_wait3A_523, %dma_wait3A_524] : memref<8x128x32xf32, #tpu.memory_space<vmem>> -> memref<1x128x32xf32, #tpu.memory_space<vmem>>
          %dma_wait3A_526 = tpu.memref_squeeze %dma_wait3A_525 : memref<1x128x32xf32, #tpu.memory_space<vmem>> -> memref<128x32xf32, #tpu.memory_space<vmem>>
          %dma_wait3A_527 = arith.constant 0 : i32
          %dma_wait3A_528 = arith.constant 0 : i32
          %dma_wait3A_529 = tpu.memref_slice %arg2[%dma_wait3A_527, %dma_wait3A_528] : memref<10000x32xf32, #tpu.memory_space<hbm>> -> memref<128x32xf32, #tpu.memory_space<hbm>>
          tpu.wait_dma2 semaphore(%arg21 : memref<!tpu.dma_semaphore, #tpu.memory_space<semaphore_mem>>) src(%dma_wait3A_529 : memref<128x32xf32, #tpu.memory_space<hbm>>) dst(%dma_wait3A_526 : memref<128x32xf32, #tpu.memory_space<vmem>>)
        } else {
        }
        %dma_start3A_504 = arith.constant 3 : i32
        %dma_start3A_505 = arith.constant 0 : i32
        %dma_start3A_506 = arith.constant 0 : i32
        %dma_start3A_507 = tpu.memref_slice %arg8[%dma_start3A_504, %dma_start3A_505, %dma_start3A_506] : memref<8x128x32xf32, #tpu.memory_space<vmem>> -> memref<1x128x32xf32, #tpu.memory_space<vmem>>
        %dma_start3A_508 = tpu.memref_squeeze %dma_start3A_507 : memref<1x128x32xf32, #tpu.memory_space<vmem>> -> memref<128x32xf32, #tpu.memory_space<vmem>>
        %dma_start3A_509 = arith.constant 0 : i32
        %dma_start3A_510 = tpu.memref_slice %arg6[%add3A_394, %dma_start3A_509] : memref<80x128xi32, #tpu.memory_space<vmem>> -> memref<1x128xi32, #tpu.memory_space<vmem>>
        %dma_start3A_511 = tpu.memref_squeeze %dma_start3A_510 : memref<1x128xi32, #tpu.memory_space<vmem>> -> memref<128xi32, #tpu.memory_space<vmem>>
        %dma_start3A_512 = arith.constant 0 : i32
        %dma_start3A_513 = arith.constant 0 : i32
        %dma_start3A_514 = tpu.memref_slice %arg2[%dma_start3A_512, %dma_start3A_513] : memref<10000x32xf32, #tpu.memory_space<hbm>> -> memref<10000x32xf32, #tpu.memory_space<hbm>>
        tpu.enqueue_indirect_dma source(%dma_start3A_514 : memref<10000x32xf32, #tpu.memory_space<hbm>>) target(%dma_start3A_508 : memref<128x32xf32, #tpu.memory_space<vmem>>) offsets(%dma_start3A_511 : memref<128xi32, #tpu.memory_space<vmem>>) semaphore(%arg13 : memref<!tpu.dma_semaphore, #tpu.memory_space<semaphore_mem>>)
      } else {
      }
      %dma_wait3A_400 = arith.constant 5 : i32
      %dma_wait3A_401 = arith.constant 0 : i32
      %dma_wait3A_402 = arith.constant 0 : i32
      %dma_wait3A_403 = tpu.memref_slice %arg8[%dma_wait3A_400, %dma_wait3A_401, %dma_wait3A_402] : memref<8x128x32xf32, #tpu.memory_space<vmem>> -> memref<1x128x32xf32, #tpu.memory_space<vmem>>
      %dma_wait3A_404 = tpu.memref_squeeze %dma_wait3A_403 : memref<1x128x32xf32, #tpu.memory_space<vmem>> -> memref<128x32xf32, #tpu.memory_space<vmem>>
      %dma_wait3A_405 = arith.constant 0 : i32
      %dma_wait3A_406 = arith.constant 0 : i32
      %dma_wait3A_407 = tpu.memref_slice %arg2[%dma_wait3A_405, %dma_wait3A_406] : memref<10000x32xf32, #tpu.memory_space<hbm>> -> memref<128x32xf32, #tpu.memory_space<hbm>>
      %dma_wait3A_408 = arith.constant 0 : i32
      %dma_wait3A_409 = arith.constant 0 : i32
      %dma_wait3A_410 = tpu.memref_slice %arg8[%dma_wait3A_400, %dma_wait3A_408, %dma_wait3A_409] : memref<8x128x32xf32, #tpu.memory_space<vmem>> -> memref<1x128x32xf32, #tpu.memory_space<vmem>>
      %dma_wait3A_411 = tpu.memref_squeeze %dma_wait3A_410 : memref<1x128x32xf32, #tpu.memory_space<vmem>> -> memref<128x32xf32, #tpu.memory_space<vmem>>
      %dma_wait3A_412 = arith.constant 0 : i32
      %dma_wait3A_413 = arith.constant 0 : i32
      %dma_wait3A_414 = tpu.memref_slice %arg2[%dma_wait3A_412, %dma_wait3A_413] : memref<10000x32xf32, #tpu.memory_space<hbm>> -> memref<128x32xf32, #tpu.memory_space<hbm>>
      tpu.wait_dma2 semaphore(%arg15 : memref<!tpu.dma_semaphore, #tpu.memory_space<semaphore_mem>>) src(%dma_wait3A_414 : memref<128x32xf32, #tpu.memory_space<hbm>>) dst(%dma_wait3A_411 : memref<128x32xf32, #tpu.memory_space<vmem>>)
      %dma_start3A_415 = arith.constant 5 : i32
      %dma_start3A_416 = arith.constant 0 : i32
      %dma_start3A_417 = arith.constant 0 : i32
      %dma_start3A_418 = tpu.memref_slice %arg8[%dma_start3A_415, %dma_start3A_416, %dma_start3A_417] : memref<8x128x32xf32, #tpu.memory_space<vmem>> -> memref<1x128x32xf32, #tpu.memory_space<vmem>>
      %dma_start3A_419 = tpu.memref_squeeze %dma_start3A_418 : memref<1x128x32xf32, #tpu.memory_space<vmem>> -> memref<128x32xf32, #tpu.memory_space<vmem>>
      %dma_start3A_420 = arith.constant 0 : i32
      %dma_start3A_421 = tpu.memref_slice %arg7[%add3A_392, %dma_start3A_420] : memref<80x128xi32, #tpu.memory_space<vmem>> -> memref<1x128xi32, #tpu.memory_space<vmem>>
      %dma_start3A_422 = tpu.memref_squeeze %dma_start3A_421 : memref<1x128xi32, #tpu.memory_space<vmem>> -> memref<128xi32, #tpu.memory_space<vmem>>
      %dma_start3A_423 = arith.constant 0 : i32
      %dma_start3A_424 = arith.constant 0 : i32
      %dma_start3A_425 = tpu.memref_slice %arg26[%dma_start3A_423, %dma_start3A_424] : memref<10240x32xf32, #tpu.memory_space<vmem_shared>> -> memref<10240x32xf32, #tpu.memory_space<vmem_shared>>
      tpu.enqueue_indirect_dma source(%dma_start3A_419 : memref<128x32xf32, #tpu.memory_space<vmem>>) target(%dma_start3A_425 : memref<10240x32xf32, #tpu.memory_space<vmem_shared>>) offsets(%dma_start3A_422 : memref<128xi32, #tpu.memory_space<vmem>>) semaphore(%arg23 : memref<!tpu.dma_semaphore, #tpu.memory_space<semaphore_mem>>) {add = true}
      %mul3A_426 = arith.constant 8 : i32
      %mul3A_427 = arith.muli %scan3A_206, %mul3A_426 : i32
      %add3A_428 = arith.constant 6 : i32
      %add3A_429 = arith.addi %mul3A_427, %add3A_428 : i32
      %add3A_430 = arith.constant 6 : i32
      %add3A_431 = arith.addi %add3A_429, %add3A_430 : i32
      %lt3A_432 = arith.constant 80 : i32
      %lt3A_433 = arith.cmpi slt, %add3A_431, %lt3A_432 : i32
      %convert_element_type3A_434 = arith.extui %lt3A_433 : i1 to i32
      %cond3A_435 = arith.constant 0 : i32
      %cond3A_436 = arith.cmpi ne, %convert_element_type3A_434, %cond3A_435 : i32
      scf.if %cond3A_436 {
        %ge3A = arith.constant 8 : i32
        %ge3A_500 = arith.cmpi sge, %add3A_431, %ge3A : i32
        %convert_element_type3A_501 = arith.extui %ge3A_500 : i1 to i32
        %cond3A_502 = arith.constant 0 : i32
        %cond3A_503 = arith.cmpi ne, %convert_element_type3A_501, %cond3A_502 : i32
        scf.if %cond3A_503 {
          %dma_wait3A_515 = arith.constant 4 : i32
          %dma_wait3A_516 = arith.constant 0 : i32
          %dma_wait3A_517 = arith.constant 0 : i32
          %dma_wait3A_518 = tpu.memref_slice %arg8[%dma_wait3A_515, %dma_wait3A_516, %dma_wait3A_517] : memref<8x128x32xf32, #tpu.memory_space<vmem>> -> memref<1x128x32xf32, #tpu.memory_space<vmem>>
          %dma_wait3A_519 = tpu.memref_squeeze %dma_wait3A_518 : memref<1x128x32xf32, #tpu.memory_space<vmem>> -> memref<128x32xf32, #tpu.memory_space<vmem>>
          %dma_wait3A_520 = arith.constant 0 : i32
          %dma_wait3A_521 = arith.constant 0 : i32
          %dma_wait3A_522 = tpu.memref_slice %arg2[%dma_wait3A_520, %dma_wait3A_521] : memref<10000x32xf32, #tpu.memory_space<hbm>> -> memref<128x32xf32, #tpu.memory_space<hbm>>
          %dma_wait3A_523 = arith.constant 0 : i32
          %dma_wait3A_524 = arith.constant 0 : i32
          %dma_wait3A_525 = tpu.memref_slice %arg8[%dma_wait3A_515, %dma_wait3A_523, %dma_wait3A_524] : memref<8x128x32xf32, #tpu.memory_space<vmem>> -> memref<1x128x32xf32, #tpu.memory_space<vmem>>
          %dma_wait3A_526 = tpu.memref_squeeze %dma_wait3A_525 : memref<1x128x32xf32, #tpu.memory_space<vmem>> -> memref<128x32xf32, #tpu.memory_space<vmem>>
          %dma_wait3A_527 = arith.constant 0 : i32
          %dma_wait3A_528 = arith.constant 0 : i32
          %dma_wait3A_529 = tpu.memref_slice %arg2[%dma_wait3A_527, %dma_wait3A_528] : memref<10000x32xf32, #tpu.memory_space<hbm>> -> memref<128x32xf32, #tpu.memory_space<hbm>>
          tpu.wait_dma2 semaphore(%arg22 : memref<!tpu.dma_semaphore, #tpu.memory_space<semaphore_mem>>) src(%dma_wait3A_529 : memref<128x32xf32, #tpu.memory_space<hbm>>) dst(%dma_wait3A_526 : memref<128x32xf32, #tpu.memory_space<vmem>>)
        } else {
        }
        %dma_start3A_504 = arith.constant 4 : i32
        %dma_start3A_505 = arith.constant 0 : i32
        %dma_start3A_506 = arith.constant 0 : i32
        %dma_start3A_507 = tpu.memref_slice %arg8[%dma_start3A_504, %dma_start3A_505, %dma_start3A_506] : memref<8x128x32xf32, #tpu.memory_space<vmem>> -> memref<1x128x32xf32, #tpu.memory_space<vmem>>
        %dma_start3A_508 = tpu.memref_squeeze %dma_start3A_507 : memref<1x128x32xf32, #tpu.memory_space<vmem>> -> memref<128x32xf32, #tpu.memory_space<vmem>>
        %dma_start3A_509 = arith.constant 0 : i32
        %dma_start3A_510 = tpu.memref_slice %arg6[%add3A_431, %dma_start3A_509] : memref<80x128xi32, #tpu.memory_space<vmem>> -> memref<1x128xi32, #tpu.memory_space<vmem>>
        %dma_start3A_511 = tpu.memref_squeeze %dma_start3A_510 : memref<1x128xi32, #tpu.memory_space<vmem>> -> memref<128xi32, #tpu.memory_space<vmem>>
        %dma_start3A_512 = arith.constant 0 : i32
        %dma_start3A_513 = arith.constant 0 : i32
        %dma_start3A_514 = tpu.memref_slice %arg2[%dma_start3A_512, %dma_start3A_513] : memref<10000x32xf32, #tpu.memory_space<hbm>> -> memref<10000x32xf32, #tpu.memory_space<hbm>>
        tpu.enqueue_indirect_dma source(%dma_start3A_514 : memref<10000x32xf32, #tpu.memory_space<hbm>>) target(%dma_start3A_508 : memref<128x32xf32, #tpu.memory_space<vmem>>) offsets(%dma_start3A_511 : memref<128xi32, #tpu.memory_space<vmem>>) semaphore(%arg14 : memref<!tpu.dma_semaphore, #tpu.memory_space<semaphore_mem>>)
      } else {
      }
      %dma_wait3A_437 = arith.constant 6 : i32
      %dma_wait3A_438 = arith.constant 0 : i32
      %dma_wait3A_439 = arith.constant 0 : i32
      %dma_wait3A_440 = tpu.memref_slice %arg8[%dma_wait3A_437, %dma_wait3A_438, %dma_wait3A_439] : memref<8x128x32xf32, #tpu.memory_space<vmem>> -> memref<1x128x32xf32, #tpu.memory_space<vmem>>
      %dma_wait3A_441 = tpu.memref_squeeze %dma_wait3A_440 : memref<1x128x32xf32, #tpu.memory_space<vmem>> -> memref<128x32xf32, #tpu.memory_space<vmem>>
      %dma_wait3A_442 = arith.constant 0 : i32
      %dma_wait3A_443 = arith.constant 0 : i32
      %dma_wait3A_444 = tpu.memref_slice %arg2[%dma_wait3A_442, %dma_wait3A_443] : memref<10000x32xf32, #tpu.memory_space<hbm>> -> memref<128x32xf32, #tpu.memory_space<hbm>>
      %dma_wait3A_445 = arith.constant 0 : i32
      %dma_wait3A_446 = arith.constant 0 : i32
      %dma_wait3A_447 = tpu.memref_slice %arg8[%dma_wait3A_437, %dma_wait3A_445, %dma_wait3A_446] : memref<8x128x32xf32, #tpu.memory_space<vmem>> -> memref<1x128x32xf32, #tpu.memory_space<vmem>>
      %dma_wait3A_448 = tpu.memref_squeeze %dma_wait3A_447 : memref<1x128x32xf32, #tpu.memory_space<vmem>> -> memref<128x32xf32, #tpu.memory_space<vmem>>
      %dma_wait3A_449 = arith.constant 0 : i32
      %dma_wait3A_450 = arith.constant 0 : i32
      %dma_wait3A_451 = tpu.memref_slice %arg2[%dma_wait3A_449, %dma_wait3A_450] : memref<10000x32xf32, #tpu.memory_space<hbm>> -> memref<128x32xf32, #tpu.memory_space<hbm>>
      tpu.wait_dma2 semaphore(%arg16 : memref<!tpu.dma_semaphore, #tpu.memory_space<semaphore_mem>>) src(%dma_wait3A_451 : memref<128x32xf32, #tpu.memory_space<hbm>>) dst(%dma_wait3A_448 : memref<128x32xf32, #tpu.memory_space<vmem>>)
      %dma_start3A_452 = arith.constant 6 : i32
      %dma_start3A_453 = arith.constant 0 : i32
      %dma_start3A_454 = arith.constant 0 : i32
      %dma_start3A_455 = tpu.memref_slice %arg8[%dma_start3A_452, %dma_start3A_453, %dma_start3A_454] : memref<8x128x32xf32, #tpu.memory_space<vmem>> -> memref<1x128x32xf32, #tpu.memory_space<vmem>>
      %dma_start3A_456 = tpu.memref_squeeze %dma_start3A_455 : memref<1x128x32xf32, #tpu.memory_space<vmem>> -> memref<128x32xf32, #tpu.memory_space<vmem>>
      %dma_start3A_457 = arith.constant 0 : i32
      %dma_start3A_458 = tpu.memref_slice %arg7[%add3A_429, %dma_start3A_457] : memref<80x128xi32, #tpu.memory_space<vmem>> -> memref<1x128xi32, #tpu.memory_space<vmem>>
      %dma_start3A_459 = tpu.memref_squeeze %dma_start3A_458 : memref<1x128xi32, #tpu.memory_space<vmem>> -> memref<128xi32, #tpu.memory_space<vmem>>
      %dma_start3A_460 = arith.constant 0 : i32
      %dma_start3A_461 = arith.constant 0 : i32
      %dma_start3A_462 = tpu.memref_slice %arg26[%dma_start3A_460, %dma_start3A_461] : memref<10240x32xf32, #tpu.memory_space<vmem_shared>> -> memref<10240x32xf32, #tpu.memory_space<vmem_shared>>
      tpu.enqueue_indirect_dma source(%dma_start3A_456 : memref<128x32xf32, #tpu.memory_space<vmem>>) target(%dma_start3A_462 : memref<10240x32xf32, #tpu.memory_space<vmem_shared>>) offsets(%dma_start3A_459 : memref<128xi32, #tpu.memory_space<vmem>>) semaphore(%arg24 : memref<!tpu.dma_semaphore, #tpu.memory_space<semaphore_mem>>) {add = true}
      %mul3A_463 = arith.constant 8 : i32
      %mul3A_464 = arith.muli %scan3A_206, %mul3A_463 : i32
      %add3A_465 = arith.constant 7 : i32
      %add3A_466 = arith.addi %mul3A_464, %add3A_465 : i32
      %add3A_467 = arith.constant 6 : i32
      %add3A_468 = arith.addi %add3A_466, %add3A_467 : i32
      %lt3A_469 = arith.constant 80 : i32
      %lt3A_470 = arith.cmpi slt, %add3A_468, %lt3A_469 : i32
      %convert_element_type3A_471 = arith.extui %lt3A_470 : i1 to i32
      %cond3A_472 = arith.constant 0 : i32
      %cond3A_473 = arith.cmpi ne, %convert_element_type3A_471, %cond3A_472 : i32
      scf.if %cond3A_473 {
        %ge3A = arith.constant 8 : i32
        %ge3A_500 = arith.cmpi sge, %add3A_468, %ge3A : i32
        %convert_element_type3A_501 = arith.extui %ge3A_500 : i1 to i32
        %cond3A_502 = arith.constant 0 : i32
        %cond3A_503 = arith.cmpi ne, %convert_element_type3A_501, %cond3A_502 : i32
        scf.if %cond3A_503 {
          %dma_wait3A_515 = arith.constant 5 : i32
          %dma_wait3A_516 = arith.constant 0 : i32
          %dma_wait3A_517 = arith.constant 0 : i32
          %dma_wait3A_518 = tpu.memref_slice %arg8[%dma_wait3A_515, %dma_wait3A_516, %dma_wait3A_517] : memref<8x128x32xf32, #tpu.memory_space<vmem>> -> memref<1x128x32xf32, #tpu.memory_space<vmem>>
          %dma_wait3A_519 = tpu.memref_squeeze %dma_wait3A_518 : memref<1x128x32xf32, #tpu.memory_space<vmem>> -> memref<128x32xf32, #tpu.memory_space<vmem>>
          %dma_wait3A_520 = arith.constant 0 : i32
          %dma_wait3A_521 = arith.constant 0 : i32
          %dma_wait3A_522 = tpu.memref_slice %arg2[%dma_wait3A_520, %dma_wait3A_521] : memref<10000x32xf32, #tpu.memory_space<hbm>> -> memref<128x32xf32, #tpu.memory_space<hbm>>
          %dma_wait3A_523 = arith.constant 0 : i32
          %dma_wait3A_524 = arith.constant 0 : i32
          %dma_wait3A_525 = tpu.memref_slice %arg8[%dma_wait3A_515, %dma_wait3A_523, %dma_wait3A_524] : memref<8x128x32xf32, #tpu.memory_space<vmem>> -> memref<1x128x32xf32, #tpu.memory_space<vmem>>
          %dma_wait3A_526 = tpu.memref_squeeze %dma_wait3A_525 : memref<1x128x32xf32, #tpu.memory_space<vmem>> -> memref<128x32xf32, #tpu.memory_space<vmem>>
          %dma_wait3A_527 = arith.constant 0 : i32
          %dma_wait3A_528 = arith.constant 0 : i32
          %dma_wait3A_529 = tpu.memref_slice %arg2[%dma_wait3A_527, %dma_wait3A_528] : memref<10000x32xf32, #tpu.memory_space<hbm>> -> memref<128x32xf32, #tpu.memory_space<hbm>>
          tpu.wait_dma2 semaphore(%arg23 : memref<!tpu.dma_semaphore, #tpu.memory_space<semaphore_mem>>) src(%dma_wait3A_529 : memref<128x32xf32, #tpu.memory_space<hbm>>) dst(%dma_wait3A_526 : memref<128x32xf32, #tpu.memory_space<vmem>>)
        } else {
        }
        %dma_start3A_504 = arith.constant 5 : i32
        %dma_start3A_505 = arith.constant 0 : i32
        %dma_start3A_506 = arith.constant 0 : i32
        %dma_start3A_507 = tpu.memref_slice %arg8[%dma_start3A_504, %dma_start3A_505, %dma_start3A_506] : memref<8x128x32xf32, #tpu.memory_space<vmem>> -> memref<1x128x32xf32, #tpu.memory_space<vmem>>
        %dma_start3A_508 = tpu.memref_squeeze %dma_start3A_507 : memref<1x128x32xf32, #tpu.memory_space<vmem>> -> memref<128x32xf32, #tpu.memory_space<vmem>>
        %dma_start3A_509 = arith.constant 0 : i32
        %dma_start3A_510 = tpu.memref_slice %arg6[%add3A_468, %dma_start3A_509] : memref<80x128xi32, #tpu.memory_space<vmem>> -> memref<1x128xi32, #tpu.memory_space<vmem>>
        %dma_start3A_511 = tpu.memref_squeeze %dma_start3A_510 : memref<1x128xi32, #tpu.memory_space<vmem>> -> memref<128xi32, #tpu.memory_space<vmem>>
        %dma_start3A_512 = arith.constant 0 : i32
        %dma_start3A_513 = arith.constant 0 : i32
        %dma_start3A_514 = tpu.memref_slice %arg2[%dma_start3A_512, %dma_start3A_513] : memref<10000x32xf32, #tpu.memory_space<hbm>> -> memref<10000x32xf32, #tpu.memory_space<hbm>>
        tpu.enqueue_indirect_dma source(%dma_start3A_514 : memref<10000x32xf32, #tpu.memory_space<hbm>>) target(%dma_start3A_508 : memref<128x32xf32, #tpu.memory_space<vmem>>) offsets(%dma_start3A_511 : memref<128xi32, #tpu.memory_space<vmem>>) semaphore(%arg15 : memref<!tpu.dma_semaphore, #tpu.memory_space<semaphore_mem>>)
      } else {
      }
      %dma_wait3A_474 = arith.constant 7 : i32
      %dma_wait3A_475 = arith.constant 0 : i32
      %dma_wait3A_476 = arith.constant 0 : i32
      %dma_wait3A_477 = tpu.memref_slice %arg8[%dma_wait3A_474, %dma_wait3A_475, %dma_wait3A_476] : memref<8x128x32xf32, #tpu.memory_space<vmem>> -> memref<1x128x32xf32, #tpu.memory_space<vmem>>
      %dma_wait3A_478 = tpu.memref_squeeze %dma_wait3A_477 : memref<1x128x32xf32, #tpu.memory_space<vmem>> -> memref<128x32xf32, #tpu.memory_space<vmem>>
      %dma_wait3A_479 = arith.constant 0 : i32
      %dma_wait3A_480 = arith.constant 0 : i32
      %dma_wait3A_481 = tpu.memref_slice %arg2[%dma_wait3A_479, %dma_wait3A_480] : memref<10000x32xf32, #tpu.memory_space<hbm>> -> memref<128x32xf32, #tpu.memory_space<hbm>>
      %dma_wait3A_482 = arith.constant 0 : i32
      %dma_wait3A_483 = arith.constant 0 : i32
      %dma_wait3A_484 = tpu.memref_slice %arg8[%dma_wait3A_474, %dma_wait3A_482, %dma_wait3A_483] : memref<8x128x32xf32, #tpu.memory_space<vmem>> -> memref<1x128x32xf32, #tpu.memory_space<vmem>>
      %dma_wait3A_485 = tpu.memref_squeeze %dma_wait3A_484 : memref<1x128x32xf32, #tpu.memory_space<vmem>> -> memref<128x32xf32, #tpu.memory_space<vmem>>
      %dma_wait3A_486 = arith.constant 0 : i32
      %dma_wait3A_487 = arith.constant 0 : i32
      %dma_wait3A_488 = tpu.memref_slice %arg2[%dma_wait3A_486, %dma_wait3A_487] : memref<10000x32xf32, #tpu.memory_space<hbm>> -> memref<128x32xf32, #tpu.memory_space<hbm>>
      tpu.wait_dma2 semaphore(%arg17 : memref<!tpu.dma_semaphore, #tpu.memory_space<semaphore_mem>>) src(%dma_wait3A_488 : memref<128x32xf32, #tpu.memory_space<hbm>>) dst(%dma_wait3A_485 : memref<128x32xf32, #tpu.memory_space<vmem>>)
      %dma_start3A_489 = arith.constant 7 : i32
      %dma_start3A_490 = arith.constant 0 : i32
      %dma_start3A_491 = arith.constant 0 : i32
      %dma_start3A_492 = tpu.memref_slice %arg8[%dma_start3A_489, %dma_start3A_490, %dma_start3A_491] : memref<8x128x32xf32, #tpu.memory_space<vmem>> -> memref<1x128x32xf32, #tpu.memory_space<vmem>>
      %dma_start3A_493 = tpu.memref_squeeze %dma_start3A_492 : memref<1x128x32xf32, #tpu.memory_space<vmem>> -> memref<128x32xf32, #tpu.memory_space<vmem>>
      %dma_start3A_494 = arith.constant 0 : i32
      %dma_start3A_495 = tpu.memref_slice %arg7[%add3A_466, %dma_start3A_494] : memref<80x128xi32, #tpu.memory_space<vmem>> -> memref<1x128xi32, #tpu.memory_space<vmem>>
      %dma_start3A_496 = tpu.memref_squeeze %dma_start3A_495 : memref<1x128xi32, #tpu.memory_space<vmem>> -> memref<128xi32, #tpu.memory_space<vmem>>
      %dma_start3A_497 = arith.constant 0 : i32
      %dma_start3A_498 = arith.constant 0 : i32
      %dma_start3A_499 = tpu.memref_slice %arg26[%dma_start3A_497, %dma_start3A_498] : memref<10240x32xf32, #tpu.memory_space<vmem_shared>> -> memref<10240x32xf32, #tpu.memory_space<vmem_shared>>
      tpu.enqueue_indirect_dma source(%dma_start3A_493 : memref<128x32xf32, #tpu.memory_space<vmem>>) target(%dma_start3A_499 : memref<10240x32xf32, #tpu.memory_space<vmem_shared>>) offsets(%dma_start3A_496 : memref<128xi32, #tpu.memory_space<vmem>>) semaphore(%arg25 : memref<!tpu.dma_semaphore, #tpu.memory_space<semaphore_mem>>) {add = true}
    }
    %scan3A_81 = arith.constant 10 : i32
    %dma_wait3A = arith.constant 0 : i32
    %dma_wait3A_82 = arith.constant 0 : i32
    %dma_wait3A_83 = arith.constant 0 : i32
    %dma_wait3A_84 = tpu.memref_slice %arg8[%dma_wait3A, %dma_wait3A_82, %dma_wait3A_83] : memref<8x128x32xf32, #tpu.memory_space<vmem>> -> memref<1x128x32xf32, #tpu.memory_space<vmem>>
    %dma_wait3A_85 = tpu.memref_squeeze %dma_wait3A_84 : memref<1x128x32xf32, #tpu.memory_space<vmem>> -> memref<128x32xf32, #tpu.memory_space<vmem>>
    %dma_wait3A_86 = arith.constant 0 : i32
    %dma_wait3A_87 = arith.constant 0 : i32
    %dma_wait3A_88 = tpu.memref_slice %arg2[%dma_wait3A_86, %dma_wait3A_87] : memref<10000x32xf32, #tpu.memory_space<hbm>> -> memref<128x32xf32, #tpu.memory_space<hbm>>
    %dma_wait3A_89 = arith.constant 0 : i32
    %dma_wait3A_90 = arith.constant 0 : i32
    %dma_wait3A_91 = tpu.memref_slice %arg8[%dma_wait3A, %dma_wait3A_89, %dma_wait3A_90] : memref<8x128x32xf32, #tpu.memory_space<vmem>> -> memref<1x128x32xf32, #tpu.memory_space<vmem>>
    %dma_wait3A_92 = tpu.memref_squeeze %dma_wait3A_91 : memref<1x128x32xf32, #tpu.memory_space<vmem>> -> memref<128x32xf32, #tpu.memory_space<vmem>>
    %dma_wait3A_93 = arith.constant 0 : i32
    %dma_wait3A_94 = arith.constant 0 : i32
    %dma_wait3A_95 = tpu.memref_slice %arg2[%dma_wait3A_93, %dma_wait3A_94] : memref<10000x32xf32, #tpu.memory_space<hbm>> -> memref<128x32xf32, #tpu.memory_space<hbm>>
    tpu.wait_dma2 semaphore(%arg18 : memref<!tpu.dma_semaphore, #tpu.memory_space<semaphore_mem>>) src(%dma_wait3A_95 : memref<128x32xf32, #tpu.memory_space<hbm>>) dst(%dma_wait3A_92 : memref<128x32xf32, #tpu.memory_space<vmem>>)
    %dma_wait3A_96 = arith.constant 1 : i32
    %dma_wait3A_97 = arith.constant 0 : i32
    %dma_wait3A_98 = arith.constant 0 : i32
    %dma_wait3A_99 = tpu.memref_slice %arg8[%dma_wait3A_96, %dma_wait3A_97, %dma_wait3A_98] : memref<8x128x32xf32, #tpu.memory_space<vmem>> -> memref<1x128x32xf32, #tpu.memory_space<vmem>>
    %dma_wait3A_100 = tpu.memref_squeeze %dma_wait3A_99 : memref<1x128x32xf32, #tpu.memory_space<vmem>> -> memref<128x32xf32, #tpu.memory_space<vmem>>
    %dma_wait3A_101 = arith.constant 0 : i32
    %dma_wait3A_102 = arith.constant 0 : i32
    %dma_wait3A_103 = tpu.memref_slice %arg2[%dma_wait3A_101, %dma_wait3A_102] : memref<10000x32xf32, #tpu.memory_space<hbm>> -> memref<128x32xf32, #tpu.memory_space<hbm>>
    %dma_wait3A_104 = arith.constant 0 : i32
    %dma_wait3A_105 = arith.constant 0 : i32
    %dma_wait3A_106 = tpu.memref_slice %arg8[%dma_wait3A_96, %dma_wait3A_104, %dma_wait3A_105] : memref<8x128x32xf32, #tpu.memory_space<vmem>> -> memref<1x128x32xf32, #tpu.memory_space<vmem>>
    %dma_wait3A_107 = tpu.memref_squeeze %dma_wait3A_106 : memref<1x128x32xf32, #tpu.memory_space<vmem>> -> memref<128x32xf32, #tpu.memory_space<vmem>>
    %dma_wait3A_108 = arith.constant 0 : i32
    %dma_wait3A_109 = arith.constant 0 : i32
    %dma_wait3A_110 = tpu.memref_slice %arg2[%dma_wait3A_108, %dma_wait3A_109] : memref<10000x32xf32, #tpu.memory_space<hbm>> -> memref<128x32xf32, #tpu.memory_space<hbm>>
    tpu.wait_dma2 semaphore(%arg19 : memref<!tpu.dma_semaphore, #tpu.memory_space<semaphore_mem>>) src(%dma_wait3A_110 : memref<128x32xf32, #tpu.memory_space<hbm>>) dst(%dma_wait3A_107 : memref<128x32xf32, #tpu.memory_space<vmem>>)
    %dma_wait3A_111 = arith.constant 2 : i32
    %dma_wait3A_112 = arith.constant 0 : i32
    %dma_wait3A_113 = arith.constant 0 : i32
    %dma_wait3A_114 = tpu.memref_slice %arg8[%dma_wait3A_111, %dma_wait3A_112, %dma_wait3A_113] : memref<8x128x32xf32, #tpu.memory_space<vmem>> -> memref<1x128x32xf32, #tpu.memory_space<vmem>>
    %dma_wait3A_115 = tpu.memref_squeeze %dma_wait3A_114 : memref<1x128x32xf32, #tpu.memory_space<vmem>> -> memref<128x32xf32, #tpu.memory_space<vmem>>
    %dma_wait3A_116 = arith.constant 0 : i32
    %dma_wait3A_117 = arith.constant 0 : i32
    %dma_wait3A_118 = tpu.memref_slice %arg2[%dma_wait3A_116, %dma_wait3A_117] : memref<10000x32xf32, #tpu.memory_space<hbm>> -> memref<128x32xf32, #tpu.memory_space<hbm>>
    %dma_wait3A_119 = arith.constant 0 : i32
    %dma_wait3A_120 = arith.constant 0 : i32
    %dma_wait3A_121 = tpu.memref_slice %arg8[%dma_wait3A_111, %dma_wait3A_119, %dma_wait3A_120] : memref<8x128x32xf32, #tpu.memory_space<vmem>> -> memref<1x128x32xf32, #tpu.memory_space<vmem>>
    %dma_wait3A_122 = tpu.memref_squeeze %dma_wait3A_121 : memref<1x128x32xf32, #tpu.memory_space<vmem>> -> memref<128x32xf32, #tpu.memory_space<vmem>>
    %dma_wait3A_123 = arith.constant 0 : i32
    %dma_wait3A_124 = arith.constant 0 : i32
    %dma_wait3A_125 = tpu.memref_slice %arg2[%dma_wait3A_123, %dma_wait3A_124] : memref<10000x32xf32, #tpu.memory_space<hbm>> -> memref<128x32xf32, #tpu.memory_space<hbm>>
    tpu.wait_dma2 semaphore(%arg20 : memref<!tpu.dma_semaphore, #tpu.memory_space<semaphore_mem>>) src(%dma_wait3A_125 : memref<128x32xf32, #tpu.memory_space<hbm>>) dst(%dma_wait3A_122 : memref<128x32xf32, #tpu.memory_space<vmem>>)
    %dma_wait3A_126 = arith.constant 3 : i32
    %dma_wait3A_127 = arith.constant 0 : i32
    %dma_wait3A_128 = arith.constant 0 : i32
    %dma_wait3A_129 = tpu.memref_slice %arg8[%dma_wait3A_126, %dma_wait3A_127, %dma_wait3A_128] : memref<8x128x32xf32, #tpu.memory_space<vmem>> -> memref<1x128x32xf32, #tpu.memory_space<vmem>>
    %dma_wait3A_130 = tpu.memref_squeeze %dma_wait3A_129 : memref<1x128x32xf32, #tpu.memory_space<vmem>> -> memref<128x32xf32, #tpu.memory_space<vmem>>
    %dma_wait3A_131 = arith.constant 0 : i32
    %dma_wait3A_132 = arith.constant 0 : i32
    %dma_wait3A_133 = tpu.memref_slice %arg2[%dma_wait3A_131, %dma_wait3A_132] : memref<10000x32xf32, #tpu.memory_space<hbm>> -> memref<128x32xf32, #tpu.memory_space<hbm>>
    %dma_wait3A_134 = arith.constant 0 : i32
    %dma_wait3A_135 = arith.constant 0 : i32
    %dma_wait3A_136 = tpu.memref_slice %arg8[%dma_wait3A_126, %dma_wait3A_134, %dma_wait3A_135] : memref<8x128x32xf32, #tpu.memory_space<vmem>> -> memref<1x128x32xf32, #tpu.memory_space<vmem>>
    %dma_wait3A_137 = tpu.memref_squeeze %dma_wait3A_136 : memref<1x128x32xf32, #tpu.memory_space<vmem>> -> memref<128x32xf32, #tpu.memory_space<vmem>>
    %dma_wait3A_138 = arith.constant 0 : i32
    %dma_wait3A_139 = arith.constant 0 : i32
    %dma_wait3A_140 = tpu.memref_slice %arg2[%dma_wait3A_138, %dma_wait3A_139] : memref<10000x32xf32, #tpu.memory_space<hbm>> -> memref<128x32xf32, #tpu.memory_space<hbm>>
    tpu.wait_dma2 semaphore(%arg21 : memref<!tpu.dma_semaphore, #tpu.memory_space<semaphore_mem>>) src(%dma_wait3A_140 : memref<128x32xf32, #tpu.memory_space<hbm>>) dst(%dma_wait3A_137 : memref<128x32xf32, #tpu.memory_space<vmem>>)
    %dma_wait3A_141 = arith.constant 4 : i32
    %dma_wait3A_142 = arith.constant 0 : i32
    %dma_wait3A_143 = arith.constant 0 : i32
    %dma_wait3A_144 = tpu.memref_slice %arg8[%dma_wait3A_141, %dma_wait3A_142, %dma_wait3A_143] : memref<8x128x32xf32, #tpu.memory_space<vmem>> -> memref<1x128x32xf32, #tpu.memory_space<vmem>>
    %dma_wait3A_145 = tpu.memref_squeeze %dma_wait3A_144 : memref<1x128x32xf32, #tpu.memory_space<vmem>> -> memref<128x32xf32, #tpu.memory_space<vmem>>
    %dma_wait3A_146 = arith.constant 0 : i32
    %dma_wait3A_147 = arith.constant 0 : i32
    %dma_wait3A_148 = tpu.memref_slice %arg2[%dma_wait3A_146, %dma_wait3A_147] : memref<10000x32xf32, #tpu.memory_space<hbm>> -> memref<128x32xf32, #tpu.memory_space<hbm>>
    %dma_wait3A_149 = arith.constant 0 : i32
    %dma_wait3A_150 = arith.constant 0 : i32
    %dma_wait3A_151 = tpu.memref_slice %arg8[%dma_wait3A_141, %dma_wait3A_149, %dma_wait3A_150] : memref<8x128x32xf32, #tpu.memory_space<vmem>> -> memref<1x128x32xf32, #tpu.memory_space<vmem>>
    %dma_wait3A_152 = tpu.memref_squeeze %dma_wait3A_151 : memref<1x128x32xf32, #tpu.memory_space<vmem>> -> memref<128x32xf32, #tpu.memory_space<vmem>>
    %dma_wait3A_153 = arith.constant 0 : i32
    %dma_wait3A_154 = arith.constant 0 : i32
    %dma_wait3A_155 = tpu.memref_slice %arg2[%dma_wait3A_153, %dma_wait3A_154] : memref<10000x32xf32, #tpu.memory_space<hbm>> -> memref<128x32xf32, #tpu.memory_space<hbm>>
    tpu.wait_dma2 semaphore(%arg22 : memref<!tpu.dma_semaphore, #tpu.memory_space<semaphore_mem>>) src(%dma_wait3A_155 : memref<128x32xf32, #tpu.memory_space<hbm>>) dst(%dma_wait3A_152 : memref<128x32xf32, #tpu.memory_space<vmem>>)
    %dma_wait3A_156 = arith.constant 5 : i32
    %dma_wait3A_157 = arith.constant 0 : i32
    %dma_wait3A_158 = arith.constant 0 : i32
    %dma_wait3A_159 = tpu.memref_slice %arg8[%dma_wait3A_156, %dma_wait3A_157, %dma_wait3A_158] : memref<8x128x32xf32, #tpu.memory_space<vmem>> -> memref<1x128x32xf32, #tpu.memory_space<vmem>>
    %dma_wait3A_160 = tpu.memref_squeeze %dma_wait3A_159 : memref<1x128x32xf32, #tpu.memory_space<vmem>> -> memref<128x32xf32, #tpu.memory_space<vmem>>
    %dma_wait3A_161 = arith.constant 0 : i32
    %dma_wait3A_162 = arith.constant 0 : i32
    %dma_wait3A_163 = tpu.memref_slice %arg2[%dma_wait3A_161, %dma_wait3A_162] : memref<10000x32xf32, #tpu.memory_space<hbm>> -> memref<128x32xf32, #tpu.memory_space<hbm>>
    %dma_wait3A_164 = arith.constant 0 : i32
    %dma_wait3A_165 = arith.constant 0 : i32
    %dma_wait3A_166 = tpu.memref_slice %arg8[%dma_wait3A_156, %dma_wait3A_164, %dma_wait3A_165] : memref<8x128x32xf32, #tpu.memory_space<vmem>> -> memref<1x128x32xf32, #tpu.memory_space<vmem>>
    %dma_wait3A_167 = tpu.memref_squeeze %dma_wait3A_166 : memref<1x128x32xf32, #tpu.memory_space<vmem>> -> memref<128x32xf32, #tpu.memory_space<vmem>>
    %dma_wait3A_168 = arith.constant 0 : i32
    %dma_wait3A_169 = arith.constant 0 : i32
    %dma_wait3A_170 = tpu.memref_slice %arg2[%dma_wait3A_168, %dma_wait3A_169] : memref<10000x32xf32, #tpu.memory_space<hbm>> -> memref<128x32xf32, #tpu.memory_space<hbm>>
    tpu.wait_dma2 semaphore(%arg23 : memref<!tpu.dma_semaphore, #tpu.memory_space<semaphore_mem>>) src(%dma_wait3A_170 : memref<128x32xf32, #tpu.memory_space<hbm>>) dst(%dma_wait3A_167 : memref<128x32xf32, #tpu.memory_space<vmem>>)
    %dma_wait3A_171 = arith.constant 6 : i32
    %dma_wait3A_172 = arith.constant 0 : i32
    %dma_wait3A_173 = arith.constant 0 : i32
    %dma_wait3A_174 = tpu.memref_slice %arg8[%dma_wait3A_171, %dma_wait3A_172, %dma_wait3A_173] : memref<8x128x32xf32, #tpu.memory_space<vmem>> -> memref<1x128x32xf32, #tpu.memory_space<vmem>>
    %dma_wait3A_175 = tpu.memref_squeeze %dma_wait3A_174 : memref<1x128x32xf32, #tpu.memory_space<vmem>> -> memref<128x32xf32, #tpu.memory_space<vmem>>
    %dma_wait3A_176 = arith.constant 0 : i32
    %dma_wait3A_177 = arith.constant 0 : i32
    %dma_wait3A_178 = tpu.memref_slice %arg2[%dma_wait3A_176, %dma_wait3A_177] : memref<10000x32xf32, #tpu.memory_space<hbm>> -> memref<128x32xf32, #tpu.memory_space<hbm>>
    %dma_wait3A_179 = arith.constant 0 : i32
    %dma_wait3A_180 = arith.constant 0 : i32
    %dma_wait3A_181 = tpu.memref_slice %arg8[%dma_wait3A_171, %dma_wait3A_179, %dma_wait3A_180] : memref<8x128x32xf32, #tpu.memory_space<vmem>> -> memref<1x128x32xf32, #tpu.memory_space<vmem>>
    %dma_wait3A_182 = tpu.memref_squeeze %dma_wait3A_181 : memref<1x128x32xf32, #tpu.memory_space<vmem>> -> memref<128x32xf32, #tpu.memory_space<vmem>>
    %dma_wait3A_183 = arith.constant 0 : i32
    %dma_wait3A_184 = arith.constant 0 : i32
    %dma_wait3A_185 = tpu.memref_slice %arg2[%dma_wait3A_183, %dma_wait3A_184] : memref<10000x32xf32, #tpu.memory_space<hbm>> -> memref<128x32xf32, #tpu.memory_space<hbm>>
    tpu.wait_dma2 semaphore(%arg24 : memref<!tpu.dma_semaphore, #tpu.memory_space<semaphore_mem>>) src(%dma_wait3A_185 : memref<128x32xf32, #tpu.memory_space<hbm>>) dst(%dma_wait3A_182 : memref<128x32xf32, #tpu.memory_space<vmem>>)
    %dma_wait3A_186 = arith.constant 7 : i32
    %dma_wait3A_187 = arith.constant 0 : i32
    %dma_wait3A_188 = arith.constant 0 : i32
    %dma_wait3A_189 = tpu.memref_slice %arg8[%dma_wait3A_186, %dma_wait3A_187, %dma_wait3A_188] : memref<8x128x32xf32, #tpu.memory_space<vmem>> -> memref<1x128x32xf32, #tpu.memory_space<vmem>>
    %dma_wait3A_190 = tpu.memref_squeeze %dma_wait3A_189 : memref<1x128x32xf32, #tpu.memory_space<vmem>> -> memref<128x32xf32, #tpu.memory_space<vmem>>
    %dma_wait3A_191 = arith.constant 0 : i32
    %dma_wait3A_192 = arith.constant 0 : i32
    %dma_wait3A_193 = tpu.memref_slice %arg2[%dma_wait3A_191, %dma_wait3A_192] : memref<10000x32xf32, #tpu.memory_space<hbm>> -> memref<128x32xf32, #tpu.memory_space<hbm>>
    %dma_wait3A_194 = arith.constant 0 : i32
    %dma_wait3A_195 = arith.constant 0 : i32
    %dma_wait3A_196 = tpu.memref_slice %arg8[%dma_wait3A_186, %dma_wait3A_194, %dma_wait3A_195] : memref<8x128x32xf32, #tpu.memory_space<vmem>> -> memref<1x128x32xf32, #tpu.memory_space<vmem>>
    %dma_wait3A_197 = tpu.memref_squeeze %dma_wait3A_196 : memref<1x128x32xf32, #tpu.memory_space<vmem>> -> memref<128x32xf32, #tpu.memory_space<vmem>>
    %dma_wait3A_198 = arith.constant 0 : i32
    %dma_wait3A_199 = arith.constant 0 : i32
    %dma_wait3A_200 = tpu.memref_slice %arg2[%dma_wait3A_198, %dma_wait3A_199] : memref<10000x32xf32, #tpu.memory_space<hbm>> -> memref<128x32xf32, #tpu.memory_space<hbm>>
    tpu.wait_dma2 semaphore(%arg25 : memref<!tpu.dma_semaphore, #tpu.memory_space<semaphore_mem>>) src(%dma_wait3A_200 : memref<128x32xf32, #tpu.memory_space<hbm>>) dst(%dma_wait3A_197 : memref<128x32xf32, #tpu.memory_space<vmem>>)
    %barrier3A_201 = arith.constant 0 : index
    tpu.barrier barrier_id(%barrier3A_201)
    %mul3A_202 = arith.constant 640 : i32
    %mul3A_203 = arith.muli %arg1, %mul3A_202 : i32
    "tpu.region"() ({
      %run_scoped3A_206 = tpu.sem_alloc : memref<!tpu.dma_semaphore, #tpu.memory_space<semaphore_mem>>
      %dma_start3A_207 = arith.constant 0 : i32
      %dma_start3A_208 = tpu.memref_slice %arg26[%mul3A_203, %dma_start3A_207] : memref<10240x32xf32, #tpu.memory_space<vmem_shared>> -> memref<640x32xf32, #tpu.memory_space<vmem_shared>>
      %dma_start3A_209 = arith.constant 0 : i32
      %dma_start3A_210 = tpu.memref_slice %arg26[%mul3A_203, %dma_start3A_209] : memref<10240x32xf32, #tpu.memory_space<vmem_shared>> -> memref<640x32xf32, #tpu.memory_space<vmem_shared>>
      tpu.enqueue_dma source(%dma_start3A_210 : memref<640x32xf32, #tpu.memory_space<vmem_shared>>) target(%arg9 : memref<640x32xf32, #tpu.memory_space<vmem>>) target_semaphore(%run_scoped3A_206 : memref<!tpu.dma_semaphore, #tpu.memory_space<semaphore_mem>>)
      %dma_wait3A_211 = arith.constant 0 : i32
      %dma_wait3A_212 = tpu.memref_slice %arg26[%mul3A_203, %dma_wait3A_211] : memref<10240x32xf32, #tpu.memory_space<vmem_shared>> -> memref<640x32xf32, #tpu.memory_space<vmem_shared>>
      %dma_wait3A_213 = arith.constant 0 : i32
      %dma_wait3A_214 = tpu.memref_slice %arg26[%mul3A_203, %dma_wait3A_213] : memref<10240x32xf32, #tpu.memory_space<vmem_shared>> -> memref<640x32xf32, #tpu.memory_space<vmem_shared>>
      tpu.wait_dma2 semaphore(%run_scoped3A_206 : memref<!tpu.dma_semaphore, #tpu.memory_space<semaphore_mem>>) src(%dma_wait3A_214 : memref<640x32xf32, #tpu.memory_space<vmem_shared>>) dst(%arg9 : memref<640x32xf32, #tpu.memory_space<vmem>>)
      tpu.yield
    }) : () -> ()
    %mul3A_204 = arith.constant 640 : i32
    %mul3A_205 = arith.muli %arg1, %mul3A_204 : i32
    "tpu.region"() ({
      %run_scoped3A_206 = tpu.sem_alloc : memref<!tpu.dma_semaphore, #tpu.memory_space<semaphore_mem>>
      %dma_start3A_207 = arith.constant 0 : i32
      %dma_start3A_208 = tpu.memref_slice %arg5[%arg0, %mul3A_205, %dma_start3A_207] : memref<2x10240x32xf32, #tpu.memory_space<hbm>> -> memref<1x640x32xf32, #tpu.memory_space<hbm>>
      %dma_start3A_209 = tpu.memref_squeeze %dma_start3A_208 : memref<1x640x32xf32, #tpu.memory_space<hbm>> -> memref<640x32xf32, #tpu.memory_space<hbm>>
      %dma_start3A_210 = arith.constant 0 : i32
      %dma_start3A_211 = tpu.memref_slice %arg5[%arg0, %mul3A_205, %dma_start3A_210] : memref<2x10240x32xf32, #tpu.memory_space<hbm>> -> memref<1x640x32xf32, #tpu.memory_space<hbm>>
      %dma_start3A_212 = tpu.memref_squeeze %dma_start3A_211 : memref<1x640x32xf32, #tpu.memory_space<hbm>> -> memref<640x32xf32, #tpu.memory_space<hbm>>
      tpu.enqueue_dma source(%arg9 : memref<640x32xf32, #tpu.memory_space<vmem>>) target(%dma_start3A_212 : memref<640x32xf32, #tpu.memory_space<hbm>>) target_semaphore(%run_scoped3A_206 : memref<!tpu.dma_semaphore, #tpu.memory_space<semaphore_mem>>)
      %dma_wait3A_213 = arith.constant 0 : i32
      %dma_wait3A_214 = tpu.memref_slice %arg5[%arg0, %mul3A_205, %dma_wait3A_213] : memref<2x10240x32xf32, #tpu.memory_space<hbm>> -> memref<1x640x32xf32, #tpu.memory_space<hbm>>
      %dma_wait3A_215 = tpu.memref_squeeze %dma_wait3A_214 : memref<1x640x32xf32, #tpu.memory_space<hbm>> -> memref<640x32xf32, #tpu.memory_space<hbm>>
      %dma_wait3A_216 = arith.constant 0 : i32
      %dma_wait3A_217 = tpu.memref_slice %arg5[%arg0, %mul3A_205, %dma_wait3A_216] : memref<2x10240x32xf32, #tpu.memory_space<hbm>> -> memref<1x640x32xf32, #tpu.memory_space<hbm>>
      %dma_wait3A_218 = tpu.memref_squeeze %dma_wait3A_217 : memref<1x640x32xf32, #tpu.memory_space<hbm>> -> memref<640x32xf32, #tpu.memory_space<hbm>>
      tpu.wait_dma2 semaphore(%run_scoped3A_206 : memref<!tpu.dma_semaphore, #tpu.memory_space<semaphore_mem>>) src(%arg9 : memref<640x32xf32, #tpu.memory_space<vmem>>) dst(%dma_wait3A_218 : memref<640x32xf32, #tpu.memory_space<hbm>>)
      tpu.yield
    }) : () -> ()
    return
  }
}

#map = affine_map<(d0, d1) -> (0, 0)>
#map1 = affine_map<(d0, d1) -> (0, 0, 0, 0)>
#map2 = affine_map<(d0, d1) -> (0, 0, 0)>
module attributes {stable_mosaic.version = 14 : i64} {
  func.func @agg_kernel(%arg0: i32, %arg1: i32, %arg2: memref<10000x32xf32, #tpu.memory_space<hbm>>, %arg3: memref<2x32x80x128xi32, #tpu.memory_space<hbm>>, %arg4: memref<10240x32xf32, #tpu.memory_space<hbm>>, %arg5: memref<2x10240x32xf32, #tpu.memory_space<hbm>>, %arg6: memref<80x128xi32, #tpu.memory_space<vmem>>, %arg7: memref<80x128xi32, #tpu.memory_space<vmem>>, %arg8: memref<8x128x32xf32, #tpu.memory_space<vmem>>, %arg9: memref<640x32xf32, #tpu.memory_space<vmem>>, %arg10: memref<!tpu.dma_semaphore, #tpu.memory_space<semaphore_mem>>, %arg11: memref<!tpu.dma_semaphore, #tpu.memory_space<semaphore_mem>>, %arg12: memref<!tpu.dma_semaphore, #tpu.memory_space<semaphore_mem>>, %arg13: memref<!tpu.dma_semaphore, #tpu.memory_space<semaphore_mem>>, %arg14: memref<!tpu.dma_semaphore, #tpu.memory_space<semaphore_mem>>, %arg15: memref<!tpu.dma_semaphore, #tpu.memory_space<semaphore_mem>>, %arg16: memref<!tpu.dma_semaphore, #tpu.memory_space<semaphore_mem>>, %arg17: memref<!tpu.dma_semaphore, #tpu.memory_space<semaphore_mem>>, %arg18: memref<!tpu.dma_semaphore, #tpu.memory_space<semaphore_mem>>, %arg19: memref<!tpu.dma_semaphore, #tpu.memory_space<semaphore_mem>>, %arg20: memref<!tpu.dma_semaphore, #tpu.memory_space<semaphore_mem>>, %arg21: memref<!tpu.dma_semaphore, #tpu.memory_space<semaphore_mem>>, %arg22: memref<!tpu.dma_semaphore, #tpu.memory_space<semaphore_mem>>, %arg23: memref<!tpu.dma_semaphore, #tpu.memory_space<semaphore_mem>>, %arg24: memref<!tpu.dma_semaphore, #tpu.memory_space<semaphore_mem>>, %arg25: memref<!tpu.dma_semaphore, #tpu.memory_space<semaphore_mem>>, %arg26: memref<10240x32xf32, #tpu.memory_space<vmem_shared>>) attributes {dimension_semantics = [#tpu.dimension_semantics<core_parallel>, #tpu.dimension_semantics<subcore_parallel>], iteration_bounds = array<i64: 2, 16>, scalar_prefetch = 0 : i64, scratch_operands = 21 : i64, tpu.core_type = #tpu.core_type<sc_vector_subcore>, window_params = [{transform_indices = #map}, {transform_indices = #map1}, {transform_indices = #map}, {transform_indices = #map2}]} {
    %mul3A = arith.constant 16 : i32
    %mul3A_0 = arith.muli %arg0, %mul3A : i32
    %add3A = arith.addi %mul3A_0, %arg1 : i32
    %mul3A_1 = arith.constant 640 : i32
    %mul3A_2 = arith.muli %arg1, %mul3A_1 : i32
    "tpu.region"() ({
      %run_scoped3A_206 = tpu.sem_alloc : memref<!tpu.dma_semaphore, #tpu.memory_space<semaphore_mem>>
      %dma_start3A_207 = arith.constant 0 : i32
      %dma_start3A_208 = tpu.memref_slice %arg4[%mul3A_2, %dma_start3A_207] : memref<10240x32xf32, #tpu.memory_space<hbm>> -> memref<640x32xf32, #tpu.memory_space<hbm>>
      %dma_start3A_209 = arith.constant 0 : i32
      %dma_start3A_210 = tpu.memref_slice %arg4[%mul3A_2, %dma_start3A_209] : memref<10240x32xf32, #tpu.memory_space<hbm>> -> memref<640x32xf32, #tpu.memory_space<hbm>>
      tpu.enqueue_dma source(%dma_start3A_210 : memref<640x32xf32, #tpu.memory_space<hbm>>) target(%arg9 : memref<640x32xf32, #tpu.memory_space<vmem>>) target_semaphore(%run_scoped3A_206 : memref<!tpu.dma_semaphore, #tpu.memory_space<semaphore_mem>>)
      %dma_wait3A_211 = arith.constant 0 : i32
      %dma_wait3A_212 = tpu.memref_slice %arg4[%mul3A_2, %dma_wait3A_211] : memref<10240x32xf32, #tpu.memory_space<hbm>> -> memref<640x32xf32, #tpu.memory_space<hbm>>
      %dma_wait3A_213 = arith.constant 0 : i32
      %dma_wait3A_214 = tpu.memref_slice %arg4[%mul3A_2, %dma_wait3A_213] : memref<10240x32xf32, #tpu.memory_space<hbm>> -> memref<640x32xf32, #tpu.memory_space<hbm>>
      tpu.wait_dma2 semaphore(%run_scoped3A_206 : memref<!tpu.dma_semaphore, #tpu.memory_space<semaphore_mem>>) src(%dma_wait3A_214 : memref<640x32xf32, #tpu.memory_space<hbm>>) dst(%arg9 : memref<640x32xf32, #tpu.memory_space<vmem>>)
      tpu.yield
    }) : () -> ()
    %mul3A_3 = arith.constant 640 : i32
    %mul3A_4 = arith.muli %arg1, %mul3A_3 : i32
    "tpu.region"() ({
      %run_scoped3A_206 = tpu.sem_alloc : memref<!tpu.dma_semaphore, #tpu.memory_space<semaphore_mem>>
      %dma_start3A_207 = arith.constant 0 : i32
      %dma_start3A_208 = tpu.memref_slice %arg26[%mul3A_4, %dma_start3A_207] : memref<10240x32xf32, #tpu.memory_space<vmem_shared>> -> memref<640x32xf32, #tpu.memory_space<vmem_shared>>
      %dma_start3A_209 = arith.constant 0 : i32
      %dma_start3A_210 = tpu.memref_slice %arg26[%mul3A_4, %dma_start3A_209] : memref<10240x32xf32, #tpu.memory_space<vmem_shared>> -> memref<640x32xf32, #tpu.memory_space<vmem_shared>>
      tpu.enqueue_dma source(%arg9 : memref<640x32xf32, #tpu.memory_space<vmem>>) target(%dma_start3A_210 : memref<640x32xf32, #tpu.memory_space<vmem_shared>>) target_semaphore(%run_scoped3A_206 : memref<!tpu.dma_semaphore, #tpu.memory_space<semaphore_mem>>)
      %dma_wait3A_211 = arith.constant 0 : i32
      %dma_wait3A_212 = tpu.memref_slice %arg26[%mul3A_4, %dma_wait3A_211] : memref<10240x32xf32, #tpu.memory_space<vmem_shared>> -> memref<640x32xf32, #tpu.memory_space<vmem_shared>>
      %dma_wait3A_213 = arith.constant 0 : i32
      %dma_wait3A_214 = tpu.memref_slice %arg26[%mul3A_4, %dma_wait3A_213] : memref<10240x32xf32, #tpu.memory_space<vmem_shared>> -> memref<640x32xf32, #tpu.memory_space<vmem_shared>>
      tpu.wait_dma2 semaphore(%run_scoped3A_206 : memref<!tpu.dma_semaphore, #tpu.memory_space<semaphore_mem>>) src(%arg9 : memref<640x32xf32, #tpu.memory_space<vmem>>) dst(%dma_wait3A_214 : memref<640x32xf32, #tpu.memory_space<vmem_shared>>)
      tpu.yield
    }) : () -> ()
    %run_scoped3A = arith.constant 0 : i32
    "tpu.region"() ({
      %run_scoped3A_206 = tpu.sem_alloc : memref<!tpu.dma_semaphore, #tpu.memory_space<semaphore_mem>>
      %dma_start3A_207 = arith.constant 0 : i32
      %dma_start3A_208 = arith.constant 0 : i32
      %dma_start3A_209 = tpu.memref_slice %arg3[%run_scoped3A, %add3A, %dma_start3A_207, %dma_start3A_208] : memref<2x32x80x128xi32, #tpu.memory_space<hbm>> -> memref<1x1x80x128xi32, #tpu.memory_space<hbm>>
      %dma_start3A_210 = tpu.memref_squeeze %dma_start3A_209 : memref<1x1x80x128xi32, #tpu.memory_space<hbm>> -> memref<80x128xi32, #tpu.memory_space<hbm>>
      %dma_start3A_211 = arith.constant 0 : i32
      %dma_start3A_212 = arith.constant 0 : i32
      %dma_start3A_213 = tpu.memref_slice %arg3[%run_scoped3A, %add3A, %dma_start3A_211, %dma_start3A_212] : memref<2x32x80x128xi32, #tpu.memory_space<hbm>> -> memref<1x1x80x128xi32, #tpu.memory_space<hbm>>
      %dma_start3A_214 = tpu.memref_squeeze %dma_start3A_213 : memref<1x1x80x128xi32, #tpu.memory_space<hbm>> -> memref<80x128xi32, #tpu.memory_space<hbm>>
      tpu.enqueue_dma source(%dma_start3A_214 : memref<80x128xi32, #tpu.memory_space<hbm>>) target(%arg6 : memref<80x128xi32, #tpu.memory_space<vmem>>) target_semaphore(%run_scoped3A_206 : memref<!tpu.dma_semaphore, #tpu.memory_space<semaphore_mem>>)
      %dma_wait3A_215 = arith.constant 0 : i32
      %dma_wait3A_216 = arith.constant 0 : i32
      %dma_wait3A_217 = tpu.memref_slice %arg3[%run_scoped3A, %add3A, %dma_wait3A_215, %dma_wait3A_216] : memref<2x32x80x128xi32, #tpu.memory_space<hbm>> -> memref<1x1x80x128xi32, #tpu.memory_space<hbm>>
      %dma_wait3A_218 = tpu.memref_squeeze %dma_wait3A_217 : memref<1x1x80x128xi32, #tpu.memory_space<hbm>> -> memref<80x128xi32, #tpu.memory_space<hbm>>
      %dma_wait3A_219 = arith.constant 0 : i32
      %dma_wait3A_220 = arith.constant 0 : i32
      %dma_wait3A_221 = tpu.memref_slice %arg3[%run_scoped3A, %add3A, %dma_wait3A_219, %dma_wait3A_220] : memref<2x32x80x128xi32, #tpu.memory_space<hbm>> -> memref<1x1x80x128xi32, #tpu.memory_space<hbm>>
      %dma_wait3A_222 = tpu.memref_squeeze %dma_wait3A_221 : memref<1x1x80x128xi32, #tpu.memory_space<hbm>> -> memref<80x128xi32, #tpu.memory_space<hbm>>
      tpu.wait_dma2 semaphore(%run_scoped3A_206 : memref<!tpu.dma_semaphore, #tpu.memory_space<semaphore_mem>>) src(%dma_wait3A_222 : memref<80x128xi32, #tpu.memory_space<hbm>>) dst(%arg6 : memref<80x128xi32, #tpu.memory_space<vmem>>)
      tpu.yield
    }) : () -> ()
    %run_scoped3A_5 = arith.constant 1 : i32
    "tpu.region"() ({
      %run_scoped3A_206 = tpu.sem_alloc : memref<!tpu.dma_semaphore, #tpu.memory_space<semaphore_mem>>
      %dma_start3A_207 = arith.constant 0 : i32
      %dma_start3A_208 = arith.constant 0 : i32
      %dma_start3A_209 = tpu.memref_slice %arg3[%run_scoped3A_5, %add3A, %dma_start3A_207, %dma_start3A_208] : memref<2x32x80x128xi32, #tpu.memory_space<hbm>> -> memref<1x1x80x128xi32, #tpu.memory_space<hbm>>
      %dma_start3A_210 = tpu.memref_squeeze %dma_start3A_209 : memref<1x1x80x128xi32, #tpu.memory_space<hbm>> -> memref<80x128xi32, #tpu.memory_space<hbm>>
      %dma_start3A_211 = arith.constant 0 : i32
      %dma_start3A_212 = arith.constant 0 : i32
      %dma_start3A_213 = tpu.memref_slice %arg3[%run_scoped3A_5, %add3A, %dma_start3A_211, %dma_start3A_212] : memref<2x32x80x128xi32, #tpu.memory_space<hbm>> -> memref<1x1x80x128xi32, #tpu.memory_space<hbm>>
      %dma_start3A_214 = tpu.memref_squeeze %dma_start3A_213 : memref<1x1x80x128xi32, #tpu.memory_space<hbm>> -> memref<80x128xi32, #tpu.memory_space<hbm>>
      tpu.enqueue_dma source(%dma_start3A_214 : memref<80x128xi32, #tpu.memory_space<hbm>>) target(%arg7 : memref<80x128xi32, #tpu.memory_space<vmem>>) target_semaphore(%run_scoped3A_206 : memref<!tpu.dma_semaphore, #tpu.memory_space<semaphore_mem>>)
      %dma_wait3A_215 = arith.constant 0 : i32
      %dma_wait3A_216 = arith.constant 0 : i32
      %dma_wait3A_217 = tpu.memref_slice %arg3[%run_scoped3A_5, %add3A, %dma_wait3A_215, %dma_wait3A_216] : memref<2x32x80x128xi32, #tpu.memory_space<hbm>> -> memref<1x1x80x128xi32, #tpu.memory_space<hbm>>
      %dma_wait3A_218 = tpu.memref_squeeze %dma_wait3A_217 : memref<1x1x80x128xi32, #tpu.memory_space<hbm>> -> memref<80x128xi32, #tpu.memory_space<hbm>>
      %dma_wait3A_219 = arith.constant 0 : i32
      %dma_wait3A_220 = arith.constant 0 : i32
      %dma_wait3A_221 = tpu.memref_slice %arg3[%run_scoped3A_5, %add3A, %dma_wait3A_219, %dma_wait3A_220] : memref<2x32x80x128xi32, #tpu.memory_space<hbm>> -> memref<1x1x80x128xi32, #tpu.memory_space<hbm>>
      %dma_wait3A_222 = tpu.memref_squeeze %dma_wait3A_221 : memref<1x1x80x128xi32, #tpu.memory_space<hbm>> -> memref<80x128xi32, #tpu.memory_space<hbm>>
      tpu.wait_dma2 semaphore(%run_scoped3A_206 : memref<!tpu.dma_semaphore, #tpu.memory_space<semaphore_mem>>) src(%dma_wait3A_222 : memref<80x128xi32, #tpu.memory_space<hbm>>) dst(%arg7 : memref<80x128xi32, #tpu.memory_space<vmem>>)
      tpu.yield
    }) : () -> ()
    %barrier3A = arith.constant 0 : index
    tpu.barrier barrier_id(%barrier3A)
    %dma_start3A = arith.constant 0 : i32
    %dma_start3A_6 = arith.constant 0 : i32
    %dma_start3A_7 = arith.constant 0 : i32
    %dma_start3A_8 = arith.constant 0 : i32
    %dma_start3A_9 = tpu.memref_slice %arg8[%dma_start3A_6, %dma_start3A_7, %dma_start3A_8] : memref<8x128x32xf32, #tpu.memory_space<vmem>> -> memref<1x128x32xf32, #tpu.memory_space<vmem>>
    %dma_start3A_10 = tpu.memref_squeeze %dma_start3A_9 : memref<1x128x32xf32, #tpu.memory_space<vmem>> -> memref<128x32xf32, #tpu.memory_space<vmem>>
    %dma_start3A_11 = arith.constant 0 : i32
    %dma_start3A_12 = tpu.memref_slice %arg6[%dma_start3A, %dma_start3A_11] : memref<80x128xi32, #tpu.memory_space<vmem>> -> memref<1x128xi32, #tpu.memory_space<vmem>>
    %dma_start3A_13 = tpu.memref_squeeze %dma_start3A_12 : memref<1x128xi32, #tpu.memory_space<vmem>> -> memref<128xi32, #tpu.memory_space<vmem>>
    %dma_start3A_14 = arith.constant 0 : i32
    %dma_start3A_15 = arith.constant 0 : i32
    %dma_start3A_16 = tpu.memref_slice %arg2[%dma_start3A_14, %dma_start3A_15] : memref<10000x32xf32, #tpu.memory_space<hbm>> -> memref<10000x32xf32, #tpu.memory_space<hbm>>
    tpu.enqueue_indirect_dma source(%dma_start3A_16 : memref<10000x32xf32, #tpu.memory_space<hbm>>) target(%dma_start3A_10 : memref<128x32xf32, #tpu.memory_space<vmem>>) offsets(%dma_start3A_13 : memref<128xi32, #tpu.memory_space<vmem>>) semaphore(%arg10 : memref<!tpu.dma_semaphore, #tpu.memory_space<semaphore_mem>>)
    %dma_start3A_17 = arith.constant 1 : i32
    %dma_start3A_18 = arith.constant 1 : i32
    %dma_start3A_19 = arith.constant 0 : i32
    %dma_start3A_20 = arith.constant 0 : i32
    %dma_start3A_21 = tpu.memref_slice %arg8[%dma_start3A_18, %dma_start3A_19, %dma_start3A_20] : memref<8x128x32xf32, #tpu.memory_space<vmem>> -> memref<1x128x32xf32, #tpu.memory_space<vmem>>
    %dma_start3A_22 = tpu.memref_squeeze %dma_start3A_21 : memref<1x128x32xf32, #tpu.memory_space<vmem>> -> memref<128x32xf32, #tpu.memory_space<vmem>>
    %dma_start3A_23 = arith.constant 0 : i32
    %dma_start3A_24 = tpu.memref_slice %arg6[%dma_start3A_17, %dma_start3A_23] : memref<80x128xi32, #tpu.memory_space<vmem>> -> memref<1x128xi32, #tpu.memory_space<vmem>>
    %dma_start3A_25 = tpu.memref_squeeze %dma_start3A_24 : memref<1x128xi32, #tpu.memory_space<vmem>> -> memref<128xi32, #tpu.memory_space<vmem>>
    %dma_start3A_26 = arith.constant 0 : i32
    %dma_start3A_27 = arith.constant 0 : i32
    %dma_start3A_28 = tpu.memref_slice %arg2[%dma_start3A_26, %dma_start3A_27] : memref<10000x32xf32, #tpu.memory_space<hbm>> -> memref<10000x32xf32, #tpu.memory_space<hbm>>
    tpu.enqueue_indirect_dma source(%dma_start3A_28 : memref<10000x32xf32, #tpu.memory_space<hbm>>) target(%dma_start3A_22 : memref<128x32xf32, #tpu.memory_space<vmem>>) offsets(%dma_start3A_25 : memref<128xi32, #tpu.memory_space<vmem>>) semaphore(%arg11 : memref<!tpu.dma_semaphore, #tpu.memory_space<semaphore_mem>>)
    %dma_start3A_29 = arith.constant 2 : i32
    %dma_start3A_30 = arith.constant 2 : i32
    %dma_start3A_31 = arith.constant 0 : i32
    %dma_start3A_32 = arith.constant 0 : i32
    %dma_start3A_33 = tpu.memref_slice %arg8[%dma_start3A_30, %dma_start3A_31, %dma_start3A_32] : memref<8x128x32xf32, #tpu.memory_space<vmem>> -> memref<1x128x32xf32, #tpu.memory_space<vmem>>
    %dma_start3A_34 = tpu.memref_squeeze %dma_start3A_33 : memref<1x128x32xf32, #tpu.memory_space<vmem>> -> memref<128x32xf32, #tpu.memory_space<vmem>>
    %dma_start3A_35 = arith.constant 0 : i32
    %dma_start3A_36 = tpu.memref_slice %arg6[%dma_start3A_29, %dma_start3A_35] : memref<80x128xi32, #tpu.memory_space<vmem>> -> memref<1x128xi32, #tpu.memory_space<vmem>>
    %dma_start3A_37 = tpu.memref_squeeze %dma_start3A_36 : memref<1x128xi32, #tpu.memory_space<vmem>> -> memref<128xi32, #tpu.memory_space<vmem>>
    %dma_start3A_38 = arith.constant 0 : i32
    %dma_start3A_39 = arith.constant 0 : i32
    %dma_start3A_40 = tpu.memref_slice %arg2[%dma_start3A_38, %dma_start3A_39] : memref<10000x32xf32, #tpu.memory_space<hbm>> -> memref<10000x32xf32, #tpu.memory_space<hbm>>
    tpu.enqueue_indirect_dma source(%dma_start3A_40 : memref<10000x32xf32, #tpu.memory_space<hbm>>) target(%dma_start3A_34 : memref<128x32xf32, #tpu.memory_space<vmem>>) offsets(%dma_start3A_37 : memref<128xi32, #tpu.memory_space<vmem>>) semaphore(%arg12 : memref<!tpu.dma_semaphore, #tpu.memory_space<semaphore_mem>>)
    %dma_start3A_41 = arith.constant 3 : i32
    %dma_start3A_42 = arith.constant 3 : i32
    %dma_start3A_43 = arith.constant 0 : i32
    %dma_start3A_44 = arith.constant 0 : i32
    %dma_start3A_45 = tpu.memref_slice %arg8[%dma_start3A_42, %dma_start3A_43, %dma_start3A_44] : memref<8x128x32xf32, #tpu.memory_space<vmem>> -> memref<1x128x32xf32, #tpu.memory_space<vmem>>
    %dma_start3A_46 = tpu.memref_squeeze %dma_start3A_45 : memref<1x128x32xf32, #tpu.memory_space<vmem>> -> memref<128x32xf32, #tpu.memory_space<vmem>>
    %dma_start3A_47 = arith.constant 0 : i32
    %dma_start3A_48 = tpu.memref_slice %arg6[%dma_start3A_41, %dma_start3A_47] : memref<80x128xi32, #tpu.memory_space<vmem>> -> memref<1x128xi32, #tpu.memory_space<vmem>>
    %dma_start3A_49 = tpu.memref_squeeze %dma_start3A_48 : memref<1x128xi32, #tpu.memory_space<vmem>> -> memref<128xi32, #tpu.memory_space<vmem>>
    %dma_start3A_50 = arith.constant 0 : i32
    %dma_start3A_51 = arith.constant 0 : i32
    %dma_start3A_52 = tpu.memref_slice %arg2[%dma_start3A_50, %dma_start3A_51] : memref<10000x32xf32, #tpu.memory_space<hbm>> -> memref<10000x32xf32, #tpu.memory_space<hbm>>
    tpu.enqueue_indirect_dma source(%dma_start3A_52 : memref<10000x32xf32, #tpu.memory_space<hbm>>) target(%dma_start3A_46 : memref<128x32xf32, #tpu.memory_space<vmem>>) offsets(%dma_start3A_49 : memref<128xi32, #tpu.memory_space<vmem>>) semaphore(%arg13 : memref<!tpu.dma_semaphore, #tpu.memory_space<semaphore_mem>>)
    %dma_start3A_53 = arith.constant 4 : i32
    %dma_start3A_54 = arith.constant 4 : i32
    %dma_start3A_55 = arith.constant 0 : i32
    %dma_start3A_56 = arith.constant 0 : i32
    %dma_start3A_57 = tpu.memref_slice %arg8[%dma_start3A_54, %dma_start3A_55, %dma_start3A_56] : memref<8x128x32xf32, #tpu.memory_space<vmem>> -> memref<1x128x32xf32, #tpu.memory_space<vmem>>
    %dma_start3A_58 = tpu.memref_squeeze %dma_start3A_57 : memref<1x128x32xf32, #tpu.memory_space<vmem>> -> memref<128x32xf32, #tpu.memory_space<vmem>>
    %dma_start3A_59 = arith.constant 0 : i32
    %dma_start3A_60 = tpu.memref_slice %arg6[%dma_start3A_53, %dma_start3A_59] : memref<80x128xi32, #tpu.memory_space<vmem>> -> memref<1x128xi32, #tpu.memory_space<vmem>>
    %dma_start3A_61 = tpu.memref_squeeze %dma_start3A_60 : memref<1x128xi32, #tpu.memory_space<vmem>> -> memref<128xi32, #tpu.memory_space<vmem>>
    %dma_start3A_62 = arith.constant 0 : i32
    %dma_start3A_63 = arith.constant 0 : i32
    %dma_start3A_64 = tpu.memref_slice %arg2[%dma_start3A_62, %dma_start3A_63] : memref<10000x32xf32, #tpu.memory_space<hbm>> -> memref<10000x32xf32, #tpu.memory_space<hbm>>
    tpu.enqueue_indirect_dma source(%dma_start3A_64 : memref<10000x32xf32, #tpu.memory_space<hbm>>) target(%dma_start3A_58 : memref<128x32xf32, #tpu.memory_space<vmem>>) offsets(%dma_start3A_61 : memref<128xi32, #tpu.memory_space<vmem>>) semaphore(%arg14 : memref<!tpu.dma_semaphore, #tpu.memory_space<semaphore_mem>>)
    %dma_start3A_65 = arith.constant 5 : i32
    %dma_start3A_66 = arith.constant 5 : i32
    %dma_start3A_67 = arith.constant 0 : i32
    %dma_start3A_68 = arith.constant 0 : i32
    %dma_start3A_69 = tpu.memref_slice %arg8[%dma_start3A_66, %dma_start3A_67, %dma_start3A_68] : memref<8x128x32xf32, #tpu.memory_space<vmem>> -> memref<1x128x32xf32, #tpu.memory_space<vmem>>
    %dma_start3A_70 = tpu.memref_squeeze %dma_start3A_69 : memref<1x128x32xf32, #tpu.memory_space<vmem>> -> memref<128x32xf32, #tpu.memory_space<vmem>>
    %dma_start3A_71 = arith.constant 0 : i32
    %dma_start3A_72 = tpu.memref_slice %arg6[%dma_start3A_65, %dma_start3A_71] : memref<80x128xi32, #tpu.memory_space<vmem>> -> memref<1x128xi32, #tpu.memory_space<vmem>>
    %dma_start3A_73 = tpu.memref_squeeze %dma_start3A_72 : memref<1x128xi32, #tpu.memory_space<vmem>> -> memref<128xi32, #tpu.memory_space<vmem>>
    %dma_start3A_74 = arith.constant 0 : i32
    %dma_start3A_75 = arith.constant 0 : i32
    %dma_start3A_76 = tpu.memref_slice %arg2[%dma_start3A_74, %dma_start3A_75] : memref<10000x32xf32, #tpu.memory_space<hbm>> -> memref<10000x32xf32, #tpu.memory_space<hbm>>
    tpu.enqueue_indirect_dma source(%dma_start3A_76 : memref<10000x32xf32, #tpu.memory_space<hbm>>) target(%dma_start3A_70 : memref<128x32xf32, #tpu.memory_space<vmem>>) offsets(%dma_start3A_73 : memref<128xi32, #tpu.memory_space<vmem>>) semaphore(%arg15 : memref<!tpu.dma_semaphore, #tpu.memory_space<semaphore_mem>>)
    %scan3A = arith.constant 0 : i32
    %scan3A_77 = arith.constant 0 : i32
    %scan3A_78 = arith.constant 10 : i32
    %scan3A_79 = arith.addi %scan3A_77, %scan3A_78 : i32
    %scan3A_80 = arith.constant 1 : i32
    scf.for %scan3A_206 = %scan3A_77 to %scan3A_79 step %scan3A_80  : i32 {
      %mul3A_207 = arith.constant 8 : i32
      %mul3A_208 = arith.muli %scan3A_206, %mul3A_207 : i32
      %add3A_209 = arith.constant 0 : i32
      %add3A_210 = arith.addi %mul3A_208, %add3A_209 : i32
      %add3A_211 = arith.constant 6 : i32
      %add3A_212 = arith.addi %add3A_210, %add3A_211 : i32
      %lt3A = arith.constant 80 : i32
      %lt3A_213 = arith.cmpi slt, %add3A_212, %lt3A : i32
      %convert_element_type3A = arith.extui %lt3A_213 : i1 to i32
      %cond3A = arith.constant 0 : i32
      %cond3A_214 = arith.cmpi ne, %convert_element_type3A, %cond3A : i32
      scf.if %cond3A_214 {
        %ge3A = arith.constant 8 : i32
        %ge3A_500 = arith.cmpi sge, %add3A_212, %ge3A : i32
        %convert_element_type3A_501 = arith.extui %ge3A_500 : i1 to i32
        %cond3A_502 = arith.constant 0 : i32
        %cond3A_503 = arith.cmpi ne, %convert_element_type3A_501, %cond3A_502 : i32
        scf.if %cond3A_503 {
          %dma_wait3A_515 = arith.constant 6 : i32
          %dma_wait3A_516 = arith.constant 0 : i32
          %dma_wait3A_517 = arith.constant 0 : i32
          %dma_wait3A_518 = tpu.memref_slice %arg8[%dma_wait3A_515, %dma_wait3A_516, %dma_wait3A_517] : memref<8x128x32xf32, #tpu.memory_space<vmem>> -> memref<1x128x32xf32, #tpu.memory_space<vmem>>
          %dma_wait3A_519 = tpu.memref_squeeze %dma_wait3A_518 : memref<1x128x32xf32, #tpu.memory_space<vmem>> -> memref<128x32xf32, #tpu.memory_space<vmem>>
          %dma_wait3A_520 = arith.constant 0 : i32
          %dma_wait3A_521 = arith.constant 0 : i32
          %dma_wait3A_522 = tpu.memref_slice %arg2[%dma_wait3A_520, %dma_wait3A_521] : memref<10000x32xf32, #tpu.memory_space<hbm>> -> memref<128x32xf32, #tpu.memory_space<hbm>>
          %dma_wait3A_523 = arith.constant 0 : i32
          %dma_wait3A_524 = arith.constant 0 : i32
          %dma_wait3A_525 = tpu.memref_slice %arg8[%dma_wait3A_515, %dma_wait3A_523, %dma_wait3A_524] : memref<8x128x32xf32, #tpu.memory_space<vmem>> -> memref<1x128x32xf32, #tpu.memory_space<vmem>>
          %dma_wait3A_526 = tpu.memref_squeeze %dma_wait3A_525 : memref<1x128x32xf32, #tpu.memory_space<vmem>> -> memref<128x32xf32, #tpu.memory_space<vmem>>
          %dma_wait3A_527 = arith.constant 0 : i32
          %dma_wait3A_528 = arith.constant 0 : i32
          %dma_wait3A_529 = tpu.memref_slice %arg2[%dma_wait3A_527, %dma_wait3A_528] : memref<10000x32xf32, #tpu.memory_space<hbm>> -> memref<128x32xf32, #tpu.memory_space<hbm>>
          tpu.wait_dma2 semaphore(%arg24 : memref<!tpu.dma_semaphore, #tpu.memory_space<semaphore_mem>>) src(%dma_wait3A_529 : memref<128x32xf32, #tpu.memory_space<hbm>>) dst(%dma_wait3A_526 : memref<128x32xf32, #tpu.memory_space<vmem>>)
        } else {
        }
        %dma_start3A_504 = arith.constant 6 : i32
        %dma_start3A_505 = arith.constant 0 : i32
        %dma_start3A_506 = arith.constant 0 : i32
        %dma_start3A_507 = tpu.memref_slice %arg8[%dma_start3A_504, %dma_start3A_505, %dma_start3A_506] : memref<8x128x32xf32, #tpu.memory_space<vmem>> -> memref<1x128x32xf32, #tpu.memory_space<vmem>>
        %dma_start3A_508 = tpu.memref_squeeze %dma_start3A_507 : memref<1x128x32xf32, #tpu.memory_space<vmem>> -> memref<128x32xf32, #tpu.memory_space<vmem>>
        %dma_start3A_509 = arith.constant 0 : i32
        %dma_start3A_510 = tpu.memref_slice %arg6[%add3A_212, %dma_start3A_509] : memref<80x128xi32, #tpu.memory_space<vmem>> -> memref<1x128xi32, #tpu.memory_space<vmem>>
        %dma_start3A_511 = tpu.memref_squeeze %dma_start3A_510 : memref<1x128xi32, #tpu.memory_space<vmem>> -> memref<128xi32, #tpu.memory_space<vmem>>
        %dma_start3A_512 = arith.constant 0 : i32
        %dma_start3A_513 = arith.constant 0 : i32
        %dma_start3A_514 = tpu.memref_slice %arg2[%dma_start3A_512, %dma_start3A_513] : memref<10000x32xf32, #tpu.memory_space<hbm>> -> memref<10000x32xf32, #tpu.memory_space<hbm>>
        tpu.enqueue_indirect_dma source(%dma_start3A_514 : memref<10000x32xf32, #tpu.memory_space<hbm>>) target(%dma_start3A_508 : memref<128x32xf32, #tpu.memory_space<vmem>>) offsets(%dma_start3A_511 : memref<128xi32, #tpu.memory_space<vmem>>) semaphore(%arg16 : memref<!tpu.dma_semaphore, #tpu.memory_space<semaphore_mem>>)
      } else {
      }
      %dma_wait3A_215 = arith.constant 0 : i32
      %dma_wait3A_216 = arith.constant 0 : i32
      %dma_wait3A_217 = arith.constant 0 : i32
      %dma_wait3A_218 = tpu.memref_slice %arg8[%dma_wait3A_215, %dma_wait3A_216, %dma_wait3A_217] : memref<8x128x32xf32, #tpu.memory_space<vmem>> -> memref<1x128x32xf32, #tpu.memory_space<vmem>>
      %dma_wait3A_219 = tpu.memref_squeeze %dma_wait3A_218 : memref<1x128x32xf32, #tpu.memory_space<vmem>> -> memref<128x32xf32, #tpu.memory_space<vmem>>
      %dma_wait3A_220 = arith.constant 0 : i32
      %dma_wait3A_221 = arith.constant 0 : i32
      %dma_wait3A_222 = tpu.memref_slice %arg2[%dma_wait3A_220, %dma_wait3A_221] : memref<10000x32xf32, #tpu.memory_space<hbm>> -> memref<128x32xf32, #tpu.memory_space<hbm>>
      %dma_wait3A_223 = arith.constant 0 : i32
      %dma_wait3A_224 = arith.constant 0 : i32
      %dma_wait3A_225 = tpu.memref_slice %arg8[%dma_wait3A_215, %dma_wait3A_223, %dma_wait3A_224] : memref<8x128x32xf32, #tpu.memory_space<vmem>> -> memref<1x128x32xf32, #tpu.memory_space<vmem>>
      %dma_wait3A_226 = tpu.memref_squeeze %dma_wait3A_225 : memref<1x128x32xf32, #tpu.memory_space<vmem>> -> memref<128x32xf32, #tpu.memory_space<vmem>>
      %dma_wait3A_227 = arith.constant 0 : i32
      %dma_wait3A_228 = arith.constant 0 : i32
      %dma_wait3A_229 = tpu.memref_slice %arg2[%dma_wait3A_227, %dma_wait3A_228] : memref<10000x32xf32, #tpu.memory_space<hbm>> -> memref<128x32xf32, #tpu.memory_space<hbm>>
      tpu.wait_dma2 semaphore(%arg10 : memref<!tpu.dma_semaphore, #tpu.memory_space<semaphore_mem>>) src(%dma_wait3A_229 : memref<128x32xf32, #tpu.memory_space<hbm>>) dst(%dma_wait3A_226 : memref<128x32xf32, #tpu.memory_space<vmem>>)
      %dma_start3A_230 = arith.constant 0 : i32
      %dma_start3A_231 = arith.constant 0 : i32
      %dma_start3A_232 = arith.constant 0 : i32
      %dma_start3A_233 = tpu.memref_slice %arg8[%dma_start3A_230, %dma_start3A_231, %dma_start3A_232] : memref<8x128x32xf32, #tpu.memory_space<vmem>> -> memref<1x128x32xf32, #tpu.memory_space<vmem>>
      %dma_start3A_234 = tpu.memref_squeeze %dma_start3A_233 : memref<1x128x32xf32, #tpu.memory_space<vmem>> -> memref<128x32xf32, #tpu.memory_space<vmem>>
      %dma_start3A_235 = arith.constant 0 : i32
      %dma_start3A_236 = tpu.memref_slice %arg7[%add3A_210, %dma_start3A_235] : memref<80x128xi32, #tpu.memory_space<vmem>> -> memref<1x128xi32, #tpu.memory_space<vmem>>
      %dma_start3A_237 = tpu.memref_squeeze %dma_start3A_236 : memref<1x128xi32, #tpu.memory_space<vmem>> -> memref<128xi32, #tpu.memory_space<vmem>>
      %dma_start3A_238 = arith.constant 0 : i32
      %dma_start3A_239 = arith.constant 0 : i32
      %dma_start3A_240 = tpu.memref_slice %arg26[%dma_start3A_238, %dma_start3A_239] : memref<10240x32xf32, #tpu.memory_space<vmem_shared>> -> memref<10240x32xf32, #tpu.memory_space<vmem_shared>>
      tpu.enqueue_indirect_dma source(%dma_start3A_234 : memref<128x32xf32, #tpu.memory_space<vmem>>) target(%dma_start3A_240 : memref<10240x32xf32, #tpu.memory_space<vmem_shared>>) offsets(%dma_start3A_237 : memref<128xi32, #tpu.memory_space<vmem>>) semaphore(%arg18 : memref<!tpu.dma_semaphore, #tpu.memory_space<semaphore_mem>>) {add = true}
      %mul3A_241 = arith.constant 8 : i32
      %mul3A_242 = arith.muli %scan3A_206, %mul3A_241 : i32
      %add3A_243 = arith.constant 1 : i32
      %add3A_244 = arith.addi %mul3A_242, %add3A_243 : i32
      %add3A_245 = arith.constant 6 : i32
      %add3A_246 = arith.addi %add3A_244, %add3A_245 : i32
      %lt3A_247 = arith.constant 80 : i32
      %lt3A_248 = arith.cmpi slt, %add3A_246, %lt3A_247 : i32
      %convert_element_type3A_249 = arith.extui %lt3A_248 : i1 to i32
      %cond3A_250 = arith.constant 0 : i32
      %cond3A_251 = arith.cmpi ne, %convert_element_type3A_249, %cond3A_250 : i32
      scf.if %cond3A_251 {
        %ge3A = arith.constant 8 : i32
        %ge3A_500 = arith.cmpi sge, %add3A_246, %ge3A : i32
        %convert_element_type3A_501 = arith.extui %ge3A_500 : i1 to i32
        %cond3A_502 = arith.constant 0 : i32
        %cond3A_503 = arith.cmpi ne, %convert_element_type3A_501, %cond3A_502 : i32
        scf.if %cond3A_503 {
          %dma_wait3A_515 = arith.constant 7 : i32
          %dma_wait3A_516 = arith.constant 0 : i32
          %dma_wait3A_517 = arith.constant 0 : i32
          %dma_wait3A_518 = tpu.memref_slice %arg8[%dma_wait3A_515, %dma_wait3A_516, %dma_wait3A_517] : memref<8x128x32xf32, #tpu.memory_space<vmem>> -> memref<1x128x32xf32, #tpu.memory_space<vmem>>
          %dma_wait3A_519 = tpu.memref_squeeze %dma_wait3A_518 : memref<1x128x32xf32, #tpu.memory_space<vmem>> -> memref<128x32xf32, #tpu.memory_space<vmem>>
          %dma_wait3A_520 = arith.constant 0 : i32
          %dma_wait3A_521 = arith.constant 0 : i32
          %dma_wait3A_522 = tpu.memref_slice %arg2[%dma_wait3A_520, %dma_wait3A_521] : memref<10000x32xf32, #tpu.memory_space<hbm>> -> memref<128x32xf32, #tpu.memory_space<hbm>>
          %dma_wait3A_523 = arith.constant 0 : i32
          %dma_wait3A_524 = arith.constant 0 : i32
          %dma_wait3A_525 = tpu.memref_slice %arg8[%dma_wait3A_515, %dma_wait3A_523, %dma_wait3A_524] : memref<8x128x32xf32, #tpu.memory_space<vmem>> -> memref<1x128x32xf32, #tpu.memory_space<vmem>>
          %dma_wait3A_526 = tpu.memref_squeeze %dma_wait3A_525 : memref<1x128x32xf32, #tpu.memory_space<vmem>> -> memref<128x32xf32, #tpu.memory_space<vmem>>
          %dma_wait3A_527 = arith.constant 0 : i32
          %dma_wait3A_528 = arith.constant 0 : i32
          %dma_wait3A_529 = tpu.memref_slice %arg2[%dma_wait3A_527, %dma_wait3A_528] : memref<10000x32xf32, #tpu.memory_space<hbm>> -> memref<128x32xf32, #tpu.memory_space<hbm>>
          tpu.wait_dma2 semaphore(%arg25 : memref<!tpu.dma_semaphore, #tpu.memory_space<semaphore_mem>>) src(%dma_wait3A_529 : memref<128x32xf32, #tpu.memory_space<hbm>>) dst(%dma_wait3A_526 : memref<128x32xf32, #tpu.memory_space<vmem>>)
        } else {
        }
        %dma_start3A_504 = arith.constant 7 : i32
        %dma_start3A_505 = arith.constant 0 : i32
        %dma_start3A_506 = arith.constant 0 : i32
        %dma_start3A_507 = tpu.memref_slice %arg8[%dma_start3A_504, %dma_start3A_505, %dma_start3A_506] : memref<8x128x32xf32, #tpu.memory_space<vmem>> -> memref<1x128x32xf32, #tpu.memory_space<vmem>>
        %dma_start3A_508 = tpu.memref_squeeze %dma_start3A_507 : memref<1x128x32xf32, #tpu.memory_space<vmem>> -> memref<128x32xf32, #tpu.memory_space<vmem>>
        %dma_start3A_509 = arith.constant 0 : i32
        %dma_start3A_510 = tpu.memref_slice %arg6[%add3A_246, %dma_start3A_509] : memref<80x128xi32, #tpu.memory_space<vmem>> -> memref<1x128xi32, #tpu.memory_space<vmem>>
        %dma_start3A_511 = tpu.memref_squeeze %dma_start3A_510 : memref<1x128xi32, #tpu.memory_space<vmem>> -> memref<128xi32, #tpu.memory_space<vmem>>
        %dma_start3A_512 = arith.constant 0 : i32
        %dma_start3A_513 = arith.constant 0 : i32
        %dma_start3A_514 = tpu.memref_slice %arg2[%dma_start3A_512, %dma_start3A_513] : memref<10000x32xf32, #tpu.memory_space<hbm>> -> memref<10000x32xf32, #tpu.memory_space<hbm>>
        tpu.enqueue_indirect_dma source(%dma_start3A_514 : memref<10000x32xf32, #tpu.memory_space<hbm>>) target(%dma_start3A_508 : memref<128x32xf32, #tpu.memory_space<vmem>>) offsets(%dma_start3A_511 : memref<128xi32, #tpu.memory_space<vmem>>) semaphore(%arg17 : memref<!tpu.dma_semaphore, #tpu.memory_space<semaphore_mem>>)
      } else {
      }
      %dma_wait3A_252 = arith.constant 1 : i32
      %dma_wait3A_253 = arith.constant 0 : i32
      %dma_wait3A_254 = arith.constant 0 : i32
      %dma_wait3A_255 = tpu.memref_slice %arg8[%dma_wait3A_252, %dma_wait3A_253, %dma_wait3A_254] : memref<8x128x32xf32, #tpu.memory_space<vmem>> -> memref<1x128x32xf32, #tpu.memory_space<vmem>>
      %dma_wait3A_256 = tpu.memref_squeeze %dma_wait3A_255 : memref<1x128x32xf32, #tpu.memory_space<vmem>> -> memref<128x32xf32, #tpu.memory_space<vmem>>
      %dma_wait3A_257 = arith.constant 0 : i32
      %dma_wait3A_258 = arith.constant 0 : i32
      %dma_wait3A_259 = tpu.memref_slice %arg2[%dma_wait3A_257, %dma_wait3A_258] : memref<10000x32xf32, #tpu.memory_space<hbm>> -> memref<128x32xf32, #tpu.memory_space<hbm>>
      %dma_wait3A_260 = arith.constant 0 : i32
      %dma_wait3A_261 = arith.constant 0 : i32
      %dma_wait3A_262 = tpu.memref_slice %arg8[%dma_wait3A_252, %dma_wait3A_260, %dma_wait3A_261] : memref<8x128x32xf32, #tpu.memory_space<vmem>> -> memref<1x128x32xf32, #tpu.memory_space<vmem>>
      %dma_wait3A_263 = tpu.memref_squeeze %dma_wait3A_262 : memref<1x128x32xf32, #tpu.memory_space<vmem>> -> memref<128x32xf32, #tpu.memory_space<vmem>>
      %dma_wait3A_264 = arith.constant 0 : i32
      %dma_wait3A_265 = arith.constant 0 : i32
      %dma_wait3A_266 = tpu.memref_slice %arg2[%dma_wait3A_264, %dma_wait3A_265] : memref<10000x32xf32, #tpu.memory_space<hbm>> -> memref<128x32xf32, #tpu.memory_space<hbm>>
      tpu.wait_dma2 semaphore(%arg11 : memref<!tpu.dma_semaphore, #tpu.memory_space<semaphore_mem>>) src(%dma_wait3A_266 : memref<128x32xf32, #tpu.memory_space<hbm>>) dst(%dma_wait3A_263 : memref<128x32xf32, #tpu.memory_space<vmem>>)
      %dma_start3A_267 = arith.constant 1 : i32
      %dma_start3A_268 = arith.constant 0 : i32
      %dma_start3A_269 = arith.constant 0 : i32
      %dma_start3A_270 = tpu.memref_slice %arg8[%dma_start3A_267, %dma_start3A_268, %dma_start3A_269] : memref<8x128x32xf32, #tpu.memory_space<vmem>> -> memref<1x128x32xf32, #tpu.memory_space<vmem>>
      %dma_start3A_271 = tpu.memref_squeeze %dma_start3A_270 : memref<1x128x32xf32, #tpu.memory_space<vmem>> -> memref<128x32xf32, #tpu.memory_space<vmem>>
      %dma_start3A_272 = arith.constant 0 : i32
      %dma_start3A_273 = tpu.memref_slice %arg7[%add3A_244, %dma_start3A_272] : memref<80x128xi32, #tpu.memory_space<vmem>> -> memref<1x128xi32, #tpu.memory_space<vmem>>
      %dma_start3A_274 = tpu.memref_squeeze %dma_start3A_273 : memref<1x128xi32, #tpu.memory_space<vmem>> -> memref<128xi32, #tpu.memory_space<vmem>>
      %dma_start3A_275 = arith.constant 0 : i32
      %dma_start3A_276 = arith.constant 0 : i32
      %dma_start3A_277 = tpu.memref_slice %arg26[%dma_start3A_275, %dma_start3A_276] : memref<10240x32xf32, #tpu.memory_space<vmem_shared>> -> memref<10240x32xf32, #tpu.memory_space<vmem_shared>>
      tpu.enqueue_indirect_dma source(%dma_start3A_271 : memref<128x32xf32, #tpu.memory_space<vmem>>) target(%dma_start3A_277 : memref<10240x32xf32, #tpu.memory_space<vmem_shared>>) offsets(%dma_start3A_274 : memref<128xi32, #tpu.memory_space<vmem>>) semaphore(%arg19 : memref<!tpu.dma_semaphore, #tpu.memory_space<semaphore_mem>>) {add = true}
      %mul3A_278 = arith.constant 8 : i32
      %mul3A_279 = arith.muli %scan3A_206, %mul3A_278 : i32
      %add3A_280 = arith.constant 2 : i32
      %add3A_281 = arith.addi %mul3A_279, %add3A_280 : i32
      %add3A_282 = arith.constant 6 : i32
      %add3A_283 = arith.addi %add3A_281, %add3A_282 : i32
      %lt3A_284 = arith.constant 80 : i32
      %lt3A_285 = arith.cmpi slt, %add3A_283, %lt3A_284 : i32
      %convert_element_type3A_286 = arith.extui %lt3A_285 : i1 to i32
      %cond3A_287 = arith.constant 0 : i32
      %cond3A_288 = arith.cmpi ne, %convert_element_type3A_286, %cond3A_287 : i32
      scf.if %cond3A_288 {
        %ge3A = arith.constant 8 : i32
        %ge3A_500 = arith.cmpi sge, %add3A_283, %ge3A : i32
        %convert_element_type3A_501 = arith.extui %ge3A_500 : i1 to i32
        %cond3A_502 = arith.constant 0 : i32
        %cond3A_503 = arith.cmpi ne, %convert_element_type3A_501, %cond3A_502 : i32
        scf.if %cond3A_503 {
          %dma_wait3A_515 = arith.constant 0 : i32
          %dma_wait3A_516 = arith.constant 0 : i32
          %dma_wait3A_517 = arith.constant 0 : i32
          %dma_wait3A_518 = tpu.memref_slice %arg8[%dma_wait3A_515, %dma_wait3A_516, %dma_wait3A_517] : memref<8x128x32xf32, #tpu.memory_space<vmem>> -> memref<1x128x32xf32, #tpu.memory_space<vmem>>
          %dma_wait3A_519 = tpu.memref_squeeze %dma_wait3A_518 : memref<1x128x32xf32, #tpu.memory_space<vmem>> -> memref<128x32xf32, #tpu.memory_space<vmem>>
          %dma_wait3A_520 = arith.constant 0 : i32
          %dma_wait3A_521 = arith.constant 0 : i32
          %dma_wait3A_522 = tpu.memref_slice %arg2[%dma_wait3A_520, %dma_wait3A_521] : memref<10000x32xf32, #tpu.memory_space<hbm>> -> memref<128x32xf32, #tpu.memory_space<hbm>>
          %dma_wait3A_523 = arith.constant 0 : i32
          %dma_wait3A_524 = arith.constant 0 : i32
          %dma_wait3A_525 = tpu.memref_slice %arg8[%dma_wait3A_515, %dma_wait3A_523, %dma_wait3A_524] : memref<8x128x32xf32, #tpu.memory_space<vmem>> -> memref<1x128x32xf32, #tpu.memory_space<vmem>>
          %dma_wait3A_526 = tpu.memref_squeeze %dma_wait3A_525 : memref<1x128x32xf32, #tpu.memory_space<vmem>> -> memref<128x32xf32, #tpu.memory_space<vmem>>
          %dma_wait3A_527 = arith.constant 0 : i32
          %dma_wait3A_528 = arith.constant 0 : i32
          %dma_wait3A_529 = tpu.memref_slice %arg2[%dma_wait3A_527, %dma_wait3A_528] : memref<10000x32xf32, #tpu.memory_space<hbm>> -> memref<128x32xf32, #tpu.memory_space<hbm>>
          tpu.wait_dma2 semaphore(%arg18 : memref<!tpu.dma_semaphore, #tpu.memory_space<semaphore_mem>>) src(%dma_wait3A_529 : memref<128x32xf32, #tpu.memory_space<hbm>>) dst(%dma_wait3A_526 : memref<128x32xf32, #tpu.memory_space<vmem>>)
        } else {
        }
        %dma_start3A_504 = arith.constant 0 : i32
        %dma_start3A_505 = arith.constant 0 : i32
        %dma_start3A_506 = arith.constant 0 : i32
        %dma_start3A_507 = tpu.memref_slice %arg8[%dma_start3A_504, %dma_start3A_505, %dma_start3A_506] : memref<8x128x32xf32, #tpu.memory_space<vmem>> -> memref<1x128x32xf32, #tpu.memory_space<vmem>>
        %dma_start3A_508 = tpu.memref_squeeze %dma_start3A_507 : memref<1x128x32xf32, #tpu.memory_space<vmem>> -> memref<128x32xf32, #tpu.memory_space<vmem>>
        %dma_start3A_509 = arith.constant 0 : i32
        %dma_start3A_510 = tpu.memref_slice %arg6[%add3A_283, %dma_start3A_509] : memref<80x128xi32, #tpu.memory_space<vmem>> -> memref<1x128xi32, #tpu.memory_space<vmem>>
        %dma_start3A_511 = tpu.memref_squeeze %dma_start3A_510 : memref<1x128xi32, #tpu.memory_space<vmem>> -> memref<128xi32, #tpu.memory_space<vmem>>
        %dma_start3A_512 = arith.constant 0 : i32
        %dma_start3A_513 = arith.constant 0 : i32
        %dma_start3A_514 = tpu.memref_slice %arg2[%dma_start3A_512, %dma_start3A_513] : memref<10000x32xf32, #tpu.memory_space<hbm>> -> memref<10000x32xf32, #tpu.memory_space<hbm>>
        tpu.enqueue_indirect_dma source(%dma_start3A_514 : memref<10000x32xf32, #tpu.memory_space<hbm>>) target(%dma_start3A_508 : memref<128x32xf32, #tpu.memory_space<vmem>>) offsets(%dma_start3A_511 : memref<128xi32, #tpu.memory_space<vmem>>) semaphore(%arg10 : memref<!tpu.dma_semaphore, #tpu.memory_space<semaphore_mem>>)
      } else {
      }
      %dma_wait3A_289 = arith.constant 2 : i32
      %dma_wait3A_290 = arith.constant 0 : i32
      %dma_wait3A_291 = arith.constant 0 : i32
      %dma_wait3A_292 = tpu.memref_slice %arg8[%dma_wait3A_289, %dma_wait3A_290, %dma_wait3A_291] : memref<8x128x32xf32, #tpu.memory_space<vmem>> -> memref<1x128x32xf32, #tpu.memory_space<vmem>>
      %dma_wait3A_293 = tpu.memref_squeeze %dma_wait3A_292 : memref<1x128x32xf32, #tpu.memory_space<vmem>> -> memref<128x32xf32, #tpu.memory_space<vmem>>
      %dma_wait3A_294 = arith.constant 0 : i32
      %dma_wait3A_295 = arith.constant 0 : i32
      %dma_wait3A_296 = tpu.memref_slice %arg2[%dma_wait3A_294, %dma_wait3A_295] : memref<10000x32xf32, #tpu.memory_space<hbm>> -> memref<128x32xf32, #tpu.memory_space<hbm>>
      %dma_wait3A_297 = arith.constant 0 : i32
      %dma_wait3A_298 = arith.constant 0 : i32
      %dma_wait3A_299 = tpu.memref_slice %arg8[%dma_wait3A_289, %dma_wait3A_297, %dma_wait3A_298] : memref<8x128x32xf32, #tpu.memory_space<vmem>> -> memref<1x128x32xf32, #tpu.memory_space<vmem>>
      %dma_wait3A_300 = tpu.memref_squeeze %dma_wait3A_299 : memref<1x128x32xf32, #tpu.memory_space<vmem>> -> memref<128x32xf32, #tpu.memory_space<vmem>>
      %dma_wait3A_301 = arith.constant 0 : i32
      %dma_wait3A_302 = arith.constant 0 : i32
      %dma_wait3A_303 = tpu.memref_slice %arg2[%dma_wait3A_301, %dma_wait3A_302] : memref<10000x32xf32, #tpu.memory_space<hbm>> -> memref<128x32xf32, #tpu.memory_space<hbm>>
      tpu.wait_dma2 semaphore(%arg12 : memref<!tpu.dma_semaphore, #tpu.memory_space<semaphore_mem>>) src(%dma_wait3A_303 : memref<128x32xf32, #tpu.memory_space<hbm>>) dst(%dma_wait3A_300 : memref<128x32xf32, #tpu.memory_space<vmem>>)
      %dma_start3A_304 = arith.constant 2 : i32
      %dma_start3A_305 = arith.constant 0 : i32
      %dma_start3A_306 = arith.constant 0 : i32
      %dma_start3A_307 = tpu.memref_slice %arg8[%dma_start3A_304, %dma_start3A_305, %dma_start3A_306] : memref<8x128x32xf32, #tpu.memory_space<vmem>> -> memref<1x128x32xf32, #tpu.memory_space<vmem>>
      %dma_start3A_308 = tpu.memref_squeeze %dma_start3A_307 : memref<1x128x32xf32, #tpu.memory_space<vmem>> -> memref<128x32xf32, #tpu.memory_space<vmem>>
      %dma_start3A_309 = arith.constant 0 : i32
      %dma_start3A_310 = tpu.memref_slice %arg7[%add3A_281, %dma_start3A_309] : memref<80x128xi32, #tpu.memory_space<vmem>> -> memref<1x128xi32, #tpu.memory_space<vmem>>
      %dma_start3A_311 = tpu.memref_squeeze %dma_start3A_310 : memref<1x128xi32, #tpu.memory_space<vmem>> -> memref<128xi32, #tpu.memory_space<vmem>>
      %dma_start3A_312 = arith.constant 0 : i32
      %dma_start3A_313 = arith.constant 0 : i32
      %dma_start3A_314 = tpu.memref_slice %arg26[%dma_start3A_312, %dma_start3A_313] : memref<10240x32xf32, #tpu.memory_space<vmem_shared>> -> memref<10240x32xf32, #tpu.memory_space<vmem_shared>>
      tpu.enqueue_indirect_dma source(%dma_start3A_308 : memref<128x32xf32, #tpu.memory_space<vmem>>) target(%dma_start3A_314 : memref<10240x32xf32, #tpu.memory_space<vmem_shared>>) offsets(%dma_start3A_311 : memref<128xi32, #tpu.memory_space<vmem>>) semaphore(%arg20 : memref<!tpu.dma_semaphore, #tpu.memory_space<semaphore_mem>>) {add = true}
      %mul3A_315 = arith.constant 8 : i32
      %mul3A_316 = arith.muli %scan3A_206, %mul3A_315 : i32
      %add3A_317 = arith.constant 3 : i32
      %add3A_318 = arith.addi %mul3A_316, %add3A_317 : i32
      %add3A_319 = arith.constant 6 : i32
      %add3A_320 = arith.addi %add3A_318, %add3A_319 : i32
      %lt3A_321 = arith.constant 80 : i32
      %lt3A_322 = arith.cmpi slt, %add3A_320, %lt3A_321 : i32
      %convert_element_type3A_323 = arith.extui %lt3A_322 : i1 to i32
      %cond3A_324 = arith.constant 0 : i32
      %cond3A_325 = arith.cmpi ne, %convert_element_type3A_323, %cond3A_324 : i32
      scf.if %cond3A_325 {
        %ge3A = arith.constant 8 : i32
        %ge3A_500 = arith.cmpi sge, %add3A_320, %ge3A : i32
        %convert_element_type3A_501 = arith.extui %ge3A_500 : i1 to i32
        %cond3A_502 = arith.constant 0 : i32
        %cond3A_503 = arith.cmpi ne, %convert_element_type3A_501, %cond3A_502 : i32
        scf.if %cond3A_503 {
          %dma_wait3A_515 = arith.constant 1 : i32
          %dma_wait3A_516 = arith.constant 0 : i32
          %dma_wait3A_517 = arith.constant 0 : i32
          %dma_wait3A_518 = tpu.memref_slice %arg8[%dma_wait3A_515, %dma_wait3A_516, %dma_wait3A_517] : memref<8x128x32xf32, #tpu.memory_space<vmem>> -> memref<1x128x32xf32, #tpu.memory_space<vmem>>
          %dma_wait3A_519 = tpu.memref_squeeze %dma_wait3A_518 : memref<1x128x32xf32, #tpu.memory_space<vmem>> -> memref<128x32xf32, #tpu.memory_space<vmem>>
          %dma_wait3A_520 = arith.constant 0 : i32
          %dma_wait3A_521 = arith.constant 0 : i32
          %dma_wait3A_522 = tpu.memref_slice %arg2[%dma_wait3A_520, %dma_wait3A_521] : memref<10000x32xf32, #tpu.memory_space<hbm>> -> memref<128x32xf32, #tpu.memory_space<hbm>>
          %dma_wait3A_523 = arith.constant 0 : i32
          %dma_wait3A_524 = arith.constant 0 : i32
          %dma_wait3A_525 = tpu.memref_slice %arg8[%dma_wait3A_515, %dma_wait3A_523, %dma_wait3A_524] : memref<8x128x32xf32, #tpu.memory_space<vmem>> -> memref<1x128x32xf32, #tpu.memory_space<vmem>>
          %dma_wait3A_526 = tpu.memref_squeeze %dma_wait3A_525 : memref<1x128x32xf32, #tpu.memory_space<vmem>> -> memref<128x32xf32, #tpu.memory_space<vmem>>
          %dma_wait3A_527 = arith.constant 0 : i32
          %dma_wait3A_528 = arith.constant 0 : i32
          %dma_wait3A_529 = tpu.memref_slice %arg2[%dma_wait3A_527, %dma_wait3A_528] : memref<10000x32xf32, #tpu.memory_space<hbm>> -> memref<128x32xf32, #tpu.memory_space<hbm>>
          tpu.wait_dma2 semaphore(%arg19 : memref<!tpu.dma_semaphore, #tpu.memory_space<semaphore_mem>>) src(%dma_wait3A_529 : memref<128x32xf32, #tpu.memory_space<hbm>>) dst(%dma_wait3A_526 : memref<128x32xf32, #tpu.memory_space<vmem>>)
        } else {
        }
        %dma_start3A_504 = arith.constant 1 : i32
        %dma_start3A_505 = arith.constant 0 : i32
        %dma_start3A_506 = arith.constant 0 : i32
        %dma_start3A_507 = tpu.memref_slice %arg8[%dma_start3A_504, %dma_start3A_505, %dma_start3A_506] : memref<8x128x32xf32, #tpu.memory_space<vmem>> -> memref<1x128x32xf32, #tpu.memory_space<vmem>>
        %dma_start3A_508 = tpu.memref_squeeze %dma_start3A_507 : memref<1x128x32xf32, #tpu.memory_space<vmem>> -> memref<128x32xf32, #tpu.memory_space<vmem>>
        %dma_start3A_509 = arith.constant 0 : i32
        %dma_start3A_510 = tpu.memref_slice %arg6[%add3A_320, %dma_start3A_509] : memref<80x128xi32, #tpu.memory_space<vmem>> -> memref<1x128xi32, #tpu.memory_space<vmem>>
        %dma_start3A_511 = tpu.memref_squeeze %dma_start3A_510 : memref<1x128xi32, #tpu.memory_space<vmem>> -> memref<128xi32, #tpu.memory_space<vmem>>
        %dma_start3A_512 = arith.constant 0 : i32
        %dma_start3A_513 = arith.constant 0 : i32
        %dma_start3A_514 = tpu.memref_slice %arg2[%dma_start3A_512, %dma_start3A_513] : memref<10000x32xf32, #tpu.memory_space<hbm>> -> memref<10000x32xf32, #tpu.memory_space<hbm>>
        tpu.enqueue_indirect_dma source(%dma_start3A_514 : memref<10000x32xf32, #tpu.memory_space<hbm>>) target(%dma_start3A_508 : memref<128x32xf32, #tpu.memory_space<vmem>>) offsets(%dma_start3A_511 : memref<128xi32, #tpu.memory_space<vmem>>) semaphore(%arg11 : memref<!tpu.dma_semaphore, #tpu.memory_space<semaphore_mem>>)
      } else {
      }
      %dma_wait3A_326 = arith.constant 3 : i32
      %dma_wait3A_327 = arith.constant 0 : i32
      %dma_wait3A_328 = arith.constant 0 : i32
      %dma_wait3A_329 = tpu.memref_slice %arg8[%dma_wait3A_326, %dma_wait3A_327, %dma_wait3A_328] : memref<8x128x32xf32, #tpu.memory_space<vmem>> -> memref<1x128x32xf32, #tpu.memory_space<vmem>>
      %dma_wait3A_330 = tpu.memref_squeeze %dma_wait3A_329 : memref<1x128x32xf32, #tpu.memory_space<vmem>> -> memref<128x32xf32, #tpu.memory_space<vmem>>
      %dma_wait3A_331 = arith.constant 0 : i32
      %dma_wait3A_332 = arith.constant 0 : i32
      %dma_wait3A_333 = tpu.memref_slice %arg2[%dma_wait3A_331, %dma_wait3A_332] : memref<10000x32xf32, #tpu.memory_space<hbm>> -> memref<128x32xf32, #tpu.memory_space<hbm>>
      %dma_wait3A_334 = arith.constant 0 : i32
      %dma_wait3A_335 = arith.constant 0 : i32
      %dma_wait3A_336 = tpu.memref_slice %arg8[%dma_wait3A_326, %dma_wait3A_334, %dma_wait3A_335] : memref<8x128x32xf32, #tpu.memory_space<vmem>> -> memref<1x128x32xf32, #tpu.memory_space<vmem>>
      %dma_wait3A_337 = tpu.memref_squeeze %dma_wait3A_336 : memref<1x128x32xf32, #tpu.memory_space<vmem>> -> memref<128x32xf32, #tpu.memory_space<vmem>>
      %dma_wait3A_338 = arith.constant 0 : i32
      %dma_wait3A_339 = arith.constant 0 : i32
      %dma_wait3A_340 = tpu.memref_slice %arg2[%dma_wait3A_338, %dma_wait3A_339] : memref<10000x32xf32, #tpu.memory_space<hbm>> -> memref<128x32xf32, #tpu.memory_space<hbm>>
      tpu.wait_dma2 semaphore(%arg13 : memref<!tpu.dma_semaphore, #tpu.memory_space<semaphore_mem>>) src(%dma_wait3A_340 : memref<128x32xf32, #tpu.memory_space<hbm>>) dst(%dma_wait3A_337 : memref<128x32xf32, #tpu.memory_space<vmem>>)
      %dma_start3A_341 = arith.constant 3 : i32
      %dma_start3A_342 = arith.constant 0 : i32
      %dma_start3A_343 = arith.constant 0 : i32
      %dma_start3A_344 = tpu.memref_slice %arg8[%dma_start3A_341, %dma_start3A_342, %dma_start3A_343] : memref<8x128x32xf32, #tpu.memory_space<vmem>> -> memref<1x128x32xf32, #tpu.memory_space<vmem>>
      %dma_start3A_345 = tpu.memref_squeeze %dma_start3A_344 : memref<1x128x32xf32, #tpu.memory_space<vmem>> -> memref<128x32xf32, #tpu.memory_space<vmem>>
      %dma_start3A_346 = arith.constant 0 : i32
      %dma_start3A_347 = tpu.memref_slice %arg7[%add3A_318, %dma_start3A_346] : memref<80x128xi32, #tpu.memory_space<vmem>> -> memref<1x128xi32, #tpu.memory_space<vmem>>
      %dma_start3A_348 = tpu.memref_squeeze %dma_start3A_347 : memref<1x128xi32, #tpu.memory_space<vmem>> -> memref<128xi32, #tpu.memory_space<vmem>>
      %dma_start3A_349 = arith.constant 0 : i32
      %dma_start3A_350 = arith.constant 0 : i32
      %dma_start3A_351 = tpu.memref_slice %arg26[%dma_start3A_349, %dma_start3A_350] : memref<10240x32xf32, #tpu.memory_space<vmem_shared>> -> memref<10240x32xf32, #tpu.memory_space<vmem_shared>>
      tpu.enqueue_indirect_dma source(%dma_start3A_345 : memref<128x32xf32, #tpu.memory_space<vmem>>) target(%dma_start3A_351 : memref<10240x32xf32, #tpu.memory_space<vmem_shared>>) offsets(%dma_start3A_348 : memref<128xi32, #tpu.memory_space<vmem>>) semaphore(%arg21 : memref<!tpu.dma_semaphore, #tpu.memory_space<semaphore_mem>>) {add = true}
      %mul3A_352 = arith.constant 8 : i32
      %mul3A_353 = arith.muli %scan3A_206, %mul3A_352 : i32
      %add3A_354 = arith.constant 4 : i32
      %add3A_355 = arith.addi %mul3A_353, %add3A_354 : i32
      %add3A_356 = arith.constant 6 : i32
      %add3A_357 = arith.addi %add3A_355, %add3A_356 : i32
      %lt3A_358 = arith.constant 80 : i32
      %lt3A_359 = arith.cmpi slt, %add3A_357, %lt3A_358 : i32
      %convert_element_type3A_360 = arith.extui %lt3A_359 : i1 to i32
      %cond3A_361 = arith.constant 0 : i32
      %cond3A_362 = arith.cmpi ne, %convert_element_type3A_360, %cond3A_361 : i32
      scf.if %cond3A_362 {
        %ge3A = arith.constant 8 : i32
        %ge3A_500 = arith.cmpi sge, %add3A_357, %ge3A : i32
        %convert_element_type3A_501 = arith.extui %ge3A_500 : i1 to i32
        %cond3A_502 = arith.constant 0 : i32
        %cond3A_503 = arith.cmpi ne, %convert_element_type3A_501, %cond3A_502 : i32
        scf.if %cond3A_503 {
          %dma_wait3A_515 = arith.constant 2 : i32
          %dma_wait3A_516 = arith.constant 0 : i32
          %dma_wait3A_517 = arith.constant 0 : i32
          %dma_wait3A_518 = tpu.memref_slice %arg8[%dma_wait3A_515, %dma_wait3A_516, %dma_wait3A_517] : memref<8x128x32xf32, #tpu.memory_space<vmem>> -> memref<1x128x32xf32, #tpu.memory_space<vmem>>
          %dma_wait3A_519 = tpu.memref_squeeze %dma_wait3A_518 : memref<1x128x32xf32, #tpu.memory_space<vmem>> -> memref<128x32xf32, #tpu.memory_space<vmem>>
          %dma_wait3A_520 = arith.constant 0 : i32
          %dma_wait3A_521 = arith.constant 0 : i32
          %dma_wait3A_522 = tpu.memref_slice %arg2[%dma_wait3A_520, %dma_wait3A_521] : memref<10000x32xf32, #tpu.memory_space<hbm>> -> memref<128x32xf32, #tpu.memory_space<hbm>>
          %dma_wait3A_523 = arith.constant 0 : i32
          %dma_wait3A_524 = arith.constant 0 : i32
          %dma_wait3A_525 = tpu.memref_slice %arg8[%dma_wait3A_515, %dma_wait3A_523, %dma_wait3A_524] : memref<8x128x32xf32, #tpu.memory_space<vmem>> -> memref<1x128x32xf32, #tpu.memory_space<vmem>>
          %dma_wait3A_526 = tpu.memref_squeeze %dma_wait3A_525 : memref<1x128x32xf32, #tpu.memory_space<vmem>> -> memref<128x32xf32, #tpu.memory_space<vmem>>
          %dma_wait3A_527 = arith.constant 0 : i32
          %dma_wait3A_528 = arith.constant 0 : i32
          %dma_wait3A_529 = tpu.memref_slice %arg2[%dma_wait3A_527, %dma_wait3A_528] : memref<10000x32xf32, #tpu.memory_space<hbm>> -> memref<128x32xf32, #tpu.memory_space<hbm>>
          tpu.wait_dma2 semaphore(%arg20 : memref<!tpu.dma_semaphore, #tpu.memory_space<semaphore_mem>>) src(%dma_wait3A_529 : memref<128x32xf32, #tpu.memory_space<hbm>>) dst(%dma_wait3A_526 : memref<128x32xf32, #tpu.memory_space<vmem>>)
        } else {
        }
        %dma_start3A_504 = arith.constant 2 : i32
        %dma_start3A_505 = arith.constant 0 : i32
        %dma_start3A_506 = arith.constant 0 : i32
        %dma_start3A_507 = tpu.memref_slice %arg8[%dma_start3A_504, %dma_start3A_505, %dma_start3A_506] : memref<8x128x32xf32, #tpu.memory_space<vmem>> -> memref<1x128x32xf32, #tpu.memory_space<vmem>>
        %dma_start3A_508 = tpu.memref_squeeze %dma_start3A_507 : memref<1x128x32xf32, #tpu.memory_space<vmem>> -> memref<128x32xf32, #tpu.memory_space<vmem>>
        %dma_start3A_509 = arith.constant 0 : i32
        %dma_start3A_510 = tpu.memref_slice %arg6[%add3A_357, %dma_start3A_509] : memref<80x128xi32, #tpu.memory_space<vmem>> -> memref<1x128xi32, #tpu.memory_space<vmem>>
        %dma_start3A_511 = tpu.memref_squeeze %dma_start3A_510 : memref<1x128xi32, #tpu.memory_space<vmem>> -> memref<128xi32, #tpu.memory_space<vmem>>
        %dma_start3A_512 = arith.constant 0 : i32
        %dma_start3A_513 = arith.constant 0 : i32
        %dma_start3A_514 = tpu.memref_slice %arg2[%dma_start3A_512, %dma_start3A_513] : memref<10000x32xf32, #tpu.memory_space<hbm>> -> memref<10000x32xf32, #tpu.memory_space<hbm>>
        tpu.enqueue_indirect_dma source(%dma_start3A_514 : memref<10000x32xf32, #tpu.memory_space<hbm>>) target(%dma_start3A_508 : memref<128x32xf32, #tpu.memory_space<vmem>>) offsets(%dma_start3A_511 : memref<128xi32, #tpu.memory_space<vmem>>) semaphore(%arg12 : memref<!tpu.dma_semaphore, #tpu.memory_space<semaphore_mem>>)
      } else {
      }
      %dma_wait3A_363 = arith.constant 4 : i32
      %dma_wait3A_364 = arith.constant 0 : i32
      %dma_wait3A_365 = arith.constant 0 : i32
      %dma_wait3A_366 = tpu.memref_slice %arg8[%dma_wait3A_363, %dma_wait3A_364, %dma_wait3A_365] : memref<8x128x32xf32, #tpu.memory_space<vmem>> -> memref<1x128x32xf32, #tpu.memory_space<vmem>>
      %dma_wait3A_367 = tpu.memref_squeeze %dma_wait3A_366 : memref<1x128x32xf32, #tpu.memory_space<vmem>> -> memref<128x32xf32, #tpu.memory_space<vmem>>
      %dma_wait3A_368 = arith.constant 0 : i32
      %dma_wait3A_369 = arith.constant 0 : i32
      %dma_wait3A_370 = tpu.memref_slice %arg2[%dma_wait3A_368, %dma_wait3A_369] : memref<10000x32xf32, #tpu.memory_space<hbm>> -> memref<128x32xf32, #tpu.memory_space<hbm>>
      %dma_wait3A_371 = arith.constant 0 : i32
      %dma_wait3A_372 = arith.constant 0 : i32
      %dma_wait3A_373 = tpu.memref_slice %arg8[%dma_wait3A_363, %dma_wait3A_371, %dma_wait3A_372] : memref<8x128x32xf32, #tpu.memory_space<vmem>> -> memref<1x128x32xf32, #tpu.memory_space<vmem>>
      %dma_wait3A_374 = tpu.memref_squeeze %dma_wait3A_373 : memref<1x128x32xf32, #tpu.memory_space<vmem>> -> memref<128x32xf32, #tpu.memory_space<vmem>>
      %dma_wait3A_375 = arith.constant 0 : i32
      %dma_wait3A_376 = arith.constant 0 : i32
      %dma_wait3A_377 = tpu.memref_slice %arg2[%dma_wait3A_375, %dma_wait3A_376] : memref<10000x32xf32, #tpu.memory_space<hbm>> -> memref<128x32xf32, #tpu.memory_space<hbm>>
      tpu.wait_dma2 semaphore(%arg14 : memref<!tpu.dma_semaphore, #tpu.memory_space<semaphore_mem>>) src(%dma_wait3A_377 : memref<128x32xf32, #tpu.memory_space<hbm>>) dst(%dma_wait3A_374 : memref<128x32xf32, #tpu.memory_space<vmem>>)
      %dma_start3A_378 = arith.constant 4 : i32
      %dma_start3A_379 = arith.constant 0 : i32
      %dma_start3A_380 = arith.constant 0 : i32
      %dma_start3A_381 = tpu.memref_slice %arg8[%dma_start3A_378, %dma_start3A_379, %dma_start3A_380] : memref<8x128x32xf32, #tpu.memory_space<vmem>> -> memref<1x128x32xf32, #tpu.memory_space<vmem>>
      %dma_start3A_382 = tpu.memref_squeeze %dma_start3A_381 : memref<1x128x32xf32, #tpu.memory_space<vmem>> -> memref<128x32xf32, #tpu.memory_space<vmem>>
      %dma_start3A_383 = arith.constant 0 : i32
      %dma_start3A_384 = tpu.memref_slice %arg7[%add3A_355, %dma_start3A_383] : memref<80x128xi32, #tpu.memory_space<vmem>> -> memref<1x128xi32, #tpu.memory_space<vmem>>
      %dma_start3A_385 = tpu.memref_squeeze %dma_start3A_384 : memref<1x128xi32, #tpu.memory_space<vmem>> -> memref<128xi32, #tpu.memory_space<vmem>>
      %dma_start3A_386 = arith.constant 0 : i32
      %dma_start3A_387 = arith.constant 0 : i32
      %dma_start3A_388 = tpu.memref_slice %arg26[%dma_start3A_386, %dma_start3A_387] : memref<10240x32xf32, #tpu.memory_space<vmem_shared>> -> memref<10240x32xf32, #tpu.memory_space<vmem_shared>>
      tpu.enqueue_indirect_dma source(%dma_start3A_382 : memref<128x32xf32, #tpu.memory_space<vmem>>) target(%dma_start3A_388 : memref<10240x32xf32, #tpu.memory_space<vmem_shared>>) offsets(%dma_start3A_385 : memref<128xi32, #tpu.memory_space<vmem>>) semaphore(%arg22 : memref<!tpu.dma_semaphore, #tpu.memory_space<semaphore_mem>>) {add = true}
      %mul3A_389 = arith.constant 8 : i32
      %mul3A_390 = arith.muli %scan3A_206, %mul3A_389 : i32
      %add3A_391 = arith.constant 5 : i32
      %add3A_392 = arith.addi %mul3A_390, %add3A_391 : i32
      %add3A_393 = arith.constant 6 : i32
      %add3A_394 = arith.addi %add3A_392, %add3A_393 : i32
      %lt3A_395 = arith.constant 80 : i32
      %lt3A_396 = arith.cmpi slt, %add3A_394, %lt3A_395 : i32
      %convert_element_type3A_397 = arith.extui %lt3A_396 : i1 to i32
      %cond3A_398 = arith.constant 0 : i32
      %cond3A_399 = arith.cmpi ne, %convert_element_type3A_397, %cond3A_398 : i32
      scf.if %cond3A_399 {
        %ge3A = arith.constant 8 : i32
        %ge3A_500 = arith.cmpi sge, %add3A_394, %ge3A : i32
        %convert_element_type3A_501 = arith.extui %ge3A_500 : i1 to i32
        %cond3A_502 = arith.constant 0 : i32
        %cond3A_503 = arith.cmpi ne, %convert_element_type3A_501, %cond3A_502 : i32
        scf.if %cond3A_503 {
          %dma_wait3A_515 = arith.constant 3 : i32
          %dma_wait3A_516 = arith.constant 0 : i32
          %dma_wait3A_517 = arith.constant 0 : i32
          %dma_wait3A_518 = tpu.memref_slice %arg8[%dma_wait3A_515, %dma_wait3A_516, %dma_wait3A_517] : memref<8x128x32xf32, #tpu.memory_space<vmem>> -> memref<1x128x32xf32, #tpu.memory_space<vmem>>
          %dma_wait3A_519 = tpu.memref_squeeze %dma_wait3A_518 : memref<1x128x32xf32, #tpu.memory_space<vmem>> -> memref<128x32xf32, #tpu.memory_space<vmem>>
          %dma_wait3A_520 = arith.constant 0 : i32
          %dma_wait3A_521 = arith.constant 0 : i32
          %dma_wait3A_522 = tpu.memref_slice %arg2[%dma_wait3A_520, %dma_wait3A_521] : memref<10000x32xf32, #tpu.memory_space<hbm>> -> memref<128x32xf32, #tpu.memory_space<hbm>>
          %dma_wait3A_523 = arith.constant 0 : i32
          %dma_wait3A_524 = arith.constant 0 : i32
          %dma_wait3A_525 = tpu.memref_slice %arg8[%dma_wait3A_515, %dma_wait3A_523, %dma_wait3A_524] : memref<8x128x32xf32, #tpu.memory_space<vmem>> -> memref<1x128x32xf32, #tpu.memory_space<vmem>>
          %dma_wait3A_526 = tpu.memref_squeeze %dma_wait3A_525 : memref<1x128x32xf32, #tpu.memory_space<vmem>> -> memref<128x32xf32, #tpu.memory_space<vmem>>
          %dma_wait3A_527 = arith.constant 0 : i32
          %dma_wait3A_528 = arith.constant 0 : i32
          %dma_wait3A_529 = tpu.memref_slice %arg2[%dma_wait3A_527, %dma_wait3A_528] : memref<10000x32xf32, #tpu.memory_space<hbm>> -> memref<128x32xf32, #tpu.memory_space<hbm>>
          tpu.wait_dma2 semaphore(%arg21 : memref<!tpu.dma_semaphore, #tpu.memory_space<semaphore_mem>>) src(%dma_wait3A_529 : memref<128x32xf32, #tpu.memory_space<hbm>>) dst(%dma_wait3A_526 : memref<128x32xf32, #tpu.memory_space<vmem>>)
        } else {
        }
        %dma_start3A_504 = arith.constant 3 : i32
        %dma_start3A_505 = arith.constant 0 : i32
        %dma_start3A_506 = arith.constant 0 : i32
        %dma_start3A_507 = tpu.memref_slice %arg8[%dma_start3A_504, %dma_start3A_505, %dma_start3A_506] : memref<8x128x32xf32, #tpu.memory_space<vmem>> -> memref<1x128x32xf32, #tpu.memory_space<vmem>>
        %dma_start3A_508 = tpu.memref_squeeze %dma_start3A_507 : memref<1x128x32xf32, #tpu.memory_space<vmem>> -> memref<128x32xf32, #tpu.memory_space<vmem>>
        %dma_start3A_509 = arith.constant 0 : i32
        %dma_start3A_510 = tpu.memref_slice %arg6[%add3A_394, %dma_start3A_509] : memref<80x128xi32, #tpu.memory_space<vmem>> -> memref<1x128xi32, #tpu.memory_space<vmem>>
        %dma_start3A_511 = tpu.memref_squeeze %dma_start3A_510 : memref<1x128xi32, #tpu.memory_space<vmem>> -> memref<128xi32, #tpu.memory_space<vmem>>
        %dma_start3A_512 = arith.constant 0 : i32
        %dma_start3A_513 = arith.constant 0 : i32
        %dma_start3A_514 = tpu.memref_slice %arg2[%dma_start3A_512, %dma_start3A_513] : memref<10000x32xf32, #tpu.memory_space<hbm>> -> memref<10000x32xf32, #tpu.memory_space<hbm>>
        tpu.enqueue_indirect_dma source(%dma_start3A_514 : memref<10000x32xf32, #tpu.memory_space<hbm>>) target(%dma_start3A_508 : memref<128x32xf32, #tpu.memory_space<vmem>>) offsets(%dma_start3A_511 : memref<128xi32, #tpu.memory_space<vmem>>) semaphore(%arg13 : memref<!tpu.dma_semaphore, #tpu.memory_space<semaphore_mem>>)
      } else {
      }
      %dma_wait3A_400 = arith.constant 5 : i32
      %dma_wait3A_401 = arith.constant 0 : i32
      %dma_wait3A_402 = arith.constant 0 : i32
      %dma_wait3A_403 = tpu.memref_slice %arg8[%dma_wait3A_400, %dma_wait3A_401, %dma_wait3A_402] : memref<8x128x32xf32, #tpu.memory_space<vmem>> -> memref<1x128x32xf32, #tpu.memory_space<vmem>>
      %dma_wait3A_404 = tpu.memref_squeeze %dma_wait3A_403 : memref<1x128x32xf32, #tpu.memory_space<vmem>> -> memref<128x32xf32, #tpu.memory_space<vmem>>
      %dma_wait3A_405 = arith.constant 0 : i32
      %dma_wait3A_406 = arith.constant 0 : i32
      %dma_wait3A_407 = tpu.memref_slice %arg2[%dma_wait3A_405, %dma_wait3A_406] : memref<10000x32xf32, #tpu.memory_space<hbm>> -> memref<128x32xf32, #tpu.memory_space<hbm>>
      %dma_wait3A_408 = arith.constant 0 : i32
      %dma_wait3A_409 = arith.constant 0 : i32
      %dma_wait3A_410 = tpu.memref_slice %arg8[%dma_wait3A_400, %dma_wait3A_408, %dma_wait3A_409] : memref<8x128x32xf32, #tpu.memory_space<vmem>> -> memref<1x128x32xf32, #tpu.memory_space<vmem>>
      %dma_wait3A_411 = tpu.memref_squeeze %dma_wait3A_410 : memref<1x128x32xf32, #tpu.memory_space<vmem>> -> memref<128x32xf32, #tpu.memory_space<vmem>>
      %dma_wait3A_412 = arith.constant 0 : i32
      %dma_wait3A_413 = arith.constant 0 : i32
      %dma_wait3A_414 = tpu.memref_slice %arg2[%dma_wait3A_412, %dma_wait3A_413] : memref<10000x32xf32, #tpu.memory_space<hbm>> -> memref<128x32xf32, #tpu.memory_space<hbm>>
      tpu.wait_dma2 semaphore(%arg15 : memref<!tpu.dma_semaphore, #tpu.memory_space<semaphore_mem>>) src(%dma_wait3A_414 : memref<128x32xf32, #tpu.memory_space<hbm>>) dst(%dma_wait3A_411 : memref<128x32xf32, #tpu.memory_space<vmem>>)
      %dma_start3A_415 = arith.constant 5 : i32
      %dma_start3A_416 = arith.constant 0 : i32
      %dma_start3A_417 = arith.constant 0 : i32
      %dma_start3A_418 = tpu.memref_slice %arg8[%dma_start3A_415, %dma_start3A_416, %dma_start3A_417] : memref<8x128x32xf32, #tpu.memory_space<vmem>> -> memref<1x128x32xf32, #tpu.memory_space<vmem>>
      %dma_start3A_419 = tpu.memref_squeeze %dma_start3A_418 : memref<1x128x32xf32, #tpu.memory_space<vmem>> -> memref<128x32xf32, #tpu.memory_space<vmem>>
      %dma_start3A_420 = arith.constant 0 : i32
      %dma_start3A_421 = tpu.memref_slice %arg7[%add3A_392, %dma_start3A_420] : memref<80x128xi32, #tpu.memory_space<vmem>> -> memref<1x128xi32, #tpu.memory_space<vmem>>
      %dma_start3A_422 = tpu.memref_squeeze %dma_start3A_421 : memref<1x128xi32, #tpu.memory_space<vmem>> -> memref<128xi32, #tpu.memory_space<vmem>>
      %dma_start3A_423 = arith.constant 0 : i32
      %dma_start3A_424 = arith.constant 0 : i32
      %dma_start3A_425 = tpu.memref_slice %arg26[%dma_start3A_423, %dma_start3A_424] : memref<10240x32xf32, #tpu.memory_space<vmem_shared>> -> memref<10240x32xf32, #tpu.memory_space<vmem_shared>>
      tpu.enqueue_indirect_dma source(%dma_start3A_419 : memref<128x32xf32, #tpu.memory_space<vmem>>) target(%dma_start3A_425 : memref<10240x32xf32, #tpu.memory_space<vmem_shared>>) offsets(%dma_start3A_422 : memref<128xi32, #tpu.memory_space<vmem>>) semaphore(%arg23 : memref<!tpu.dma_semaphore, #tpu.memory_space<semaphore_mem>>) {add = true}
      %mul3A_426 = arith.constant 8 : i32
      %mul3A_427 = arith.muli %scan3A_206, %mul3A_426 : i32
      %add3A_428 = arith.constant 6 : i32
      %add3A_429 = arith.addi %mul3A_427, %add3A_428 : i32
      %add3A_430 = arith.constant 6 : i32
      %add3A_431 = arith.addi %add3A_429, %add3A_430 : i32
      %lt3A_432 = arith.constant 80 : i32
      %lt3A_433 = arith.cmpi slt, %add3A_431, %lt3A_432 : i32
      %convert_element_type3A_434 = arith.extui %lt3A_433 : i1 to i32
      %cond3A_435 = arith.constant 0 : i32
      %cond3A_436 = arith.cmpi ne, %convert_element_type3A_434, %cond3A_435 : i32
      scf.if %cond3A_436 {
        %ge3A = arith.constant 8 : i32
        %ge3A_500 = arith.cmpi sge, %add3A_431, %ge3A : i32
        %convert_element_type3A_501 = arith.extui %ge3A_500 : i1 to i32
        %cond3A_502 = arith.constant 0 : i32
        %cond3A_503 = arith.cmpi ne, %convert_element_type3A_501, %cond3A_502 : i32
        scf.if %cond3A_503 {
          %dma_wait3A_515 = arith.constant 4 : i32
          %dma_wait3A_516 = arith.constant 0 : i32
          %dma_wait3A_517 = arith.constant 0 : i32
          %dma_wait3A_518 = tpu.memref_slice %arg8[%dma_wait3A_515, %dma_wait3A_516, %dma_wait3A_517] : memref<8x128x32xf32, #tpu.memory_space<vmem>> -> memref<1x128x32xf32, #tpu.memory_space<vmem>>
          %dma_wait3A_519 = tpu.memref_squeeze %dma_wait3A_518 : memref<1x128x32xf32, #tpu.memory_space<vmem>> -> memref<128x32xf32, #tpu.memory_space<vmem>>
          %dma_wait3A_520 = arith.constant 0 : i32
          %dma_wait3A_521 = arith.constant 0 : i32
          %dma_wait3A_522 = tpu.memref_slice %arg2[%dma_wait3A_520, %dma_wait3A_521] : memref<10000x32xf32, #tpu.memory_space<hbm>> -> memref<128x32xf32, #tpu.memory_space<hbm>>
          %dma_wait3A_523 = arith.constant 0 : i32
          %dma_wait3A_524 = arith.constant 0 : i32
          %dma_wait3A_525 = tpu.memref_slice %arg8[%dma_wait3A_515, %dma_wait3A_523, %dma_wait3A_524] : memref<8x128x32xf32, #tpu.memory_space<vmem>> -> memref<1x128x32xf32, #tpu.memory_space<vmem>>
          %dma_wait3A_526 = tpu.memref_squeeze %dma_wait3A_525 : memref<1x128x32xf32, #tpu.memory_space<vmem>> -> memref<128x32xf32, #tpu.memory_space<vmem>>
          %dma_wait3A_527 = arith.constant 0 : i32
          %dma_wait3A_528 = arith.constant 0 : i32
          %dma_wait3A_529 = tpu.memref_slice %arg2[%dma_wait3A_527, %dma_wait3A_528] : memref<10000x32xf32, #tpu.memory_space<hbm>> -> memref<128x32xf32, #tpu.memory_space<hbm>>
          tpu.wait_dma2 semaphore(%arg22 : memref<!tpu.dma_semaphore, #tpu.memory_space<semaphore_mem>>) src(%dma_wait3A_529 : memref<128x32xf32, #tpu.memory_space<hbm>>) dst(%dma_wait3A_526 : memref<128x32xf32, #tpu.memory_space<vmem>>)
        } else {
        }
        %dma_start3A_504 = arith.constant 4 : i32
        %dma_start3A_505 = arith.constant 0 : i32
        %dma_start3A_506 = arith.constant 0 : i32
        %dma_start3A_507 = tpu.memref_slice %arg8[%dma_start3A_504, %dma_start3A_505, %dma_start3A_506] : memref<8x128x32xf32, #tpu.memory_space<vmem>> -> memref<1x128x32xf32, #tpu.memory_space<vmem>>
        %dma_start3A_508 = tpu.memref_squeeze %dma_start3A_507 : memref<1x128x32xf32, #tpu.memory_space<vmem>> -> memref<128x32xf32, #tpu.memory_space<vmem>>
        %dma_start3A_509 = arith.constant 0 : i32
        %dma_start3A_510 = tpu.memref_slice %arg6[%add3A_431, %dma_start3A_509] : memref<80x128xi32, #tpu.memory_space<vmem>> -> memref<1x128xi32, #tpu.memory_space<vmem>>
        %dma_start3A_511 = tpu.memref_squeeze %dma_start3A_510 : memref<1x128xi32, #tpu.memory_space<vmem>> -> memref<128xi32, #tpu.memory_space<vmem>>
        %dma_start3A_512 = arith.constant 0 : i32
        %dma_start3A_513 = arith.constant 0 : i32
        %dma_start3A_514 = tpu.memref_slice %arg2[%dma_start3A_512, %dma_start3A_513] : memref<10000x32xf32, #tpu.memory_space<hbm>> -> memref<10000x32xf32, #tpu.memory_space<hbm>>
        tpu.enqueue_indirect_dma source(%dma_start3A_514 : memref<10000x32xf32, #tpu.memory_space<hbm>>) target(%dma_start3A_508 : memref<128x32xf32, #tpu.memory_space<vmem>>) offsets(%dma_start3A_511 : memref<128xi32, #tpu.memory_space<vmem>>) semaphore(%arg14 : memref<!tpu.dma_semaphore, #tpu.memory_space<semaphore_mem>>)
      } else {
      }
      %dma_wait3A_437 = arith.constant 6 : i32
      %dma_wait3A_438 = arith.constant 0 : i32
      %dma_wait3A_439 = arith.constant 0 : i32
      %dma_wait3A_440 = tpu.memref_slice %arg8[%dma_wait3A_437, %dma_wait3A_438, %dma_wait3A_439] : memref<8x128x32xf32, #tpu.memory_space<vmem>> -> memref<1x128x32xf32, #tpu.memory_space<vmem>>
      %dma_wait3A_441 = tpu.memref_squeeze %dma_wait3A_440 : memref<1x128x32xf32, #tpu.memory_space<vmem>> -> memref<128x32xf32, #tpu.memory_space<vmem>>
      %dma_wait3A_442 = arith.constant 0 : i32
      %dma_wait3A_443 = arith.constant 0 : i32
      %dma_wait3A_444 = tpu.memref_slice %arg2[%dma_wait3A_442, %dma_wait3A_443] : memref<10000x32xf32, #tpu.memory_space<hbm>> -> memref<128x32xf32, #tpu.memory_space<hbm>>
      %dma_wait3A_445 = arith.constant 0 : i32
      %dma_wait3A_446 = arith.constant 0 : i32
      %dma_wait3A_447 = tpu.memref_slice %arg8[%dma_wait3A_437, %dma_wait3A_445, %dma_wait3A_446] : memref<8x128x32xf32, #tpu.memory_space<vmem>> -> memref<1x128x32xf32, #tpu.memory_space<vmem>>
      %dma_wait3A_448 = tpu.memref_squeeze %dma_wait3A_447 : memref<1x128x32xf32, #tpu.memory_space<vmem>> -> memref<128x32xf32, #tpu.memory_space<vmem>>
      %dma_wait3A_449 = arith.constant 0 : i32
      %dma_wait3A_450 = arith.constant 0 : i32
      %dma_wait3A_451 = tpu.memref_slice %arg2[%dma_wait3A_449, %dma_wait3A_450] : memref<10000x32xf32, #tpu.memory_space<hbm>> -> memref<128x32xf32, #tpu.memory_space<hbm>>
      tpu.wait_dma2 semaphore(%arg16 : memref<!tpu.dma_semaphore, #tpu.memory_space<semaphore_mem>>) src(%dma_wait3A_451 : memref<128x32xf32, #tpu.memory_space<hbm>>) dst(%dma_wait3A_448 : memref<128x32xf32, #tpu.memory_space<vmem>>)
      %dma_start3A_452 = arith.constant 6 : i32
      %dma_start3A_453 = arith.constant 0 : i32
      %dma_start3A_454 = arith.constant 0 : i32
      %dma_start3A_455 = tpu.memref_slice %arg8[%dma_start3A_452, %dma_start3A_453, %dma_start3A_454] : memref<8x128x32xf32, #tpu.memory_space<vmem>> -> memref<1x128x32xf32, #tpu.memory_space<vmem>>
      %dma_start3A_456 = tpu.memref_squeeze %dma_start3A_455 : memref<1x128x32xf32, #tpu.memory_space<vmem>> -> memref<128x32xf32, #tpu.memory_space<vmem>>
      %dma_start3A_457 = arith.constant 0 : i32
      %dma_start3A_458 = tpu.memref_slice %arg7[%add3A_429, %dma_start3A_457] : memref<80x128xi32, #tpu.memory_space<vmem>> -> memref<1x128xi32, #tpu.memory_space<vmem>>
      %dma_start3A_459 = tpu.memref_squeeze %dma_start3A_458 : memref<1x128xi32, #tpu.memory_space<vmem>> -> memref<128xi32, #tpu.memory_space<vmem>>
      %dma_start3A_460 = arith.constant 0 : i32
      %dma_start3A_461 = arith.constant 0 : i32
      %dma_start3A_462 = tpu.memref_slice %arg26[%dma_start3A_460, %dma_start3A_461] : memref<10240x32xf32, #tpu.memory_space<vmem_shared>> -> memref<10240x32xf32, #tpu.memory_space<vmem_shared>>
      tpu.enqueue_indirect_dma source(%dma_start3A_456 : memref<128x32xf32, #tpu.memory_space<vmem>>) target(%dma_start3A_462 : memref<10240x32xf32, #tpu.memory_space<vmem_shared>>) offsets(%dma_start3A_459 : memref<128xi32, #tpu.memory_space<vmem>>) semaphore(%arg24 : memref<!tpu.dma_semaphore, #tpu.memory_space<semaphore_mem>>) {add = true}
      %mul3A_463 = arith.constant 8 : i32
      %mul3A_464 = arith.muli %scan3A_206, %mul3A_463 : i32
      %add3A_465 = arith.constant 7 : i32
      %add3A_466 = arith.addi %mul3A_464, %add3A_465 : i32
      %add3A_467 = arith.constant 6 : i32
      %add3A_468 = arith.addi %add3A_466, %add3A_467 : i32
      %lt3A_469 = arith.constant 80 : i32
      %lt3A_470 = arith.cmpi slt, %add3A_468, %lt3A_469 : i32
      %convert_element_type3A_471 = arith.extui %lt3A_470 : i1 to i32
      %cond3A_472 = arith.constant 0 : i32
      %cond3A_473 = arith.cmpi ne, %convert_element_type3A_471, %cond3A_472 : i32
      scf.if %cond3A_473 {
        %ge3A = arith.constant 8 : i32
        %ge3A_500 = arith.cmpi sge, %add3A_468, %ge3A : i32
        %convert_element_type3A_501 = arith.extui %ge3A_500 : i1 to i32
        %cond3A_502 = arith.constant 0 : i32
        %cond3A_503 = arith.cmpi ne, %convert_element_type3A_501, %cond3A_502 : i32
        scf.if %cond3A_503 {
          %dma_wait3A_515 = arith.constant 5 : i32
          %dma_wait3A_516 = arith.constant 0 : i32
          %dma_wait3A_517 = arith.constant 0 : i32
          %dma_wait3A_518 = tpu.memref_slice %arg8[%dma_wait3A_515, %dma_wait3A_516, %dma_wait3A_517] : memref<8x128x32xf32, #tpu.memory_space<vmem>> -> memref<1x128x32xf32, #tpu.memory_space<vmem>>
          %dma_wait3A_519 = tpu.memref_squeeze %dma_wait3A_518 : memref<1x128x32xf32, #tpu.memory_space<vmem>> -> memref<128x32xf32, #tpu.memory_space<vmem>>
          %dma_wait3A_520 = arith.constant 0 : i32
          %dma_wait3A_521 = arith.constant 0 : i32
          %dma_wait3A_522 = tpu.memref_slice %arg2[%dma_wait3A_520, %dma_wait3A_521] : memref<10000x32xf32, #tpu.memory_space<hbm>> -> memref<128x32xf32, #tpu.memory_space<hbm>>
          %dma_wait3A_523 = arith.constant 0 : i32
          %dma_wait3A_524 = arith.constant 0 : i32
          %dma_wait3A_525 = tpu.memref_slice %arg8[%dma_wait3A_515, %dma_wait3A_523, %dma_wait3A_524] : memref<8x128x32xf32, #tpu.memory_space<vmem>> -> memref<1x128x32xf32, #tpu.memory_space<vmem>>
          %dma_wait3A_526 = tpu.memref_squeeze %dma_wait3A_525 : memref<1x128x32xf32, #tpu.memory_space<vmem>> -> memref<128x32xf32, #tpu.memory_space<vmem>>
          %dma_wait3A_527 = arith.constant 0 : i32
          %dma_wait3A_528 = arith.constant 0 : i32
          %dma_wait3A_529 = tpu.memref_slice %arg2[%dma_wait3A_527, %dma_wait3A_528] : memref<10000x32xf32, #tpu.memory_space<hbm>> -> memref<128x32xf32, #tpu.memory_space<hbm>>
          tpu.wait_dma2 semaphore(%arg23 : memref<!tpu.dma_semaphore, #tpu.memory_space<semaphore_mem>>) src(%dma_wait3A_529 : memref<128x32xf32, #tpu.memory_space<hbm>>) dst(%dma_wait3A_526 : memref<128x32xf32, #tpu.memory_space<vmem>>)
        } else {
        }
        %dma_start3A_504 = arith.constant 5 : i32
        %dma_start3A_505 = arith.constant 0 : i32
        %dma_start3A_506 = arith.constant 0 : i32
        %dma_start3A_507 = tpu.memref_slice %arg8[%dma_start3A_504, %dma_start3A_505, %dma_start3A_506] : memref<8x128x32xf32, #tpu.memory_space<vmem>> -> memref<1x128x32xf32, #tpu.memory_space<vmem>>
        %dma_start3A_508 = tpu.memref_squeeze %dma_start3A_507 : memref<1x128x32xf32, #tpu.memory_space<vmem>> -> memref<128x32xf32, #tpu.memory_space<vmem>>
        %dma_start3A_509 = arith.constant 0 : i32
        %dma_start3A_510 = tpu.memref_slice %arg6[%add3A_468, %dma_start3A_509] : memref<80x128xi32, #tpu.memory_space<vmem>> -> memref<1x128xi32, #tpu.memory_space<vmem>>
        %dma_start3A_511 = tpu.memref_squeeze %dma_start3A_510 : memref<1x128xi32, #tpu.memory_space<vmem>> -> memref<128xi32, #tpu.memory_space<vmem>>
        %dma_start3A_512 = arith.constant 0 : i32
        %dma_start3A_513 = arith.constant 0 : i32
        %dma_start3A_514 = tpu.memref_slice %arg2[%dma_start3A_512, %dma_start3A_513] : memref<10000x32xf32, #tpu.memory_space<hbm>> -> memref<10000x32xf32, #tpu.memory_space<hbm>>
        tpu.enqueue_indirect_dma source(%dma_start3A_514 : memref<10000x32xf32, #tpu.memory_space<hbm>>) target(%dma_start3A_508 : memref<128x32xf32, #tpu.memory_space<vmem>>) offsets(%dma_start3A_511 : memref<128xi32, #tpu.memory_space<vmem>>) semaphore(%arg15 : memref<!tpu.dma_semaphore, #tpu.memory_space<semaphore_mem>>)
      } else {
      }
      %dma_wait3A_474 = arith.constant 7 : i32
      %dma_wait3A_475 = arith.constant 0 : i32
      %dma_wait3A_476 = arith.constant 0 : i32
      %dma_wait3A_477 = tpu.memref_slice %arg8[%dma_wait3A_474, %dma_wait3A_475, %dma_wait3A_476] : memref<8x128x32xf32, #tpu.memory_space<vmem>> -> memref<1x128x32xf32, #tpu.memory_space<vmem>>
      %dma_wait3A_478 = tpu.memref_squeeze %dma_wait3A_477 : memref<1x128x32xf32, #tpu.memory_space<vmem>> -> memref<128x32xf32, #tpu.memory_space<vmem>>
      %dma_wait3A_479 = arith.constant 0 : i32
      %dma_wait3A_480 = arith.constant 0 : i32
      %dma_wait3A_481 = tpu.memref_slice %arg2[%dma_wait3A_479, %dma_wait3A_480] : memref<10000x32xf32, #tpu.memory_space<hbm>> -> memref<128x32xf32, #tpu.memory_space<hbm>>
      %dma_wait3A_482 = arith.constant 0 : i32
      %dma_wait3A_483 = arith.constant 0 : i32
      %dma_wait3A_484 = tpu.memref_slice %arg8[%dma_wait3A_474, %dma_wait3A_482, %dma_wait3A_483] : memref<8x128x32xf32, #tpu.memory_space<vmem>> -> memref<1x128x32xf32, #tpu.memory_space<vmem>>
      %dma_wait3A_485 = tpu.memref_squeeze %dma_wait3A_484 : memref<1x128x32xf32, #tpu.memory_space<vmem>> -> memref<128x32xf32, #tpu.memory_space<vmem>>
      %dma_wait3A_486 = arith.constant 0 : i32
      %dma_wait3A_487 = arith.constant 0 : i32
      %dma_wait3A_488 = tpu.memref_slice %arg2[%dma_wait3A_486, %dma_wait3A_487] : memref<10000x32xf32, #tpu.memory_space<hbm>> -> memref<128x32xf32, #tpu.memory_space<hbm>>
      tpu.wait_dma2 semaphore(%arg17 : memref<!tpu.dma_semaphore, #tpu.memory_space<semaphore_mem>>) src(%dma_wait3A_488 : memref<128x32xf32, #tpu.memory_space<hbm>>) dst(%dma_wait3A_485 : memref<128x32xf32, #tpu.memory_space<vmem>>)
      %dma_start3A_489 = arith.constant 7 : i32
      %dma_start3A_490 = arith.constant 0 : i32
      %dma_start3A_491 = arith.constant 0 : i32
      %dma_start3A_492 = tpu.memref_slice %arg8[%dma_start3A_489, %dma_start3A_490, %dma_start3A_491] : memref<8x128x32xf32, #tpu.memory_space<vmem>> -> memref<1x128x32xf32, #tpu.memory_space<vmem>>
      %dma_start3A_493 = tpu.memref_squeeze %dma_start3A_492 : memref<1x128x32xf32, #tpu.memory_space<vmem>> -> memref<128x32xf32, #tpu.memory_space<vmem>>
      %dma_start3A_494 = arith.constant 0 : i32
      %dma_start3A_495 = tpu.memref_slice %arg7[%add3A_466, %dma_start3A_494] : memref<80x128xi32, #tpu.memory_space<vmem>> -> memref<1x128xi32, #tpu.memory_space<vmem>>
      %dma_start3A_496 = tpu.memref_squeeze %dma_start3A_495 : memref<1x128xi32, #tpu.memory_space<vmem>> -> memref<128xi32, #tpu.memory_space<vmem>>
      %dma_start3A_497 = arith.constant 0 : i32
      %dma_start3A_498 = arith.constant 0 : i32
      %dma_start3A_499 = tpu.memref_slice %arg26[%dma_start3A_497, %dma_start3A_498] : memref<10240x32xf32, #tpu.memory_space<vmem_shared>> -> memref<10240x32xf32, #tpu.memory_space<vmem_shared>>
      tpu.enqueue_indirect_dma source(%dma_start3A_493 : memref<128x32xf32, #tpu.memory_space<vmem>>) target(%dma_start3A_499 : memref<10240x32xf32, #tpu.memory_space<vmem_shared>>) offsets(%dma_start3A_496 : memref<128xi32, #tpu.memory_space<vmem>>) semaphore(%arg25 : memref<!tpu.dma_semaphore, #tpu.memory_space<semaphore_mem>>) {add = true}
    }
    %scan3A_81 = arith.constant 10 : i32
    %dma_wait3A = arith.constant 0 : i32
    %dma_wait3A_82 = arith.constant 0 : i32
    %dma_wait3A_83 = arith.constant 0 : i32
    %dma_wait3A_84 = tpu.memref_slice %arg8[%dma_wait3A, %dma_wait3A_82, %dma_wait3A_83] : memref<8x128x32xf32, #tpu.memory_space<vmem>> -> memref<1x128x32xf32, #tpu.memory_space<vmem>>
    %dma_wait3A_85 = tpu.memref_squeeze %dma_wait3A_84 : memref<1x128x32xf32, #tpu.memory_space<vmem>> -> memref<128x32xf32, #tpu.memory_space<vmem>>
    %dma_wait3A_86 = arith.constant 0 : i32
    %dma_wait3A_87 = arith.constant 0 : i32
    %dma_wait3A_88 = tpu.memref_slice %arg2[%dma_wait3A_86, %dma_wait3A_87] : memref<10000x32xf32, #tpu.memory_space<hbm>> -> memref<128x32xf32, #tpu.memory_space<hbm>>
    %dma_wait3A_89 = arith.constant 0 : i32
    %dma_wait3A_90 = arith.constant 0 : i32
    %dma_wait3A_91 = tpu.memref_slice %arg8[%dma_wait3A, %dma_wait3A_89, %dma_wait3A_90] : memref<8x128x32xf32, #tpu.memory_space<vmem>> -> memref<1x128x32xf32, #tpu.memory_space<vmem>>
    %dma_wait3A_92 = tpu.memref_squeeze %dma_wait3A_91 : memref<1x128x32xf32, #tpu.memory_space<vmem>> -> memref<128x32xf32, #tpu.memory_space<vmem>>
    %dma_wait3A_93 = arith.constant 0 : i32
    %dma_wait3A_94 = arith.constant 0 : i32
    %dma_wait3A_95 = tpu.memref_slice %arg2[%dma_wait3A_93, %dma_wait3A_94] : memref<10000x32xf32, #tpu.memory_space<hbm>> -> memref<128x32xf32, #tpu.memory_space<hbm>>
    tpu.wait_dma2 semaphore(%arg18 : memref<!tpu.dma_semaphore, #tpu.memory_space<semaphore_mem>>) src(%dma_wait3A_95 : memref<128x32xf32, #tpu.memory_space<hbm>>) dst(%dma_wait3A_92 : memref<128x32xf32, #tpu.memory_space<vmem>>)
    %dma_wait3A_96 = arith.constant 1 : i32
    %dma_wait3A_97 = arith.constant 0 : i32
    %dma_wait3A_98 = arith.constant 0 : i32
    %dma_wait3A_99 = tpu.memref_slice %arg8[%dma_wait3A_96, %dma_wait3A_97, %dma_wait3A_98] : memref<8x128x32xf32, #tpu.memory_space<vmem>> -> memref<1x128x32xf32, #tpu.memory_space<vmem>>
    %dma_wait3A_100 = tpu.memref_squeeze %dma_wait3A_99 : memref<1x128x32xf32, #tpu.memory_space<vmem>> -> memref<128x32xf32, #tpu.memory_space<vmem>>
    %dma_wait3A_101 = arith.constant 0 : i32
    %dma_wait3A_102 = arith.constant 0 : i32
    %dma_wait3A_103 = tpu.memref_slice %arg2[%dma_wait3A_101, %dma_wait3A_102] : memref<10000x32xf32, #tpu.memory_space<hbm>> -> memref<128x32xf32, #tpu.memory_space<hbm>>
    %dma_wait3A_104 = arith.constant 0 : i32
    %dma_wait3A_105 = arith.constant 0 : i32
    %dma_wait3A_106 = tpu.memref_slice %arg8[%dma_wait3A_96, %dma_wait3A_104, %dma_wait3A_105] : memref<8x128x32xf32, #tpu.memory_space<vmem>> -> memref<1x128x32xf32, #tpu.memory_space<vmem>>
    %dma_wait3A_107 = tpu.memref_squeeze %dma_wait3A_106 : memref<1x128x32xf32, #tpu.memory_space<vmem>> -> memref<128x32xf32, #tpu.memory_space<vmem>>
    %dma_wait3A_108 = arith.constant 0 : i32
    %dma_wait3A_109 = arith.constant 0 : i32
    %dma_wait3A_110 = tpu.memref_slice %arg2[%dma_wait3A_108, %dma_wait3A_109] : memref<10000x32xf32, #tpu.memory_space<hbm>> -> memref<128x32xf32, #tpu.memory_space<hbm>>
    tpu.wait_dma2 semaphore(%arg19 : memref<!tpu.dma_semaphore, #tpu.memory_space<semaphore_mem>>) src(%dma_wait3A_110 : memref<128x32xf32, #tpu.memory_space<hbm>>) dst(%dma_wait3A_107 : memref<128x32xf32, #tpu.memory_space<vmem>>)
    %dma_wait3A_111 = arith.constant 2 : i32
    %dma_wait3A_112 = arith.constant 0 : i32
    %dma_wait3A_113 = arith.constant 0 : i32
    %dma_wait3A_114 = tpu.memref_slice %arg8[%dma_wait3A_111, %dma_wait3A_112, %dma_wait3A_113] : memref<8x128x32xf32, #tpu.memory_space<vmem>> -> memref<1x128x32xf32, #tpu.memory_space<vmem>>
    %dma_wait3A_115 = tpu.memref_squeeze %dma_wait3A_114 : memref<1x128x32xf32, #tpu.memory_space<vmem>> -> memref<128x32xf32, #tpu.memory_space<vmem>>
    %dma_wait3A_116 = arith.constant 0 : i32
    %dma_wait3A_117 = arith.constant 0 : i32
    %dma_wait3A_118 = tpu.memref_slice %arg2[%dma_wait3A_116, %dma_wait3A_117] : memref<10000x32xf32, #tpu.memory_space<hbm>> -> memref<128x32xf32, #tpu.memory_space<hbm>>
    %dma_wait3A_119 = arith.constant 0 : i32
    %dma_wait3A_120 = arith.constant 0 : i32
    %dma_wait3A_121 = tpu.memref_slice %arg8[%dma_wait3A_111, %dma_wait3A_119, %dma_wait3A_120] : memref<8x128x32xf32, #tpu.memory_space<vmem>> -> memref<1x128x32xf32, #tpu.memory_space<vmem>>
    %dma_wait3A_122 = tpu.memref_squeeze %dma_wait3A_121 : memref<1x128x32xf32, #tpu.memory_space<vmem>> -> memref<128x32xf32, #tpu.memory_space<vmem>>
    %dma_wait3A_123 = arith.constant 0 : i32
    %dma_wait3A_124 = arith.constant 0 : i32
    %dma_wait3A_125 = tpu.memref_slice %arg2[%dma_wait3A_123, %dma_wait3A_124] : memref<10000x32xf32, #tpu.memory_space<hbm>> -> memref<128x32xf32, #tpu.memory_space<hbm>>
    tpu.wait_dma2 semaphore(%arg20 : memref<!tpu.dma_semaphore, #tpu.memory_space<semaphore_mem>>) src(%dma_wait3A_125 : memref<128x32xf32, #tpu.memory_space<hbm>>) dst(%dma_wait3A_122 : memref<128x32xf32, #tpu.memory_space<vmem>>)
    %dma_wait3A_126 = arith.constant 3 : i32
    %dma_wait3A_127 = arith.constant 0 : i32
    %dma_wait3A_128 = arith.constant 0 : i32
    %dma_wait3A_129 = tpu.memref_slice %arg8[%dma_wait3A_126, %dma_wait3A_127, %dma_wait3A_128] : memref<8x128x32xf32, #tpu.memory_space<vmem>> -> memref<1x128x32xf32, #tpu.memory_space<vmem>>
    %dma_wait3A_130 = tpu.memref_squeeze %dma_wait3A_129 : memref<1x128x32xf32, #tpu.memory_space<vmem>> -> memref<128x32xf32, #tpu.memory_space<vmem>>
    %dma_wait3A_131 = arith.constant 0 : i32
    %dma_wait3A_132 = arith.constant 0 : i32
    %dma_wait3A_133 = tpu.memref_slice %arg2[%dma_wait3A_131, %dma_wait3A_132] : memref<10000x32xf32, #tpu.memory_space<hbm>> -> memref<128x32xf32, #tpu.memory_space<hbm>>
    %dma_wait3A_134 = arith.constant 0 : i32
    %dma_wait3A_135 = arith.constant 0 : i32
    %dma_wait3A_136 = tpu.memref_slice %arg8[%dma_wait3A_126, %dma_wait3A_134, %dma_wait3A_135] : memref<8x128x32xf32, #tpu.memory_space<vmem>> -> memref<1x128x32xf32, #tpu.memory_space<vmem>>
    %dma_wait3A_137 = tpu.memref_squeeze %dma_wait3A_136 : memref<1x128x32xf32, #tpu.memory_space<vmem>> -> memref<128x32xf32, #tpu.memory_space<vmem>>
    %dma_wait3A_138 = arith.constant 0 : i32
    %dma_wait3A_139 = arith.constant 0 : i32
    %dma_wait3A_140 = tpu.memref_slice %arg2[%dma_wait3A_138, %dma_wait3A_139] : memref<10000x32xf32, #tpu.memory_space<hbm>> -> memref<128x32xf32, #tpu.memory_space<hbm>>
    tpu.wait_dma2 semaphore(%arg21 : memref<!tpu.dma_semaphore, #tpu.memory_space<semaphore_mem>>) src(%dma_wait3A_140 : memref<128x32xf32, #tpu.memory_space<hbm>>) dst(%dma_wait3A_137 : memref<128x32xf32, #tpu.memory_space<vmem>>)
    %dma_wait3A_141 = arith.constant 4 : i32
    %dma_wait3A_142 = arith.constant 0 : i32
    %dma_wait3A_143 = arith.constant 0 : i32
    %dma_wait3A_144 = tpu.memref_slice %arg8[%dma_wait3A_141, %dma_wait3A_142, %dma_wait3A_143] : memref<8x128x32xf32, #tpu.memory_space<vmem>> -> memref<1x128x32xf32, #tpu.memory_space<vmem>>
    %dma_wait3A_145 = tpu.memref_squeeze %dma_wait3A_144 : memref<1x128x32xf32, #tpu.memory_space<vmem>> -> memref<128x32xf32, #tpu.memory_space<vmem>>
    %dma_wait3A_146 = arith.constant 0 : i32
    %dma_wait3A_147 = arith.constant 0 : i32
    %dma_wait3A_148 = tpu.memref_slice %arg2[%dma_wait3A_146, %dma_wait3A_147] : memref<10000x32xf32, #tpu.memory_space<hbm>> -> memref<128x32xf32, #tpu.memory_space<hbm>>
    %dma_wait3A_149 = arith.constant 0 : i32
    %dma_wait3A_150 = arith.constant 0 : i32
    %dma_wait3A_151 = tpu.memref_slice %arg8[%dma_wait3A_141, %dma_wait3A_149, %dma_wait3A_150] : memref<8x128x32xf32, #tpu.memory_space<vmem>> -> memref<1x128x32xf32, #tpu.memory_space<vmem>>
    %dma_wait3A_152 = tpu.memref_squeeze %dma_wait3A_151 : memref<1x128x32xf32, #tpu.memory_space<vmem>> -> memref<128x32xf32, #tpu.memory_space<vmem>>
    %dma_wait3A_153 = arith.constant 0 : i32
    %dma_wait3A_154 = arith.constant 0 : i32
    %dma_wait3A_155 = tpu.memref_slice %arg2[%dma_wait3A_153, %dma_wait3A_154] : memref<10000x32xf32, #tpu.memory_space<hbm>> -> memref<128x32xf32, #tpu.memory_space<hbm>>
    tpu.wait_dma2 semaphore(%arg22 : memref<!tpu.dma_semaphore, #tpu.memory_space<semaphore_mem>>) src(%dma_wait3A_155 : memref<128x32xf32, #tpu.memory_space<hbm>>) dst(%dma_wait3A_152 : memref<128x32xf32, #tpu.memory_space<vmem>>)
    %dma_wait3A_156 = arith.constant 5 : i32
    %dma_wait3A_157 = arith.constant 0 : i32
    %dma_wait3A_158 = arith.constant 0 : i32
    %dma_wait3A_159 = tpu.memref_slice %arg8[%dma_wait3A_156, %dma_wait3A_157, %dma_wait3A_158] : memref<8x128x32xf32, #tpu.memory_space<vmem>> -> memref<1x128x32xf32, #tpu.memory_space<vmem>>
    %dma_wait3A_160 = tpu.memref_squeeze %dma_wait3A_159 : memref<1x128x32xf32, #tpu.memory_space<vmem>> -> memref<128x32xf32, #tpu.memory_space<vmem>>
    %dma_wait3A_161 = arith.constant 0 : i32
    %dma_wait3A_162 = arith.constant 0 : i32
    %dma_wait3A_163 = tpu.memref_slice %arg2[%dma_wait3A_161, %dma_wait3A_162] : memref<10000x32xf32, #tpu.memory_space<hbm>> -> memref<128x32xf32, #tpu.memory_space<hbm>>
    %dma_wait3A_164 = arith.constant 0 : i32
    %dma_wait3A_165 = arith.constant 0 : i32
    %dma_wait3A_166 = tpu.memref_slice %arg8[%dma_wait3A_156, %dma_wait3A_164, %dma_wait3A_165] : memref<8x128x32xf32, #tpu.memory_space<vmem>> -> memref<1x128x32xf32, #tpu.memory_space<vmem>>
    %dma_wait3A_167 = tpu.memref_squeeze %dma_wait3A_166 : memref<1x128x32xf32, #tpu.memory_space<vmem>> -> memref<128x32xf32, #tpu.memory_space<vmem>>
    %dma_wait3A_168 = arith.constant 0 : i32
    %dma_wait3A_169 = arith.constant 0 : i32
    %dma_wait3A_170 = tpu.memref_slice %arg2[%dma_wait3A_168, %dma_wait3A_169] : memref<10000x32xf32, #tpu.memory_space<hbm>> -> memref<128x32xf32, #tpu.memory_space<hbm>>
    tpu.wait_dma2 semaphore(%arg23 : memref<!tpu.dma_semaphore, #tpu.memory_space<semaphore_mem>>) src(%dma_wait3A_170 : memref<128x32xf32, #tpu.memory_space<hbm>>) dst(%dma_wait3A_167 : memref<128x32xf32, #tpu.memory_space<vmem>>)
    %dma_wait3A_171 = arith.constant 6 : i32
    %dma_wait3A_172 = arith.constant 0 : i32
    %dma_wait3A_173 = arith.constant 0 : i32
    %dma_wait3A_174 = tpu.memref_slice %arg8[%dma_wait3A_171, %dma_wait3A_172, %dma_wait3A_173] : memref<8x128x32xf32, #tpu.memory_space<vmem>> -> memref<1x128x32xf32, #tpu.memory_space<vmem>>
    %dma_wait3A_175 = tpu.memref_squeeze %dma_wait3A_174 : memref<1x128x32xf32, #tpu.memory_space<vmem>> -> memref<128x32xf32, #tpu.memory_space<vmem>>
    %dma_wait3A_176 = arith.constant 0 : i32
    %dma_wait3A_177 = arith.constant 0 : i32
    %dma_wait3A_178 = tpu.memref_slice %arg2[%dma_wait3A_176, %dma_wait3A_177] : memref<10000x32xf32, #tpu.memory_space<hbm>> -> memref<128x32xf32, #tpu.memory_space<hbm>>
    %dma_wait3A_179 = arith.constant 0 : i32
    %dma_wait3A_180 = arith.constant 0 : i32
    %dma_wait3A_181 = tpu.memref_slice %arg8[%dma_wait3A_171, %dma_wait3A_179, %dma_wait3A_180] : memref<8x128x32xf32, #tpu.memory_space<vmem>> -> memref<1x128x32xf32, #tpu.memory_space<vmem>>
    %dma_wait3A_182 = tpu.memref_squeeze %dma_wait3A_181 : memref<1x128x32xf32, #tpu.memory_space<vmem>> -> memref<128x32xf32, #tpu.memory_space<vmem>>
    %dma_wait3A_183 = arith.constant 0 : i32
    %dma_wait3A_184 = arith.constant 0 : i32
    %dma_wait3A_185 = tpu.memref_slice %arg2[%dma_wait3A_183, %dma_wait3A_184] : memref<10000x32xf32, #tpu.memory_space<hbm>> -> memref<128x32xf32, #tpu.memory_space<hbm>>
    tpu.wait_dma2 semaphore(%arg24 : memref<!tpu.dma_semaphore, #tpu.memory_space<semaphore_mem>>) src(%dma_wait3A_185 : memref<128x32xf32, #tpu.memory_space<hbm>>) dst(%dma_wait3A_182 : memref<128x32xf32, #tpu.memory_space<vmem>>)
    %dma_wait3A_186 = arith.constant 7 : i32
    %dma_wait3A_187 = arith.constant 0 : i32
    %dma_wait3A_188 = arith.constant 0 : i32
    %dma_wait3A_189 = tpu.memref_slice %arg8[%dma_wait3A_186, %dma_wait3A_187, %dma_wait3A_188] : memref<8x128x32xf32, #tpu.memory_space<vmem>> -> memref<1x128x32xf32, #tpu.memory_space<vmem>>
    %dma_wait3A_190 = tpu.memref_squeeze %dma_wait3A_189 : memref<1x128x32xf32, #tpu.memory_space<vmem>> -> memref<128x32xf32, #tpu.memory_space<vmem>>
    %dma_wait3A_191 = arith.constant 0 : i32
    %dma_wait3A_192 = arith.constant 0 : i32
    %dma_wait3A_193 = tpu.memref_slice %arg2[%dma_wait3A_191, %dma_wait3A_192] : memref<10000x32xf32, #tpu.memory_space<hbm>> -> memref<128x32xf32, #tpu.memory_space<hbm>>
    %dma_wait3A_194 = arith.constant 0 : i32
    %dma_wait3A_195 = arith.constant 0 : i32
    %dma_wait3A_196 = tpu.memref_slice %arg8[%dma_wait3A_186, %dma_wait3A_194, %dma_wait3A_195] : memref<8x128x32xf32, #tpu.memory_space<vmem>> -> memref<1x128x32xf32, #tpu.memory_space<vmem>>
    %dma_wait3A_197 = tpu.memref_squeeze %dma_wait3A_196 : memref<1x128x32xf32, #tpu.memory_space<vmem>> -> memref<128x32xf32, #tpu.memory_space<vmem>>
    %dma_wait3A_198 = arith.constant 0 : i32
    %dma_wait3A_199 = arith.constant 0 : i32
    %dma_wait3A_200 = tpu.memref_slice %arg2[%dma_wait3A_198, %dma_wait3A_199] : memref<10000x32xf32, #tpu.memory_space<hbm>> -> memref<128x32xf32, #tpu.memory_space<hbm>>
    tpu.wait_dma2 semaphore(%arg25 : memref<!tpu.dma_semaphore, #tpu.memory_space<semaphore_mem>>) src(%dma_wait3A_200 : memref<128x32xf32, #tpu.memory_space<hbm>>) dst(%dma_wait3A_197 : memref<128x32xf32, #tpu.memory_space<vmem>>)
    %barrier3A_201 = arith.constant 0 : index
    tpu.barrier barrier_id(%barrier3A_201)
    %mul3A_202 = arith.constant 640 : i32
    %mul3A_203 = arith.muli %arg1, %mul3A_202 : i32
    "tpu.region"() ({
      %run_scoped3A_206 = tpu.sem_alloc : memref<!tpu.dma_semaphore, #tpu.memory_space<semaphore_mem>>
      %dma_start3A_207 = arith.constant 0 : i32
      %dma_start3A_208 = tpu.memref_slice %arg26[%mul3A_203, %dma_start3A_207] : memref<10240x32xf32, #tpu.memory_space<vmem_shared>> -> memref<640x32xf32, #tpu.memory_space<vmem_shared>>
      %dma_start3A_209 = arith.constant 0 : i32
      %dma_start3A_210 = tpu.memref_slice %arg26[%mul3A_203, %dma_start3A_209] : memref<10240x32xf32, #tpu.memory_space<vmem_shared>> -> memref<640x32xf32, #tpu.memory_space<vmem_shared>>
      tpu.enqueue_dma source(%dma_start3A_210 : memref<640x32xf32, #tpu.memory_space<vmem_shared>>) target(%arg9 : memref<640x32xf32, #tpu.memory_space<vmem>>) target_semaphore(%run_scoped3A_206 : memref<!tpu.dma_semaphore, #tpu.memory_space<semaphore_mem>>)
      %dma_wait3A_211 = arith.constant 0 : i32
      %dma_wait3A_212 = tpu.memref_slice %arg26[%mul3A_203, %dma_wait3A_211] : memref<10240x32xf32, #tpu.memory_space<vmem_shared>> -> memref<640x32xf32, #tpu.memory_space<vmem_shared>>
      %dma_wait3A_213 = arith.constant 0 : i32
      %dma_wait3A_214 = tpu.memref_slice %arg26[%mul3A_203, %dma_wait3A_213] : memref<10240x32xf32, #tpu.memory_space<vmem_shared>> -> memref<640x32xf32, #tpu.memory_space<vmem_shared>>
      tpu.wait_dma2 semaphore(%run_scoped3A_206 : memref<!tpu.dma_semaphore, #tpu.memory_space<semaphore_mem>>) src(%dma_wait3A_214 : memref<640x32xf32, #tpu.memory_space<vmem_shared>>) dst(%arg9 : memref<640x32xf32, #tpu.memory_space<vmem>>)
      tpu.yield
    }) : () -> ()
    %mul3A_204 = arith.constant 640 : i32
    %mul3A_205 = arith.muli %arg1, %mul3A_204 : i32
    "tpu.region"() ({
      %run_scoped3A_206 = tpu.sem_alloc : memref<!tpu.dma_semaphore, #tpu.memory_space<semaphore_mem>>
      %dma_start3A_207 = arith.constant 0 : i32
      %dma_start3A_208 = tpu.memref_slice %arg5[%arg0, %mul3A_205, %dma_start3A_207] : memref<2x10240x32xf32, #tpu.memory_space<hbm>> -> memref<1x640x32xf32, #tpu.memory_space<hbm>>
      %dma_start3A_209 = tpu.memref_squeeze %dma_start3A_208 : memref<1x640x32xf32, #tpu.memory_space<hbm>> -> memref<640x32xf32, #tpu.memory_space<hbm>>
      %dma_start3A_210 = arith.constant 0 : i32
      %dma_start3A_211 = tpu.memref_slice %arg5[%arg0, %mul3A_205, %dma_start3A_210] : memref<2x10240x32xf32, #tpu.memory_space<hbm>> -> memref<1x640x32xf32, #tpu.memory_space<hbm>>
      %dma_start3A_212 = tpu.memref_squeeze %dma_start3A_211 : memref<1x640x32xf32, #tpu.memory_space<hbm>> -> memref<640x32xf32, #tpu.memory_space<hbm>>
      tpu.enqueue_dma source(%arg9 : memref<640x32xf32, #tpu.memory_space<vmem>>) target(%dma_start3A_212 : memref<640x32xf32, #tpu.memory_space<hbm>>) target_semaphore(%run_scoped3A_206 : memref<!tpu.dma_semaphore, #tpu.memory_space<semaphore_mem>>)
      %dma_wait3A_213 = arith.constant 0 : i32
      %dma_wait3A_214 = tpu.memref_slice %arg5[%arg0, %mul3A_205, %dma_wait3A_213] : memref<2x10240x32xf32, #tpu.memory_space<hbm>> -> memref<1x640x32xf32, #tpu.memory_space<hbm>>
      %dma_wait3A_215 = tpu.memref_squeeze %dma_wait3A_214 : memref<1x640x32xf32, #tpu.memory_space<hbm>> -> memref<640x32xf32, #tpu.memory_space<hbm>>
      %dma_wait3A_216 = arith.constant 0 : i32
      %dma_wait3A_217 = tpu.memref_slice %arg5[%arg0, %mul3A_205, %dma_wait3A_216] : memref<2x10240x32xf32, #tpu.memory_space<hbm>> -> memref<1x640x32xf32, #tpu.memory_space<hbm>>
      %dma_wait3A_218 = tpu.memref_squeeze %dma_wait3A_217 : memref<1x640x32xf32, #tpu.memory_space<hbm>> -> memref<640x32xf32, #tpu.memory_space<hbm>>
      tpu.wait_dma2 semaphore(%run_scoped3A_206 : memref<!tpu.dma_semaphore, #tpu.memory_space<semaphore_mem>>) src(%arg9 : memref<640x32xf32, #tpu.memory_space<vmem>>) dst(%dma_wait3A_218 : memref<640x32xf32, #tpu.memory_space<hbm>>)
      tpu.yield
    }) : () -> ()
    return
  }
}

module attributes {stable_mosaic.version = 14 : i64} {
  func.func @_mm_body(%arg0: i32, %arg1: memref<512x512xf32, #tpu.memory_space<vmem>>, %arg2: memref<512x128xf32, #tpu.memory_space<vmem>>, %arg3: memref<512x128xf32, #tpu.memory_space<vmem>>) attributes {dimension_semantics = [#tpu.dimension_semantics<arbitrary>], iteration_bounds = array<i64: 5>, scalar_prefetch = 0 : i64, scratch_operands = 0 : i64, tpu.core_type = #tpu.core_type<tc>, window_params = [{transform_indices = @transform_0, window_bounds = array<i64: 512, 512>}, {pipeline_mode = #tpu.pipeline_mode<synchronous>, transform_indices = @transform_1, window_bounds = array<i64: 512, 128>}, {transform_indices = @transform_2, window_bounds = array<i64: 512, 128>}]} {
    %get3A = arith.constant 0 : index
    %get3A_0 = arith.constant 0 : index
    %get3A_1 = vector.load %arg1[%get3A, %get3A_0] : memref<512x512xf32, #tpu.memory_space<vmem>>, vector<512x512xf32>
    %get3A_2 = arith.constant 0 : index
    %get3A_3 = arith.constant 0 : index
    %get3A_4 = vector.load %arg2[%get3A_2, %get3A_3] : memref<512x128xf32, #tpu.memory_space<vmem>>, vector<512x128xf32>
    %dot_general3A = arith.constant dense<0.000000e+00> : vector<512x128xf32>
    %dot_general3A_5 = tpu.matmul %get3A_1, %get3A_4, %dot_general3A {dimension_numbers = #tpu.dot_dimension_numbers<[1], [0], [0], [1], [0, 0, 1, 1], [], []>, transpose_lhs_hint = false} : vector<512x512xf32>, vector<512x128xf32>, vector<512x128xf32> -> vector<512x128xf32>
    %swap3A = arith.constant 0 : index
    %swap3A_6 = arith.constant 0 : index
    %swap3A_7 = vector.load %arg3[%swap3A, %swap3A_6] : memref<512x128xf32, #tpu.memory_space<vmem>>, vector<512x128xf32>
    tpu.vector_store %arg3[%swap3A, %swap3A_6], %dot_general3A_5 {strides = array<i32>} : memref<512x128xf32, #tpu.memory_space<vmem>>, vector<512x128xf32>,
    return
  }
  func.func @transform_0(%arg0: i32) -> (i32, i32) {
    %c0_i32 = arith.constant 0 : i32
    %c0_i32_0 = arith.constant 0 : i32
    return %arg0, %c0_i32 : i32, i32
  }
  func.func @transform_1(%arg0: i32) -> (i32, i32) {
    %c0_i32 = arith.constant 0 : i32
    %c0_i32_0 = arith.constant 0 : i32
    %c0_i32_1 = arith.constant 0 : i32
    return %c0_i32, %c0_i32_0 : i32, i32
  }
  func.func @transform_2(%arg0: i32) -> (i32, i32) {
    %c0_i32 = arith.constant 0 : i32
    %c0_i32_0 = arith.constant 0 : i32
    return %arg0, %c0_i32 : i32, i32
  }
}

module attributes {stable_mosaic.version = 14 : i64} {
  func.func @_scale_body(%arg0: i32, %arg1: memref<512x128xf32, #tpu.memory_space<vmem>>, %arg2: memref<1x512x128xf32, #tpu.memory_space<vmem>>, %arg3: memref<1x512x128xf32, #tpu.memory_space<vmem>>, %arg4: memref<512x128xf32, #tpu.memory_space<vmem>>) attributes {dimension_semantics = [#tpu.dimension_semantics<arbitrary>], iteration_bounds = array<i64: 5>, scalar_prefetch = 0 : i64, scratch_operands = 0 : i64, tpu.core_type = #tpu.core_type<tc>, window_params = [{transform_indices = @transform_0, window_bounds = array<i64: 512, 128>}, {transform_indices = @transform_1, window_bounds = array<i64: 1, 512, 128>}, {transform_indices = @transform_2, window_bounds = array<i64: 1, 512, 128>}, {transform_indices = @transform_3, window_bounds = array<i64: 512, 128>}]} {
    %get3A = arith.constant 0 : index
    %get3A_0 = arith.constant 0 : index
    %get3A_1 = arith.constant 0 : index
    %get3A_2 = vector.load %arg2[%get3A, %get3A_0, %get3A_1] : memref<1x512x128xf32, #tpu.memory_space<vmem>>, vector<1x512x128xf32>
    %get3A_3 = vector.shape_cast %get3A_2 : vector<1x512x128xf32> to vector<512x128xf32>
    %get3A_4 = arith.constant 0 : index
    %get3A_5 = arith.constant 0 : index
    %get3A_6 = arith.constant 0 : index
    %get3A_7 = vector.load %arg3[%get3A_4, %get3A_5, %get3A_6] : memref<1x512x128xf32, #tpu.memory_space<vmem>>, vector<1x512x128xf32>
    %get3A_8 = vector.shape_cast %get3A_7 : vector<1x512x128xf32> to vector<512x128xf32>
    %add3A = arith.addf %get3A_3, %get3A_8 : vector<512x128xf32>
    %add3A_9 = arith.constant 1.000000e+00 : f32
    %add3A_10 = vector.broadcast %add3A_9 : f32 to vector<512x128xf32>
    %add3A_11 = arith.addf %add3A, %add3A_10 : vector<512x128xf32>
    %rsqrt3A = math.rsqrt %add3A_11 : vector<512x128xf32>
    %get3A_12 = arith.constant 0 : index
    %get3A_13 = arith.constant 0 : index
    %get3A_14 = vector.load %arg1[%get3A_12, %get3A_13] : memref<512x128xf32, #tpu.memory_space<vmem>>, vector<512x128xf32>
    %mul3A = arith.mulf %get3A_14, %rsqrt3A : vector<512x128xf32>
    %swap3A = arith.constant 0 : index
    %swap3A_15 = arith.constant 0 : index
    %swap3A_16 = vector.load %arg4[%swap3A, %swap3A_15] : memref<512x128xf32, #tpu.memory_space<vmem>>, vector<512x128xf32>
    tpu.vector_store %arg4[%swap3A, %swap3A_15], %mul3A {strides = array<i32>} : memref<512x128xf32, #tpu.memory_space<vmem>>, vector<512x128xf32>,
    return
  }
  func.func @transform_0(%arg0: i32) -> (i32, i32) {
    %c0_i32 = arith.constant 0 : i32
    %c0_i32_0 = arith.constant 0 : i32
    return %arg0, %c0_i32 : i32, i32
  }
  func.func @transform_1(%arg0: i32) -> (i32, i32, i32) {
    %c0_i32 = arith.constant 0 : i32
    %c0_i32_0 = arith.constant 0 : i32
    %c0_i32_1 = arith.constant 0 : i32
    return %c0_i32, %arg0, %c0_i32_0 : i32, i32, i32
  }
  func.func @transform_2(%arg0: i32) -> (i32, i32, i32) {
    %c1_i32 = arith.constant 1 : i32
    %c0_i32 = arith.constant 0 : i32
    %c0_i32_0 = arith.constant 0 : i32
    return %c1_i32, %arg0, %c0_i32 : i32, i32, i32
  }
  func.func @transform_3(%arg0: i32) -> (i32, i32) {
    %c0_i32 = arith.constant 0 : i32
    %c0_i32_0 = arith.constant 0 : i32
    return %arg0, %c0_i32 : i32, i32
  }
}

module attributes {stable_mosaic.version = 14 : i64} {
  func.func @_fused_mid_body(%arg0: i32, %arg1: memref<1x512x128xf32, #tpu.memory_space<vmem>>, %arg2: memref<1x512x128xf32, #tpu.memory_space<vmem>>, %arg3: memref<512x128xf32, #tpu.memory_space<vmem>>, %arg4: memref<1x512x128xf32, #tpu.memory_space<vmem>>, %arg5: memref<1x512x128xf32, #tpu.memory_space<vmem>>, %arg6: memref<1x128xf32, #tpu.memory_space<vmem>>, %arg7: memref<128x128xf32, #tpu.memory_space<vmem>>, %arg8: memref<512x128xf32, #tpu.memory_space<vmem>>) attributes {dimension_semantics = [#tpu.dimension_semantics<arbitrary>], iteration_bounds = array<i64: 5>, scalar_prefetch = 0 : i64, scratch_operands = 0 : i64, tpu.core_type = #tpu.core_type<tc>, window_params = [{transform_indices = @transform_0, window_bounds = array<i64: 1, 512, 128>}, {transform_indices = @transform_1, window_bounds = array<i64: 1, 512, 128>}, {transform_indices = @transform_2, window_bounds = array<i64: 512, 128>}, {transform_indices = @transform_3, window_bounds = array<i64: 1, 512, 128>}, {transform_indices = @transform_4, window_bounds = array<i64: 1, 512, 128>}, {pipeline_mode = #tpu.pipeline_mode<synchronous>, transform_indices = @transform_5, window_bounds = array<i64: 1, 128>}, {pipeline_mode = #tpu.pipeline_mode<synchronous>, transform_indices = @transform_6, window_bounds = array<i64: 128, 128>}, {transform_indices = @transform_7, window_bounds = array<i64: 512, 128>}]} {
    %get3A = arith.constant 0 : index
    %get3A_0 = arith.constant 0 : index
    %get3A_1 = arith.constant 0 : index
    %get3A_2 = vector.load %arg4[%get3A, %get3A_0, %get3A_1] : memref<1x512x128xf32, #tpu.memory_space<vmem>>, vector<1x512x128xf32>
    %get3A_3 = vector.shape_cast %get3A_2 : vector<1x512x128xf32> to vector<512x128xf32>
    %get3A_4 = arith.constant 0 : index
    %get3A_5 = arith.constant 0 : index
    %get3A_6 = arith.constant 0 : index
    %get3A_7 = vector.load %arg5[%get3A_4, %get3A_5, %get3A_6] : memref<1x512x128xf32, #tpu.memory_space<vmem>>, vector<1x512x128xf32>
    %get3A_8 = vector.shape_cast %get3A_7 : vector<1x512x128xf32> to vector<512x128xf32>
    %add3A = arith.addf %get3A_3, %get3A_8 : vector<512x128xf32>
    %add3A_9 = arith.constant 1.000000e+00 : f32
    %add3A_10 = vector.broadcast %add3A_9 : f32 to vector<512x128xf32>
    %add3A_11 = arith.addf %add3A, %add3A_10 : vector<512x128xf32>
    %rsqrt3A = math.rsqrt %add3A_11 : vector<512x128xf32>
    %get3A_12 = arith.constant 0 : index
    %get3A_13 = arith.constant 0 : index
    %get3A_14 = arith.constant 0 : index
    %get3A_15 = vector.load %arg1[%get3A_12, %get3A_13, %get3A_14] : memref<1x512x128xf32, #tpu.memory_space<vmem>>, vector<1x512x128xf32>
    %get3A_16 = vector.shape_cast %get3A_15 : vector<1x512x128xf32> to vector<512x128xf32>
    %get3A_17 = arith.constant 0 : index
    %get3A_18 = arith.constant 0 : index
    %get3A_19 = arith.constant 0 : index
    %get3A_20 = vector.load %arg2[%get3A_17, %get3A_18, %get3A_19] : memref<1x512x128xf32, #tpu.memory_space<vmem>>, vector<1x512x128xf32>
    %get3A_21 = vector.shape_cast %get3A_20 : vector<1x512x128xf32> to vector<512x128xf32>
    %add3A_22 = arith.addf %get3A_16, %get3A_21 : vector<512x128xf32>
    %get3A_23 = arith.constant 0 : index
    %get3A_24 = arith.constant 0 : index
    %get3A_25 = vector.load %arg3[%get3A_23, %get3A_24] : memref<512x128xf32, #tpu.memory_space<vmem>>, vector<512x128xf32>
    %add3A_26 = arith.addf %add3A_22, %get3A_25 : vector<512x128xf32>
    %mul3A = arith.mulf %add3A_26, %rsqrt3A : vector<512x128xf32>
    %get3A_27 = arith.constant 0 : index
    %get3A_28 = arith.constant 0 : index
    %get3A_29 = vector.load %arg6[%get3A_27, %get3A_28] : memref<1x128xf32, #tpu.memory_space<vmem>>, vector<1x128xf32>
    %add3A_30 = vector.broadcast %get3A_29 : vector<1x128xf32> to vector<512x128xf32>
    %add3A_31 = arith.addf %mul3A, %add3A_30 : vector<512x128xf32>
    %max3A = arith.constant 0.000000e+00 : f32
    %max3A_32 = vector.broadcast %max3A : f32 to vector<512x128xf32>
    %max3A_33 = arith.maximumf %add3A_31, %max3A_32 : vector<512x128xf32>
    %get3A_34 = arith.constant 0 : index
    %get3A_35 = arith.constant 0 : index
    %get3A_36 = vector.load %arg7[%get3A_34, %get3A_35] : memref<128x128xf32, #tpu.memory_space<vmem>>, vector<128x128xf32>
    %dot_general3A = arith.constant dense<0.000000e+00> : vector<512x128xf32>
    %dot_general3A_37 = tpu.matmul %max3A_33, %get3A_36, %dot_general3A {dimension_numbers = #tpu.dot_dimension_numbers<[1], [0], [0], [1], [0, 0, 1, 1], [], []>, transpose_lhs_hint = false} : vector<512x128xf32>, vector<128x128xf32>, vector<512x128xf32> -> vector<512x128xf32>
    %mul3A_38 = arith.mulf %dot_general3A_37, %rsqrt3A : vector<512x128xf32>
    %swap3A = arith.constant 0 : index
    %swap3A_39 = arith.constant 0 : index
    %swap3A_40 = vector.load %arg8[%swap3A, %swap3A_39] : memref<512x128xf32, #tpu.memory_space<vmem>>, vector<512x128xf32>
    tpu.vector_store %arg8[%swap3A, %swap3A_39], %mul3A_38 {strides = array<i32>} : memref<512x128xf32, #tpu.memory_space<vmem>>, vector<512x128xf32>,
    return
  }
  func.func @transform_0(%arg0: i32) -> (i32, i32, i32) {
    %c0_i32 = arith.constant 0 : i32
    %c0_i32_0 = arith.constant 0 : i32
    %c0_i32_1 = arith.constant 0 : i32
    return %c0_i32, %arg0, %c0_i32_0 : i32, i32, i32
  }
  func.func @transform_1(%arg0: i32) -> (i32, i32, i32) {
    %c1_i32 = arith.constant 1 : i32
    %c0_i32 = arith.constant 0 : i32
    %c0_i32_0 = arith.constant 0 : i32
    return %c1_i32, %arg0, %c0_i32 : i32, i32, i32
  }
  func.func @transform_2(%arg0: i32) -> (i32, i32) {
    %c0_i32 = arith.constant 0 : i32
    %c0_i32_0 = arith.constant 0 : i32
    return %arg0, %c0_i32 : i32, i32
  }
  func.func @transform_3(%arg0: i32) -> (i32, i32, i32) {
    %c0_i32 = arith.constant 0 : i32
    %c0_i32_0 = arith.constant 0 : i32
    %c0_i32_1 = arith.constant 0 : i32
    return %c0_i32, %arg0, %c0_i32_0 : i32, i32, i32
  }
  func.func @transform_4(%arg0: i32) -> (i32, i32, i32) {
    %c1_i32 = arith.constant 1 : i32
    %c0_i32 = arith.constant 0 : i32
    %c0_i32_0 = arith.constant 0 : i32
    return %c1_i32, %arg0, %c0_i32 : i32, i32, i32
  }
  func.func @transform_5(%arg0: i32) -> (i32, i32) {
    %c0_i32 = arith.constant 0 : i32
    %c0_i32_0 = arith.constant 0 : i32
    %c0_i32_1 = arith.constant 0 : i32
    return %c0_i32, %c0_i32_0 : i32, i32
  }
  func.func @transform_6(%arg0: i32) -> (i32, i32) {
    %c0_i32 = arith.constant 0 : i32
    %c0_i32_0 = arith.constant 0 : i32
    %c0_i32_1 = arith.constant 0 : i32
    return %c0_i32, %c0_i32_0 : i32, i32
  }
  func.func @transform_7(%arg0: i32) -> (i32, i32) {
    %c0_i32 = arith.constant 0 : i32
    %c0_i32_0 = arith.constant 0 : i32
    return %arg0, %c0_i32 : i32, i32
  }
}

module attributes {stable_mosaic.version = 14 : i64} {
  func.func @_fused_out_body(%arg0: i32, %arg1: memref<1x512x128xf32, #tpu.memory_space<vmem>>, %arg2: memref<1x512x128xf32, #tpu.memory_space<vmem>>, %arg3: memref<512x128xf32, #tpu.memory_space<vmem>>, %arg4: memref<1x512x128xf32, #tpu.memory_space<vmem>>, %arg5: memref<1x512x128xf32, #tpu.memory_space<vmem>>, %arg6: memref<1x128xf32, #tpu.memory_space<vmem>>, %arg7: memref<128x8xf32, #tpu.memory_space<vmem>>, %arg8: memref<1x8xf32, #tpu.memory_space<vmem>>, %arg9: memref<512x8xf32, #tpu.memory_space<vmem>>) attributes {dimension_semantics = [#tpu.dimension_semantics<arbitrary>], iteration_bounds = array<i64: 5>, scalar_prefetch = 0 : i64, scratch_operands = 0 : i64, tpu.core_type = #tpu.core_type<tc>, window_params = [{transform_indices = @transform_0, window_bounds = array<i64: 1, 512, 128>}, {transform_indices = @transform_1, window_bounds = array<i64: 1, 512, 128>}, {transform_indices = @transform_2, window_bounds = array<i64: 512, 128>}, {transform_indices = @transform_3, window_bounds = array<i64: 1, 512, 128>}, {transform_indices = @transform_4, window_bounds = array<i64: 1, 512, 128>}, {pipeline_mode = #tpu.pipeline_mode<synchronous>, transform_indices = @transform_5, window_bounds = array<i64: 1, 128>}, {pipeline_mode = #tpu.pipeline_mode<synchronous>, transform_indices = @transform_6, window_bounds = array<i64: 128, 8>}, {pipeline_mode = #tpu.pipeline_mode<synchronous>, transform_indices = @transform_7, window_bounds = array<i64: 1, 8>}, {transform_indices = @transform_8, window_bounds = array<i64: 512, 8>}]} {
    %get3A = arith.constant 0 : index
    %get3A_0 = arith.constant 0 : index
    %get3A_1 = arith.constant 0 : index
    %get3A_2 = vector.load %arg4[%get3A, %get3A_0, %get3A_1] : memref<1x512x128xf32, #tpu.memory_space<vmem>>, vector<1x512x128xf32>
    %get3A_3 = vector.shape_cast %get3A_2 : vector<1x512x128xf32> to vector<512x128xf32>
    %get3A_4 = arith.constant 0 : index
    %get3A_5 = arith.constant 0 : index
    %get3A_6 = arith.constant 0 : index
    %get3A_7 = vector.load %arg5[%get3A_4, %get3A_5, %get3A_6] : memref<1x512x128xf32, #tpu.memory_space<vmem>>, vector<1x512x128xf32>
    %get3A_8 = vector.shape_cast %get3A_7 : vector<1x512x128xf32> to vector<512x128xf32>
    %add3A = arith.addf %get3A_3, %get3A_8 : vector<512x128xf32>
    %add3A_9 = arith.constant 1.000000e+00 : f32
    %add3A_10 = vector.broadcast %add3A_9 : f32 to vector<512x128xf32>
    %add3A_11 = arith.addf %add3A, %add3A_10 : vector<512x128xf32>
    %rsqrt3A = math.rsqrt %add3A_11 : vector<512x128xf32>
    %get3A_12 = arith.constant 0 : index
    %get3A_13 = arith.constant 0 : index
    %get3A_14 = arith.constant 0 : index
    %get3A_15 = vector.load %arg1[%get3A_12, %get3A_13, %get3A_14] : memref<1x512x128xf32, #tpu.memory_space<vmem>>, vector<1x512x128xf32>
    %get3A_16 = vector.shape_cast %get3A_15 : vector<1x512x128xf32> to vector<512x128xf32>
    %get3A_17 = arith.constant 0 : index
    %get3A_18 = arith.constant 0 : index
    %get3A_19 = arith.constant 0 : index
    %get3A_20 = vector.load %arg2[%get3A_17, %get3A_18, %get3A_19] : memref<1x512x128xf32, #tpu.memory_space<vmem>>, vector<1x512x128xf32>
    %get3A_21 = vector.shape_cast %get3A_20 : vector<1x512x128xf32> to vector<512x128xf32>
    %add3A_22 = arith.addf %get3A_16, %get3A_21 : vector<512x128xf32>
    %get3A_23 = arith.constant 0 : index
    %get3A_24 = arith.constant 0 : index
    %get3A_25 = vector.load %arg3[%get3A_23, %get3A_24] : memref<512x128xf32, #tpu.memory_space<vmem>>, vector<512x128xf32>
    %add3A_26 = arith.addf %add3A_22, %get3A_25 : vector<512x128xf32>
    %mul3A = arith.mulf %add3A_26, %rsqrt3A : vector<512x128xf32>
    %get3A_27 = arith.constant 0 : index
    %get3A_28 = arith.constant 0 : index
    %get3A_29 = vector.load %arg6[%get3A_27, %get3A_28] : memref<1x128xf32, #tpu.memory_space<vmem>>, vector<1x128xf32>
    %add3A_30 = vector.broadcast %get3A_29 : vector<1x128xf32> to vector<512x128xf32>
    %add3A_31 = arith.addf %mul3A, %add3A_30 : vector<512x128xf32>
    %max3A = arith.constant 0.000000e+00 : f32
    %max3A_32 = vector.broadcast %max3A : f32 to vector<512x128xf32>
    %max3A_33 = arith.maximumf %add3A_31, %max3A_32 : vector<512x128xf32>
    %get3A_34 = arith.constant 0 : index
    %get3A_35 = arith.constant 0 : index
    %get3A_36 = vector.load %arg7[%get3A_34, %get3A_35] : memref<128x8xf32, #tpu.memory_space<vmem>>, vector<128x8xf32>
    %dot_general3A = arith.constant dense<0.000000e+00> : vector<512x8xf32>
    %dot_general3A_37 = tpu.matmul %max3A_33, %get3A_36, %dot_general3A {dimension_numbers = #tpu.dot_dimension_numbers<[1], [0], [0], [1], [0, 0, 1, 1], [], []>, transpose_lhs_hint = false} : vector<512x128xf32>, vector<128x8xf32>, vector<512x8xf32> -> vector<512x8xf32>
    %get3A_38 = arith.constant 0 : index
    %get3A_39 = arith.constant 0 : index
    %get3A_40 = vector.load %arg8[%get3A_38, %get3A_39] : memref<1x8xf32, #tpu.memory_space<vmem>>, vector<1x8xf32>
    %add3A_41 = vector.broadcast %get3A_40 : vector<1x8xf32> to vector<512x8xf32>
    %add3A_42 = arith.addf %dot_general3A_37, %add3A_41 : vector<512x8xf32>
    %swap3A = arith.constant 0 : index
    %swap3A_43 = arith.constant 0 : index
    %swap3A_44 = vector.load %arg9[%swap3A, %swap3A_43] : memref<512x8xf32, #tpu.memory_space<vmem>>, vector<512x8xf32>
    tpu.vector_store %arg9[%swap3A, %swap3A_43], %add3A_42 {strides = array<i32>} : memref<512x8xf32, #tpu.memory_space<vmem>>, vector<512x8xf32>,
    return
  }
  func.func @transform_0(%arg0: i32) -> (i32, i32, i32) {
    %c0_i32 = arith.constant 0 : i32
    %c0_i32_0 = arith.constant 0 : i32
    %c0_i32_1 = arith.constant 0 : i32
    return %c0_i32, %arg0, %c0_i32_0 : i32, i32, i32
  }
  func.func @transform_1(%arg0: i32) -> (i32, i32, i32) {
    %c1_i32 = arith.constant 1 : i32
    %c0_i32 = arith.constant 0 : i32
    %c0_i32_0 = arith.constant 0 : i32
    return %c1_i32, %arg0, %c0_i32 : i32, i32, i32
  }
  func.func @transform_2(%arg0: i32) -> (i32, i32) {
    %c0_i32 = arith.constant 0 : i32
    %c0_i32_0 = arith.constant 0 : i32
    return %arg0, %c0_i32 : i32, i32
  }
  func.func @transform_3(%arg0: i32) -> (i32, i32, i32) {
    %c0_i32 = arith.constant 0 : i32
    %c0_i32_0 = arith.constant 0 : i32
    %c0_i32_1 = arith.constant 0 : i32
    return %c0_i32, %arg0, %c0_i32_0 : i32, i32, i32
  }
  func.func @transform_4(%arg0: i32) -> (i32, i32, i32) {
    %c1_i32 = arith.constant 1 : i32
    %c0_i32 = arith.constant 0 : i32
    %c0_i32_0 = arith.constant 0 : i32
    return %c1_i32, %arg0, %c0_i32 : i32, i32, i32
  }
  func.func @transform_5(%arg0: i32) -> (i32, i32) {
    %c0_i32 = arith.constant 0 : i32
    %c0_i32_0 = arith.constant 0 : i32
    %c0_i32_1 = arith.constant 0 : i32
    return %c0_i32, %c0_i32_0 : i32, i32
  }
  func.func @transform_6(%arg0: i32) -> (i32, i32) {
    %c0_i32 = arith.constant 0 : i32
    %c0_i32_0 = arith.constant 0 : i32
    %c0_i32_1 = arith.constant 0 : i32
    return %c0_i32, %c0_i32_0 : i32, i32
  }
  func.func @transform_7(%arg0: i32) -> (i32, i32) {
    %c0_i32 = arith.constant 0 : i32
    %c0_i32_0 = arith.constant 0 : i32
    %c0_i32_1 = arith.constant 0 : i32
    return %c0_i32, %c0_i32_0 : i32, i32
  }
  func.func @transform_8(%arg0: i32) -> (i32, i32) {
    %c0_i32 = arith.constant 0 : i32
    %c0_i32_0 = arith.constant 0 : i32
    return %arg0, %c0_i32 : i32, i32
  }
}

</mosaic_0001>

<sc_bundles>
// kernel: kernel.12.cloned.1.call-start
scs
__scs_entry_jumppad:
0x0: {  	(pc) =	sbr.rel $0x88, $3  }
0x1: {  	(tag) =	ssettag $0x0;
	lr =	simm.s32 $0x1  }
0x2: {  	[smem:$0x3F99] =	sst lr;
	_ =	strace $0xD0000000  }
0x3: {  	_ = 	snop  }
0x4: {  	_ = 	snop  }
0x5: {  	_ = 	snop  }
0x6: {  	_ = 	snop  }
0x7: {  	_ = 	snop  }
__scs_overlays_trampoline_lowered:
0x8: {  	[smem:$0x3FA8] =	sst s0  }
0x9: {  	[smem:$0x3FA9] =	sst s1  }
0xa: {  	[smem:$0x3FAA] =	sst s2  }
0xb: {  	[smem:$0x3FAB] =	sst s3  }
0xc: {  	[smem:$0x3FAC] =	sst s4  }
0xd: {  	[smem:$0x3FAD] =	sst s5  }
0xe: {  	[smem:$0x3FAE] =	sst s6  }
0xf: {  	[smem:$0x3FAF] =	sst s7  }
0x10: {  	[smem:$0x3FB0] =	sst s8  }
0x11: {  	[smem:$0x3FB1] =	sst s9;
	s0 =	simm.s32 @!p0 $0x0  }
0x12: {  	s1 =	sld [smem:$0x3F97];
	s0 =	simm.s32 @p0 $0x1  }
0x13: {  	[smem:$0x3FB2] =	sst s0;
	s0 =	simm.s32 @!p1 $0x0  }
0x14: {  	s2 =	sld [smem:$0x3F96];
	s0 =	simm.s32 @p1 $0x1  }
0x15: {  	[smem:$0x3FB3] =	sst s0;
	s0 =	simm.s32 @!p2 $0x0  }
0x16: {  	s3 =	sld [smem:$0x3FDB];
	s0 =	simm.s32 @p2 $0x1  }
0x17: {  	s4 =	simm.s32 $0x1BF5;
	[smem:$0x3FB5] =	sst s0  }
0x18: {  	s0 =	sld [smem:$0x3F98];
	_ =	swait.ge [sflag:s4], $0x0  }
0x19: {  	s7 =	sld [smem:$0x3F99]  }
0x1a: {  	s8 =	sadd.s32 $0xFFFFE003, lr  }
0x1b: {  	s9 =	sadd.s32 $0xFFFFFEF7, lr;
	s5 =	simm.s32 $0xFFFFFFFF;
	p2 =	slt.u32 s8, $0xFFFFF086  }
0x1c: {  	p1 =	slt.u32 s9, $0xF7A;
	s5 =	simm.s32 @!p2 $0x0  }
0x1d: {  	s5 =	simm.s32 @p1 $0x1;
	p0 =	seq.s32 s7, s2  }
0x1e: {  	s7 =	smul.u32 @!p0 $0xF7A, s2;
	p2 =	seq.s32 @!p0 s5, $0x0  }
0x1f: {  	s9 =	smul.u32 $0xF7A, s1;
	s8 =	simm.s32 @!p0 $0x1BF5;
	p2 =	por !p2, p0  }
0x20: {  	[sflag:s8] =	ssyncset.s32 @!p0 $0xFFFFF086;
	s6 =	sadd.s32 @!p0 s3, s7;
	s7 =	simm.s32 @!p0 $0x108  }
0x21: {  	s3 =	sadd.s32 s3, s9;
	s6 =	sadd.s32 @!p0 $0x88, s6;
	s7 =	simm.s32 @p2 $0x1082  }
0x22: {  	[simem:s7], [sflag:s8] =	dma.local @!p0 [hbm:s6], $0xF7A  }
0x23: {  	s9 =	sor.u32 $0xD0000000, s2;
	s6 =	simm.s32 $0x108;
	_ =	swait.ge @!p0 [sflag:s8], $0x0  }
0x24: {  	s3 =	sadd.s32 $0x88, s3;
	s6 =	simm.s32 @!p1 $0x1082;
	[sflag:s4] =	ssyncset.s32 $0xFFFFF086  }
0x25: {  	[simem:s6], [sflag:s4] =	dma.local [hbm:s3], $0xF7A  }
0x26: {  	[smem:$0x3F99] =	sst s1;
	(tag) =	ssettag s2;
	_ =	strace s9  }
0x27: {  	s1 =	sld [smem:$0x3FA9]  }
0x28: {  	s2 =	sld [smem:$0x3FAA]  }
0x29: {  	s4 =	sld [smem:$0x3FAC]  }
0x2a: {  	p0 =	seq.s32 s5, $0x0;
	s5 =	sld [smem:$0x3FAD]  }
0x2b: {  	s6 =	sld [smem:$0x3FAE]  }
0x2c: {  	s7 =	sld [smem:$0x3FAF]  }
0x2d: {  	s3 =	simm.s32 $0x108;
	s8 =	sld [smem:$0x3FB0]  }
0x2e: {  	s3 =	simm.s32 @!p0 $0x1082;
	s9 =	sld [smem:$0x3FB1]  }
0x2f: {  	lr =	sadd.s32 s0, s3;
	s0 =	sld [smem:$0x3FA8]  }
0x30: {  	s3 =	sld [smem:$0x3FAB]  }
0x31: {  	[smem:$0x3FB4] =	sst s10  }
0x32: {  	s10 =	sld [smem:$0x3FB2];
	_ =	sdelay $0x3  }
0x33: {  	p0 =	seq.s32 s10, $0x1;
	s10 =	sld [smem:$0x3FB4];
	_ =	sdelay $0x3  }
0x34: {  	[smem:$0x3FB4] =	sst s10  }
0x35: {  	s10 =	sld [smem:$0x3FB3];
	_ =	sdelay $0x3  }
0x36: {  	p1 =	seq.s32 s10, $0x1;
	s10 =	sld [smem:$0x3FB4];
	_ =	sdelay $0x3  }
0x37: {  	[smem:$0x3FB4] =	sst s10  }
0x38: {  	s10 =	sld [smem:$0x3FB5]  }
0x39: {  	_ = 	snop;
	(pc) =	sbr.ind lr, $3  }
0x3a: {  	_ = 	snop  }
0x3b: {  	_ = 	snop  }
0x3c: {  	p2 =	seq.s32 s10, $0x1;
	s10 =	sld [smem:$0x3FB4]  }
0x3d: {  	_ =	shalt  }
0x3e: {  	_ =	shalt  }
0x3f: {  	_ =	shalt  }
0x40: {  	_ =	shalt  }
0x41: {  	_ =	shalt  }
0x42: {  	_ =	shalt  }
0x43: {  	_ =	shalt  }
0x44: {  	_ =	shalt  }
0x45: {  	_ =	shalt  }
0x46: {  	_ =	shalt  }
0x47: {  	_ =	shalt  }
0x48: {  	_ =	shalt  }
0x49: {  	_ =	shalt  }
0x4a: {  	_ =	shalt  }
0x4b: {  	_ =	shalt  }
0x4c: {  	_ =	shalt  }
0x4d: {  	_ =	shalt  }
0x4e: {  	_ =	shalt  }
0x4f: {  	_ =	shalt  }
0x50: {  	_ =	shalt  }
0x51: {  	_ =	shalt  }
0x52: {  	_ =	shalt  }
0x53: {  	_ =	shalt  }
0x54: {  	_ =	shalt  }
0x55: {  	_ =	shalt  }
0x56: {  	_ =	shalt  }
0x57: {  	_ =	shalt  }
0x58: {  	_ =	shalt  }
0x59: {  	_ =	shalt  }
0x5a: {  	_ =	shalt  }
0x5b: {  	_ =	shalt  }
0x5c: {  	_ =	shalt  }
0x5d: {  	_ =	shalt  }
0x5e: {  	_ =	shalt  }
0x5f: {  	_ =	shalt  }
0x60: {  	_ =	shalt  }
0x61: {  	_ =	shalt  }
0x62: {  	_ =	shalt  }
0x63: {  	_ =	shalt  }
0x64: {  	_ =	shalt  }
0x65: {  	_ =	shalt  }
0x66: {  	_ =	shalt  }
0x67: {  	_ =	shalt  }
0x68: {  	_ =	shalt  }
0x69: {  	_ =	shalt  }
0x6a: {  	_ =	shalt  }
0x6b: {  	_ =	shalt  }
0x6c: {  	_ =	shalt  }
0x6d: {  	_ =	shalt  }
0x6e: {  	_ =	shalt  }
0x6f: {  	_ =	shalt  }
0x70: {  	_ =	shalt  }
0x71: {  	_ =	shalt  }
0x72: {  	_ =	shalt  }
0x73: {  	_ =	shalt  }
0x74: {  	_ =	shalt  }
0x75: {  	_ =	shalt  }
0x76: {  	_ =	shalt  }
0x77: {  	_ =	shalt  }
0x78: {  	_ =	shalt  }
0x79: {  	_ =	shalt  }
0x7a: {  	_ =	shalt  }
0x7b: {  	_ =	shalt  }
0x7c: {  	_ =	shalt  }
0x7d: {  	_ =	shalt  }
0x7e: {  	_ =	shalt  }
0x7f: {  	_ =	shalt  }
0x80: {  	_ =	shalt  }
0x81: {  	_ =	shalt  }
0x82: {  	_ =	shalt  }
0x83: {  	_ =	shalt  }
0x84: {  	_ =	shalt  }
0x85: {  	_ =	shalt  }
0x86: {  	_ =	shalt  }
0x87: {  	_ =	shalt  }
.Lfunc_end0:
.L_simem_size_0:
called_computation.1_lowered:
.L_overlay_start_0:
0x88: {  	s2 =	sld [smem:$0x3FD9]  }
0x89: {  	s3 =	sld [smem:$0x3FFE];
	_ =	sdelay $0x1  }
0x8a: {  	s1 =	srdreg.scid  }
0x8b: {  	s0 =	sand.u32 $0x1, s1  }
0x8c: {  	s16 =	sshll.u32 s0, $0xA;
	s2 =	sadd.s32 s3, s2  }
0x8d: {  	s2 =	sadd.s32 s2, s16  }
0x8e: {  	[smem:$0x3FC0] =	sst s2  }
0x8f: {  	_ = 	snop  }
0x90: {  	(tm) =	ssettm $0x1  }
0x91: {  	s17 =	sld [smem:$0x3FFB];
	_ =	sdelay $0x3  }
0x92: {  	_ =	strace s17  }
0x93: {  	s2 =	sld [smem:$0x3FFC];
	_ =	sdelay $0x3  }
0x94: {  	_ =	strace s2  }
0x95: {  	s2 =	sld [smem:$0x3FFD];
	_ =	sdelay $0x3  }
0x96: {  	_ =	strace s2  }
0x97: {  	_ =	strace $0x8FFFFFFF  }
0x98: {  	s18 =	sld [smem:$0x3FDB];
	_ =	sdelay $0x1  }
0x99: {  	s19 =	simm.s32 $_scs_section_size  }
0x9a: {  	s4 =	simm.s32 $_size__tile_overlayer_lowered;
	s5 =	simm.s32 $_tile_overlayer_lowered  }
0x9b: {  	s22 =	simm.s32 $0x1BFF;
	s21 =	sshll.u32 s5, $0x1;
	s2 =	sadd.s32 s19, s18  }
0x9c: {  	s6 =	simm.s32 $0x0;
	s20 =	sshll.u32 s4, $0x1;
	s4 =	sadd.s32 s21, s2  }
0x9d: {  	[timem:s6], [sflag:s22] =	dma.local [hbm:s4], s20  }
0x9e: {  	_ =	swait.ge [sflag:s22], s20  }
0x9f: {  	s3 =	ssub.s32 $0x0, s20;
	[sflag:s22] =	ssyncset.done $0x0  }
0xa0: {  	[sflag:s22] =	ssyncadd.s32 s3;
	_ =	sdelay $0x1  }
0xa1: {  	s23 =	simm.s32 $0x1B8B  }
0xa2: {  	_ =	swait.ge [sflag:s23], $0x1  }
0xa3: {  	[sflag:s23] =	ssyncset.done $0x0  }
0xa4: {  	s25 =	simm.s32 $0x1B8E;
	s24 =	sld [smem:$0x3FFE];
	[sflag:s23] =	ssyncadd.s32 $0xFFFFFFFF  }
0xa5: {  	s26 =	simm.s32 $execute0_lowered;
	[smem:$0x3FD2] =	sst s25  }
0xa6: {  	s4 =	sshll.u32 s26, $0x1;
	_ =	strace $0x80000049;
	[dreg:$0x1] =	wrdreg $0xFFFFFFFF  }
0xa7: {  	s28 =	simm.s32 $_size_execute0_lowered;
	s2 =	sadd.s32 s2, s4;
	[dreg:$0x0] =	wrdreg $0x0  }
0xa8: {  	s4 =	sshll.u32 s28, $0x1;
	[dreg:$0x2] =	wrdreg s2  }
0xa9: {  	[dreg:$0x3] =	wrdreg s4  }
0xaa: {  	[dreg:$0x4] =	wrdreg $0xC0  }
0xab: {  	_ =	task [dreg:s6], $0x5FFFF  }
0xac: {  	[dreg:$0x1] =	wrdreg $0xFFFFFFFF  }
0xad: {  	[dreg:$0x0] =	wrdreg $0x60  }
0xae: {  	[dreg:$0x2] =	wrdreg s24  }
0xaf: {  	[dreg:$0x3] =	wrdreg $0x120000  }
0xb0: {  	[dreg:$0x4] =	wrdreg $0x9  }
0xb1: {  	_ =	task.clear_ibuf [dreg:s6], $0x5FFFF;
	_ =	strace $0x90000049  }
0xb2: {  	s29 =	simm.s32 $0x9;
	_ =	strace $0x8000004B  }
0xb3: {  	_ =	swait.ge [sflag:s29], $0x1  }
0xb4: {  	[sflag:s29] =	ssyncadd.s32 $0xFFFFFFFF  }
0xb5: {  	_ =	strace $0x9000004B  }
0xb6: {  	_ =	sfence  }
0xb7: {  	s30 =	sld [smem:$0x0];
	_ =	sdelay $0x2  }
0xb8: {  	s31 =	sshll.u32 s1, $0xD;
	s1 =	sshrl.u32 s1, $0x2  }
0xb9: {  	s3 =	sand.u32 $0x4000, s31;
	s1 =	sadd.s32 s1, s30  }
0xba: {  	s0 =	sor.u32 s3, s0;
	s1 =	sshll.u32 s1, $0x11  }
0xbb: {  	s0 =	sor.u32 s1, s0  }
0xbc: {  	s0 =	sadd.s32 $0x8F2B, s0  }
0xbd: {  	[sflag:s0] =	ssyncadd.remote.s32 $0x1  }
0xbe: {  	_ =	sfence.sel $0xFFFF  }
0xbf: {  	[dreg:$0x0] =	wrdreg $0xFFFFFFFF;
	(pc) =	sbr.abs _section_cstart, $3  }
0xc0: {  	[dreg:$0x1] =	wrdreg $0xFFFFFFFF  }
0xc1: {  	_ =	task.clear_ibuf [dreg:s6], $0x2FFFF;
	_ =	strace $0x9FFFFFFF  }
0xc2: {  	(tm) =	ssettm $0x7FFFFFFF  }
0xc3: {  	_ =	shalt  }
tec
execute0_lowered:
.L_overlay_start_1:
0x0: {  	(tag) =	ssettag $0x1  }
0x1: {  	s0 =	srdreg.scid  }
0x2: {  	s3 =	stileid.u32;
	s5 =	rddreg [dreg:$0x0]  }
0x3: {  	s2 =	rddreg [dreg:$0x1];
	s10 =	simm.s32 $0x0;
	s14 =	simm.s32 $0x80  }
0x4: {  	s26 =	simm.s32 $0xB000;
	s28 =	simm.s32 $0x2;
	s29 =	simm.s32 $0x4  }
0x5: {  	s30 =	simm.s32 $0x6;
	s31 =	simm.s32 $0x8;
	s16 =	simm.s32 $0x5000  }
0x6: {  	s20 =	simm.s32 $0x6000;
	s0 =	sand.u32 $0x1, s0;
	s6 =	smul.u32 $0x5000, s3  }
0x7: {  	[smem:$0x7FF] =	sst s10;
	s4 =	sadd.s32 $0x16800, s5;
	s1 =	sshll.u32 s0, $0x4  }
0x8: {  	s7 =	smul.u32 $0x50000, s0;
	_ =	strace $0x8000004A;
	s0 =	ssub.s32 $0x2, s0  }
0x9: {  	[dreg:$0x3] =	wrdreg s26;
	s1 =	sor.u32 s3, s1;
	s8 =	sshrl.u32 s6, $0x3  }
0xa: {  	s9 =	sshrl.u32 s0, $0x1;
	s3 =	sadd.s32 s6, s2;
	s1 =	smul.u32 $0x2800, s1  }
0xb: {  	s7 =	sadd.s32 s6, s7;
	s8 =	sadd.s32 s8, s5;
	s0 =	ssub.s32 s0, s9  }
0xc: {  	[dreg:$0x5] =	wrdreg s3;
	s23 =	sadd.s32 $0x20600, s8;
	s1 =	sshrl.u32 s1, $0x3  }
0xd: {  	s0 =	smax.u32 s0, $0x1;
	[dreg:$0x4] =	wrdreg s23;
	s1 =	sadd.s32 s1, s5  }
0xe: {  	s7 =	sshrl.u32 s7, $0x3;
	[dreg:$0x9] =	wrdreg s0;
	s24 =	sadd.s32 $0x2800, s1  }
0xf: {  	s5 =	sadd.s32 s7, s5;
	s1 =	sadd.s32 $0xC800, s1;
	[dreg:$0x6] =	wrdreg s24  }
0x10: {  	s26 =	simm.s32 $0xC000;
	s25 =	sadd.s32 $0x2A600, s5;
	[dreg:$0x7] =	wrdreg s1  }
0x11: {  	s6 =	simm.s32 $0x0;
	s5 =	simm.s32 $0x11;
	[dreg:$0x8] =	wrdreg s25  }
0x12: {  	s1 =	simm.s32 $0xD000;
	s25 =	simm.s32 $0x1;
	s24 =	simm.s32 $0xA000  }
.LBB2_1:
0x13: {  	[dreg:$0xa] =	wrdreg s6  }
0x14: {  	s0 =	rddreg [dreg:$0x4]  }
0x15: {  	[tilespmem:s1], [sflag:$0x11] =	stream.linear.gather [hbm4b:s0+s10], $0x5000, $0x38;
	[tilespmem:$0x17000] =	vst v63  }
0x16: {  	_ =	swait.ge [sflag:s5], $0x5000  }
0x17: {  	[sflag:s5] =	ssyncset.done $0x0  }
0x18: {  	[sflag:s5] =	ssyncadd.s32 $0xFFFFB000  }
0x19: {  	[spmem:s3] =	stream.linear.scatter [tilespmem:s1], [sflag:$0x11], $0x5000, $0x38;
	[tilespmem:$0x17000] =	vst v63  }
0x1a: {  	_ =	swait.ge [sflag:s5], $0x5000  }
0x1b: {  	[sflag:s5] =	ssyncset.done $0x0  }
0x1c: {  	s18 =	rddreg [dreg:$0x6];
	[sflag:s5] =	ssyncadd.s32 $0xFFFFB000  }
0x1d: {  	[tilespmem:s10], [sflag:$0x11] =	stream.linear.gather [hbm4b:s18+s10], $0x2800, $0x38;
	[tilespmem:$0x17000] =	vst v63  }
0x1e: {  	_ =	swait.ge [sflag:s5], $0x2800  }
0x1f: {  	[sflag:s5] =	ssyncset.done $0x0  }
0x20: {  	s21 =	simm.s32 $0x2800;
	s19 =	rddreg [dreg:$0x7];
	[sflag:s5] =	ssyncadd.s32 $0xFFFFD800  }
0x21: {  	[tilespmem:s21], [sflag:$0x11] =	stream.linear.gather [hbm4b:s19+s10], $0x2800, $0x38;
	[tilespmem:$0x17000] =	vst v63  }
0x22: {  	_ =	swait.ge [sflag:s5], $0x2800  }
0x23: {  	[sflag:s5] =	ssyncset.done $0x0  }
0x24: {  	[sflag:s5] =	ssyncadd.s32 $0xFFFFD800  }
0x25: {  	s22 =	simm.s32 $0x5000;
	[bflag:$0x0] =	sbarrier.arrive $0xFFFF  }
0x26: {  	[tilespmem:s22], [sflag:$0x1] =	stream.indirect.gather [hbm4b:s4+s14], $0x20, s10, s14, $0xb8;
	[tilespmem:$0x17000] =	vst v63  }
0x27: {  	s23 =	simm.s32 $0x6000  }
0x28: {  	[tilespmem:s23], [sflag:$0x2] =	stream.indirect.gather [hbm4b:s4+s14], $0x20, s14, s14, $0xb8;
	[tilespmem:$0x17000] =	vst v63  }
0x29: {  	s7 =	simm.s32 $0x7000;
	s5 =	simm.s32 $0x100  }
0x2a: {  	[tilespmem:s7], [sflag:$0x3] =	stream.indirect.gather [hbm4b:s4+s14], $0x20, s5, s14, $0xb8;
	[tilespmem:$0x17000] =	vst v63  }
0x2b: {  	s8 =	simm.s32 $0x180;
	s9 =	simm.s32 $0x8000  }
0x2c: {  	[tilespmem:s9], [sflag:$0x4] =	stream.indirect.gather [hbm4b:s4+s14], $0x20, s8, s14, $0xb8;
	[tilespmem:$0x17000] =	vst v63  }
0x2d: {  	s11 =	simm.s32 $0x9000;
	p0 =	por $0x1, $0x1;
	s10 =	simm.s32 $0x200  }
0x2e: {  	[tilespmem:s11], [sflag:$0x5] =	stream.indirect.gather [hbm4b:s4+s14], $0x20, s10, s14, $0xb8;
	[tilespmem:$0x17000] =	vst v63  }
0x2f: {  	s12 =	simm.s32 $0x280;
	s13 =	simm.s32 $0xA000;
	s0 =	simm.s32 @!p0 $0xF  }
0x30: {  	[tilespmem:s13], [sflag:$0x6] =	stream.indirect.gather [hbm4b:s4+s14], $0x20, s12, s14, $0xb8;
	[tilespmem:$0x17000] =	vst v63  }
0x31: {  	_ =	swait.ge @!p0 [sflag:s0], $0x1000  }
0x32: {  	[sflag:s0] =	ssyncset.done @!p0 $0x0  }
0x33: {  	s17 =	simm.s32 $0x300;
	s15 =	rddreg [dreg:$0x3];
	[sflag:s0] =	ssyncadd.s32 @!p0 $0xFFFFF000  }
0x34: {  	[tilespmem:s15], [sflag:$0x7] =	stream.indirect.gather [hbm4b:s4+s14], $0x20, s17, s14, $0xb8;
	[tilespmem:$0x17000] =	vst v63  }
0x35: {  	_ =	swait.ge [sflag:s25], $0x1000  }
0x36: {  	[sflag:s25] =	ssyncset.done $0x0  }
0x37: {  	s1 =	simm.s32 @!p0 $0x10;
	s18 =	simm.s32 $0x2800;
	[sflag:s25] =	ssyncadd.s32 $0xFFFFF000  }
0x38: {  	[spmem:s2] =	stream.indirect.scatter.add.f32 [tilespmem:s22], [sflag:$0x9], $0x20, s18, s14, $0xb8;
	[tilespmem:$0x17000] =	vst v63  }
0x39: {  	_ =	swait.ge @!p0 [sflag:s1], $0x1000  }
0x3a: {  	[sflag:s1] =	ssyncset.done @!p0 $0x0  }
0x3b: {  	s19 =	simm.s32 $0x380;
	[sflag:s1] =	ssyncadd.s32 @!p0 $0xFFFFF000  }
0x3c: {  	[tilespmem:s26], [sflag:$0x8] =	stream.indirect.gather [hbm4b:s4+s14], $0x20, s19, s14, $0xb8;
	[tilespmem:$0x17000] =	vst v63  }
0x3d: {  	_ =	swait.ge [sflag:s28], $0x1000  }
0x3e: {  	p0 =	por $0x0, $0x0;
	[sflag:s28] =	ssyncset.done $0x0  }
0x3f: {  	s21 =	simm.s32 $0x2880;
	s5 =	simm.s32 @p0 $0x3;
	[sflag:s28] =	ssyncadd.s32 $0xFFFFF000  }
0x40: {  	[spmem:s2] =	stream.indirect.scatter.add.f32 [tilespmem:s23], [sflag:$0xA], $0x20, s21, s14, $0xb8;
	[tilespmem:$0x17000] =	vst v63  }
0x41: {  	_ =	swait.ge @p0 [sflag:s5], $0x1000  }
0x42: {  	s0 =	simm.s32 @p0 $0x2900;
	s1 =	simm.s32 @p0 $0x80;
	[sflag:s5] =	ssyncset.done @p0 $0x0  }
0x43: {  	s7 =	simm.s32 @p0 $0x7000;
	[sflag:s5] =	ssyncadd.s32 @p0 $0xFFFFF000;
	s5 =	simm.s32 @!p0 $0x9  }
0x44: {  	[spmem:s2] =	stream.indirect.scatter.add.f32 @p0 [tilespmem:s7], [sflag:$0xB], $0x20, s0, s1, $0xb8;
	[tilespmem:$0x17000] =	vst v63  }
0x45: {  	_ =	swait.ge @!p0 [sflag:s5], $0x1000  }
0x46: {  	s8 =	simm.s32 @!p0 $0x5000;
	s7 =	simm.s32 @!p0 $0x400;
	[sflag:s5] =	ssyncset.done @!p0 $0x0  }
0x47: {  	s0 =	simm.s32 @!p0 $0x80;
	[sflag:s5] =	ssyncadd.s32 @!p0 $0xFFFFF000;
	s5 =	simm.s32 @!p0 $0x3  }
0x48: {  	[tilespmem:s8], [sflag:$0x1] =	stream.indirect.gather @!p0 [hbm4b:s4+s0], $0x20, s7, s0, $0xb8;
	[tilespmem:$0x17000] =	vst v63  }
0x49: {  	_ =	swait.ge @!p0 [sflag:s5], $0x1000  }
0x4a: {  	s7 =	simm.s32 @!p0 $0x2900;
	[sflag:s5] =	ssyncset.done @!p0 $0x0  }
0x4b: {  	s8 =	simm.s32 @!p0 $0x7000;
	[sflag:s5] =	ssyncadd.s32 @!p0 $0xFFFFF000;
	s5 =	simm.s32 @!p0 $0xA  }
0x4c: {  	[spmem:s2] =	stream.indirect.scatter.add.f32 @!p0 [tilespmem:s8], [sflag:$0xB], $0x20, s7, s0, $0xb8;
	[tilespmem:$0x17000] =	vst v63  }
0x4d: {  	_ =	swait.ge @!p0 [sflag:s5], $0x1000  }
0x4e: {  	[sflag:s5] =	ssyncset.done @!p0 $0x0  }
0x4f: {  	s7 =	simm.s32 @!p0 $0x480;
	[sflag:s5] =	ssyncadd.s32 @!p0 $0xFFFFF000;
	s5 =	simm.s32 @!p0 $0x6000  }
0x50: {  	[tilespmem:s5], [sflag:$0x2] =	stream.indirect.gather @!p0 [hbm4b:s4+s0], $0x20, s7, s0, $0xb8;
	[tilespmem:$0x17000] =	vst v63  }
0x51: {  	_ =	swait.ge [sflag:s29], $0x1000  }
0x52: {  	[sflag:s29] =	ssyncset.done $0x0  }
0x53: {  	s22 =	simm.s32 $0x2980;
	s7 =	simm.s32 @p0 $0x5;
	[sflag:s29] =	ssyncadd.s32 $0xFFFFF000  }
0x54: {  	[spmem:s2] =	stream.indirect.scatter.add.f32 [tilespmem:s9], [sflag:$0xC], $0x20, s22, s14, $0xb8;
	[tilespmem:$0x17000] =	vst v63  }
0x55: {  	_ =	swait.ge @p0 [sflag:s7], $0x1000  }
0x56: {  	[sflag:s7] =	ssyncset.done @p0 $0x0  }
0x57: {  	s5 =	simm.s32 @p0 $0x2A00;
	[sflag:s7] =	ssyncadd.s32 @p0 $0xFFFFF000;
	s7 =	simm.s32 @p0 $0x9000  }
0x58: {  	[spmem:s2] =	stream.indirect.scatter.add.f32 @p0 [tilespmem:s7], [sflag:$0xD], $0x20, s5, s1, $0xb8;
	[tilespmem:$0x17000] =	vst v63  }
0x59: {  	s5 =	simm.s32 @!p0 $0xB  }
0x5a: {  	_ =	swait.ge @!p0 [sflag:s5], $0x1000  }
0x5b: {  	[sflag:s5] =	ssyncset.done @!p0 $0x0  }
0x5c: {  	s7 =	simm.s32 @!p0 $0x500;
	[sflag:s5] =	ssyncadd.s32 @!p0 $0xFFFFF000;
	s5 =	simm.s32 @!p0 $0x5  }
0x5d: {  	[tilespmem:s8], [sflag:$0x3] =	stream.indirect.gather @!p0 [hbm4b:s4+s0], $0x20, s7, s0, $0xb8;
	[tilespmem:$0x17000] =	vst v63  }
0x5e: {  	_ =	swait.ge @!p0 [sflag:s5], $0x1000  }
0x5f: {  	s7 =	simm.s32 @!p0 $0x2A00;
	[sflag:s5] =	ssyncset.done @!p0 $0x0  }
0x60: {  	s8 =	simm.s32 @!p0 $0x9000;
	[sflag:s5] =	ssyncadd.s32 @!p0 $0xFFFFF000;
	s5 =	simm.s32 @!p0 $0xC  }
0x61: {  	[spmem:s2] =	stream.indirect.scatter.add.f32 @!p0 [tilespmem:s8], [sflag:$0xD], $0x20, s7, s0, $0xb8;
	[tilespmem:$0x17000] =	vst v63  }
0x62: {  	_ =	swait.ge @!p0 [sflag:s5], $0x1000  }
0x63: {  	[sflag:s5] =	ssyncset.done @!p0 $0x0  }
0x64: {  	s7 =	simm.s32 @!p0 $0x580;
	[sflag:s5] =	ssyncadd.s32 @!p0 $0xFFFFF000;
	s5 =	simm.s32 @!p0 $0x8000  }
0x65: {  	[tilespmem:s5], [sflag:$0x4] =	stream.indirect.gather @!p0 [hbm4b:s4+s0], $0x20, s7, s0, $0xb8;
	[tilespmem:$0x17000] =	vst v63  }
0x66: {  	_ =	swait.ge [sflag:s30], $0x1000  }
0x67: {  	[sflag:s30] =	ssyncset.done $0x0  }
0x68: {  	s23 =	simm.s32 $0x2A80;
	s7 =	simm.s32 @p0 $0x7;
	[sflag:s30] =	ssyncadd.s32 $0xFFFFF000  }
0x69: {  	[spmem:s2] =	stream.indirect.scatter.add.f32 [tilespmem:s13], [sflag:$0xE], $0x20, s23, s14, $0xb8;
	[tilespmem:$0x17000] =	vst v63  }
0x6a: {  	_ =	swait.ge @p0 [sflag:s7], $0x1000  }
0x6b: {  	[sflag:s7] =	ssyncset.done @p0 $0x0  }
0x6c: {  	s5 =	simm.s32 @p0 $0x2B00;
	[sflag:s7] =	ssyncadd.s32 @p0 $0xFFFFF000;
	s7 =	simm.s32 @p0 $0xB000  }
0x6d: {  	[spmem:s2] =	stream.indirect.scatter.add.f32 @p0 [tilespmem:s7], [sflag:$0xF], $0x20, s5, s1, $0xb8;
	[tilespmem:$0x17000] =	vst v63  }
0x6e: {  	s1 =	simm.s32 @!p0 $0xD  }
0x6f: {  	_ =	swait.ge @!p0 [sflag:s1], $0x1000  }
0x70: {  	[sflag:s1] =	ssyncset.done @!p0 $0x0  }
0x71: {  	[sflag:s1] =	ssyncadd.s32 @!p0 $0xFFFFF000;
	s1 =	simm.s32 @!p0 $0x600  }
0x72: {  	[tilespmem:s8], [sflag:$0x5] =	stream.indirect.gather @!p0 [hbm4b:s4+s0], $0x20, s1, s0, $0xb8;
	[tilespmem:$0x17000] =	vst v63  }
0x73: {  	s1 =	simm.s32 @!p0 $0x7  }
0x74: {  	_ =	swait.ge @!p0 [sflag:s1], $0x1000  }
0x75: {  	[sflag:s1] =	ssyncset.done @!p0 $0x0  }
0x76: {  	s5 =	simm.s32 @!p0 $0x2B00;
	[sflag:s1] =	ssyncadd.s32 @!p0 $0xFFFFF000;
	s1 =	simm.s32 @!p0 $0xB000  }
0x77: {  	[spmem:s2] =	stream.indirect.scatter.add.f32 @!p0 [tilespmem:s1], [sflag:$0xF], $0x20, s5, s0, $0xb8;
	[tilespmem:$0x17000] =	vst v63  }
0x78: {  	s1 =	simm.s32 @!p0 $0xE  }
0x79: {  	_ =	swait.ge @!p0 [sflag:s1], $0x1000  }
0x7a: {  	p1 =	por $0x0, $0x0;
	s7 =	simm.s32 $0x2B80;
	[sflag:s1] =	ssyncset.done @!p0 $0x0  }
0x7b: {  	s5 =	simm.s32 @!p0 $0x680;
	[sflag:s1] =	ssyncadd.s32 @!p0 $0xFFFFF000;
	s1 =	simm.s32 @!p0 $0xA000  }
0x7c: {  	[tilespmem:s1], [sflag:$0x6] =	stream.indirect.gather @!p0 [hbm4b:s4+s0], $0x20, s5, s0, $0xb8;
	[tilespmem:$0x17000] =	vst v63  }
0x7d: {  	s8 =	simm.s32 $0x1000;
	s5 =	simm.s32 $0x2000;
	_ =	swait.ge [sflag:s31], $0x1000  }
.LBB2_2:
0x7e: {  	[sflag:s31] =	ssyncset.done $0x0  }
0x7f: {  	s1 =	simm.s32 @!p1 $0xF;
	[sflag:s31] =	ssyncadd.s32 $0xFFFFF000  }
0x80: {  	[spmem:s2] =	stream.indirect.scatter.add.f32 [tilespmem:s26], [sflag:$0x10], $0x20, s7, s14, $0xb8;
	[tilespmem:$0x17000] =	vst v63  }
0x81: {  	_ =	swait.ge @!p1 [sflag:s1], $0x1000  }
0x82: {  	s9 =	sshra.s32 s8, $0x2;
	[sflag:s1] =	ssyncset.done @!p1 $0x0  }
0x83: {  	s3 =	sadd.s32 $0x300, s9;
	s10 =	rddreg [dreg:$0x3];
	[sflag:s1] =	ssyncadd.s32 @!p1 $0xFFFFF000  }
0x84: {  	[tilespmem:s10], [sflag:$0x7] =	stream.indirect.gather [hbm4b:s4+s14], $0x20, s3, s14, $0xb8;
	[tilespmem:$0x17000] =	vst v63  }
0x85: {  	_ =	swait.ge [sflag:s25], $0x1000  }
0x86: {  	[sflag:s25] =	ssyncset.done $0x0  }
0x87: {  	s6 =	sadd.s32 $0x2800, s9;
	s10 =	simm.s32 @!p1 $0x10;
	[sflag:s25] =	ssyncadd.s32 $0xFFFFF000  }
0x88: {  	[spmem:s2] =	stream.indirect.scatter.add.f32 [tilespmem:s16], [sflag:$0x9], $0x20, s6, s14, $0xb8;
	[tilespmem:$0x17000] =	vst v63  }
0x89: {  	_ =	swait.ge @!p1 [sflag:s10], $0x1000  }
0x8a: {  	[sflag:s10] =	ssyncset.done @!p1 $0x0  }
0x8b: {  	s11 =	sadd.s32 $0x380, s9;
	[sflag:s10] =	ssyncadd.s32 @!p1 $0xFFFFF000  }
0x8c: {  	[tilespmem:s26], [sflag:$0x8] =	stream.indirect.gather [hbm4b:s4+s14], $0x20, s11, s14, $0xb8;
	[tilespmem:$0x17000] =	vst v63  }
0x8d: {  	_ =	swait.ge [sflag:s28], $0x1000  }
0x8e: {  	p1 =	seq.s32 s8, $0x9000;
	[sflag:s28] =	ssyncset.done $0x0  }
0x8f: {  	s12 =	sadd.s32 $0x2880, s9;
	s10 =	simm.s32 @p1 $0x3;
	[sflag:s28] =	ssyncadd.s32 $0xFFFFF000  }
0x90: {  	[spmem:s2] =	stream.indirect.scatter.add.f32 [tilespmem:s20], [sflag:$0xA], $0x20, s12, s14, $0xb8;
	[tilespmem:$0x17000] =	vst v63  }
0x91: {  	s13 =	sshra.s32 @p1 s8, $0x2;
	_ =	swait.ge @p1 [sflag:s10], $0x1000  }
0x92: {  	s1 =	simm.s32 @p1 $0x80;
	s18 =	simm.s32 @p1 $0x7000;
	[sflag:s10] =	ssyncset.done @p1 $0x0  }
0x93: {  	s19 =	simm.s32 @!p1 $0x9;
	s17 =	sadd.s32 @p1 $0x2900, s13;
	[sflag:s10] =	ssyncadd.s32 @p1 $0xFFFFF000  }
0x94: {  	[spmem:s2] =	stream.indirect.scatter.add.f32 @p1 [tilespmem:s18], [sflag:$0xB], $0x20, s17, s1, $0xb8;
	[tilespmem:$0x17000] =	vst v63  }
0x95: {  	s8 =	sshra.s32 @!p1 s8, $0x2;
	_ =	swait.ge @!p1 [sflag:s19], $0x1000  }
0x96: {  	s21 =	sadd.s32 @!p1 $0x400, s8;
	s10 =	simm.s32 @!p1 $0x80;
	[sflag:s19] =	ssyncset.done @!p1 $0x0  }
0x97: {  	s18 =	simm.s32 @!p1 $0x5000;
	[sflag:s19] =	ssyncadd.s32 @!p1 $0xFFFFF000;
	s19 =	simm.s32 @!p1 $0x3  }
0x98: {  	[tilespmem:s18], [sflag:$0x1] =	stream.indirect.gather @!p1 [hbm4b:s4+s10], $0x20, s21, s10, $0xb8;
	[tilespmem:$0x17000] =	vst v63  }
0x99: {  	_ =	swait.ge @!p1 [sflag:s19], $0x1000  }
0x9a: {  	s23 =	simm.s32 @!p1 $0x7000;
	[sflag:s19] =	ssyncset.done @!p1 $0x0  }
0x9b: {  	s12 =	simm.s32 @!p1 $0xA;
	s17 =	sadd.s32 @!p1 $0x2900, s8;
	[sflag:s19] =	ssyncadd.s32 @!p1 $0xFFFFF000  }
0x9c: {  	[spmem:s2] =	stream.indirect.scatter.add.f32 @!p1 [tilespmem:s23], [sflag:$0xB], $0x20, s17, s10, $0xb8;
	[tilespmem:$0x17000] =	vst v63  }
0x9d: {  	s0 =	smov.u32 s5;
	_ =	swait.ge @!p1 [sflag:s12], $0x1000  }
0x9e: {  	s15 =	simm.s32 @!p1 $0x6000;
	s22 =	sadd.s32 @!p1 $0x480, s8;
	[sflag:s12] =	ssyncset.done @!p1 $0x0  }
0x9f: {  	s6 =	sadd.s32 @p1 $0x2A00, s13;
	s11 =	sadd.s32 @!p1 $0x500, s8;
	[sflag:s12] =	ssyncadd.s32 @!p1 $0xFFFFF000  }
0xa0: {  	[tilespmem:s15], [sflag:$0x2] =	stream.indirect.gather @!p1 [hbm4b:s4+s10], $0x20, s22, s10, $0xb8;
	[tilespmem:$0x17000] =	vst v63  }
0xa1: {  	s3 =	sadd.s32 @!p1 $0x2A00, s8;
	s21 =	sadd.s32 @!p1 $0x580, s8;
	_ =	swait.ge [sflag:s29], $0x1000  }
0xa2: {  	s18 =	sadd.s32 @!p1 $0x600, s8;
	s12 =	simm.s32 @p1 $0x5;
	[sflag:s29] =	ssyncset.done $0x0  }
0xa3: {  	s15 =	sadd.s32 $0x2980, s9;
	s22 =	simm.s32 $0x8000;
	[sflag:s29] =	ssyncadd.s32 $0xFFFFF000  }
0xa4: {  	[spmem:s2] =	stream.indirect.scatter.add.f32 [tilespmem:s22], [sflag:$0xC], $0x20, s15, s14, $0xb8;
	[tilespmem:$0x17000] =	vst v63  }
0xa5: {  	s19 =	sadd.s32 @p1 $0x2B00, s13;
	s13 =	sadd.s32 @!p1 $0x680, s8;
	_ =	swait.ge @p1 [sflag:s12], $0x1000  }
0xa6: {  	s17 =	sadd.s32 @!p1 $0x2B00, s8;
	s8 =	smov.u32 s0;
	[sflag:s12] =	ssyncset.done @p1 $0x0  }
0xa7: {  	s0 =	simm.s32 @p1 $0x9000;
	[sflag:s12] =	ssyncadd.s32 @p1 $0xFFFFF000;
	s12 =	simm.s32 @!p1 $0xB  }
0xa8: {  	[spmem:s2] =	stream.indirect.scatter.add.f32 @p1 [tilespmem:s0], [sflag:$0xD], $0x20, s6, s1, $0xb8;
	[tilespmem:$0x17000] =	vst v63  }
0xa9: {  	_ =	swait.ge @!p1 [sflag:s12], $0x1000  }
0xaa: {  	[sflag:s12] =	ssyncset.done @!p1 $0x0  }
0xab: {  	s0 =	simm.s32 @!p1 $0x5;
	[sflag:s12] =	ssyncadd.s32 @!p1 $0xFFFFF000  }
0xac: {  	[tilespmem:s23], [sflag:$0x3] =	stream.indirect.gather @!p1 [hbm4b:s4+s10], $0x20, s11, s10, $0xb8;
	[tilespmem:$0x17000] =	vst v63  }
0xad: {  	_ =	swait.ge @!p1 [sflag:s0], $0x1000  }
0xae: {  	[sflag:s0] =	ssyncset.done @!p1 $0x0  }
0xaf: {  	s6 =	simm.s32 @!p1 $0x9000;
	[sflag:s0] =	ssyncadd.s32 @!p1 $0xFFFFF000;
	s0 =	simm.s32 @!p1 $0xC  }
0xb0: {  	[spmem:s2] =	stream.indirect.scatter.add.f32 @!p1 [tilespmem:s6], [sflag:$0xD], $0x20, s3, s10, $0xb8;
	[tilespmem:$0x17000] =	vst v63  }
0xb1: {  	_ =	swait.ge @!p1 [sflag:s0], $0x1000  }
0xb2: {  	[sflag:s0] =	ssyncset.done @!p1 $0x0  }
0xb3: {  	s3 =	simm.s32 @!p1 $0x8000;
	[sflag:s0] =	ssyncadd.s32 @!p1 $0xFFFFF000  }
0xb4: {  	[tilespmem:s3], [sflag:$0x4] =	stream.indirect.gather @!p1 [hbm4b:s4+s10], $0x20, s21, s10, $0xb8;
	[tilespmem:$0x17000] =	vst v63  }
0xb5: {  	_ =	swait.ge [sflag:s30], $0x1000  }
0xb6: {  	[sflag:s30] =	ssyncset.done $0x0  }
0xb7: {  	s23 =	sadd.s32 $0x2A80, s9;
	s3 =	simm.s32 @p1 $0x7;
	[sflag:s30] =	ssyncadd.s32 $0xFFFFF000  }
0xb8: {  	[spmem:s2] =	stream.indirect.scatter.add.f32 [tilespmem:s24], [sflag:$0xE], $0x20, s23, s14, $0xb8;
	[tilespmem:$0x17000] =	vst v63  }
0xb9: {  	_ =	swait.ge @p1 [sflag:s3], $0x1000  }
0xba: {  	[sflag:s3] =	ssyncset.done @p1 $0x0  }
0xbb: {  	s0 =	simm.s32 @p1 $0xB000;
	[sflag:s3] =	ssyncadd.s32 @p1 $0xFFFFF000;
	s3 =	simm.s32 @!p1 $0xD  }
0xbc: {  	[spmem:s2] =	stream.indirect.scatter.add.f32 @p1 [tilespmem:s0], [sflag:$0xF], $0x20, s19, s1, $0xb8;
	[tilespmem:$0x17000] =	vst v63  }
0xbd: {  	_ =	swait.ge @!p1 [sflag:s3], $0x1000  }
0xbe: {  	[sflag:s3] =	ssyncset.done @!p1 $0x0  }
0xbf: {  	s0 =	simm.s32 @!p1 $0x7;
	[sflag:s3] =	ssyncadd.s32 @!p1 $0xFFFFF000  }
0xc0: {  	[tilespmem:s6], [sflag:$0x5] =	stream.indirect.gather @!p1 [hbm4b:s4+s10], $0x20, s18, s10, $0xb8;
	[tilespmem:$0x17000] =	vst v63  }
0xc1: {  	s5 =	sadd.s32 $0x1000, s5;
	_ =	swait.ge @!p1 [sflag:s0], $0x1000  }
0xc2: {  	p0 =	sne.s32 s5, $0xA000;
	[sflag:s0] =	ssyncset.done @!p1 $0x0  }
0xc3: {  	s1 =	simm.s32 @!p1 $0xB000;
	[sflag:s0] =	ssyncadd.s32 @!p1 $0xFFFFF000;
	s0 =	simm.s32 @!p1 $0xE  }
0xc4: {  	[spmem:s2] =	stream.indirect.scatter.add.f32 @!p1 [tilespmem:s1], [sflag:$0xF], $0x20, s17, s10, $0xb8;
	[tilespmem:$0x17000] =	vst v63  }
.Ltmp0:
0xc5: {  	_ =	swait.ge @!p1 [sflag:s0], $0x1000;
	(pc) =	sbr.rel @p0 .LBB2_2-.Ltmp0, $4  }
0xc6: {  	[sflag:s0] =	ssyncset.done @!p1 $0x0  }
0xc7: {  	s1 =	simm.s32 @!p1 $0xA000;
	[sflag:s0] =	ssyncadd.s32 @!p1 $0xFFFFF000  }
0xc8: {  	[tilespmem:s1], [sflag:$0x6] =	stream.indirect.gather @!p1 [hbm4b:s4+s10], $0x20, s13, s10, $0xb8;
	[tilespmem:$0x17000] =	vst v63  }
0xc9: {  	s7 =	sadd.s32 $0x2B80, s9;
	p1 =	seq.s32 s8, $0x0;
	_ =	swait.ge [sflag:s31], $0x1000  }
0xca: {  	[sflag:s31] =	ssyncset.done $0x0  }
0xcb: {  	s0 =	simm.s32 @!p1 $0xF;
	[sflag:s31] =	ssyncadd.s32 $0xFFFFF000  }
0xcc: {  	[spmem:s2] =	stream.indirect.scatter.add.f32 [tilespmem:s26], [sflag:$0x10], $0x20, s7, s14, $0xb8;
	[tilespmem:$0x17000] =	vst v63  }
0xcd: {  	_ =	swait.ge @!p1 [sflag:s0], $0x1000  }
0xce: {  	s5 =	sshra.s32 s8, $0x2;
	[sflag:s0] =	ssyncset.done @!p1 $0x0  }
0xcf: {  	s18 =	sadd.s32 $0x300, s5;
	s1 =	rddreg [dreg:$0x3];
	[sflag:s0] =	ssyncadd.s32 @!p1 $0xFFFFF000  }
0xd0: {  	[tilespmem:s1], [sflag:$0x7] =	stream.indirect.gather [hbm4b:s4+s14], $0x20, s18, s14, $0xb8;
	[tilespmem:$0x17000] =	vst v63  }
0xd1: {  	_ =	swait.ge [sflag:s25], $0x1000  }
0xd2: {  	[sflag:s25] =	ssyncset.done $0x0  }
0xd3: {  	s19 =	sadd.s32 $0x2800, s5;
	s1 =	simm.s32 @!p1 $0x10;
	[sflag:s25] =	ssyncadd.s32 $0xFFFFF000  }
0xd4: {  	[spmem:s2] =	stream.indirect.scatter.add.f32 [tilespmem:s16], [sflag:$0x9], $0x20, s19, s14, $0xb8;
	[tilespmem:$0x17000] =	vst v63  }
0xd5: {  	_ =	swait.ge @!p1 [sflag:s1], $0x1000  }
0xd6: {  	[sflag:s1] =	ssyncset.done @!p1 $0x0  }
0xd7: {  	s21 =	sadd.s32 $0x380, s5;
	[sflag:s1] =	ssyncadd.s32 @!p1 $0xFFFFF000  }
0xd8: {  	[tilespmem:s26], [sflag:$0x8] =	stream.indirect.gather [hbm4b:s4+s14], $0x20, s21, s14, $0xb8;
	[tilespmem:$0x17000] =	vst v63  }
0xd9: {  	_ =	swait.ge [sflag:s28], $0x1000  }
0xda: {  	p0 =	seq.s32 s8, $0x9000;
	[sflag:s28] =	ssyncset.done $0x0  }
0xdb: {  	s22 =	sadd.s32 $0x2880, s5;
	s1 =	simm.s32 @p0 $0x3;
	[sflag:s28] =	ssyncadd.s32 $0xFFFFF000  }
0xdc: {  	[spmem:s2] =	stream.indirect.scatter.add.f32 [tilespmem:s20], [sflag:$0xA], $0x20, s22, s14, $0xb8;
	[tilespmem:$0x17000] =	vst v63  }
0xdd: {  	s9 =	simm.s32 @p0 $0x80;
	_ =	swait.ge @p0 [sflag:s1], $0x1000  }
0xde: {  	s3 =	simm.s32 @p0 $0x7000;
	s7 =	sshra.s32 @p0 s8, $0x2;
	[sflag:s1] =	ssyncset.done @p0 $0x0  }
0xdf: {  	s6 =	simm.s32 @!p0 $0x9;
	s0 =	sadd.s32 @p0 $0x2900, s7;
	[sflag:s1] =	ssyncadd.s32 @p0 $0xFFFFF000  }
0xe0: {  	[spmem:s2] =	stream.indirect.scatter.add.f32 @p0 [tilespmem:s3], [sflag:$0xB], $0x20, s0, s9, $0xb8;
	[tilespmem:$0x17000] =	vst v63  }
0xe1: {  	s1 =	simm.s32 @!p0 $0x80;
	_ =	swait.ge @!p0 [sflag:s6], $0x1000  }
0xe2: {  	s0 =	sshra.s32 @!p0 s8, $0x2;
	s8 =	simm.s32 @!p0 $0x5000;
	[sflag:s6] =	ssyncset.done @!p0 $0x0  }
0xe3: {  	s3 =	sadd.s32 @!p0 $0x400, s0;
	[sflag:s6] =	ssyncadd.s32 @!p0 $0xFFFFF000;
	s6 =	simm.s32 @!p0 $0x3  }
0xe4: {  	[tilespmem:s8], [sflag:$0x1] =	stream.indirect.gather @!p0 [hbm4b:s4+s1], $0x20, s3, s1, $0xb8;
	[tilespmem:$0x17000] =	vst v63  }
0xe5: {  	_ =	swait.ge @!p0 [sflag:s6], $0x1000  }
0xe6: {  	s3 =	sadd.s32 @!p0 $0x2900, s0;
	[sflag:s6] =	ssyncset.done @!p0 $0x0  }
0xe7: {  	s8 =	simm.s32 @!p0 $0x7000;
	[sflag:s6] =	ssyncadd.s32 @!p0 $0xFFFFF000;
	s6 =	simm.s32 @!p0 $0xA  }
0xe8: {  	[spmem:s2] =	stream.indirect.scatter.add.f32 @!p0 [tilespmem:s8], [sflag:$0xB], $0x20, s3, s1, $0xb8;
	[tilespmem:$0x17000] =	vst v63  }
0xe9: {  	_ =	swait.ge @!p0 [sflag:s6], $0x1000  }
0xea: {  	[sflag:s6] =	ssyncset.done @!p0 $0x0  }
0xeb: {  	s3 =	sadd.s32 @!p0 $0x480, s0;
	[sflag:s6] =	ssyncadd.s32 @!p0 $0xFFFFF000;
	s6 =	simm.s32 @!p0 $0x6000  }
0xec: {  	[tilespmem:s6], [sflag:$0x2] =	stream.indirect.gather @!p0 [hbm4b:s4+s1], $0x20, s3, s1, $0xb8;
	[tilespmem:$0x17000] =	vst v63  }
0xed: {  	_ =	swait.ge [sflag:s29], $0x1000  }
0xee: {  	s10 =	simm.s32 $0x8000;
	[sflag:s29] =	ssyncset.done $0x0  }
0xef: {  	s23 =	sadd.s32 $0x2980, s5;
	s6 =	simm.s32 @p0 $0x5;
	[sflag:s29] =	ssyncadd.s32 $0xFFFFF000  }
0xf0: {  	[spmem:s2] =	stream.indirect.scatter.add.f32 [tilespmem:s10], [sflag:$0xC], $0x20, s23, s14, $0xb8;
	[tilespmem:$0x17000] =	vst v63  }
0xf1: {  	_ =	swait.ge @p0 [sflag:s6], $0x1000  }
0xf2: {  	[sflag:s6] =	ssyncset.done @p0 $0x0  }
0xf3: {  	s3 =	sadd.s32 @p0 $0x2A00, s7;
	[sflag:s6] =	ssyncadd.s32 @p0 $0xFFFFF000;
	s6 =	simm.s32 @p0 $0x9000  }
0xf4: {  	[spmem:s2] =	stream.indirect.scatter.add.f32 @p0 [tilespmem:s6], [sflag:$0xD], $0x20, s3, s9, $0xb8;
	[tilespmem:$0x17000] =	vst v63  }
0xf5: {  	s3 =	simm.s32 @!p0 $0xB  }
0xf6: {  	_ =	swait.ge @!p0 [sflag:s3], $0x1000  }
0xf7: {  	[sflag:s3] =	ssyncset.done @!p0 $0x0  }
0xf8: {  	s6 =	sadd.s32 @!p0 $0x500, s0;
	[sflag:s3] =	ssyncadd.s32 @!p0 $0xFFFFF000;
	s3 =	simm.s32 @!p0 $0x5  }
0xf9: {  	[tilespmem:s8], [sflag:$0x3] =	stream.indirect.gather @!p0 [hbm4b:s4+s1], $0x20, s6, s1, $0xb8;
	[tilespmem:$0x17000] =	vst v63  }
0xfa: {  	_ =	swait.ge @!p0 [sflag:s3], $0x1000  }
0xfb: {  	s6 =	sadd.s32 @!p0 $0x2A00, s0;
	[sflag:s3] =	ssyncset.done @!p0 $0x0  }
0xfc: {  	s8 =	simm.s32 @!p0 $0x9000;
	[sflag:s3] =	ssyncadd.s32 @!p0 $0xFFFFF000;
	s3 =	simm.s32 @!p0 $0xC  }
0xfd: {  	[spmem:s2] =	stream.indirect.scatter.add.f32 @!p0 [tilespmem:s8], [sflag:$0xD], $0x20, s6, s1, $0xb8;
	[tilespmem:$0x17000] =	vst v63  }
0xfe: {  	_ =	swait.ge @!p0 [sflag:s3], $0x1000  }
0xff: {  	[sflag:s3] =	ssyncset.done @!p0 $0x0  }
0x100: {  	s6 =	sadd.s32 @!p0 $0x580, s0;
	[sflag:s3] =	ssyncadd.s32 @!p0 $0xFFFFF000;
	s3 =	simm.s32 @!p0 $0x8000  }
0x101: {  	[tilespmem:s3], [sflag:$0x4] =	stream.indirect.gather @!p0 [hbm4b:s4+s1], $0x20, s6, s1, $0xb8;
	[tilespmem:$0x17000] =	vst v63  }
0x102: {  	_ =	swait.ge [sflag:s30], $0x1000  }
0x103: {  	[sflag:s30] =	ssyncset.done $0x0  }
0x104: {  	s6 =	sadd.s32 $0x2A80, s5;
	s3 =	simm.s32 @p0 $0x7;
	[sflag:s30] =	ssyncadd.s32 $0xFFFFF000  }
0x105: {  	[spmem:s2] =	stream.indirect.scatter.add.f32 [tilespmem:s24], [sflag:$0xE], $0x20, s6, s14, $0xb8;
	[tilespmem:$0x17000] =	vst v63  }
0x106: {  	_ =	swait.ge @p0 [sflag:s3], $0x1000  }
0x107: {  	[sflag:s3] =	ssyncset.done @p0 $0x0  }
0x108: {  	s6 =	sadd.s32 @p0 $0x2B00, s7;
	[sflag:s3] =	ssyncadd.s32 @p0 $0xFFFFF000;
	s3 =	simm.s32 @p0 $0xB000  }
0x109: {  	[spmem:s2] =	stream.indirect.scatter.add.f32 @p0 [tilespmem:s3], [sflag:$0xF], $0x20, s6, s9, $0xb8;
	[tilespmem:$0x17000] =	vst v63  }
0x10a: {  	s3 =	simm.s32 @!p0 $0xD  }
0x10b: {  	_ =	swait.ge @!p0 [sflag:s3], $0x1000  }
0x10c: {  	[sflag:s3] =	ssyncset.done @!p0 $0x0  }
0x10d: {  	[sflag:s3] =	ssyncadd.s32 @!p0 $0xFFFFF000;
	s3 =	sadd.s32 @!p0 $0x600, s0  }
0x10e: {  	[tilespmem:s8], [sflag:$0x5] =	stream.indirect.gather @!p0 [hbm4b:s4+s1], $0x20, s3, s1, $0xb8;
	[tilespmem:$0x17000] =	vst v63  }
0x10f: {  	s3 =	simm.s32 @!p0 $0x7  }
0x110: {  	_ =	swait.ge @!p0 [sflag:s3], $0x1000  }
0x111: {  	[sflag:s3] =	ssyncset.done @!p0 $0x0  }
0x112: {  	s6 =	sadd.s32 @!p0 $0x2B00, s0;
	[sflag:s3] =	ssyncadd.s32 @!p0 $0xFFFFF000;
	s3 =	simm.s32 @!p0 $0xB000  }
0x113: {  	[spmem:s2] =	stream.indirect.scatter.add.f32 @!p0 [tilespmem:s3], [sflag:$0xF], $0x20, s6, s1, $0xb8;
	[tilespmem:$0x17000] =	vst v63  }
0x114: {  	s3 =	simm.s32 @!p0 $0xE  }
0x115: {  	_ =	swait.ge @!p0 [sflag:s3], $0x1000  }
0x116: {  	[sflag:s3] =	ssyncset.done @!p0 $0x0  }
0x117: {  	s0 =	sadd.s32 @!p0 $0x680, s0;
	[sflag:s3] =	ssyncadd.s32 @!p0 $0xFFFFF000;
	s3 =	simm.s32 @!p0 $0xA000  }
0x118: {  	[tilespmem:s3], [sflag:$0x6] =	stream.indirect.gather @!p0 [hbm4b:s4+s1], $0x20, s0, s1, $0xb8;
	[tilespmem:$0x17000] =	vst v63  }
0x119: {  	_ =	swait.ge [sflag:s31], $0x1000  }
0x11a: {  	[sflag:s31] =	ssyncset.done $0x0  }
0x11b: {  	s10 =	simm.s32 $0x9;
	s9 =	sadd.s32 $0x2B80, s5;
	[sflag:s31] =	ssyncadd.s32 $0xFFFFF000  }
0x11c: {  	[spmem:s2] =	stream.indirect.scatter.add.f32 [tilespmem:s26], [sflag:$0x10], $0x20, s9, s14, $0xb8;
	[tilespmem:$0x17000] =	vst v63  }
0x11d: {  	_ =	swait.ge [sflag:s10], $0x1000  }
0x11e: {  	[sflag:s10] =	ssyncset.done $0x0  }
0x11f: {  	s11 =	simm.s32 $0xA;
	[sflag:s10] =	ssyncadd.s32 $0xFFFFF000  }
0x120: {  	_ =	swait.ge [sflag:s11], $0x1000  }
0x121: {  	[sflag:s11] =	ssyncset.done $0x0  }
0x122: {  	s12 =	simm.s32 $0xB;
	[sflag:s11] =	ssyncadd.s32 $0xFFFFF000  }
0x123: {  	_ =	swait.ge [sflag:s12], $0x1000  }
0x124: {  	[sflag:s12] =	ssyncset.done $0x0  }
0x125: {  	s13 =	simm.s32 $0xC;
	[sflag:s12] =	ssyncadd.s32 $0xFFFFF000  }
0x126: {  	_ =	swait.ge [sflag:s13], $0x1000  }
0x127: {  	[sflag:s13] =	ssyncset.done $0x0  }
0x128: {  	s15 =	simm.s32 $0xD;
	[sflag:s13] =	ssyncadd.s32 $0xFFFFF000  }
0x129: {  	_ =	swait.ge [sflag:s15], $0x1000  }
0x12a: {  	[sflag:s15] =	ssyncset.done $0x0  }
0x12b: {  	s17 =	simm.s32 $0xE;
	[sflag:s15] =	ssyncadd.s32 $0xFFFFF000  }
0x12c: {  	_ =	swait.ge [sflag:s17], $0x1000  }
0x12d: {  	[sflag:s17] =	ssyncset.done $0x0  }
0x12e: {  	s18 =	simm.s32 $0xF;
	[sflag:s17] =	ssyncadd.s32 $0xFFFFF000  }
0x12f: {  	_ =	swait.ge [sflag:s18], $0x1000  }
0x130: {  	[sflag:s18] =	ssyncset.done $0x0  }
0x131: {  	s19 =	simm.s32 $0x10;
	[sflag:s18] =	ssyncadd.s32 $0xFFFFF000  }
0x132: {  	_ =	swait.ge [sflag:s19], $0x1000  }
0x133: {  	[sflag:s19] =	ssyncset.done $0x0  }
0x134: {  	[sflag:s19] =	ssyncadd.s32 $0xFFFFF000  }
0x135: {  	[bflag:$0x0] =	sbarrier.arrive $0xFFFF  }
0x136: {  	s5 =	simm.s32 $0x11;
	s1 =	simm.s32 $0xD000;
	s3 =	rddreg [dreg:$0x5]  }
0x137: {  	[tilespmem:s1], [sflag:$0x11] =	stream.linear.gather [spmem:s3], $0x5000, $0x38;
	[tilespmem:$0x17000] =	vst v63  }
0x138: {  	_ =	swait.ge [sflag:s5], $0x5000  }
0x139: {  	[sflag:s5] =	ssyncset.done $0x0  }
0x13a: {  	s10 =	simm.s32 $0x0;
	s21 =	rddreg [dreg:$0x8];
	[sflag:s5] =	ssyncadd.s32 $0xFFFFB000  }
0x13b: {  	[hbm4b:s21+s10] =	stream.linear.scatter [tilespmem:s1], [sflag:$0x11], $0x5000, $0x38;
	[tilespmem:$0x17000] =	vst v63  }
0x13c: {  	_ =	swait.ge [sflag:s5], $0x5000  }
0x13d: {  	s22 =	rddreg [dreg:$0xa]  }
0x13e: {  	s23 =	rddreg [dreg:$0x9];
	s6 =	sadd.s32 $0x1, s22  }
0x13f: {  	p0 =	sne.s32 s6, s23  }
.Ltmp1:
0x140: {  	_ = 	snop;
	(pc) =	sbr.rel @p0 .LBB2_1-.Ltmp1, $3  }
0x141: {  	_ =	sdelay $0x1  }
0x142: {  	[sflag:s5] =	ssyncset.done $0x0  }
0x143: {  	[sflag:s5] =	ssyncadd.s32 $0xFFFFB000  }
0x144: {  	_ =	sfence.sel $0x180000  }
0x145: {  	[bflag:$0x0] =	sbarrier.arrive $0xFFFF  }
0x146: {  	_ =	strace $0x9000004A  }
0x147: {  	s0 =	stileid.u32;
	[bflag:$0x2] =	sbarrier.arrive $0xFFFF  }
0x148: {  	p0 =	sne.s32 s0, $0x0;
	s0 =	rddreg [dreg:$0x2]  }
0x149: {  	s0 =	sadd.s32 @!p0 $0x100000, s0  }
0x14a: {  	[sflag:s0] =	ssyncadd.tile.s32 @!p0 $0x1;
	_ =	shalt  }
.Lfunc_end2:
_tile_overlayer_lowered:
.L_overlay_start_2:
0x14b: {  	(tag) =	ssettag $0x2  }
0x14c: {  	s0 =	rddreg [dreg:$0x0];
	s2 =	stileid.u32  }
0x14d: {  	s1 =	rddreg [dreg:$0x1];
	p0 =	sne.s32 s2, $0x0  }
0x14e: {  	s3 =	rddreg [dreg:$0x2];
	[bflag:$0x3] =	sbarrier.arrive $0xFFFF;
	s2 =	simm.s32 @!p0 $0x1C11  }
0x14f: {  	[timem:s3], [sflag:s2] =	dma.local @!p0 [hbm:s0], s1  }
0x150: {  	s0 =	simm.s32 @!p0 $0x11  }
0x151: {  	_ =	swait.ge @!p0 [sflag:s0], s1  }
0x152: {  	s1 =	ssub.s32 @!p0 $0x0, s1;
	[sflag:s0] =	ssyncset.done @!p0 $0x0  }
0x153: {  	[sflag:s0] =	ssyncadd.s32 @!p0 s1  }
0x154: {  	[bflag:$0x3] =	sbarrier.arrive $0xFFFF  }
0x155: {  	_ =	shalt  }

// kernel: kernel.15.cloned.1.call-start
scs
__scs_entry_jumppad:
0x0: {  	(pc) =	sbr.rel $0x88, $3  }
0x1: {  	(tag) =	ssettag $0x0;
	lr =	simm.s32 $0x1  }
0x2: {  	[smem:$0x3F99] =	sst lr;
	_ =	strace $0xD0000000  }
0x3: {  	_ = 	snop  }
0x4: {  	_ = 	snop  }
0x5: {  	_ = 	snop  }
0x6: {  	_ = 	snop  }
0x7: {  	_ = 	snop  }
__scs_overlays_trampoline_lowered:
0x8: {  	[smem:$0x3FA8] =	sst s0  }
0x9: {  	[smem:$0x3FA9] =	sst s1  }
0xa: {  	[smem:$0x3FAA] =	sst s2  }
0xb: {  	[smem:$0x3FAB] =	sst s3  }
0xc: {  	[smem:$0x3FAC] =	sst s4  }
0xd: {  	[smem:$0x3FAD] =	sst s5  }
0xe: {  	[smem:$0x3FAE] =	sst s6  }
0xf: {  	[smem:$0x3FAF] =	sst s7  }
0x10: {  	[smem:$0x3FB0] =	sst s8  }
0x11: {  	[smem:$0x3FB1] =	sst s9;
	s0 =	simm.s32 @!p0 $0x0  }
0x12: {  	s1 =	sld [smem:$0x3F97];
	s0 =	simm.s32 @p0 $0x1  }
0x13: {  	[smem:$0x3FB2] =	sst s0;
	s0 =	simm.s32 @!p1 $0x0  }
0x14: {  	s2 =	sld [smem:$0x3F96];
	s0 =	simm.s32 @p1 $0x1  }
0x15: {  	[smem:$0x3FB3] =	sst s0;
	s0 =	simm.s32 @!p2 $0x0  }
0x16: {  	s3 =	sld [smem:$0x3FDB];
	s0 =	simm.s32 @p2 $0x1  }
0x17: {  	s4 =	simm.s32 $0x1BF5;
	[smem:$0x3FB5] =	sst s0  }
0x18: {  	s0 =	sld [smem:$0x3F98];
	_ =	swait.ge [sflag:s4], $0x0  }
0x19: {  	s7 =	sld [smem:$0x3F99]  }
0x1a: {  	s8 =	sadd.s32 $0xFFFFE003, lr  }
0x1b: {  	s9 =	sadd.s32 $0xFFFFFEF7, lr;
	s5 =	simm.s32 $0xFFFFFFFF;
	p2 =	slt.u32 s8, $0xFFFFF086  }
0x1c: {  	p1 =	slt.u32 s9, $0xF7A;
	s5 =	simm.s32 @!p2 $0x0  }
0x1d: {  	s5 =	simm.s32 @p1 $0x1;
	p0 =	seq.s32 s7, s2  }
0x1e: {  	s7 =	smul.u32 @!p0 $0xF7A, s2;
	p2 =	seq.s32 @!p0 s5, $0x0  }
0x1f: {  	s9 =	smul.u32 $0xF7A, s1;
	s8 =	simm.s32 @!p0 $0x1BF5;
	p2 =	por !p2, p0  }
0x20: {  	[sflag:s8] =	ssyncset.s32 @!p0 $0xFFFFF086;
	s6 =	sadd.s32 @!p0 s3, s7;
	s7 =	simm.s32 @!p0 $0x108  }
0x21: {  	s3 =	sadd.s32 s3, s9;
	s6 =	sadd.s32 @!p0 $0x88, s6;
	s7 =	simm.s32 @p2 $0x1082  }
0x22: {  	[simem:s7], [sflag:s8] =	dma.local @!p0 [hbm:s6], $0xF7A  }
0x23: {  	s9 =	sor.u32 $0xD0000000, s2;
	s6 =	simm.s32 $0x108;
	_ =	swait.ge @!p0 [sflag:s8], $0x0  }
0x24: {  	s3 =	sadd.s32 $0x88, s3;
	s6 =	simm.s32 @!p1 $0x1082;
	[sflag:s4] =	ssyncset.s32 $0xFFFFF086  }
0x25: {  	[simem:s6], [sflag:s4] =	dma.local [hbm:s3], $0xF7A  }
0x26: {  	[smem:$0x3F99] =	sst s1;
	(tag) =	ssettag s2;
	_ =	strace s9  }
0x27: {  	s1 =	sld [smem:$0x3FA9]  }
0x28: {  	s2 =	sld [smem:$0x3FAA]  }
0x29: {  	s4 =	sld [smem:$0x3FAC]  }
0x2a: {  	p0 =	seq.s32 s5, $0x0;
	s5 =	sld [smem:$0x3FAD]  }
0x2b: {  	s6 =	sld [smem:$0x3FAE]  }
0x2c: {  	s7 =	sld [smem:$0x3FAF]  }
0x2d: {  	s3 =	simm.s32 $0x108;
	s8 =	sld [smem:$0x3FB0]  }
0x2e: {  	s3 =	simm.s32 @!p0 $0x1082;
	s9 =	sld [smem:$0x3FB1]  }
0x2f: {  	lr =	sadd.s32 s0, s3;
	s0 =	sld [smem:$0x3FA8]  }
0x30: {  	s3 =	sld [smem:$0x3FAB]  }
0x31: {  	[smem:$0x3FB4] =	sst s10  }
0x32: {  	s10 =	sld [smem:$0x3FB2];
	_ =	sdelay $0x3  }
0x33: {  	p0 =	seq.s32 s10, $0x1;
	s10 =	sld [smem:$0x3FB4];
	_ =	sdelay $0x3  }
0x34: {  	[smem:$0x3FB4] =	sst s10  }
0x35: {  	s10 =	sld [smem:$0x3FB3];
	_ =	sdelay $0x3  }
0x36: {  	p1 =	seq.s32 s10, $0x1;
	s10 =	sld [smem:$0x3FB4];
	_ =	sdelay $0x3  }
0x37: {  	[smem:$0x3FB4] =	sst s10  }
0x38: {  	s10 =	sld [smem:$0x3FB5]  }
0x39: {  	_ = 	snop;
	(pc) =	sbr.ind lr, $3  }
0x3a: {  	_ = 	snop  }
0x3b: {  	_ = 	snop  }
0x3c: {  	p2 =	seq.s32 s10, $0x1;
	s10 =	sld [smem:$0x3FB4]  }
0x3d: {  	_ =	shalt  }
0x3e: {  	_ =	shalt  }
0x3f: {  	_ =	shalt  }
0x40: {  	_ =	shalt  }
0x41: {  	_ =	shalt  }
0x42: {  	_ =	shalt  }
0x43: {  	_ =	shalt  }
0x44: {  	_ =	shalt  }
0x45: {  	_ =	shalt  }
0x46: {  	_ =	shalt  }
0x47: {  	_ =	shalt  }
0x48: {  	_ =	shalt  }
0x49: {  	_ =	shalt  }
0x4a: {  	_ =	shalt  }
0x4b: {  	_ =	shalt  }
0x4c: {  	_ =	shalt  }
0x4d: {  	_ =	shalt  }
0x4e: {  	_ =	shalt  }
0x4f: {  	_ =	shalt  }
0x50: {  	_ =	shalt  }
0x51: {  	_ =	shalt  }
0x52: {  	_ =	shalt  }
0x53: {  	_ =	shalt  }
0x54: {  	_ =	shalt  }
0x55: {  	_ =	shalt  }
0x56: {  	_ =	shalt  }
0x57: {  	_ =	shalt  }
0x58: {  	_ =	shalt  }
0x59: {  	_ =	shalt  }
0x5a: {  	_ =	shalt  }
0x5b: {  	_ =	shalt  }
0x5c: {  	_ =	shalt  }
0x5d: {  	_ =	shalt  }
0x5e: {  	_ =	shalt  }
0x5f: {  	_ =	shalt  }
0x60: {  	_ =	shalt  }
0x61: {  	_ =	shalt  }
0x62: {  	_ =	shalt  }
0x63: {  	_ =	shalt  }
0x64: {  	_ =	shalt  }
0x65: {  	_ =	shalt  }
0x66: {  	_ =	shalt  }
0x67: {  	_ =	shalt  }
0x68: {  	_ =	shalt  }
0x69: {  	_ =	shalt  }
0x6a: {  	_ =	shalt  }
0x6b: {  	_ =	shalt  }
0x6c: {  	_ =	shalt  }
0x6d: {  	_ =	shalt  }
0x6e: {  	_ =	shalt  }
0x6f: {  	_ =	shalt  }
0x70: {  	_ =	shalt  }
0x71: {  	_ =	shalt  }
0x72: {  	_ =	shalt  }
0x73: {  	_ =	shalt  }
0x74: {  	_ =	shalt  }
0x75: {  	_ =	shalt  }
0x76: {  	_ =	shalt  }
0x77: {  	_ =	shalt  }
0x78: {  	_ =	shalt  }
0x79: {  	_ =	shalt  }
0x7a: {  	_ =	shalt  }
0x7b: {  	_ =	shalt  }
0x7c: {  	_ =	shalt  }
0x7d: {  	_ =	shalt  }
0x7e: {  	_ =	shalt  }
0x7f: {  	_ =	shalt  }
0x80: {  	_ =	shalt  }
0x81: {  	_ =	shalt  }
0x82: {  	_ =	shalt  }
0x83: {  	_ =	shalt  }
0x84: {  	_ =	shalt  }
0x85: {  	_ =	shalt  }
0x86: {  	_ =	shalt  }
0x87: {  	_ =	shalt  }
.Lfunc_end0:
.L_simem_size_0:
called_computation.2_lowered:
.L_overlay_start_0:
0x88: {  	s2 =	sld [smem:$0x3FD9]  }
0x89: {  	s3 =	sld [smem:$0x3FFE];
	_ =	sdelay $0x1  }
0x8a: {  	s1 =	srdreg.scid  }
0x8b: {  	s0 =	sand.u32 $0x1, s1  }
0x8c: {  	s16 =	sshll.u32 s0, $0xA;
	s2 =	sadd.s32 s3, s2  }
0x8d: {  	s2 =	sadd.s32 s2, s16  }
0x8e: {  	[smem:$0x3FC0] =	sst s2  }
0x8f: {  	_ = 	snop  }
0x90: {  	(tm) =	ssettm $0x1  }
0x91: {  	s17 =	sld [smem:$0x3FFB];
	_ =	sdelay $0x3  }
0x92: {  	_ =	strace s17  }
0x93: {  	s2 =	sld [smem:$0x3FFC];
	_ =	sdelay $0x3  }
0x94: {  	_ =	strace s2  }
0x95: {  	s2 =	sld [smem:$0x3FFD];
	_ =	sdelay $0x3  }
0x96: {  	_ =	strace s2  }
0x97: {  	_ =	strace $0x8FFFFFFF  }
0x98: {  	s18 =	sld [smem:$0x3FDB];
	_ =	sdelay $0x1  }
0x99: {  	s19 =	simm.s32 $_scs_section_size  }
0x9a: {  	s4 =	simm.s32 $_size__tile_overlayer_lowered;
	s5 =	simm.s32 $_tile_overlayer_lowered  }
0x9b: {  	s22 =	simm.s32 $0x1BFF;
	s21 =	sshll.u32 s5, $0x1;
	s2 =	sadd.s32 s19, s18  }
0x9c: {  	s6 =	simm.s32 $0x0;
	s20 =	sshll.u32 s4, $0x1;
	s4 =	sadd.s32 s21, s2  }
0x9d: {  	[timem:s6], [sflag:s22] =	dma.local [hbm:s4], s20  }
0x9e: {  	_ =	swait.ge [sflag:s22], s20  }
0x9f: {  	s3 =	ssub.s32 $0x0, s20;
	[sflag:s22] =	ssyncset.done $0x0  }
0xa0: {  	[sflag:s22] =	ssyncadd.s32 s3;
	_ =	sdelay $0x1  }
0xa1: {  	s23 =	simm.s32 $0x1B8B  }
0xa2: {  	_ =	swait.ge [sflag:s23], $0x1  }
0xa3: {  	[sflag:s23] =	ssyncset.done $0x0  }
0xa4: {  	s25 =	simm.s32 $0x1B8E;
	s24 =	sld [smem:$0x3FFE];
	[sflag:s23] =	ssyncadd.s32 $0xFFFFFFFF  }
0xa5: {  	s26 =	simm.s32 $execute0_lowered;
	[smem:$0x3FD2] =	sst s25  }
0xa6: {  	s4 =	sshll.u32 s26, $0x1;
	_ =	strace $0x8000004C;
	[dreg:$0x1] =	wrdreg $0xFFFFFFFF  }
0xa7: {  	s28 =	simm.s32 $_size_execute0_lowered;
	s2 =	sadd.s32 s2, s4;
	[dreg:$0x0] =	wrdreg $0x0  }
0xa8: {  	s4 =	sshll.u32 s28, $0x1;
	[dreg:$0x2] =	wrdreg s2  }
0xa9: {  	[dreg:$0x3] =	wrdreg s4  }
0xaa: {  	[dreg:$0x4] =	wrdreg $0xC0  }
0xab: {  	_ =	task [dreg:s6], $0x5FFFF  }
0xac: {  	[dreg:$0x1] =	wrdreg $0xFFFFFFFF  }
0xad: {  	[dreg:$0x0] =	wrdreg $0x60  }
0xae: {  	[dreg:$0x2] =	wrdreg s24  }
0xaf: {  	[dreg:$0x3] =	wrdreg $0x120000  }
0xb0: {  	[dreg:$0x4] =	wrdreg $0x9  }
0xb1: {  	_ =	task.clear_ibuf [dreg:s6], $0x5FFFF;
	_ =	strace $0x9000004C  }
0xb2: {  	s29 =	simm.s32 $0x9;
	_ =	strace $0x8000004E  }
0xb3: {  	_ =	swait.ge [sflag:s29], $0x1  }
0xb4: {  	[sflag:s29] =	ssyncadd.s32 $0xFFFFFFFF  }
0xb5: {  	_ =	strace $0x9000004E  }
0xb6: {  	_ =	sfence  }
0xb7: {  	s30 =	sld [smem:$0x0];
	_ =	sdelay $0x2  }
0xb8: {  	s31 =	sshll.u32 s1, $0xD;
	s1 =	sshrl.u32 s1, $0x2  }
0xb9: {  	s3 =	sand.u32 $0x4000, s31;
	s1 =	sadd.s32 s1, s30  }
0xba: {  	s0 =	sor.u32 s3, s0;
	s1 =	sshll.u32 s1, $0x11  }
0xbb: {  	s0 =	sor.u32 s1, s0  }
0xbc: {  	s0 =	sadd.s32 $0x8F2B, s0  }
0xbd: {  	[sflag:s0] =	ssyncadd.remote.s32 $0x1  }
0xbe: {  	_ =	sfence.sel $0xFFFF  }
0xbf: {  	[dreg:$0x0] =	wrdreg $0xFFFFFFFF;
	(pc) =	sbr.abs _section_cstart, $3  }
0xc0: {  	[dreg:$0x1] =	wrdreg $0xFFFFFFFF  }
0xc1: {  	_ =	task.clear_ibuf [dreg:s6], $0x2FFFF;
	_ =	strace $0x9FFFFFFF  }
0xc2: {  	(tm) =	ssettm $0x7FFFFFFF  }
0xc3: {  	_ =	shalt  }
tec
execute0_lowered:
.L_overlay_start_1:
0x0: {  	(tag) =	ssettag $0x1  }
0x1: {  	s0 =	srdreg.scid  }
0x2: {  	s3 =	stileid.u32;
	s5 =	rddreg [dreg:$0x0]  }
0x3: {  	s2 =	rddreg [dreg:$0x1];
	s10 =	simm.s32 $0x0;
	s14 =	simm.s32 $0x80  }
0x4: {  	s26 =	simm.s32 $0xB000;
	s28 =	simm.s32 $0x2;
	s29 =	simm.s32 $0x4  }
0x5: {  	s30 =	simm.s32 $0x6;
	s31 =	simm.s32 $0x8;
	s16 =	simm.s32 $0x5000  }
0x6: {  	s20 =	simm.s32 $0x6000;
	s0 =	sand.u32 $0x1, s0;
	s6 =	smul.u32 $0x5000, s3  }
0x7: {  	[smem:$0x7FF] =	sst s10;
	s4 =	sadd.s32 $0x16800, s5;
	s1 =	sshll.u32 s0, $0x4  }
0x8: {  	s7 =	smul.u32 $0x50000, s0;
	_ =	strace $0x8000004D;
	s0 =	ssub.s32 $0x2, s0  }
0x9: {  	[dreg:$0x3] =	wrdreg s26;
	s1 =	sor.u32 s3, s1;
	s8 =	sshrl.u32 s6, $0x3  }
0xa: {  	s9 =	sshrl.u32 s0, $0x1;
	s3 =	sadd.s32 s6, s2;
	s1 =	smul.u32 $0x2800, s1  }
0xb: {  	s7 =	sadd.s32 s6, s7;
	s8 =	sadd.s32 s8, s5;
	s0 =	ssub.s32 s0, s9  }
0xc: {  	[dreg:$0x5] =	wrdreg s3;
	s23 =	sadd.s32 $0x20600, s8;
	s1 =	sshrl.u32 s1, $0x3  }
0xd: {  	s0 =	smax.u32 s0, $0x1;
	[dreg:$0x4] =	wrdreg s23;
	s1 =	sadd.s32 s1, s5  }
0xe: {  	s7 =	sshrl.u32 s7, $0x3;
	[dreg:$0x9] =	wrdreg s0;
	s24 =	sadd.s32 $0x2800, s1  }
0xf: {  	s5 =	sadd.s32 s7, s5;
	s1 =	sadd.s32 $0xC800, s1;
	[dreg:$0x6] =	wrdreg s24  }
0x10: {  	s26 =	simm.s32 $0xC000;
	s25 =	sadd.s32 $0x2A600, s5;
	[dreg:$0x7] =	wrdreg s1  }
0x11: {  	s6 =	simm.s32 $0x0;
	s5 =	simm.s32 $0x11;
	[dreg:$0x8] =	wrdreg s25  }
0x12: {  	s1 =	simm.s32 $0xD000;
	s25 =	simm.s32 $0x1;
	s24 =	simm.s32 $0xA000  }
.LBB2_1:
0x13: {  	[dreg:$0xa] =	wrdreg s6  }
0x14: {  	s0 =	rddreg [dreg:$0x4]  }
0x15: {  	[tilespmem:s1], [sflag:$0x11] =	stream.linear.gather [hbm4b:s0+s10], $0x5000, $0x38;
	[tilespmem:$0x17000] =	vst v63  }
0x16: {  	_ =	swait.ge [sflag:s5], $0x5000  }
0x17: {  	[sflag:s5] =	ssyncset.done $0x0  }
0x18: {  	[sflag:s5] =	ssyncadd.s32 $0xFFFFB000  }
0x19: {  	[spmem:s3] =	stream.linear.scatter [tilespmem:s1], [sflag:$0x11], $0x5000, $0x38;
	[tilespmem:$0x17000] =	vst v63  }
0x1a: {  	_ =	swait.ge [sflag:s5], $0x5000  }
0x1b: {  	[sflag:s5] =	ssyncset.done $0x0  }
0x1c: {  	s18 =	rddreg [dreg:$0x6];
	[sflag:s5] =	ssyncadd.s32 $0xFFFFB000  }
0x1d: {  	[tilespmem:s10], [sflag:$0x11] =	stream.linear.gather [hbm4b:s18+s10], $0x2800, $0x38;
	[tilespmem:$0x17000] =	vst v63  }
0x1e: {  	_ =	swait.ge [sflag:s5], $0x2800  }
0x1f: {  	[sflag:s5] =	ssyncset.done $0x0  }
0x20: {  	s21 =	simm.s32 $0x2800;
	s19 =	rddreg [dreg:$0x7];
	[sflag:s5] =	ssyncadd.s32 $0xFFFFD800  }
0x21: {  	[tilespmem:s21], [sflag:$0x11] =	stream.linear.gather [hbm4b:s19+s10], $0x2800, $0x38;
	[tilespmem:$0x17000] =	vst v63  }
0x22: {  	_ =	swait.ge [sflag:s5], $0x2800  }
0x23: {  	[sflag:s5] =	ssyncset.done $0x0  }
0x24: {  	[sflag:s5] =	ssyncadd.s32 $0xFFFFD800  }
0x25: {  	s22 =	simm.s32 $0x5000;
	[bflag:$0x0] =	sbarrier.arrive $0xFFFF  }
0x26: {  	[tilespmem:s22], [sflag:$0x1] =	stream.indirect.gather [hbm4b:s4+s14], $0x20, s10, s14, $0xb8;
	[tilespmem:$0x17000] =	vst v63  }
0x27: {  	s23 =	simm.s32 $0x6000  }
0x28: {  	[tilespmem:s23], [sflag:$0x2] =	stream.indirect.gather [hbm4b:s4+s14], $0x20, s14, s14, $0xb8;
	[tilespmem:$0x17000] =	vst v63  }
0x29: {  	s7 =	simm.s32 $0x7000;
	s5 =	simm.s32 $0x100  }
0x2a: {  	[tilespmem:s7], [sflag:$0x3] =	stream.indirect.gather [hbm4b:s4+s14], $0x20, s5, s14, $0xb8;
	[tilespmem:$0x17000] =	vst v63  }
0x2b: {  	s8 =	simm.s32 $0x180;
	s9 =	simm.s32 $0x8000  }
0x2c: {  	[tilespmem:s9], [sflag:$0x4] =	stream.indirect.gather [hbm4b:s4+s14], $0x20, s8, s14, $0xb8;
	[tilespmem:$0x17000] =	vst v63  }
0x2d: {  	s11 =	simm.s32 $0x9000;
	p0 =	por $0x1, $0x1;
	s10 =	simm.s32 $0x200  }
0x2e: {  	[tilespmem:s11], [sflag:$0x5] =	stream.indirect.gather [hbm4b:s4+s14], $0x20, s10, s14, $0xb8;
	[tilespmem:$0x17000] =	vst v63  }
0x2f: {  	s12 =	simm.s32 $0x280;
	s13 =	simm.s32 $0xA000;
	s0 =	simm.s32 @!p0 $0xF  }
0x30: {  	[tilespmem:s13], [sflag:$0x6] =	stream.indirect.gather [hbm4b:s4+s14], $0x20, s12, s14, $0xb8;
	[tilespmem:$0x17000] =	vst v63  }
0x31: {  	_ =	swait.ge @!p0 [sflag:s0], $0x1000  }
0x32: {  	[sflag:s0] =	ssyncset.done @!p0 $0x0  }
0x33: {  	s17 =	simm.s32 $0x300;
	s15 =	rddreg [dreg:$0x3];
	[sflag:s0] =	ssyncadd.s32 @!p0 $0xFFFFF000  }
0x34: {  	[tilespmem:s15], [sflag:$0x7] =	stream.indirect.gather [hbm4b:s4+s14], $0x20, s17, s14, $0xb8;
	[tilespmem:$0x17000] =	vst v63  }
0x35: {  	_ =	swait.ge [sflag:s25], $0x1000  }
0x36: {  	[sflag:s25] =	ssyncset.done $0x0  }
0x37: {  	s1 =	simm.s32 @!p0 $0x10;
	s18 =	simm.s32 $0x2800;
	[sflag:s25] =	ssyncadd.s32 $0xFFFFF000  }
0x38: {  	[spmem:s2] =	stream.indirect.scatter.add.f32 [tilespmem:s22], [sflag:$0x9], $0x20, s18, s14, $0xb8;
	[tilespmem:$0x17000] =	vst v63  }
0x39: {  	_ =	swait.ge @!p0 [sflag:s1], $0x1000  }
0x3a: {  	[sflag:s1] =	ssyncset.done @!p0 $0x0  }
0x3b: {  	s19 =	simm.s32 $0x380;
	[sflag:s1] =	ssyncadd.s32 @!p0 $0xFFFFF000  }
0x3c: {  	[tilespmem:s26], [sflag:$0x8] =	stream.indirect.gather [hbm4b:s4+s14], $0x20, s19, s14, $0xb8;
	[tilespmem:$0x17000] =	vst v63  }
0x3d: {  	_ =	swait.ge [sflag:s28], $0x1000  }
0x3e: {  	p0 =	por $0x0, $0x0;
	[sflag:s28] =	ssyncset.done $0x0  }
0x3f: {  	s21 =	simm.s32 $0x2880;
	s5 =	simm.s32 @p0 $0x3;
	[sflag:s28] =	ssyncadd.s32 $0xFFFFF000  }
0x40: {  	[spmem:s2] =	stream.indirect.scatter.add.f32 [tilespmem:s23], [sflag:$0xA], $0x20, s21, s14, $0xb8;
	[tilespmem:$0x17000] =	vst v63  }
0x41: {  	_ =	swait.ge @p0 [sflag:s5], $0x1000  }
0x42: {  	s0 =	simm.s32 @p0 $0x2900;
	s1 =	simm.s32 @p0 $0x80;
	[sflag:s5] =	ssyncset.done @p0 $0x0  }
0x43: {  	s7 =	simm.s32 @p0 $0x7000;
	[sflag:s5] =	ssyncadd.s32 @p0 $0xFFFFF000;
	s5 =	simm.s32 @!p0 $0x9  }
0x44: {  	[spmem:s2] =	stream.indirect.scatter.add.f32 @p0 [tilespmem:s7], [sflag:$0xB], $0x20, s0, s1, $0xb8;
	[tilespmem:$0x17000] =	vst v63  }
0x45: {  	_ =	swait.ge @!p0 [sflag:s5], $0x1000  }
0x46: {  	s8 =	simm.s32 @!p0 $0x5000;
	s7 =	simm.s32 @!p0 $0x400;
	[sflag:s5] =	ssyncset.done @!p0 $0x0  }
0x47: {  	s0 =	simm.s32 @!p0 $0x80;
	[sflag:s5] =	ssyncadd.s32 @!p0 $0xFFFFF000;
	s5 =	simm.s32 @!p0 $0x3  }
0x48: {  	[tilespmem:s8], [sflag:$0x1] =	stream.indirect.gather @!p0 [hbm4b:s4+s0], $0x20, s7, s0, $0xb8;
	[tilespmem:$0x17000] =	vst v63  }
0x49: {  	_ =	swait.ge @!p0 [sflag:s5], $0x1000  }
0x4a: {  	s7 =	simm.s32 @!p0 $0x2900;
	[sflag:s5] =	ssyncset.done @!p0 $0x0  }
0x4b: {  	s8 =	simm.s32 @!p0 $0x7000;
	[sflag:s5] =	ssyncadd.s32 @!p0 $0xFFFFF000;
	s5 =	simm.s32 @!p0 $0xA  }
0x4c: {  	[spmem:s2] =	stream.indirect.scatter.add.f32 @!p0 [tilespmem:s8], [sflag:$0xB], $0x20, s7, s0, $0xb8;
	[tilespmem:$0x17000] =	vst v63  }
0x4d: {  	_ =	swait.ge @!p0 [sflag:s5], $0x1000  }
0x4e: {  	[sflag:s5] =	ssyncset.done @!p0 $0x0  }
0x4f: {  	s7 =	simm.s32 @!p0 $0x480;
	[sflag:s5] =	ssyncadd.s32 @!p0 $0xFFFFF000;
	s5 =	simm.s32 @!p0 $0x6000  }
0x50: {  	[tilespmem:s5], [sflag:$0x2] =	stream.indirect.gather @!p0 [hbm4b:s4+s0], $0x20, s7, s0, $0xb8;
	[tilespmem:$0x17000] =	vst v63  }
0x51: {  	_ =	swait.ge [sflag:s29], $0x1000  }
0x52: {  	[sflag:s29] =	ssyncset.done $0x0  }
0x53: {  	s22 =	simm.s32 $0x2980;
	s7 =	simm.s32 @p0 $0x5;
	[sflag:s29] =	ssyncadd.s32 $0xFFFFF000  }
0x54: {  	[spmem:s2] =	stream.indirect.scatter.add.f32 [tilespmem:s9], [sflag:$0xC], $0x20, s22, s14, $0xb8;
	[tilespmem:$0x17000] =	vst v63  }
0x55: {  	_ =	swait.ge @p0 [sflag:s7], $0x1000  }
0x56: {  	[sflag:s7] =	ssyncset.done @p0 $0x0  }
0x57: {  	s5 =	simm.s32 @p0 $0x2A00;
	[sflag:s7] =	ssyncadd.s32 @p0 $0xFFFFF000;
	s7 =	simm.s32 @p0 $0x9000  }
0x58: {  	[spmem:s2] =	stream.indirect.scatter.add.f32 @p0 [tilespmem:s7], [sflag:$0xD], $0x20, s5, s1, $0xb8;
	[tilespmem:$0x17000] =	vst v63  }
0x59: {  	s5 =	simm.s32 @!p0 $0xB  }
0x5a: {  	_ =	swait.ge @!p0 [sflag:s5], $0x1000  }
0x5b: {  	[sflag:s5] =	ssyncset.done @!p0 $0x0  }
0x5c: {  	s7 =	simm.s32 @!p0 $0x500;
	[sflag:s5] =	ssyncadd.s32 @!p0 $0xFFFFF000;
	s5 =	simm.s32 @!p0 $0x5  }
0x5d: {  	[tilespmem:s8], [sflag:$0x3] =	stream.indirect.gather @!p0 [hbm4b:s4+s0], $0x20, s7, s0, $0xb8;
	[tilespmem:$0x17000] =	vst v63  }
0x5e: {  	_ =	swait.ge @!p0 [sflag:s5], $0x1000  }
0x5f: {  	s7 =	simm.s32 @!p0 $0x2A00;
	[sflag:s5] =	ssyncset.done @!p0 $0x0  }
0x60: {  	s8 =	simm.s32 @!p0 $0x9000;
	[sflag:s5] =	ssyncadd.s32 @!p0 $0xFFFFF000;
	s5 =	simm.s32 @!p0 $0xC  }
0x61: {  	[spmem:s2] =	stream.indirect.scatter.add.f32 @!p0 [tilespmem:s8], [sflag:$0xD], $0x20, s7, s0, $0xb8;
	[tilespmem:$0x17000] =	vst v63  }
0x62: {  	_ =	swait.ge @!p0 [sflag:s5], $0x1000  }
0x63: {  	[sflag:s5] =	ssyncset.done @!p0 $0x0  }
0x64: {  	s7 =	simm.s32 @!p0 $0x580;
	[sflag:s5] =	ssyncadd.s32 @!p0 $0xFFFFF000;
	s5 =	simm.s32 @!p0 $0x8000  }
0x65: {  	[tilespmem:s5], [sflag:$0x4] =	stream.indirect.gather @!p0 [hbm4b:s4+s0], $0x20, s7, s0, $0xb8;
	[tilespmem:$0x17000] =	vst v63  }
0x66: {  	_ =	swait.ge [sflag:s30], $0x1000  }
0x67: {  	[sflag:s30] =	ssyncset.done $0x0  }
0x68: {  	s23 =	simm.s32 $0x2A80;
	s7 =	simm.s32 @p0 $0x7;
	[sflag:s30] =	ssyncadd.s32 $0xFFFFF000  }
0x69: {  	[spmem:s2] =	stream.indirect.scatter.add.f32 [tilespmem:s13], [sflag:$0xE], $0x20, s23, s14, $0xb8;
	[tilespmem:$0x17000] =	vst v63  }
0x6a: {  	_ =	swait.ge @p0 [sflag:s7], $0x1000  }
0x6b: {  	[sflag:s7] =	ssyncset.done @p0 $0x0  }
0x6c: {  	s5 =	simm.s32 @p0 $0x2B00;
	[sflag:s7] =	ssyncadd.s32 @p0 $0xFFFFF000;
	s7 =	simm.s32 @p0 $0xB000  }
0x6d: {  	[spmem:s2] =	stream.indirect.scatter.add.f32 @p0 [tilespmem:s7], [sflag:$0xF], $0x20, s5, s1, $0xb8;
	[tilespmem:$0x17000] =	vst v63  }
0x6e: {  	s1 =	simm.s32 @!p0 $0xD  }
0x6f: {  	_ =	swait.ge @!p0 [sflag:s1], $0x1000  }
0x70: {  	[sflag:s1] =	ssyncset.done @!p0 $0x0  }
0x71: {  	[sflag:s1] =	ssyncadd.s32 @!p0 $0xFFFFF000;
	s1 =	simm.s32 @!p0 $0x600  }
0x72: {  	[tilespmem:s8], [sflag:$0x5] =	stream.indirect.gather @!p0 [hbm4b:s4+s0], $0x20, s1, s0, $0xb8;
	[tilespmem:$0x17000] =	vst v63  }
0x73: {  	s1 =	simm.s32 @!p0 $0x7  }
0x74: {  	_ =	swait.ge @!p0 [sflag:s1], $0x1000  }
0x75: {  	[sflag:s1] =	ssyncset.done @!p0 $0x0  }
0x76: {  	s5 =	simm.s32 @!p0 $0x2B00;
	[sflag:s1] =	ssyncadd.s32 @!p0 $0xFFFFF000;
	s1 =	simm.s32 @!p0 $0xB000  }
0x77: {  	[spmem:s2] =	stream.indirect.scatter.add.f32 @!p0 [tilespmem:s1], [sflag:$0xF], $0x20, s5, s0, $0xb8;
	[tilespmem:$0x17000] =	vst v63  }
0x78: {  	s1 =	simm.s32 @!p0 $0xE  }
0x79: {  	_ =	swait.ge @!p0 [sflag:s1], $0x1000  }
0x7a: {  	p1 =	por $0x0, $0x0;
	s7 =	simm.s32 $0x2B80;
	[sflag:s1] =	ssyncset.done @!p0 $0x0  }
0x7b: {  	s5 =	simm.s32 @!p0 $0x680;
	[sflag:s1] =	ssyncadd.s32 @!p0 $0xFFFFF000;
	s1 =	simm.s32 @!p0 $0xA000  }
0x7c: {  	[tilespmem:s1], [sflag:$0x6] =	stream.indirect.gather @!p0 [hbm4b:s4+s0], $0x20, s5, s0, $0xb8;
	[tilespmem:$0x17000] =	vst v63  }
0x7d: {  	s8 =	simm.s32 $0x1000;
	s5 =	simm.s32 $0x2000;
	_ =	swait.ge [sflag:s31], $0x1000  }
.LBB2_2:
0x7e: {  	[sflag:s31] =	ssyncset.done $0x0  }
0x7f: {  	s1 =	simm.s32 @!p1 $0xF;
	[sflag:s31] =	ssyncadd.s32 $0xFFFFF000  }
0x80: {  	[spmem:s2] =	stream.indirect.scatter.add.f32 [tilespmem:s26], [sflag:$0x10], $0x20, s7, s14, $0xb8;
	[tilespmem:$0x17000] =	vst v63  }
0x81: {  	_ =	swait.ge @!p1 [sflag:s1], $0x1000  }
0x82: {  	s9 =	sshra.s32 s8, $0x2;
	[sflag:s1] =	ssyncset.done @!p1 $0x0  }
0x83: {  	s3 =	sadd.s32 $0x300, s9;
	s10 =	rddreg [dreg:$0x3];
	[sflag:s1] =	ssyncadd.s32 @!p1 $0xFFFFF000  }
0x84: {  	[tilespmem:s10], [sflag:$0x7] =	stream.indirect.gather [hbm4b:s4+s14], $0x20, s3, s14, $0xb8;
	[tilespmem:$0x17000] =	vst v63  }
0x85: {  	_ =	swait.ge [sflag:s25], $0x1000  }
0x86: {  	[sflag:s25] =	ssyncset.done $0x0  }
0x87: {  	s6 =	sadd.s32 $0x2800, s9;
	s10 =	simm.s32 @!p1 $0x10;
	[sflag:s25] =	ssyncadd.s32 $0xFFFFF000  }
0x88: {  	[spmem:s2] =	stream.indirect.scatter.add.f32 [tilespmem:s16], [sflag:$0x9], $0x20, s6, s14, $0xb8;
	[tilespmem:$0x17000] =	vst v63  }
0x89: {  	_ =	swait.ge @!p1 [sflag:s10], $0x1000  }
0x8a: {  	[sflag:s10] =	ssyncset.done @!p1 $0x0  }
0x8b: {  	s11 =	sadd.s32 $0x380, s9;
	[sflag:s10] =	ssyncadd.s32 @!p1 $0xFFFFF000  }
0x8c: {  	[tilespmem:s26], [sflag:$0x8] =	stream.indirect.gather [hbm4b:s4+s14], $0x20, s11, s14, $0xb8;
	[tilespmem:$0x17000] =	vst v63  }
0x8d: {  	_ =	swait.ge [sflag:s28], $0x1000  }
0x8e: {  	p1 =	seq.s32 s8, $0x9000;
	[sflag:s28] =	ssyncset.done $0x0  }
0x8f: {  	s12 =	sadd.s32 $0x2880, s9;
	s10 =	simm.s32 @p1 $0x3;
	[sflag:s28] =	ssyncadd.s32 $0xFFFFF000  }
0x90: {  	[spmem:s2] =	stream.indirect.scatter.add.f32 [tilespmem:s20], [sflag:$0xA], $0x20, s12, s14, $0xb8;
	[tilespmem:$0x17000] =	vst v63  }
0x91: {  	s13 =	sshra.s32 @p1 s8, $0x2;
	_ =	swait.ge @p1 [sflag:s10], $0x1000  }
0x92: {  	s1 =	simm.s32 @p1 $0x80;
	s18 =	simm.s32 @p1 $0x7000;
	[sflag:s10] =	ssyncset.done @p1 $0x0  }
0x93: {  	s19 =	simm.s32 @!p1 $0x9;
	s17 =	sadd.s32 @p1 $0x2900, s13;
	[sflag:s10] =	ssyncadd.s32 @p1 $0xFFFFF000  }
0x94: {  	[spmem:s2] =	stream.indirect.scatter.add.f32 @p1 [tilespmem:s18], [sflag:$0xB], $0x20, s17, s1, $0xb8;
	[tilespmem:$0x17000] =	vst v63  }
0x95: {  	s8 =	sshra.s32 @!p1 s8, $0x2;
	_ =	swait.ge @!p1 [sflag:s19], $0x1000  }
0x96: {  	s21 =	sadd.s32 @!p1 $0x400, s8;
	s10 =	simm.s32 @!p1 $0x80;
	[sflag:s19] =	ssyncset.done @!p1 $0x0  }
0x97: {  	s18 =	simm.s32 @!p1 $0x5000;
	[sflag:s19] =	ssyncadd.s32 @!p1 $0xFFFFF000;
	s19 =	simm.s32 @!p1 $0x3  }
0x98: {  	[tilespmem:s18], [sflag:$0x1] =	stream.indirect.gather @!p1 [hbm4b:s4+s10], $0x20, s21, s10, $0xb8;
	[tilespmem:$0x17000] =	vst v63  }
0x99: {  	_ =	swait.ge @!p1 [sflag:s19], $0x1000  }
0x9a: {  	s23 =	simm.s32 @!p1 $0x7000;
	[sflag:s19] =	ssyncset.done @!p1 $0x0  }
0x9b: {  	s12 =	simm.s32 @!p1 $0xA;
	s17 =	sadd.s32 @!p1 $0x2900, s8;
	[sflag:s19] =	ssyncadd.s32 @!p1 $0xFFFFF000  }
0x9c: {  	[spmem:s2] =	stream.indirect.scatter.add.f32 @!p1 [tilespmem:s23], [sflag:$0xB], $0x20, s17, s10, $0xb8;
	[tilespmem:$0x17000] =	vst v63  }
0x9d: {  	s0 =	smov.u32 s5;
	_ =	swait.ge @!p1 [sflag:s12], $0x1000  }
0x9e: {  	s15 =	simm.s32 @!p1 $0x6000;
	s22 =	sadd.s32 @!p1 $0x480, s8;
	[sflag:s12] =	ssyncset.done @!p1 $0x0  }
0x9f: {  	s6 =	sadd.s32 @p1 $0x2A00, s13;
	s11 =	sadd.s32 @!p1 $0x500, s8;
	[sflag:s12] =	ssyncadd.s32 @!p1 $0xFFFFF000  }
0xa0: {  	[tilespmem:s15], [sflag:$0x2] =	stream.indirect.gather @!p1 [hbm4b:s4+s10], $0x20, s22, s10, $0xb8;
	[tilespmem:$0x17000] =	vst v63  }
0xa1: {  	s3 =	sadd.s32 @!p1 $0x2A00, s8;
	s21 =	sadd.s32 @!p1 $0x580, s8;
	_ =	swait.ge [sflag:s29], $0x1000  }
0xa2: {  	s18 =	sadd.s32 @!p1 $0x600, s8;
	s12 =	simm.s32 @p1 $0x5;
	[sflag:s29] =	ssyncset.done $0x0  }
0xa3: {  	s15 =	sadd.s32 $0x2980, s9;
	s22 =	simm.s32 $0x8000;
	[sflag:s29] =	ssyncadd.s32 $0xFFFFF000  }
0xa4: {  	[spmem:s2] =	stream.indirect.scatter.add.f32 [tilespmem:s22], [sflag:$0xC], $0x20, s15, s14, $0xb8;
	[tilespmem:$0x17000] =	vst v63  }
0xa5: {  	s19 =	sadd.s32 @p1 $0x2B00, s13;
	s13 =	sadd.s32 @!p1 $0x680, s8;
	_ =	swait.ge @p1 [sflag:s12], $0x1000  }
0xa6: {  	s17 =	sadd.s32 @!p1 $0x2B00, s8;
	s8 =	smov.u32 s0;
	[sflag:s12] =	ssyncset.done @p1 $0x0  }
0xa7: {  	s0 =	simm.s32 @p1 $0x9000;
	[sflag:s12] =	ssyncadd.s32 @p1 $0xFFFFF000;
	s12 =	simm.s32 @!p1 $0xB  }
0xa8: {  	[spmem:s2] =	stream.indirect.scatter.add.f32 @p1 [tilespmem:s0], [sflag:$0xD], $0x20, s6, s1, $0xb8;
	[tilespmem:$0x17000] =	vst v63  }
0xa9: {  	_ =	swait.ge @!p1 [sflag:s12], $0x1000  }
0xaa: {  	[sflag:s12] =	ssyncset.done @!p1 $0x0  }
0xab: {  	s0 =	simm.s32 @!p1 $0x5;
	[sflag:s12] =	ssyncadd.s32 @!p1 $0xFFFFF000  }
0xac: {  	[tilespmem:s23], [sflag:$0x3] =	stream.indirect.gather @!p1 [hbm4b:s4+s10], $0x20, s11, s10, $0xb8;
	[tilespmem:$0x17000] =	vst v63  }
0xad: {  	_ =	swait.ge @!p1 [sflag:s0], $0x1000  }
0xae: {  	[sflag:s0] =	ssyncset.done @!p1 $0x0  }
0xaf: {  	s6 =	simm.s32 @!p1 $0x9000;
	[sflag:s0] =	ssyncadd.s32 @!p1 $0xFFFFF000;
	s0 =	simm.s32 @!p1 $0xC  }
0xb0: {  	[spmem:s2] =	stream.indirect.scatter.add.f32 @!p1 [tilespmem:s6], [sflag:$0xD], $0x20, s3, s10, $0xb8;
	[tilespmem:$0x17000] =	vst v63  }
0xb1: {  	_ =	swait.ge @!p1 [sflag:s0], $0x1000  }
0xb2: {  	[sflag:s0] =	ssyncset.done @!p1 $0x0  }
0xb3: {  	s3 =	simm.s32 @!p1 $0x8000;
	[sflag:s0] =	ssyncadd.s32 @!p1 $0xFFFFF000  }
0xb4: {  	[tilespmem:s3], [sflag:$0x4] =	stream.indirect.gather @!p1 [hbm4b:s4+s10], $0x20, s21, s10, $0xb8;
	[tilespmem:$0x17000] =	vst v63  }
0xb5: {  	_ =	swait.ge [sflag:s30], $0x1000  }
0xb6: {  	[sflag:s30] =	ssyncset.done $0x0  }
0xb7: {  	s23 =	sadd.s32 $0x2A80, s9;
	s3 =	simm.s32 @p1 $0x7;
	[sflag:s30] =	ssyncadd.s32 $0xFFFFF000  }
0xb8: {  	[spmem:s2] =	stream.indirect.scatter.add.f32 [tilespmem:s24], [sflag:$0xE], $0x20, s23, s14, $0xb8;
	[tilespmem:$0x17000] =	vst v63  }
0xb9: {  	_ =	swait.ge @p1 [sflag:s3], $0x1000  }
0xba: {  	[sflag:s3] =	ssyncset.done @p1 $0x0  }
0xbb: {  	s0 =	simm.s32 @p1 $0xB000;
	[sflag:s3] =	ssyncadd.s32 @p1 $0xFFFFF000;
	s3 =	simm.s32 @!p1 $0xD  }
0xbc: {  	[spmem:s2] =	stream.indirect.scatter.add.f32 @p1 [tilespmem:s0], [sflag:$0xF], $0x20, s19, s1, $0xb8;
	[tilespmem:$0x17000] =	vst v63  }
0xbd: {  	_ =	swait.ge @!p1 [sflag:s3], $0x1000  }
0xbe: {  	[sflag:s3] =	ssyncset.done @!p1 $0x0  }
0xbf: {  	s0 =	simm.s32 @!p1 $0x7;
	[sflag:s3] =	ssyncadd.s32 @!p1 $0xFFFFF000  }
0xc0: {  	[tilespmem:s6], [sflag:$0x5] =	stream.indirect.gather @!p1 [hbm4b:s4+s10], $0x20, s18, s10, $0xb8;
	[tilespmem:$0x17000] =	vst v63  }
0xc1: {  	s5 =	sadd.s32 $0x1000, s5;
	_ =	swait.ge @!p1 [sflag:s0], $0x1000  }
0xc2: {  	p0 =	sne.s32 s5, $0xA000;
	[sflag:s0] =	ssyncset.done @!p1 $0x0  }
0xc3: {  	s1 =	simm.s32 @!p1 $0xB000;
	[sflag:s0] =	ssyncadd.s32 @!p1 $0xFFFFF000;
	s0 =	simm.s32 @!p1 $0xE  }
0xc4: {  	[spmem:s2] =	stream.indirect.scatter.add.f32 @!p1 [tilespmem:s1], [sflag:$0xF], $0x20, s17, s10, $0xb8;
	[tilespmem:$0x17000] =	vst v63  }
.Ltmp0:
0xc5: {  	_ =	swait.ge @!p1 [sflag:s0], $0x1000;
	(pc) =	sbr.rel @p0 .LBB2_2-.Ltmp0, $4  }
0xc6: {  	[sflag:s0] =	ssyncset.done @!p1 $0x0  }
0xc7: {  	s1 =	simm.s32 @!p1 $0xA000;
	[sflag:s0] =	ssyncadd.s32 @!p1 $0xFFFFF000  }
0xc8: {  	[tilespmem:s1], [sflag:$0x6] =	stream.indirect.gather @!p1 [hbm4b:s4+s10], $0x20, s13, s10, $0xb8;
	[tilespmem:$0x17000] =	vst v63  }
0xc9: {  	s7 =	sadd.s32 $0x2B80, s9;
	p1 =	seq.s32 s8, $0x0;
	_ =	swait.ge [sflag:s31], $0x1000  }
0xca: {  	[sflag:s31] =	ssyncset.done $0x0  }
0xcb: {  	s0 =	simm.s32 @!p1 $0xF;
	[sflag:s31] =	ssyncadd.s32 $0xFFFFF000  }
0xcc: {  	[spmem:s2] =	stream.indirect.scatter.add.f32 [tilespmem:s26], [sflag:$0x10], $0x20, s7, s14, $0xb8;
	[tilespmem:$0x17000] =	vst v63  }
0xcd: {  	_ =	swait.ge @!p1 [sflag:s0], $0x1000  }
0xce: {  	s5 =	sshra.s32 s8, $0x2;
	[sflag:s0] =	ssyncset.done @!p1 $0x0  }
0xcf: {  	s18 =	sadd.s32 $0x300, s5;
	s1 =	rddreg [dreg:$0x3];
	[sflag:s0] =	ssyncadd.s32 @!p1 $0xFFFFF000  }
0xd0: {  	[tilespmem:s1], [sflag:$0x7] =	stream.indirect.gather [hbm4b:s4+s14], $0x20, s18, s14, $0xb8;
	[tilespmem:$0x17000] =	vst v63  }
0xd1: {  	_ =	swait.ge [sflag:s25], $0x1000  }
0xd2: {  	[sflag:s25] =	ssyncset.done $0x0  }
0xd3: {  	s19 =	sadd.s32 $0x2800, s5;
	s1 =	simm.s32 @!p1 $0x10;
	[sflag:s25] =	ssyncadd.s32 $0xFFFFF000  }
0xd4: {  	[spmem:s2] =	stream.indirect.scatter.add.f32 [tilespmem:s16], [sflag:$0x9], $0x20, s19, s14, $0xb8;
	[tilespmem:$0x17000] =	vst v63  }
0xd5: {  	_ =	swait.ge @!p1 [sflag:s1], $0x1000  }
0xd6: {  	[sflag:s1] =	ssyncset.done @!p1 $0x0  }
0xd7: {  	s21 =	sadd.s32 $0x380, s5;
	[sflag:s1] =	ssyncadd.s32 @!p1 $0xFFFFF000  }
0xd8: {  	[tilespmem:s26], [sflag:$0x8] =	stream.indirect.gather [hbm4b:s4+s14], $0x20, s21, s14, $0xb8;
	[tilespmem:$0x17000] =	vst v63  }
0xd9: {  	_ =	swait.ge [sflag:s28], $0x1000  }
0xda: {  	p0 =	seq.s32 s8, $0x9000;
	[sflag:s28] =	ssyncset.done $0x0  }
0xdb: {  	s22 =	sadd.s32 $0x2880, s5;
	s1 =	simm.s32 @p0 $0x3;
	[sflag:s28] =	ssyncadd.s32 $0xFFFFF000  }
0xdc: {  	[spmem:s2] =	stream.indirect.scatter.add.f32 [tilespmem:s20], [sflag:$0xA], $0x20, s22, s14, $0xb8;
	[tilespmem:$0x17000] =	vst v63  }
0xdd: {  	s9 =	simm.s32 @p0 $0x80;
	_ =	swait.ge @p0 [sflag:s1], $0x1000  }
0xde: {  	s3 =	simm.s32 @p0 $0x7000;
	s7 =	sshra.s32 @p0 s8, $0x2;
	[sflag:s1] =	ssyncset.done @p0 $0x0  }
0xdf: {  	s6 =	simm.s32 @!p0 $0x9;
	s0 =	sadd.s32 @p0 $0x2900, s7;
	[sflag:s1] =	ssyncadd.s32 @p0 $0xFFFFF000  }
0xe0: {  	[spmem:s2] =	stream.indirect.scatter.add.f32 @p0 [tilespmem:s3], [sflag:$0xB], $0x20, s0, s9, $0xb8;
	[tilespmem:$0x17000] =	vst v63  }
0xe1: {  	s1 =	simm.s32 @!p0 $0x80;
	_ =	swait.ge @!p0 [sflag:s6], $0x1000  }
0xe2: {  	s0 =	sshra.s32 @!p0 s8, $0x2;
	s8 =	simm.s32 @!p0 $0x5000;
	[sflag:s6] =	ssyncset.done @!p0 $0x0  }
0xe3: {  	s3 =	sadd.s32 @!p0 $0x400, s0;
	[sflag:s6] =	ssyncadd.s32 @!p0 $0xFFFFF000;
	s6 =	simm.s32 @!p0 $0x3  }
0xe4: {  	[tilespmem:s8], [sflag:$0x1] =	stream.indirect.gather @!p0 [hbm4b:s4+s1], $0x20, s3, s1, $0xb8;
	[tilespmem:$0x17000] =	vst v63  }
0xe5: {  	_ =	swait.ge @!p0 [sflag:s6], $0x1000  }
0xe6: {  	s3 =	sadd.s32 @!p0 $0x2900, s0;
	[sflag:s6] =	ssyncset.done @!p0 $0x0  }
0xe7: {  	s8 =	simm.s32 @!p0 $0x7000;
	[sflag:s6] =	ssyncadd.s32 @!p0 $0xFFFFF000;
	s6 =	simm.s32 @!p0 $0xA  }
0xe8: {  	[spmem:s2] =	stream.indirect.scatter.add.f32 @!p0 [tilespmem:s8], [sflag:$0xB], $0x20, s3, s1, $0xb8;
	[tilespmem:$0x17000] =	vst v63  }
0xe9: {  	_ =	swait.ge @!p0 [sflag:s6], $0x1000  }
0xea: {  	[sflag:s6] =	ssyncset.done @!p0 $0x0  }
0xeb: {  	s3 =	sadd.s32 @!p0 $0x480, s0;
	[sflag:s6] =	ssyncadd.s32 @!p0 $0xFFFFF000;
	s6 =	simm.s32 @!p0 $0x6000  }
0xec: {  	[tilespmem:s6], [sflag:$0x2] =	stream.indirect.gather @!p0 [hbm4b:s4+s1], $0x20, s3, s1, $0xb8;
	[tilespmem:$0x17000] =	vst v63  }
0xed: {  	_ =	swait.ge [sflag:s29], $0x1000  }
0xee: {  	s10 =	simm.s32 $0x8000;
	[sflag:s29] =	ssyncset.done $0x0  }
0xef: {  	s23 =	sadd.s32 $0x2980, s5;
	s6 =	simm.s32 @p0 $0x5;
	[sflag:s29] =	ssyncadd.s32 $0xFFFFF000  }
0xf0: {  	[spmem:s2] =	stream.indirect.scatter.add.f32 [tilespmem:s10], [sflag:$0xC], $0x20, s23, s14, $0xb8;
	[tilespmem:$0x17000] =	vst v63  }
0xf1: {  	_ =	swait.ge @p0 [sflag:s6], $0x1000  }
0xf2: {  	[sflag:s6] =	ssyncset.done @p0 $0x0  }
0xf3: {  	s3 =	sadd.s32 @p0 $0x2A00, s7;
	[sflag:s6] =	ssyncadd.s32 @p0 $0xFFFFF000;
	s6 =	simm.s32 @p0 $0x9000  }
0xf4: {  	[spmem:s2] =	stream.indirect.scatter.add.f32 @p0 [tilespmem:s6], [sflag:$0xD], $0x20, s3, s9, $0xb8;
	[tilespmem:$0x17000] =	vst v63  }
0xf5: {  	s3 =	simm.s32 @!p0 $0xB  }
0xf6: {  	_ =	swait.ge @!p0 [sflag:s3], $0x1000  }
0xf7: {  	[sflag:s3] =	ssyncset.done @!p0 $0x0  }
0xf8: {  	s6 =	sadd.s32 @!p0 $0x500, s0;
	[sflag:s3] =	ssyncadd.s32 @!p0 $0xFFFFF000;
	s3 =	simm.s32 @!p0 $0x5  }
0xf9: {  	[tilespmem:s8], [sflag:$0x3] =	stream.indirect.gather @!p0 [hbm4b:s4+s1], $0x20, s6, s1, $0xb8;
	[tilespmem:$0x17000] =	vst v63  }
0xfa: {  	_ =	swait.ge @!p0 [sflag:s3], $0x1000  }
0xfb: {  	s6 =	sadd.s32 @!p0 $0x2A00, s0;
	[sflag:s3] =	ssyncset.done @!p0 $0x0  }
0xfc: {  	s8 =	simm.s32 @!p0 $0x9000;
	[sflag:s3] =	ssyncadd.s32 @!p0 $0xFFFFF000;
	s3 =	simm.s32 @!p0 $0xC  }
0xfd: {  	[spmem:s2] =	stream.indirect.scatter.add.f32 @!p0 [tilespmem:s8], [sflag:$0xD], $0x20, s6, s1, $0xb8;
	[tilespmem:$0x17000] =	vst v63  }
0xfe: {  	_ =	swait.ge @!p0 [sflag:s3], $0x1000  }
0xff: {  	[sflag:s3] =	ssyncset.done @!p0 $0x0  }
0x100: {  	s6 =	sadd.s32 @!p0 $0x580, s0;
	[sflag:s3] =	ssyncadd.s32 @!p0 $0xFFFFF000;
	s3 =	simm.s32 @!p0 $0x8000  }
0x101: {  	[tilespmem:s3], [sflag:$0x4] =	stream.indirect.gather @!p0 [hbm4b:s4+s1], $0x20, s6, s1, $0xb8;
	[tilespmem:$0x17000] =	vst v63  }
0x102: {  	_ =	swait.ge [sflag:s30], $0x1000  }
0x103: {  	[sflag:s30] =	ssyncset.done $0x0  }
0x104: {  	s6 =	sadd.s32 $0x2A80, s5;
	s3 =	simm.s32 @p0 $0x7;
	[sflag:s30] =	ssyncadd.s32 $0xFFFFF000  }
0x105: {  	[spmem:s2] =	stream.indirect.scatter.add.f32 [tilespmem:s24], [sflag:$0xE], $0x20, s6, s14, $0xb8;
	[tilespmem:$0x17000] =	vst v63  }
0x106: {  	_ =	swait.ge @p0 [sflag:s3], $0x1000  }
0x107: {  	[sflag:s3] =	ssyncset.done @p0 $0x0  }
0x108: {  	s6 =	sadd.s32 @p0 $0x2B00, s7;
	[sflag:s3] =	ssyncadd.s32 @p0 $0xFFFFF000;
	s3 =	simm.s32 @p0 $0xB000  }
0x109: {  	[spmem:s2] =	stream.indirect.scatter.add.f32 @p0 [tilespmem:s3], [sflag:$0xF], $0x20, s6, s9, $0xb8;
	[tilespmem:$0x17000] =	vst v63  }
0x10a: {  	s3 =	simm.s32 @!p0 $0xD  }
0x10b: {  	_ =	swait.ge @!p0 [sflag:s3], $0x1000  }
0x10c: {  	[sflag:s3] =	ssyncset.done @!p0 $0x0  }
0x10d: {  	[sflag:s3] =	ssyncadd.s32 @!p0 $0xFFFFF000;
	s3 =	sadd.s32 @!p0 $0x600, s0  }
0x10e: {  	[tilespmem:s8], [sflag:$0x5] =	stream.indirect.gather @!p0 [hbm4b:s4+s1], $0x20, s3, s1, $0xb8;
	[tilespmem:$0x17000] =	vst v63  }
0x10f: {  	s3 =	simm.s32 @!p0 $0x7  }
0x110: {  	_ =	swait.ge @!p0 [sflag:s3], $0x1000  }
0x111: {  	[sflag:s3] =	ssyncset.done @!p0 $0x0  }
0x112: {  	s6 =	sadd.s32 @!p0 $0x2B00, s0;
	[sflag:s3] =	ssyncadd.s32 @!p0 $0xFFFFF000;
	s3 =	simm.s32 @!p0 $0xB000  }
0x113: {  	[spmem:s2] =	stream.indirect.scatter.add.f32 @!p0 [tilespmem:s3], [sflag:$0xF], $0x20, s6, s1, $0xb8;
	[tilespmem:$0x17000] =	vst v63  }
0x114: {  	s3 =	simm.s32 @!p0 $0xE  }
0x115: {  	_ =	swait.ge @!p0 [sflag:s3], $0x1000  }
0x116: {  	[sflag:s3] =	ssyncset.done @!p0 $0x0  }
0x117: {  	s0 =	sadd.s32 @!p0 $0x680, s0;
	[sflag:s3] =	ssyncadd.s32 @!p0 $0xFFFFF000;
	s3 =	simm.s32 @!p0 $0xA000  }
0x118: {  	[tilespmem:s3], [sflag:$0x6] =	stream.indirect.gather @!p0 [hbm4b:s4+s1], $0x20, s0, s1, $0xb8;
	[tilespmem:$0x17000] =	vst v63  }
0x119: {  	_ =	swait.ge [sflag:s31], $0x1000  }
0x11a: {  	[sflag:s31] =	ssyncset.done $0x0  }
0x11b: {  	s10 =	simm.s32 $0x9;
	s9 =	sadd.s32 $0x2B80, s5;
	[sflag:s31] =	ssyncadd.s32 $0xFFFFF000  }
0x11c: {  	[spmem:s2] =	stream.indirect.scatter.add.f32 [tilespmem:s26], [sflag:$0x10], $0x20, s9, s14, $0xb8;
	[tilespmem:$0x17000] =	vst v63  }
0x11d: {  	_ =	swait.ge [sflag:s10], $0x1000  }
0x11e: {  	[sflag:s10] =	ssyncset.done $0x0  }
0x11f: {  	s11 =	simm.s32 $0xA;
	[sflag:s10] =	ssyncadd.s32 $0xFFFFF000  }
0x120: {  	_ =	swait.ge [sflag:s11], $0x1000  }
0x121: {  	[sflag:s11] =	ssyncset.done $0x0  }
0x122: {  	s12 =	simm.s32 $0xB;
	[sflag:s11] =	ssyncadd.s32 $0xFFFFF000  }
0x123: {  	_ =	swait.ge [sflag:s12], $0x1000  }
0x124: {  	[sflag:s12] =	ssyncset.done $0x0  }
0x125: {  	s13 =	simm.s32 $0xC;
	[sflag:s12] =	ssyncadd.s32 $0xFFFFF000  }
0x126: {  	_ =	swait.ge [sflag:s13], $0x1000  }
0x127: {  	[sflag:s13] =	ssyncset.done $0x0  }
0x128: {  	s15 =	simm.s32 $0xD;
	[sflag:s13] =	ssyncadd.s32 $0xFFFFF000  }
0x129: {  	_ =	swait.ge [sflag:s15], $0x1000  }
0x12a: {  	[sflag:s15] =	ssyncset.done $0x0  }
0x12b: {  	s17 =	simm.s32 $0xE;
	[sflag:s15] =	ssyncadd.s32 $0xFFFFF000  }
0x12c: {  	_ =	swait.ge [sflag:s17], $0x1000  }
0x12d: {  	[sflag:s17] =	ssyncset.done $0x0  }
0x12e: {  	s18 =	simm.s32 $0xF;
	[sflag:s17] =	ssyncadd.s32 $0xFFFFF000  }
0x12f: {  	_ =	swait.ge [sflag:s18], $0x1000  }
0x130: {  	[sflag:s18] =	ssyncset.done $0x0  }
0x131: {  	s19 =	simm.s32 $0x10;
	[sflag:s18] =	ssyncadd.s32 $0xFFFFF000  }
0x132: {  	_ =	swait.ge [sflag:s19], $0x1000  }
0x133: {  	[sflag:s19] =	ssyncset.done $0x0  }
0x134: {  	[sflag:s19] =	ssyncadd.s32 $0xFFFFF000  }
0x135: {  	[bflag:$0x0] =	sbarrier.arrive $0xFFFF  }
0x136: {  	s5 =	simm.s32 $0x11;
	s1 =	simm.s32 $0xD000;
	s3 =	rddreg [dreg:$0x5]  }
0x137: {  	[tilespmem:s1], [sflag:$0x11] =	stream.linear.gather [spmem:s3], $0x5000, $0x38;
	[tilespmem:$0x17000] =	vst v63  }
0x138: {  	_ =	swait.ge [sflag:s5], $0x5000  }
0x139: {  	[sflag:s5] =	ssyncset.done $0x0  }
0x13a: {  	s10 =	simm.s32 $0x0;
	s21 =	rddreg [dreg:$0x8];
	[sflag:s5] =	ssyncadd.s32 $0xFFFFB000  }
0x13b: {  	[hbm4b:s21+s10] =	stream.linear.scatter [tilespmem:s1], [sflag:$0x11], $0x5000, $0x38;
	[tilespmem:$0x17000] =	vst v63  }
0x13c: {  	_ =	swait.ge [sflag:s5], $0x5000  }
0x13d: {  	s22 =	rddreg [dreg:$0xa]  }
0x13e: {  	s23 =	rddreg [dreg:$0x9];
	s6 =	sadd.s32 $0x1, s22  }
0x13f: {  	p0 =	sne.s32 s6, s23  }
.Ltmp1:
0x140: {  	_ = 	snop;
	(pc) =	sbr.rel @p0 .LBB2_1-.Ltmp1, $3  }
0x141: {  	_ =	sdelay $0x1  }
0x142: {  	[sflag:s5] =	ssyncset.done $0x0  }
0x143: {  	[sflag:s5] =	ssyncadd.s32 $0xFFFFB000  }
0x144: {  	_ =	sfence.sel $0x180000  }
0x145: {  	[bflag:$0x0] =	sbarrier.arrive $0xFFFF  }
0x146: {  	_ =	strace $0x9000004D  }
0x147: {  	s0 =	stileid.u32;
	[bflag:$0x2] =	sbarrier.arrive $0xFFFF  }
0x148: {  	p0 =	sne.s32 s0, $0x0;
	s0 =	rddreg [dreg:$0x2]  }
0x149: {  	s0 =	sadd.s32 @!p0 $0x100000, s0  }
0x14a: {  	[sflag:s0] =	ssyncadd.tile.s32 @!p0 $0x1;
	_ =	shalt  }
.Lfunc_end2:
_tile_overlayer_lowered:
.L_overlay_start_2:
0x14b: {  	(tag) =	ssettag $0x2  }
0x14c: {  	s0 =	rddreg [dreg:$0x0];
	s2 =	stileid.u32  }
0x14d: {  	s1 =	rddreg [dreg:$0x1];
	p0 =	sne.s32 s2, $0x0  }
0x14e: {  	s3 =	rddreg [dreg:$0x2];
	[bflag:$0x3] =	sbarrier.arrive $0xFFFF;
	s2 =	simm.s32 @!p0 $0x1C11  }
0x14f: {  	[timem:s3], [sflag:s2] =	dma.local @!p0 [hbm:s0], s1  }
0x150: {  	s0 =	simm.s32 @!p0 $0x11  }
0x151: {  	_ =	swait.ge @!p0 [sflag:s0], s1  }
0x152: {  	s1 =	ssub.s32 @!p0 $0x0, s1;
	[sflag:s0] =	ssyncset.done @!p0 $0x0  }
0x153: {  	[sflag:s0] =	ssyncadd.s32 @!p0 s1  }
0x154: {  	[bflag:$0x3] =	sbarrier.arrive $0xFFFF  }
0x155: {  	_ =	shalt  }

// kernel: kernel.9.cloned.1.call-start
scs
__scs_entry_jumppad:
0x0: {  	(pc) =	sbr.rel $0x88, $3  }
0x1: {  	(tag) =	ssettag $0x0;
	lr =	simm.s32 $0x1  }
0x2: {  	[smem:$0x3F99] =	sst lr;
	_ =	strace $0xD0000000  }
0x3: {  	_ = 	snop  }
0x4: {  	_ = 	snop  }
0x5: {  	_ = 	snop  }
0x6: {  	_ = 	snop  }
0x7: {  	_ = 	snop  }
__scs_overlays_trampoline_lowered:
0x8: {  	[smem:$0x3FA8] =	sst s0  }
0x9: {  	[smem:$0x3FA9] =	sst s1  }
0xa: {  	[smem:$0x3FAA] =	sst s2  }
0xb: {  	[smem:$0x3FAB] =	sst s3  }
0xc: {  	[smem:$0x3FAC] =	sst s4  }
0xd: {  	[smem:$0x3FAD] =	sst s5  }
0xe: {  	[smem:$0x3FAE] =	sst s6  }
0xf: {  	[smem:$0x3FAF] =	sst s7  }
0x10: {  	[smem:$0x3FB0] =	sst s8  }
0x11: {  	[smem:$0x3FB1] =	sst s9;
	s0 =	simm.s32 @!p0 $0x0  }
0x12: {  	s1 =	sld [smem:$0x3F97];
	s0 =	simm.s32 @p0 $0x1  }
0x13: {  	[smem:$0x3FB2] =	sst s0;
	s0 =	simm.s32 @!p1 $0x0  }
0x14: {  	s2 =	sld [smem:$0x3F96];
	s0 =	simm.s32 @p1 $0x1  }
0x15: {  	[smem:$0x3FB3] =	sst s0;
	s0 =	simm.s32 @!p2 $0x0  }
0x16: {  	s3 =	sld [smem:$0x3FDB];
	s0 =	simm.s32 @p2 $0x1  }
0x17: {  	s4 =	simm.s32 $0x1BF5;
	[smem:$0x3FB5] =	sst s0  }
0x18: {  	s0 =	sld [smem:$0x3F98];
	_ =	swait.ge [sflag:s4], $0x0  }
0x19: {  	s7 =	sld [smem:$0x3F99]  }
0x1a: {  	s8 =	sadd.s32 $0xFFFFE003, lr  }
0x1b: {  	s9 =	sadd.s32 $0xFFFFFEF7, lr;
	s5 =	simm.s32 $0xFFFFFFFF;
	p2 =	slt.u32 s8, $0xFFFFF086  }
0x1c: {  	p1 =	slt.u32 s9, $0xF7A;
	s5 =	simm.s32 @!p2 $0x0  }
0x1d: {  	s5 =	simm.s32 @p1 $0x1;
	p0 =	seq.s32 s7, s2  }
0x1e: {  	s7 =	smul.u32 @!p0 $0xF7A, s2;
	p2 =	seq.s32 @!p0 s5, $0x0  }
0x1f: {  	s9 =	smul.u32 $0xF7A, s1;
	s8 =	simm.s32 @!p0 $0x1BF5;
	p2 =	por !p2, p0  }
0x20: {  	[sflag:s8] =	ssyncset.s32 @!p0 $0xFFFFF086;
	s6 =	sadd.s32 @!p0 s3, s7;
	s7 =	simm.s32 @!p0 $0x108  }
0x21: {  	s3 =	sadd.s32 s3, s9;
	s6 =	sadd.s32 @!p0 $0x88, s6;
	s7 =	simm.s32 @p2 $0x1082  }
0x22: {  	[simem:s7], [sflag:s8] =	dma.local @!p0 [hbm:s6], $0xF7A  }
0x23: {  	s9 =	sor.u32 $0xD0000000, s2;
	s6 =	simm.s32 $0x108;
	_ =	swait.ge @!p0 [sflag:s8], $0x0  }
0x24: {  	s3 =	sadd.s32 $0x88, s3;
	s6 =	simm.s32 @!p1 $0x1082;
	[sflag:s4] =	ssyncset.s32 $0xFFFFF086  }
0x25: {  	[simem:s6], [sflag:s4] =	dma.local [hbm:s3], $0xF7A  }
0x26: {  	[smem:$0x3F99] =	sst s1;
	(tag) =	ssettag s2;
	_ =	strace s9  }
0x27: {  	s1 =	sld [smem:$0x3FA9]  }
0x28: {  	s2 =	sld [smem:$0x3FAA]  }
0x29: {  	s4 =	sld [smem:$0x3FAC]  }
0x2a: {  	p0 =	seq.s32 s5, $0x0;
	s5 =	sld [smem:$0x3FAD]  }
0x2b: {  	s6 =	sld [smem:$0x3FAE]  }
0x2c: {  	s7 =	sld [smem:$0x3FAF]  }
0x2d: {  	s3 =	simm.s32 $0x108;
	s8 =	sld [smem:$0x3FB0]  }
0x2e: {  	s3 =	simm.s32 @!p0 $0x1082;
	s9 =	sld [smem:$0x3FB1]  }
0x2f: {  	lr =	sadd.s32 s0, s3;
	s0 =	sld [smem:$0x3FA8]  }
0x30: {  	s3 =	sld [smem:$0x3FAB]  }
0x31: {  	[smem:$0x3FB4] =	sst s10  }
0x32: {  	s10 =	sld [smem:$0x3FB2];
	_ =	sdelay $0x3  }
0x33: {  	p0 =	seq.s32 s10, $0x1;
	s10 =	sld [smem:$0x3FB4];
	_ =	sdelay $0x3  }
0x34: {  	[smem:$0x3FB4] =	sst s10  }
0x35: {  	s10 =	sld [smem:$0x3FB3];
	_ =	sdelay $0x3  }
0x36: {  	p1 =	seq.s32 s10, $0x1;
	s10 =	sld [smem:$0x3FB4];
	_ =	sdelay $0x3  }
0x37: {  	[smem:$0x3FB4] =	sst s10  }
0x38: {  	s10 =	sld [smem:$0x3FB5]  }
0x39: {  	_ = 	snop;
	(pc) =	sbr.ind lr, $3  }
0x3a: {  	_ = 	snop  }
0x3b: {  	_ = 	snop  }
0x3c: {  	p2 =	seq.s32 s10, $0x1;
	s10 =	sld [smem:$0x3FB4]  }
0x3d: {  	_ =	shalt  }
0x3e: {  	_ =	shalt  }
0x3f: {  	_ =	shalt  }
0x40: {  	_ =	shalt  }
0x41: {  	_ =	shalt  }
0x42: {  	_ =	shalt  }
0x43: {  	_ =	shalt  }
0x44: {  	_ =	shalt  }
0x45: {  	_ =	shalt  }
0x46: {  	_ =	shalt  }
0x47: {  	_ =	shalt  }
0x48: {  	_ =	shalt  }
0x49: {  	_ =	shalt  }
0x4a: {  	_ =	shalt  }
0x4b: {  	_ =	shalt  }
0x4c: {  	_ =	shalt  }
0x4d: {  	_ =	shalt  }
0x4e: {  	_ =	shalt  }
0x4f: {  	_ =	shalt  }
0x50: {  	_ =	shalt  }
0x51: {  	_ =	shalt  }
0x52: {  	_ =	shalt  }
0x53: {  	_ =	shalt  }
0x54: {  	_ =	shalt  }
0x55: {  	_ =	shalt  }
0x56: {  	_ =	shalt  }
0x57: {  	_ =	shalt  }
0x58: {  	_ =	shalt  }
0x59: {  	_ =	shalt  }
0x5a: {  	_ =	shalt  }
0x5b: {  	_ =	shalt  }
0x5c: {  	_ =	shalt  }
0x5d: {  	_ =	shalt  }
0x5e: {  	_ =	shalt  }
0x5f: {  	_ =	shalt  }
0x60: {  	_ =	shalt  }
0x61: {  	_ =	shalt  }
0x62: {  	_ =	shalt  }
0x63: {  	_ =	shalt  }
0x64: {  	_ =	shalt  }
0x65: {  	_ =	shalt  }
0x66: {  	_ =	shalt  }
0x67: {  	_ =	shalt  }
0x68: {  	_ =	shalt  }
0x69: {  	_ =	shalt  }
0x6a: {  	_ =	shalt  }
0x6b: {  	_ =	shalt  }
0x6c: {  	_ =	shalt  }
0x6d: {  	_ =	shalt  }
0x6e: {  	_ =	shalt  }
0x6f: {  	_ =	shalt  }
0x70: {  	_ =	shalt  }
0x71: {  	_ =	shalt  }
0x72: {  	_ =	shalt  }
0x73: {  	_ =	shalt  }
0x74: {  	_ =	shalt  }
0x75: {  	_ =	shalt  }
0x76: {  	_ =	shalt  }
0x77: {  	_ =	shalt  }
0x78: {  	_ =	shalt  }
0x79: {  	_ =	shalt  }
0x7a: {  	_ =	shalt  }
0x7b: {  	_ =	shalt  }
0x7c: {  	_ =	shalt  }
0x7d: {  	_ =	shalt  }
0x7e: {  	_ =	shalt  }
0x7f: {  	_ =	shalt  }
0x80: {  	_ =	shalt  }
0x81: {  	_ =	shalt  }
0x82: {  	_ =	shalt  }
0x83: {  	_ =	shalt  }
0x84: {  	_ =	shalt  }
0x85: {  	_ =	shalt  }
0x86: {  	_ =	shalt  }
0x87: {  	_ =	shalt  }
.Lfunc_end0:
.L_simem_size_0:
called_computation_lowered:
.L_overlay_start_0:
0x88: {  	s2 =	sld [smem:$0x3FD9]  }
0x89: {  	s3 =	sld [smem:$0x3FFE];
	_ =	sdelay $0x1  }
0x8a: {  	s1 =	srdreg.scid  }
0x8b: {  	s0 =	sand.u32 $0x1, s1  }
0x8c: {  	s17 =	sshll.u32 s0, $0xA;
	s2 =	sadd.s32 s3, s2  }
0x8d: {  	s2 =	sadd.s32 s2, s17  }
0x8e: {  	[smem:$0x3FC0] =	sst s2  }
0x8f: {  	_ = 	snop  }
0x90: {  	s2 =	sld [smem:$0x3FD0];
	(tm) =	ssettm $0x1  }
0x91: {  	s18 =	sld [smem:$0x3FFB];
	_ =	sdelay $0x3  }
0x92: {  	_ =	strace s18  }
0x93: {  	s3 =	sld [smem:$0x3FFC];
	_ =	sdelay $0x3  }
0x94: {  	_ =	strace s3  }
0x95: {  	s3 =	sld [smem:$0x3FFD];
	_ =	sdelay $0x3  }
0x96: {  	_ =	strace s3  }
0x97: {  	_ =	strace $0x8FFFFFFF  }
0x98: {  	s19 =	sld [smem:$0x3FDB];
	_ =	sdelay $0x1  }
0x99: {  	s4 =	simm.s32 $_scs_section_size  }
0x9a: {  	s5 =	simm.s32 $_size__tile_overlayer_lowered;
	s6 =	simm.s32 $_tile_overlayer_lowered  }
0x9b: {  	s22 =	simm.s32 $0x1BFF;
	s21 =	sshll.u32 s6, $0x1;
	s3 =	sadd.s32 s4, s19  }
0x9c: {  	s7 =	simm.s32 $0x0;
	s20 =	sshll.u32 s5, $0x1;
	s5 =	sadd.s32 s21, s3  }
0x9d: {  	[timem:s7], [sflag:s22] =	dma.local [hbm:s5], s20  }
0x9e: {  	_ =	swait.ge [sflag:s22], s20  }
0x9f: {  	s4 =	ssub.s32 $0x0, s20;
	[sflag:s22] =	ssyncset.done $0x0  }
0xa0: {  	[sflag:s22] =	ssyncadd.s32 s4;
	_ =	sdelay $0x1  }
0xa1: {  	s23 =	simm.s32 $0x1B8B  }
0xa2: {  	_ =	swait.ge [sflag:s23], $0x1  }
0xa3: {  	[sflag:s23] =	ssyncset.done $0x0  }
0xa4: {  	s25 =	simm.s32 $0x1B8E;
	s24 =	sld [smem:$0x3FFE];
	[sflag:s23] =	ssyncadd.s32 $0xFFFFFFFF  }
0xa5: {  	s26 =	simm.s32 $execute0_lowered;
	[smem:$0x3FD2] =	sst s25  }
0xa6: {  	s5 =	sshll.u32 s26, $0x1;
	_ =	strace $0x80000046;
	[dreg:$0x1] =	wrdreg $0xFFFFFFFF  }
0xa7: {  	s28 =	simm.s32 $_size_execute0_lowered;
	s3 =	sadd.s32 s3, s5;
	[dreg:$0x0] =	wrdreg $0x0  }
0xa8: {  	s5 =	sshll.u32 s28, $0x1;
	[dreg:$0x2] =	wrdreg s3  }
0xa9: {  	[dreg:$0x3] =	wrdreg s5  }
0xaa: {  	[dreg:$0x4] =	wrdreg $0xC0  }
0xab: {  	_ =	task [dreg:s7], $0x5FFFF  }
0xac: {  	[dreg:$0x1] =	wrdreg $0xFFFFFFFF  }
0xad: {  	[dreg:$0x0] =	wrdreg $0x60  }
0xae: {  	[dreg:$0x2] =	wrdreg s24  }
0xaf: {  	[dreg:$0x3] =	wrdreg s2  }
0xb0: {  	[dreg:$0x4] =	wrdreg $0x7B000  }
0xb1: {  	[dreg:$0x5] =	wrdreg $0x9  }
0xb2: {  	_ =	task.clear_ibuf [dreg:s7], $0x6FFFF;
	_ =	strace $0x90000046  }
0xb3: {  	s29 =	simm.s32 $0x9;
	_ =	strace $0x80000048  }
0xb4: {  	_ =	swait.ge [sflag:s29], $0x1  }
0xb5: {  	[sflag:s29] =	ssyncadd.s32 $0xFFFFFFFF  }
0xb6: {  	_ =	strace $0x90000048  }
0xb7: {  	_ =	sfence  }
0xb8: {  	s30 =	sld [smem:$0x0];
	_ =	sdelay $0x2  }
0xb9: {  	s31 =	sshll.u32 s1, $0xD;
	s1 =	sshrl.u32 s1, $0x2  }
0xba: {  	s3 =	sand.u32 $0x4000, s31;
	s1 =	sadd.s32 s1, s30  }
0xbb: {  	s0 =	sor.u32 s3, s0;
	s1 =	sshll.u32 s1, $0x11  }
0xbc: {  	s0 =	sor.u32 s1, s0  }
0xbd: {  	s0 =	sadd.s32 $0x8F2B, s0  }
0xbe: {  	[sflag:s0] =	ssyncadd.remote.s32 $0x1  }
0xbf: {  	_ =	sfence.sel $0xFFFF  }
0xc0: {  	[dreg:$0x0] =	wrdreg $0xFFFFFFFF;
	(pc) =	sbr.abs _section_cstart, $3  }
0xc1: {  	[dreg:$0x1] =	wrdreg $0xFFFFFFFF  }
0xc2: {  	_ =	task.clear_ibuf [dreg:s7], $0x2FFFF;
	_ =	strace $0x9FFFFFFF  }
0xc3: {  	(tm) =	ssettm $0x7FFFFFFF  }
tec
execute0_lowered:
.L_overlay_start_1:
0x0: {  	(tag) =	ssettag $0x1  }
0x1: {  	s6 =	rddreg [dreg:$0x0]  }
0x2: {  	s1 =	srdreg.scid;
	s4 =	rddreg [dreg:$0x1]  }
0x3: {  	s0 =	stileid.u32;
	s2 =	rddreg [dreg:$0x2]  }
0x4: {  	s3 =	simm.s32 $0x0;
	s11 =	simm.s32 $0x80;
	s12 =	simm.s32 $0x2800  }
0x5: {  	s13 =	simm.s32 $0x2B00;
	s5 =	sand.u32 $0x1, s1;
	s1 =	rddreg [dreg:$0x3]  }
0x6: {  	s14 =	simm.s32 $0x0;
	s7 =	smul.u32 $0x280, s0;
	[smem:$0x7FF] =	sst s3  }
0x7: {  	s8 =	smul.u32 $0x2800, s5;
	s9 =	sshll.u32 s5, $0x4;
	s5 =	ssub.s32 $0x2, s5  }
0x8: {  	_ =	strace $0x80000047;
	s9 =	sor.u32 s0, s9;
	s10 =	sshrl.u32 s5, $0x1  }
0x9: {  	s31 =	sshrl.u32 s7, $0x3;
	s8 =	sadd.s32 s7, s8;
	s9 =	smul.u32 $0x2800, s9  }
0xa: {  	s10 =	ssub.s32 s5, s10;
	s4 =	sadd.s32 s4, s31;
	s8 =	sshll.u32 s8, $0x2  }
0xb: {  	s5 =	sadd.s32 s7, s2;
	s8 =	sadd.s32 s8, s6;
	s9 =	sshrl.u32 s9, $0x3  }
0xc: {  	v1 =	vimm.s32 $0x0;
	vm0 =	vcmask $0x300;
	s6 =	sadd.s32 s6, s9;
	s7 =	sadd.s32 $0x16800, s8;
	s8 =	smax.u32 s10, $0x1  }
0xd: {  	v0 =	vimm.f32 $1.000000000e+00;
	v1 =	vsel vm0, $0x3, v1;
	s9 =	simm.s32 $0x2880;
	s10 =	simm.s32 $0x1;
	s6 =	sadd.s32 $0xC800, s6  }
.LBB2_1:
0xe: {  	[tilespmem:s9], [sflag:$0x1] =	stream.linear.gather [hbm4b:s4+s3], $0x280, $0x38;
	[tilespmem:$0x7D80] =	vst v63  }
0xf: {  	_ =	swait.ge [sflag:s10], $0x280  }
0x10: {  	[sflag:s10] =	ssyncset.done $0x0  }
0x11: {  	[sflag:s10] =	ssyncadd.s32 $0xFFFFFD80  }
0x12: {  	[spmem:s5] =	stream.linear.scatter [tilespmem:s9], [sflag:$0x1], $0x280, $0x38;
	[tilespmem:$0x7D80] =	vst v63  }
0x13: {  	_ =	swait.ge [sflag:s10], $0x280  }
0x14: {  	[sflag:s10] =	ssyncset.done $0x0  }
0x15: {  	[sflag:s10] =	ssyncadd.s32 $0xFFFFFD80  }
0x16: {  	[tilespmem:$0x2800] =	vst v0  }
0x17: {  	[tilespmem:$0x2810] =	vst v0  }
0x18: {  	[tilespmem:$0x2820] =	vst v0  }
0x19: {  	[tilespmem:$0x2830] =	vst v0  }
0x1a: {  	[tilespmem:$0x2840] =	vst v0  }
0x1b: {  	[tilespmem:$0x2850] =	vst v0  }
0x1c: {  	[tilespmem:$0x2860] =	vst v0  }
0x1d: {  	[tilespmem:$0x2870] =	vst v0  }
0x1e: {  	[tilespmem:s3], [sflag:$0x1] =	stream.linear.gather [hbm4b:s6+s3], $0x2800, $0x38;
	[tilespmem:$0x7D80] =	vst v63  }
0x1f: {  	_ =	swait.ge [sflag:s10], $0x2800  }
0x20: {  	[sflag:s10] =	ssyncset.done $0x0  }
0x21: {  	[sflag:s10] =	ssyncadd.s32 $0xFFFFD800  }
0x22: {  	s15 =	simm.s32 $0x0;
	[bflag:$0x0] =	sbarrier.arrive $0xFFFF  }
0x23: {  	[spmem:s2] =	stream.indirect.scatter.add.f32 [tilespmem:s12], [sflag:$0x1], $0x1, s15, s11, $0xb8;
	[tilespmem:$0x7D80] =	vst v63  }
0x24: {  	_ =	swait.ge [sflag:s10], $0x80  }
0x25: {  	s15 =	simm.s32 $0x200;
	[sflag:s10] =	ssyncset.done $0x0  }
.LBB2_2:
0x26: {  	s16 =	sshra.s32 s15, $0x2;
	[sflag:s10] =	ssyncadd.s32 $0xFFFFFF80;
	p0 =	sne.s32 s15, $0x9E00  }
0x27: {  	[spmem:s2] =	stream.indirect.scatter.add.f32 [tilespmem:s12], [sflag:$0x1], $0x1, s16, s11, $0xb8;
	[tilespmem:$0x7D80] =	vst v63  }
.Ltmp0:
0x28: {  	_ = 	snop;
	(pc) =	sbr.rel @p0 .LBB2_2-.Ltmp0, $4  }
0x29: {  	_ = 	snop  }
0x2a: {  	s15 =	sadd.s32 $0x200, s15  }
0x2b: {  	_ =	swait.ge [sflag:s10], $0x80  }
0x2c: {  	[sflag:s10] =	ssyncset.done $0x0  }
0x2d: {  	s15 =	simm.s32 $0x0  }
0x2e: {  	v2 =	vmov s15  }
0x2f: {  	v2 =	vshrl.u32 v2, $0x3  }
0x30: {  	v2 =	vshll.u32 v2, v1  }
0x31: {  	[sflag:s10] =	ssyncadd.s32 $0xFFFFFF80;
	v2 =	vbroadcast v2, $0x0  }
0x32: {  	s18 =	simm.s32 $0x1;
	[bflag:$0x0] =	sbarrier.arrive $0xFFFF  }
0x33: {  	[tilespmem:s9], [sflag:$0x1] =	stream.linear.gather [spmem:s5], $0x280, $0x38;
	[tilespmem:$0x7D80] =	vst v63  }
0x34: {  	v3 =	vmov s18;
	_ =	swait.ge [sflag:s10], $0x280  }
0x35: {  	v3 =	vshrl.u32 v3, $0x3;
	[sflag:s10] =	ssyncset.done $0x0  }
0x36: {  	v3 =	vshll.u32 v3, v1;
	[sflag:s10] =	ssyncadd.s32 $0xFFFFFD80  }
0x37: {  	v3 =	vadd.s32 $0x1, v3;
	v2 =	vld.idx.msk [tilespmem:v2+s9+$0x0], $0xffff  }
0x38: {  	v3 =	vbroadcast v3, $0x0;
	_ =	sdelay $0x1  }
0x39: {  	s16 =	simm.s32 $0x2  }
0x3a: {  	s15 =	simm.s32 $0x2C00;
	v4 =	vmov s16  }
0x3b: {  	v4 =	vshrl.u32 v4, $0x3;
	[tilespmem:s15+$0xFFFFFF00] =	vst v2  }
0x3c: {  	v4 =	vshll.u32 v4, v1;
	[tilespmem:s15+$0xFFFFFF10] =	vst v2  }
0x3d: {  	v2 =	vadd.s32 $0x2, v4;
	v3 =	vld.idx.msk [tilespmem:v3+s9+$0x0], $0xffff  }
0x3e: {  	v2 =	vbroadcast v2, $0x0;
	_ =	sdelay $0x1  }
0x3f: {  	s19 =	simm.s32 $0x3  }
0x40: {  	v4 =	vmov s19  }
0x41: {  	v4 =	vshrl.u32 v4, $0x3;
	[tilespmem:s15+$0xFFFFFF20] =	vst v3  }
0x42: {  	v4 =	vshll.u32 v4, v1;
	[tilespmem:s15+$0xFFFFFF30] =	vst v3  }
0x43: {  	v3 =	vadd.s32 $0x3, v4;
	v2 =	vld.idx.msk [tilespmem:v2+s9+$0x0], $0xffff  }
0x44: {  	v3 =	vbroadcast v3, $0x0;
	_ =	sdelay $0x1  }
0x45: {  	s20 =	simm.s32 $0x4  }
0x46: {  	v4 =	vmov s20  }
0x47: {  	v4 =	vshrl.u32 v4, $0x3;
	[tilespmem:s15+$0xFFFFFF40] =	vst v2  }
0x48: {  	v4 =	vshll.u32 v4, v1;
	[tilespmem:s15+$0xFFFFFF50] =	vst v2  }
0x49: {  	v2 =	vadd.s32 $0x4, v4;
	v3 =	vld.idx.msk [tilespmem:v3+s9+$0x0], $0xffff  }
0x4a: {  	v2 =	vbroadcast v2, $0x0;
	_ =	sdelay $0x1  }
0x4b: {  	s21 =	simm.s32 $0x5  }
0x4c: {  	v4 =	vmov s21  }
0x4d: {  	v4 =	vshrl.u32 v4, $0x3;
	[tilespmem:s15+$0xFFFFFF60] =	vst v3  }
0x4e: {  	v4 =	vshll.u32 v4, v1;
	[tilespmem:s15+$0xFFFFFF70] =	vst v3  }
0x4f: {  	v3 =	vadd.s32 $0x5, v4;
	v2 =	vld.idx.msk [tilespmem:v2+s9+$0x0], $0xffff  }
0x50: {  	v3 =	vbroadcast v3, $0x0;
	_ =	sdelay $0x1  }
0x51: {  	s22 =	simm.s32 $0x6  }
0x52: {  	v4 =	vmov s22  }
0x53: {  	v4 =	vshrl.u32 v4, $0x3;
	[tilespmem:s15+$0xFFFFFF80] =	vst v2  }
0x54: {  	v4 =	vshll.u32 v4, v1;
	[tilespmem:s15+$0xFFFFFF90] =	vst v2  }
0x55: {  	v2 =	vadd.s32 $0x6, v4;
	v3 =	vld.idx.msk [tilespmem:v3+s9+$0x0], $0xffff  }
0x56: {  	v2 =	vbroadcast v2, $0x0;
	_ =	sdelay $0x1  }
0x57: {  	s23 =	simm.s32 $0x7  }
0x58: {  	v4 =	vmov s23  }
0x59: {  	v4 =	vshrl.u32 v4, $0x3;
	[tilespmem:s15+$0xFFFFFFA0] =	vst v3  }
0x5a: {  	v4 =	vshll.u32 v4, v1;
	[tilespmem:s15+$0xFFFFFFB0] =	vst v3  }
0x5b: {  	v3 =	vadd.s32 $0x7, v4;
	v2 =	vld.idx.msk [tilespmem:v2+s9+$0x0], $0xffff  }
0x5c: {  	v3 =	vbroadcast v3, $0x0;
	_ =	sdelay $0x2  }
0x5d: {  	s24 =	simm.s32 $0x8  }
0x5e: {  	v4 =	vmov s24;
	[tilespmem:s15+$0xFFFFFFC0] =	vst v2  }
0x5f: {  	v4 =	vshrl.u32 v4, $0x3;
	[tilespmem:s15+$0xFFFFFFD0] =	vst v2  }
0x60: {  	v2 =	vshll.u32 v4, v1;
	v3 =	vld.idx.msk [tilespmem:v3+s9+$0x0], $0xffff  }
0x61: {  	v2 =	vbroadcast v2, $0x0;
	_ =	sdelay $0x1  }
0x62: {  	s25 =	simm.s32 $0x9  }
0x63: {  	v4 =	vmov s25  }
0x64: {  	v4 =	vshrl.u32 v4, $0x3;
	[tilespmem:s15+$0xFFFFFFE0] =	vst v3  }
0x65: {  	v4 =	vshll.u32 v4, v1;
	[tilespmem:s15+$0xFFFFFFF0] =	vst v3  }
0x66: {  	v3 =	vadd.s32 $0x1, v4;
	v2 =	vld.idx.msk [tilespmem:v2+s9+$0x0], $0xffff  }
0x67: {  	v3 =	vbroadcast v3, $0x0;
	_ =	sdelay $0x1  }
0x68: {  	s26 =	simm.s32 $0xA  }
0x69: {  	v4 =	vmov s26  }
0x6a: {  	v4 =	vshrl.u32 v4, $0x3;
	[tilespmem:s15+$0x0] =	vst v2  }
0x6b: {  	v4 =	vshll.u32 v4, v1;
	[tilespmem:s15+$0x10] =	vst v2  }
0x6c: {  	v2 =	vadd.s32 $0x2, v4;
	v3 =	vld.idx.msk [tilespmem:v3+s9+$0x0], $0xffff  }
0x6d: {  	v2 =	vbroadcast v2, $0x0;
	_ =	sdelay $0x1  }
0x6e: {  	s28 =	simm.s32 $0xB  }
0x6f: {  	v4 =	vmov s28  }
0x70: {  	v4 =	vshrl.u32 v4, $0x3;
	[tilespmem:s15+$0x20] =	vst v3  }
0x71: {  	v4 =	vshll.u32 v4, v1;
	[tilespmem:s15+$0x30] =	vst v3  }
0x72: {  	v3 =	vadd.s32 $0x3, v4;
	v2 =	vld.idx.msk [tilespmem:v2+s9+$0x0], $0xffff  }
0x73: {  	v3 =	vbroadcast v3, $0x0;
	_ =	sdelay $0x1  }
0x74: {  	s29 =	simm.s32 $0xC  }
0x75: {  	v4 =	vmov s29  }
0x76: {  	v4 =	vshrl.u32 v4, $0x3;
	[tilespmem:s15+$0x40] =	vst v2  }
0x77: {  	v4 =	vshll.u32 v4, v1;
	[tilespmem:s15+$0x50] =	vst v2  }
0x78: {  	v2 =	vadd.s32 $0x4, v4;
	v3 =	vld.idx.msk [tilespmem:v3+s9+$0x0], $0xffff  }
0x79: {  	v2 =	vbroadcast v2, $0x0;
	_ =	sdelay $0x1  }
0x7a: {  	s30 =	simm.s32 $0xD  }
0x7b: {  	v4 =	vmov s30  }
0x7c: {  	v4 =	vshrl.u32 v4, $0x3;
	[tilespmem:s15+$0x60] =	vst v3  }
0x7d: {  	v4 =	vshll.u32 v4, v1;
	[tilespmem:s15+$0x70] =	vst v3  }
0x7e: {  	v3 =	vadd.s32 $0x5, v4;
	v2 =	vld.idx.msk [tilespmem:v2+s9+$0x0], $0xffff  }
0x7f: {  	v3 =	vbroadcast v3, $0x0;
	_ =	sdelay $0x3  }
0x80: {  	s17 =	simm.s32 $0xE;
	[tilespmem:s15+$0x80] =	vst v2  }
0x81: {  	s31 =	simm.s32 $0xF;
	[tilespmem:s15+$0x90] =	vst v2;
	v2 =	vmov s17  }
0x82: {  	v4 =	vld.idx.msk [tilespmem:v3+s9+$0x0], $0xffff;
	v3 =	vmov s31;
	v2 =	vshrl.u32 v2, $0x3  }
0x83: {  	v3 =	vshrl.u32 v3, $0x3;
	v2 =	vshll.u32 v2, v1  }
0x84: {  	v3 =	vshll.u32 v3, v1;
	v2 =	vadd.s32 $0x6, v2  }
0x85: {  	v5 =	vadd.s32 $0x7, v3;
	v3 =	vbroadcast v2, $0x0;
	_ =	sdelay $0x2  }
0x86: {  	s16 =	simm.s32 $0x1F;
	s17 =	simm.s32 $0x2C00;
	v2 =	vbroadcast v5, $0x0;
	[tilespmem:s15+$0xA0] =	vst v4  }
.LBB2_4:
0x87: {  	p0 =	sne.s32 s16, $0x27F  }
0x88: {  	[tilespmem:s15+$0xB0] =	vst v4;
	s17 =	sadd.s32 $0x200, s17;
	s18 =	smov.u32 s16;
	s16 =	sadd.s32 $0x10, s16  }
0x89: {  	v3 =	vld.idx.msk [tilespmem:v3+s9+$0x0], $0xffff;
	_ =	sdelay $0x5  }
0x8a: {  	s19 =	sadd.s32 $0xFFFFFFF1, s18;
	[tilespmem:s15+$0xC0] =	vst v3  }
0x8b: {  	v4 =	vmov s19;
	[tilespmem:s15+$0xD0] =	vst v3  }
0x8c: {  	v3 =	vshrl.u32 v4, $0x3;
	v2 =	vld.idx.msk [tilespmem:v2+s9+$0x0], $0xffff  }
0x8d: {  	v3 =	vshll.u32 v3, v1  }
0x8e: {  	v3 =	vbroadcast v3, $0x0;
	_ =	sdelay $0x1  }
0x8f: {  	s19 =	sadd.s32 $0xFFFFFFF2, s18  }
0x90: {  	v4 =	vmov s19  }
0x91: {  	v4 =	vshrl.u32 v4, $0x3;
	[tilespmem:s15+$0xE0] =	vst v2  }
0x92: {  	v4 =	vshll.u32 v4, v1;
	[tilespmem:s15+$0xF0] =	vst v2;
	s15 =	smov.u32 s17  }
0x93: {  	v2 =	vld.idx.msk [tilespmem:v3+s9+$0x0], $0xffff;
	v3 =	vadd.s32 $0x1, v4  }
0x94: {  	v3 =	vbroadcast v3, $0x0;
	_ =	sdelay $0x1  }
0x95: {  	s19 =	sadd.s32 $0xFFFFFFF3, s18  }
0x96: {  	v4 =	vmov s19  }
0x97: {  	v4 =	vshrl.u32 v4, $0x3  }
0x98: {  	v4 =	vshll.u32 v4, v1;
	[tilespmem:s17+$0xFFFFFF00] =	vst v2  }
0x99: {  	[tilespmem:s17+$0xFFFFFF10] =	vst v2;
	v2 =	vadd.s32 $0x2, v4  }
0x9a: {  	v3 =	vld.idx.msk [tilespmem:v3+s9+$0x0], $0xffff;
	v2 =	vbroadcast v2, $0x0;
	_ =	sdelay $0x1  }
0x9b: {  	s19 =	sadd.s32 $0xFFFFFFF4, s18  }
0x9c: {  	v4 =	vmov s19  }
0x9d: {  	v4 =	vshrl.u32 v4, $0x3  }
0x9e: {  	v4 =	vshll.u32 v4, v1  }
0x9f: {  	v4 =	vadd.s32 $0x3, v4;
	[tilespmem:s17+$0xFFFFFF20] =	vst v3  }
0xa0: {  	[tilespmem:s17+$0xFFFFFF30] =	vst v3;
	v3 =	vbroadcast v4, $0x0  }
0xa1: {  	v2 =	vld.idx.msk [tilespmem:v2+s9+$0x0], $0xffff  }
0xa2: {  	s19 =	sadd.s32 $0xFFFFFFF5, s18  }
0xa3: {  	v4 =	vmov s19  }
0xa4: {  	v4 =	vshrl.u32 v4, $0x3  }
0xa5: {  	v4 =	vshll.u32 v4, v1  }
0xa6: {  	v4 =	vadd.s32 $0x4, v4  }
0xa7: {  	v4 =	vbroadcast v4, $0x0;
	[tilespmem:s17+$0xFFFFFF40] =	vst v2  }
0xa8: {  	[tilespmem:s17+$0xFFFFFF50] =	vst v2  }
0xa9: {  	s19 =	sadd.s32 $0xFFFFFFF6, s18;
	v2 =	vld.idx.msk [tilespmem:v3+s9+$0x0], $0xffff  }
0xaa: {  	v3 =	vmov s19  }
0xab: {  	v3 =	vshrl.u32 v3, $0x3  }
0xac: {  	v3 =	vshll.u32 v3, v1  }
0xad: {  	v3 =	vadd.s32 $0x5, v3  }
0xae: {  	v3 =	vbroadcast v3, $0x0  }
0xaf: {  	[tilespmem:s17+$0xFFFFFF60] =	vst v2  }
0xb0: {  	s19 =	sadd.s32 $0xFFFFFFF7, s18;
	[tilespmem:s17+$0xFFFFFF70] =	vst v2  }
0xb1: {  	v2 =	vld.idx.msk [tilespmem:v4+s9+$0x0], $0xffff;
	v4 =	vmov s19  }
0xb2: {  	v4 =	vshrl.u32 v4, $0x3  }
0xb3: {  	v4 =	vshll.u32 v4, v1  }
0xb4: {  	v4 =	vadd.s32 $0x6, v4  }
0xb5: {  	v4 =	vbroadcast v4, $0x0;
	_ =	sdelay $0x1  }
0xb6: {  	s19 =	sadd.s32 $0xFFFFFFF8, s18;
	[tilespmem:s17+$0xFFFFFF80] =	vst v2  }
0xb7: {  	[tilespmem:s17+$0xFFFFFF90] =	vst v2;
	v2 =	vmov s19  }
0xb8: {  	v3 =	vld.idx.msk [tilespmem:v3+s9+$0x0], $0xffff;
	v2 =	vshrl.u32 v2, $0x3  }
0xb9: {  	v2 =	vshll.u32 v2, v1  }
0xba: {  	v2 =	vadd.s32 $0x7, v2  }
0xbb: {  	v2 =	vbroadcast v2, $0x0;
	_ =	sdelay $0x2  }
0xbc: {  	s19 =	sadd.s32 $0xFFFFFFF9, s18;
	[tilespmem:s17+$0xFFFFFFA0] =	vst v3  }
0xbd: {  	[tilespmem:s17+$0xFFFFFFB0] =	vst v3;
	v3 =	vmov s19  }
0xbe: {  	v4 =	vld.idx.msk [tilespmem:v4+s9+$0x0], $0xffff;
	v3 =	vshrl.u32 v3, $0x3  }
0xbf: {  	v3 =	vshll.u32 v3, v1  }
0xc0: {  	v3 =	vbroadcast v3, $0x0;
	_ =	sdelay $0x1  }
0xc1: {  	s19 =	sadd.s32 $0xFFFFFFFA, s18  }
0xc2: {  	v5 =	vmov s19  }
0xc3: {  	v5 =	vshrl.u32 v5, $0x3;
	[tilespmem:s17+$0xFFFFFFC0] =	vst v4  }
0xc4: {  	[tilespmem:s17+$0xFFFFFFD0] =	vst v4;
	v4 =	vshll.u32 v5, v1  }
0xc5: {  	v2 =	vld.idx.msk [tilespmem:v2+s9+$0x0], $0xffff;
	v4 =	vadd.s32 $0x1, v4  }
0xc6: {  	v4 =	vbroadcast v4, $0x0;
	_ =	sdelay $0x1  }
0xc7: {  	s19 =	sadd.s32 $0xFFFFFFFB, s18  }
0xc8: {  	v5 =	vmov s19  }
0xc9: {  	v5 =	vshrl.u32 v5, $0x3  }
0xca: {  	v5 =	vshll.u32 v5, v1;
	[tilespmem:s17+$0xFFFFFFE0] =	vst v2  }
0xcb: {  	[tilespmem:s17+$0xFFFFFFF0] =	vst v2;
	v2 =	vadd.s32 $0x2, v5  }
0xcc: {  	v3 =	vld.idx.msk [tilespmem:v3+s9+$0x0], $0xffff;
	v2 =	vbroadcast v2, $0x0;
	_ =	sdelay $0x1  }
0xcd: {  	s19 =	sadd.s32 $0xFFFFFFFC, s18  }
0xce: {  	v5 =	vmov s19  }
0xcf: {  	v5 =	vshrl.u32 v5, $0x3  }
0xd0: {  	v5 =	vshll.u32 v5, v1  }
0xd1: {  	v5 =	vadd.s32 $0x3, v5;
	[tilespmem:s17+$0x0] =	vst v3  }
0xd2: {  	[tilespmem:s17+$0x10] =	vst v3;
	v3 =	vbroadcast v5, $0x0  }
0xd3: {  	v4 =	vld.idx.msk [tilespmem:v4+s9+$0x0], $0xffff  }
0xd4: {  	s19 =	sadd.s32 $0xFFFFFFFD, s18  }
0xd5: {  	v5 =	vmov s19  }
0xd6: {  	v5 =	vshrl.u32 v5, $0x3  }
0xd7: {  	v5 =	vshll.u32 v5, v1  }
0xd8: {  	v5 =	vadd.s32 $0x4, v5  }
0xd9: {  	v5 =	vbroadcast v5, $0x0;
	[tilespmem:s17+$0x20] =	vst v4  }
0xda: {  	[tilespmem:s17+$0x30] =	vst v4  }
0xdb: {  	s19 =	sadd.s32 $0xFFFFFFFE, s18;
	v2 =	vld.idx.msk [tilespmem:v2+s9+$0x0], $0xffff  }
0xdc: {  	v4 =	vmov s19  }
0xdd: {  	v4 =	vshrl.u32 v4, $0x3  }
0xde: {  	v4 =	vshll.u32 v4, v1  }
0xdf: {  	v4 =	vadd.s32 $0x5, v4  }
0xe0: {  	v4 =	vbroadcast v4, $0x0  }
0xe1: {  	[tilespmem:s17+$0x40] =	vst v2  }
0xe2: {  	s19 =	sadd.s32 $0xFFFFFFFF, s18;
	[tilespmem:s17+$0x50] =	vst v2  }
0xe3: {  	v2 =	vld.idx.msk [tilespmem:v3+s9+$0x0], $0xffff;
	v3 =	vmov s19  }
0xe4: {  	v3 =	vshrl.u32 v3, $0x3  }
0xe5: {  	v3 =	vshll.u32 v3, v1  }
0xe6: {  	v3 =	vadd.s32 $0x6, v3  }
0xe7: {  	v3 =	vbroadcast v3, $0x0;
	_ =	sdelay $0x1  }
0xe8: {  	[tilespmem:s17+$0x60] =	vst v2  }
0xe9: {  	[tilespmem:s17+$0x70] =	vst v2;
	v2 =	vmov s18  }
0xea: {  	v5 =	vld.idx.msk [tilespmem:v5+s9+$0x0], $0xffff;
	v2 =	vshrl.u32 v2, $0x3  }
0xeb: {  	v2 =	vshll.u32 v2, v1  }
0xec: {  	v2 =	vadd.s32 $0x7, v2  }
0xed: {  	v2 =	vbroadcast v2, $0x0;
	_ =	sdelay $0x2  }
0xee: {  	[tilespmem:s17+$0x80] =	vst v5  }
0xef: {  	[tilespmem:s17+$0x90] =	vst v5  }
0xf0: {  	v4 =	vld.idx.msk [tilespmem:v4+s9+$0x0], $0xffff;
	_ =	sdelay $0x1  }
.Ltmp1:
0xf1: {  	(pc) =	sbr.rel @p0 .LBB2_4-.Ltmp1, $2  }
0xf2: {  	_ =	sdelay $0x2  }
0xf3: {  	[tilespmem:s17+$0xA0] =	vst v4  }
0xf4: {  	_ =	sdelay $0x2  }
0xf5: {  	[tilespmem:s15+$0xB0] =	vst v4  }
0xf6: {  	v3 =	vld.idx.msk [tilespmem:v3+s9+$0x0], $0xffff;
	_ =	sdelay $0x4  }
0xf7: {  	[tilespmem:s15+$0xC0] =	vst v3  }
0xf8: {  	[tilespmem:s15+$0xD0] =	vst v3  }
0xf9: {  	v2 =	vld.idx.msk [tilespmem:v2+s9+$0x0], $0xffff;
	_ =	sdelay $0x3  }
0xfa: {  	s14 =	sadd.s32 $0x1, s14  }
0xfb: {  	p0 =	sne.s32 s14, s8;
	[tilespmem:s15+$0xE0] =	vst v2  }
.Ltmp2:
0xfc: {  	[tilespmem:s15+$0xF0] =	vst v2;
	(pc) =	sbr.rel @p0 .LBB2_1-.Ltmp2, $4  }
0xfd: {  	[hbm4b:s7+s3] =	stream.linear.scatter [tilespmem:s13], [sflag:$0x1], $0x5000, $0x38;
	[tilespmem:$0x7D80] =	vst v63  }
0xfe: {  	_ =	swait.ge [sflag:s10], $0x5000  }
0xff: {  	[sflag:s10] =	ssyncset.done $0x0  }
0x100: {  	[sflag:s10] =	ssyncadd.s32 $0xFFFFB000  }
0x101: {  	_ =	sfence.sel $0x180000  }
0x102: {  	[bflag:$0x0] =	sbarrier.arrive $0xFFFF  }
0x103: {  	p0 =	sne.s32 s0, $0x0;
	_ =	strace $0x90000047  }
0x104: {  	s0 =	sadd.s32 @!p0 $0x100000, s1;
	[bflag:$0x2] =	sbarrier.arrive $0xFFFF  }
0x105: {  	[sflag:s0] =	ssyncadd.tile.s32 @!p0 $0x1;
	_ =	shalt  }
.Lfunc_end2:
_tile_overlayer_lowered:
.L_overlay_start_2:
0x106: {  	(tag) =	ssettag $0x2  }
0x107: {  	s0 =	rddreg [dreg:$0x0];
	s2 =	stileid.u32  }
0x108: {  	s1 =	rddreg [dreg:$0x1];
	p0 =	sne.s32 s2, $0x0  }
0x109: {  	s3 =	rddreg [dreg:$0x2];
	[bflag:$0x3] =	sbarrier.arrive $0xFFFF;
	s2 =	simm.s32 @!p0 $0x1C01  }
0x10a: {  	[timem:s3], [sflag:s2] =	dma.local @!p0 [hbm:s0], s1  }
0x10b: {  	s0 =	simm.s32 @!p0 $0x1  }
0x10c: {  	_ =	swait.ge @!p0 [sflag:s0], s1  }
0x10d: {  	s1 =	ssub.s32 @!p0 $0x0, s1;
	[sflag:s0] =	ssyncset.done @!p0 $0x0  }
0x10e: {  	[sflag:s0] =	ssyncadd.s32 @!p0 s1  }
0x10f: {  	[bflag:$0x3] =	sbarrier.arrive $0xFFFF  }
0x110: {  	_ =	shalt  }

</sc_bundles>
